<compile_context>
chip_gen: v7x
topology: tpu7x:2x2x1
jax: 0.10.2.dev20260603
libtpu: 0.0.44.dev20260713+nightly
codegen_flags: <defaults>
</compile_context>

<pallas_src>
import functools

import jax
import jax.numpy as jnp
from jax import lax
from jax.experimental import pallas as pl
from jax.experimental.pallas import tpu as pltpu
from jax.experimental.pallas import tpu_sc as plsc

N = 10000
E = 320000
D = 128
H = 16

NC = 2
NS = 16
ROWS_PER_TILE = N // NS
CHUNK = 400


def _sc_mesh():
    return plsc.VectorSubcoreMesh(core_axis_name="c", subcore_axis_name="s")


_SC_PARAMS = pltpu.CompilerParams(use_tc_tiling_on_sc=False,
                                  needs_layout_passes=False)


def _stage_all(copies):
    for cp in copies:
        cp.wait()


def _edge_pipeline(table, acc, src_all, dst_all, val_all, rows2, gsem, ssem2,
                   nch, dh):

    def gather(k, b):
        pltpu.async_copy(table.at[src_all.at[k]], rows2.at[b], gsem)

    def swait(b):
        pltpu.make_async_copy(rows2.at[b], acc.at[dst_all.at[0]],
                              ssem2).wait()

    def half(k, b, nb):
        pltpu.make_async_copy(table.at[src_all.at[k]], rows2.at[b],
                              gsem).wait()

        @pl.when(k + 1 < nch)
        def _():
            @pl.when(k >= 1)
            def _():
                swait(nb)

            gather(k + 1, nb)

        @plsc.parallel_loop(0, CHUNK, unroll=8)
        def scale_body(i):
            v = plsc.load_gather(
                val_all, [jnp.full((16,), k, jnp.int32),
                          jnp.full((16,), i, jnp.int32)])
            for j in range(dh // 16):
                sl = pl.ds(j * 16, 16)
                rows2[b, i, sl] = rows2[b, i, sl] * v
        pltpu.async_copy(rows2.at[b], acc.at[dst_all.at[k]], ssem2, add=True)

    gather(0, 0)

    def body(kk, _):
        half(2 * kk, 0, 1)
        half(2 * kk + 1, 1, 0)
        return 0

    lax.fori_loop(0, nch // 2, body, 0)
    if nch % 2:
        half(nch - 1, 0, 1)
    swait(0)
    swait(1)


def _spmm128(y, src2, dst2, val2, zeros):
    DH = D // NC
    CH = 200
    nch = E // NS // CH

    @functools.partial(
        pl.kernel,
        out_type=jax.ShapeDtypeStruct((N, D), jnp.float32),
        mesh=_sc_mesh(),
        compiler_params=_SC_PARAMS,
        scratch_types=dict(
            table=pltpu.VMEM_SHARED((N, DH), jnp.float32),
            acc=pltpu.VMEM_SHARED((N, DH), jnp.float32),
            src_b=pltpu.VMEM((4, 1, CH), jnp.int32),
            dst_b=pltpu.VMEM((4, 1, CH), jnp.int32),
            val_b=pltpu.VMEM((4, 1, CH), jnp.float32),
            rows2=pltpu.VMEM((2, CH, DH), jnp.float32),
            gsem=pltpu.SemaphoreType.DMA,
            isem=pltpu.SemaphoreType.DMA,
            ssem=pltpu.SemaphoreType.DMA,
            ssem2=pltpu.SemaphoreType.DMA,
        ),
    )
    def k(y_hbm, src_hbm, dst_hbm, val_hbm, zero_hbm, out_hbm,
          table, acc, src_b, dst_b, val_b, rows2, gsem, isem, ssem, ssem2):
        c = lax.axis_index("c")
        s = lax.axis_index("s")
        rsl = pl.ds(s * ROWS_PER_TILE, ROWS_PER_TILE)
        csl = pl.ds(c * DH, DH)
        kbase = s * nch

        def idx_issue(k_, b):
            ks = pl.ds(kbase + k_, 1)
            pltpu.async_copy(src_hbm.at[ks], src_b.at[b], isem)
            pltpu.async_copy(dst_hbm.at[ks], dst_b.at[b], isem)
            pltpu.async_copy(val_hbm.at[ks], val_b.at[b], isem)

        def idx_wait(k_, b):
            ks = pl.ds(kbase + k_, 1)
            pltpu.make_async_copy(src_hbm.at[ks], src_b.at[b], isem).wait()
            pltpu.make_async_copy(dst_hbm.at[ks], dst_b.at[b], isem).wait()
            pltpu.make_async_copy(val_hbm.at[ks], val_b.at[b], isem).wait()

        def gather(sl_, rb):
            pltpu.async_copy(table.at[src_b.at[sl_, 0]], rows2.at[rb], gsem)

        def gwait(sl_, rb):
            pltpu.make_async_copy(table.at[src_b.at[sl_, 0]], rows2.at[rb],
                                  gsem).wait()

        def swait(rb):
            pltpu.make_async_copy(rows2.at[rb], acc.at[dst_b.at[0, 0]],
                                  ssem2).wait()

        _stage_all([
            pltpu.async_copy(y_hbm.at[rsl, csl], table.at[rsl], ssem),
            pltpu.async_copy(zero_hbm, acc.at[rsl], ssem),
        ])
        idx_issue(0, 0)
        idx_issue(1, 1)
        plsc.subcore_barrier()
        idx_wait(0, 0)
        gather(0, 0)

        def half(k_, rb, sl_):
            gwait(sl_, rb)

            @pl.when(k_ + 1 < nch)
            def _():
                idx_wait(k_ + 1, (sl_ + 1) % 4)

                @pl.when(k_ >= 1)
                def _():
                    swait(1 - rb)

                gather((sl_ + 1) % 4, 1 - rb)

                @pl.when(k_ + 2 < nch)
                def _():
                    idx_issue(k_ + 2, (sl_ + 2) % 4)

            @plsc.parallel_loop(0, CH, unroll=8)
            def scale_body(i):
                v = plsc.load_gather(
                    val_b, [jnp.full((16,), sl_, jnp.int32),
                            jnp.zeros((16,), jnp.int32),
                            jnp.full((16,), i, jnp.int32)])
                for j in range(DH // 16):
                    sl = pl.ds(j * 16, 16)
                    rows2[rb, i, sl] = rows2[rb, i, sl] * v
            pltpu.async_copy(rows2.at[rb], acc.at[dst_b.at[sl_, 0]], ssem2,
                             add=True)

        def body(kk, _):
            half(4 * kk, 0, 0)
            half(4 * kk + 1, 1, 1)
            half(4 * kk + 2, 0, 2)
            half(4 * kk + 3, 1, 3)
            return 0

        lax.fori_loop(0, nch // 4, body, 0)
        swait(0)
        swait(1)
        plsc.subcore_barrier()
        pltpu.sync_copy(acc.at[rsl], out_hbm.at[rsl, csl])

    return k(y, src2, dst2, val2, zeros)


def _spmm16(y, src2, dst2, val2, zeros):
    nch = E // (NC * NS) // CHUNK

    @functools.partial(
        pl.kernel,
        out_type=jax.ShapeDtypeStruct((NC, N, H), jnp.float32),
        mesh=_sc_mesh(),
        compiler_params=_SC_PARAMS,
        scratch_types=dict(
            table=pltpu.VMEM_SHARED((N, H), jnp.float32),
            acc=pltpu.VMEM_SHARED((N, H), jnp.float32),
            src_all=pltpu.VMEM((nch, CHUNK), jnp.int32),
            dst_all=pltpu.VMEM((nch, CHUNK), jnp.int32),
            val_all=pltpu.VMEM((nch, CHUNK), jnp.float32),
            rows2=pltpu.VMEM((2, CHUNK, H), jnp.float32),
            gsem=pltpu.SemaphoreType.DMA,
            ssem=pltpu.SemaphoreType.DMA,
            ssem2=pltpu.SemaphoreType.DMA,
        ),
    )
    def k(y_hbm, src_hbm, dst_hbm, val_hbm, zero_hbm, out_hbm,
          table, acc, src_all, dst_all, val_all, rows2, gsem, ssem, ssem2):
        c = lax.axis_index("c")
        s = lax.axis_index("s")
        rsl = pl.ds(s * ROWS_PER_TILE, ROWS_PER_TILE)
        ksl = pl.ds((c * NS + s) * nch, nch)
        _stage_all([
            pltpu.async_copy(y_hbm.at[rsl], table.at[rsl], ssem),
            pltpu.async_copy(zero_hbm, acc.at[rsl], ssem),
            pltpu.async_copy(src_hbm.at[ksl], src_all, ssem),
            pltpu.async_copy(dst_hbm.at[ksl], dst_all, ssem),
            pltpu.async_copy(val_hbm.at[ksl], val_all, ssem),
        ])
        plsc.subcore_barrier()
        _edge_pipeline(table, acc, src_all, dst_all, val_all, rows2, gsem,
                       ssem2, nch, H)
        plsc.subcore_barrier()
        pltpu.sync_copy(acc.at[rsl], out_hbm.at[c, rsl])

    return k(y, src2, dst2, val2, zeros)


def _dotT(a, w):
    return lax.dot_general(a, w, (((1,), (1,)), ((), ())),
                           preferred_element_type=jnp.float32)


def _tc_scale_kernel(x_ref, m_ref, o_ref):
    o_ref[...] = x_ref[...] * m_ref[...]


def _tc_layer1_kernel(a_ref, am_ref, w0_ref, b0_ref, m_ref, w1_ref, o_ref):
    h = a_ref[...] * am_ref[...]
    h = jnp.maximum(_dotT(h, w0_ref[...]) + b0_ref[...], 0.0)
    o_ref[...] = _dotT(h * m_ref[...], w1_ref[...])


def _tc_layer2_kernel(p0_ref, p1_ref, am_ref, b1_ref, w2_ref, o_ref):
    h = (p0_ref[...] + p1_ref[...]) * am_ref[...] + b1_ref[...]
    h = jnp.maximum(h, 0.0)
    o_ref[...] = _dotT(h, w2_ref[...])


def _tc_final_kernel(p0_ref, p1_ref, b2_ref, o_ref):
    z = p0_ref[...] + p1_ref[...] + b2_ref[...]
    m = jnp.max(z, axis=1, keepdims=True)
    zm = z - m
    lse = jnp.log(jnp.sum(jnp.exp(zm), axis=1, keepdims=True))
    o_ref[...] = zm - lse


def _tc_call(body, out_shape, *args):
    return pl.pallas_call(
        body, out_shape=jax.ShapeDtypeStruct(out_shape, jnp.float32))(*args)


def kernel(x, edge_index, adj_vals, adjZ_vals, M, AM, W0, b0, W1, b1, W2, b2):
    src = edge_index[0].astype(jnp.int32)
    dst = edge_index[1].astype(jnp.int32)
    src2 = src.reshape(E // CHUNK, CHUNK)
    dst2 = dst.reshape(E // CHUNK, CHUNK)
    adjv = adj_vals.astype(jnp.float32).reshape(E // CHUNK, CHUNK)
    adjZv = adjZ_vals.astype(jnp.float32).reshape(E // CHUNK, CHUNK)
    CH = 200
    src2a = src.reshape(E // CH, CH)
    dst2a = dst.reshape(E // CH, CH)
    adjZva = adjZ_vals.astype(jnp.float32).reshape(E // CH, CH)
    b0r = b0.reshape(1, D)
    b1r = b1.reshape(1, H)
    b2r = b2.reshape(1, H)
    zeros64 = jnp.zeros((ROWS_PER_TILE, D // NC), jnp.float32)
    zeros16 = jnp.zeros((ROWS_PER_TILE, H), jnp.float32)

    y0 = _tc_call(_tc_scale_kernel, (N, D), x, M)
    a1 = _spmm128(y0, src2a, dst2a, adjZva, zeros64)
    t2 = _tc_call(_tc_layer1_kernel, (N, H), a1, AM, W0, b0r, M, W1)
    a2 = _spmm16(t2, src2, dst2, adjZv, zeros16)
    t3 = _tc_call(_tc_layer2_kernel, (N, H), a2[0], a2[1], AM, b1r, W2)
    a3 = _spmm16(t3, src2, dst2, adjv, zeros16)
    return _tc_call(_tc_final_kernel, (N, H), a3[0], a3[1], b2r)

# --- scband reference (transcript-rebuilt; emitter-appended) ---
"""Pipeline reference for scband-pa-gcn-54065048323072 (READ-ONLY COPY).

The authoritative reference and input builder live on the scoring server;
editing this copy changes nothing except your own understanding.
"""

import jax, jax.numpy as jnp
import numpy as np

N_NODES = 10000
N_EDGES = 320000
D_FEAT = 128
N_HID = 16
N_CLASS = 16


def spmm(edge_index, vals, y, n):
    # sparse matrix (COO: row=edge_index[1] dst, col=edge_index[0] src) @ dense y
    src = edge_index[0]
    dst = edge_index[1]
    gathered = vals[:, None] * jnp.take(y, src, axis=0)
    return jax.ops.segment_sum(gathered, dst, num_segments=n)


def setup_inputs(seed: int = 0) -> dict:
    key = jax.random.key(seed)
    ks = jax.random.split(key, 12)
    x = jax.random.normal(ks[0], (N_NODES, D_FEAT), dtype=jnp.float32)
    edge_index = jax.random.randint(ks[1], (2, N_EDGES), 0, N_NODES, dtype=jnp.int64)
    adj_vals = jax.random.uniform(ks[2], (N_EDGES,), dtype=jnp.float32)
    adjZ_vals = jax.random.uniform(ks[3], (N_EDGES,), dtype=jnp.float32)
    # per-node reweighting tensors M and Z (AM) from PaGCN init
    M = jax.random.uniform(ks[4], (N_NODES, 1), dtype=jnp.float32)
    AM = jax.random.uniform(ks[5], (N_NODES, 1), dtype=jnp.float32)
    # gc0: Linear(nfeat, nfeat), xavier_uniform gain=1.414, bias=0
    lim0 = 1.414 * np.sqrt(6.0 / (D_FEAT + D_FEAT))
    W0 = jax.random.uniform(ks[6], (D_FEAT, D_FEAT), minval=-lim0, maxval=lim0, dtype=jnp.float32)
    b0 = jnp.zeros((D_FEAT,), dtype=jnp.float32)
    # gc1: Linear(nfeat, nhid)
    lim1 = 1.414 * np.sqrt(6.0 / (D_FEAT + N_HID))
    W1 = jax.random.uniform(ks[7], (N_HID, D_FEAT), minval=-lim1, maxval=lim1, dtype=jnp.float32)
    b1 = jnp.zeros((N_HID,), dtype=jnp.float32)
    # gc2: GConv(nhid, nclass) ~ spmm(adj, x) @ W2.T + b2
    lim2 = np.sqrt(6.0 / (N_HID + N_CLASS))
    W2 = jax.random.uniform(ks[8], (N_CLASS, N_HID), minval=-lim2, maxval=lim2, dtype=jnp.float32)
    b2 = jnp.zeros((N_CLASS,), dtype=jnp.float32)
    return {"x": x, "edge_index": edge_index, "adj_vals": adj_vals, "adjZ_vals": adjZ_vals,
            "M": M, "AM": AM, "W0": W0, "b0": b0, "W1": W1, "b1": b1, "W2": W2, "b2": b2}


def reference(x, edge_index, adj_vals, adjZ_vals, M, AM, W0, b0, W1, b1, W2, b2):
    # eval mode: dropout is identity
    # gc0 (PaGConv with adjZ): H = spmm(adjZ, M*x) * AM; out = fc(H); relu
    h = spmm(edge_index, adjZ_vals, M * x, N_NODES) * AM
    h = jax.nn.relu(h @ W0.T + b0)
    # gc1 (PaGConv with adjZ)
    h = spmm(edge_index, adjZ_vals, M * h, N_NODES) * AM
    h = jax.nn.relu(h @ W1.T + b1)
    # gc2 (GConv with adj)
    h = spmm(edge_index, adj_vals, h, N_NODES)
    out = h @ W2.T + b2
    return jax.nn.log_softmax(out, axis=1)

if __name__ == "__main__":
    import jax
    _d = setup_inputs()
    print(jax.jit(kernel)(*tuple(_d.values())))

</pallas_src>

<mosaic_0001>
#map = affine_map<(d0, d1) -> (0, 0)>
module attributes {stable_mosaic.version = 14 : i64} {
  func.func @k(%arg0: i32, %arg1: i32, %arg2: memref<10000x128xf32, #tpu.memory_space<hbm>>, %arg3: memref<1600x200xi32, #tpu.memory_space<hbm>>, %arg4: memref<1600x200xi32, #tpu.memory_space<hbm>>, %arg5: memref<1600x200xf32, #tpu.memory_space<hbm>>, %arg6: memref<625x64xf32, #tpu.memory_space<hbm>>, %arg7: memref<10000x128xf32, #tpu.memory_space<hbm>>, %arg8: memref<10000x64xf32, #tpu.memory_space<vmem_shared>>, %arg9: memref<4x1x200xi32, #tpu.memory_space<vmem>>, %arg10: memref<!tpu.dma_semaphore, #tpu.memory_space<semaphore_mem>>, %arg11: memref<!tpu.dma_semaphore, #tpu.memory_space<semaphore_mem>>, %arg12: memref<2x200x64xf32, #tpu.memory_space<vmem>>, %arg13: memref<4x1x200xi32, #tpu.memory_space<vmem>>, %arg14: memref<!tpu.dma_semaphore, #tpu.memory_space<semaphore_mem>>, %arg15: memref<!tpu.dma_semaphore, #tpu.memory_space<semaphore_mem>>, %arg16: memref<10000x64xf32, #tpu.memory_space<vmem_shared>>, %arg17: memref<4x1x200xf32, #tpu.memory_space<vmem>>) attributes {dimension_semantics = [#tpu.dimension_semantics<core_parallel>, #tpu.dimension_semantics<subcore_parallel>], iteration_bounds = array<i64: 2, 16>, scalar_prefetch = 0 : i64, scratch_operands = 10 : i64, tpu.core_type = #tpu.core_type<sc_vector_subcore>, window_params = [{transform_indices = #map}, {transform_indices = #map}, {transform_indices = #map}, {transform_indices = #map}, {transform_indices = #map}, {transform_indices = #map}]} {
    %mul3A = arith.constant 625 : i32
    %mul3A_0 = arith.muli %arg1, %mul3A : i32
    %mul3A_1 = arith.constant 64 : i32
    %mul3A_2 = arith.muli %arg0, %mul3A_1 : i32
    %mul3A_3 = arith.constant 100 : i32
    %mul3A_4 = arith.muli %arg1, %mul3A_3 : i32
    %dma_start3A = arith.constant 0 : i32
    %dma_start3A_5 = tpu.memref_slice %arg16[%mul3A_0, %dma_start3A] : memref<10000x64xf32, #tpu.memory_space<vmem_shared>> -> memref<625x64xf32, #tpu.memory_space<vmem_shared>>
    %dma_start3A_6 = tpu.memref_slice %arg2[%mul3A_0, %mul3A_2] : memref<10000x128xf32, #tpu.memory_space<hbm>> -> memref<625x64xf32, #tpu.memory_space<hbm>>
    tpu.enqueue_dma source(%dma_start3A_6 : memref<625x64xf32, #tpu.memory_space<hbm>>) target(%dma_start3A_5 : memref<625x64xf32, #tpu.memory_space<vmem_shared>>) target_semaphore(%arg14 : memref<!tpu.dma_semaphore, #tpu.memory_space<semaphore_mem>>)
    %dma_start3A_7 = arith.constant 0 : i32
    %dma_start3A_8 = tpu.memref_slice %arg8[%mul3A_0, %dma_start3A_7] : memref<10000x64xf32, #tpu.memory_space<vmem_shared>> -> memref<625x64xf32, #tpu.memory_space<vmem_shared>>
    tpu.enqueue_dma source(%arg6 : memref<625x64xf32, #tpu.memory_space<hbm>>) target(%dma_start3A_8 : memref<625x64xf32, #tpu.memory_space<vmem_shared>>) target_semaphore(%arg14 : memref<!tpu.dma_semaphore, #tpu.memory_space<semaphore_mem>>)
    %dma_wait3A = arith.constant 0 : i32
    %dma_wait3A_9 = tpu.memref_slice %arg16[%mul3A_0, %dma_wait3A] : memref<10000x64xf32, #tpu.memory_space<vmem_shared>> -> memref<625x64xf32, #tpu.memory_space<vmem_shared>>
    %dma_wait3A_10 = tpu.memref_slice %arg2[%mul3A_0, %mul3A_2] : memref<10000x128xf32, #tpu.memory_space<hbm>> -> memref<625x64xf32, #tpu.memory_space<hbm>>
    tpu.wait_dma2 semaphore(%arg14 : memref<!tpu.dma_semaphore, #tpu.memory_space<semaphore_mem>>) src(%dma_wait3A_10 : memref<625x64xf32, #tpu.memory_space<hbm>>) dst(%dma_wait3A_9 : memref<625x64xf32, #tpu.memory_space<vmem_shared>>)
    %dma_wait3A_11 = arith.constant 0 : i32
    %dma_wait3A_12 = tpu.memref_slice %arg8[%mul3A_0, %dma_wait3A_11] : memref<10000x64xf32, #tpu.memory_space<vmem_shared>> -> memref<625x64xf32, #tpu.memory_space<vmem_shared>>
    tpu.wait_dma2 semaphore(%arg14 : memref<!tpu.dma_semaphore, #tpu.memory_space<semaphore_mem>>) src(%arg6 : memref<625x64xf32, #tpu.memory_space<hbm>>) dst(%dma_wait3A_12 : memref<625x64xf32, #tpu.memory_space<vmem_shared>>)
    %add3A = arith.constant 0 : i32
    %add3A_13 = arith.addi %mul3A_4, %add3A : i32
    %dma_start3A_14 = arith.constant 0 : i32
    %dma_start3A_15 = arith.constant 0 : i32
    %dma_start3A_16 = arith.constant 0 : i32
    %dma_start3A_17 = tpu.memref_slice %arg13[%dma_start3A_14, %dma_start3A_15, %dma_start3A_16] : memref<4x1x200xi32, #tpu.memory_space<vmem>> -> memref<1x1x200xi32, #tpu.memory_space<vmem>>
    %dma_start3A_18 = tpu.memref_squeeze %dma_start3A_17 : memref<1x1x200xi32, #tpu.memory_space<vmem>> -> memref<1x200xi32, #tpu.memory_space<vmem>>
    %dma_start3A_19 = arith.constant 0 : i32
    %dma_start3A_20 = tpu.memref_slice %arg3[%add3A_13, %dma_start3A_19] : memref<1600x200xi32, #tpu.memory_space<hbm>> -> memref<1x200xi32, #tpu.memory_space<hbm>>
    %dma_start3A_21 = arith.constant 0 : i32
    %dma_start3A_22 = arith.constant 0 : i32
    %dma_start3A_23 = tpu.memref_slice %arg13[%dma_start3A_14, %dma_start3A_21, %dma_start3A_22] : memref<4x1x200xi32, #tpu.memory_space<vmem>> -> memref<1x1x200xi32, #tpu.memory_space<vmem>>
    %dma_start3A_24 = tpu.memref_squeeze %dma_start3A_23 : memref<1x1x200xi32, #tpu.memory_space<vmem>> -> memref<1x200xi32, #tpu.memory_space<vmem>>
    %dma_start3A_25 = arith.constant 0 : i32
    %dma_start3A_26 = tpu.memref_slice %arg3[%add3A_13, %dma_start3A_25] : memref<1600x200xi32, #tpu.memory_space<hbm>> -> memref<1x200xi32, #tpu.memory_space<hbm>>
    tpu.enqueue_dma source(%dma_start3A_26 : memref<1x200xi32, #tpu.memory_space<hbm>>) target(%dma_start3A_24 : memref<1x200xi32, #tpu.memory_space<vmem>>) target_semaphore(%arg11 : memref<!tpu.dma_semaphore, #tpu.memory_space<semaphore_mem>>)
    %dma_start3A_27 = arith.constant 0 : i32
    %dma_start3A_28 = arith.constant 0 : i32
    %dma_start3A_29 = arith.constant 0 : i32
    %dma_start3A_30 = tpu.memref_slice %arg9[%dma_start3A_27, %dma_start3A_28, %dma_start3A_29] : memref<4x1x200xi32, #tpu.memory_space<vmem>> -> memref<1x1x200xi32, #tpu.memory_space<vmem>>
    %dma_start3A_31 = tpu.memref_squeeze %dma_start3A_30 : memref<1x1x200xi32, #tpu.memory_space<vmem>> -> memref<1x200xi32, #tpu.memory_space<vmem>>
    %dma_start3A_32 = arith.constant 0 : i32
    %dma_start3A_33 = tpu.memref_slice %arg4[%add3A_13, %dma_start3A_32] : memref<1600x200xi32, #tpu.memory_space<hbm>> -> memref<1x200xi32, #tpu.memory_space<hbm>>
    %dma_start3A_34 = arith.constant 0 : i32
    %dma_start3A_35 = arith.constant 0 : i32
    %dma_start3A_36 = tpu.memref_slice %arg9[%dma_start3A_27, %dma_start3A_34, %dma_start3A_35] : memref<4x1x200xi32, #tpu.memory_space<vmem>> -> memref<1x1x200xi32, #tpu.memory_space<vmem>>
    %dma_start3A_37 = tpu.memref_squeeze %dma_start3A_36 : memref<1x1x200xi32, #tpu.memory_space<vmem>> -> memref<1x200xi32, #tpu.memory_space<vmem>>
    %dma_start3A_38 = arith.constant 0 : i32
    %dma_start3A_39 = tpu.memref_slice %arg4[%add3A_13, %dma_start3A_38] : memref<1600x200xi32, #tpu.memory_space<hbm>> -> memref<1x200xi32, #tpu.memory_space<hbm>>
    tpu.enqueue_dma source(%dma_start3A_39 : memref<1x200xi32, #tpu.memory_space<hbm>>) target(%dma_start3A_37 : memref<1x200xi32, #tpu.memory_space<vmem>>) target_semaphore(%arg11 : memref<!tpu.dma_semaphore, #tpu.memory_space<semaphore_mem>>)
    %dma_start3A_40 = arith.constant 0 : i32
    %dma_start3A_41 = arith.constant 0 : i32
    %dma_start3A_42 = arith.constant 0 : i32
    %dma_start3A_43 = tpu.memref_slice %arg17[%dma_start3A_40, %dma_start3A_41, %dma_start3A_42] : memref<4x1x200xf32, #tpu.memory_space<vmem>> -> memref<1x1x200xf32, #tpu.memory_space<vmem>>
    %dma_start3A_44 = tpu.memref_squeeze %dma_start3A_43 : memref<1x1x200xf32, #tpu.memory_space<vmem>> -> memref<1x200xf32, #tpu.memory_space<vmem>>
    %dma_start3A_45 = arith.constant 0 : i32
    %dma_start3A_46 = tpu.memref_slice %arg5[%add3A_13, %dma_start3A_45] : memref<1600x200xf32, #tpu.memory_space<hbm>> -> memref<1x200xf32, #tpu.memory_space<hbm>>
    %dma_start3A_47 = arith.constant 0 : i32
    %dma_start3A_48 = arith.constant 0 : i32
    %dma_start3A_49 = tpu.memref_slice %arg17[%dma_start3A_40, %dma_start3A_47, %dma_start3A_48] : memref<4x1x200xf32, #tpu.memory_space<vmem>> -> memref<1x1x200xf32, #tpu.memory_space<vmem>>
    %dma_start3A_50 = tpu.memref_squeeze %dma_start3A_49 : memref<1x1x200xf32, #tpu.memory_space<vmem>> -> memref<1x200xf32, #tpu.memory_space<vmem>>
    %dma_start3A_51 = arith.constant 0 : i32
    %dma_start3A_52 = tpu.memref_slice %arg5[%add3A_13, %dma_start3A_51] : memref<1600x200xf32, #tpu.memory_space<hbm>> -> memref<1x200xf32, #tpu.memory_space<hbm>>
    tpu.enqueue_dma source(%dma_start3A_52 : memref<1x200xf32, #tpu.memory_space<hbm>>) target(%dma_start3A_50 : memref<1x200xf32, #tpu.memory_space<vmem>>) target_semaphore(%arg11 : memref<!tpu.dma_semaphore, #tpu.memory_space<semaphore_mem>>)
    %add3A_53 = arith.constant 1 : i32
    %add3A_54 = arith.addi %mul3A_4, %add3A_53 : i32
    %dma_start3A_55 = arith.constant 1 : i32
    %dma_start3A_56 = arith.constant 0 : i32
    %dma_start3A_57 = arith.constant 0 : i32
    %dma_start3A_58 = tpu.memref_slice %arg13[%dma_start3A_55, %dma_start3A_56, %dma_start3A_57] : memref<4x1x200xi32, #tpu.memory_space<vmem>> -> memref<1x1x200xi32, #tpu.memory_space<vmem>>
    %dma_start3A_59 = tpu.memref_squeeze %dma_start3A_58 : memref<1x1x200xi32, #tpu.memory_space<vmem>> -> memref<1x200xi32, #tpu.memory_space<vmem>>
    %dma_start3A_60 = arith.constant 0 : i32
    %dma_start3A_61 = tpu.memref_slice %arg3[%add3A_54, %dma_start3A_60] : memref<1600x200xi32, #tpu.memory_space<hbm>> -> memref<1x200xi32, #tpu.memory_space<hbm>>
    %dma_start3A_62 = arith.constant 0 : i32
    %dma_start3A_63 = arith.constant 0 : i32
    %dma_start3A_64 = tpu.memref_slice %arg13[%dma_start3A_55, %dma_start3A_62, %dma_start3A_63] : memref<4x1x200xi32, #tpu.memory_space<vmem>> -> memref<1x1x200xi32, #tpu.memory_space<vmem>>
    %dma_start3A_65 = tpu.memref_squeeze %dma_start3A_64 : memref<1x1x200xi32, #tpu.memory_space<vmem>> -> memref<1x200xi32, #tpu.memory_space<vmem>>
    %dma_start3A_66 = arith.constant 0 : i32
    %dma_start3A_67 = tpu.memref_slice %arg3[%add3A_54, %dma_start3A_66] : memref<1600x200xi32, #tpu.memory_space<hbm>> -> memref<1x200xi32, #tpu.memory_space<hbm>>
    tpu.enqueue_dma source(%dma_start3A_67 : memref<1x200xi32, #tpu.memory_space<hbm>>) target(%dma_start3A_65 : memref<1x200xi32, #tpu.memory_space<vmem>>) target_semaphore(%arg11 : memref<!tpu.dma_semaphore, #tpu.memory_space<semaphore_mem>>)
    %dma_start3A_68 = arith.constant 1 : i32
    %dma_start3A_69 = arith.constant 0 : i32
    %dma_start3A_70 = arith.constant 0 : i32
    %dma_start3A_71 = tpu.memref_slice %arg9[%dma_start3A_68, %dma_start3A_69, %dma_start3A_70] : memref<4x1x200xi32, #tpu.memory_space<vmem>> -> memref<1x1x200xi32, #tpu.memory_space<vmem>>
    %dma_start3A_72 = tpu.memref_squeeze %dma_start3A_71 : memref<1x1x200xi32, #tpu.memory_space<vmem>> -> memref<1x200xi32, #tpu.memory_space<vmem>>
    %dma_start3A_73 = arith.constant 0 : i32
    %dma_start3A_74 = tpu.memref_slice %arg4[%add3A_54, %dma_start3A_73] : memref<1600x200xi32, #tpu.memory_space<hbm>> -> memref<1x200xi32, #tpu.memory_space<hbm>>
    %dma_start3A_75 = arith.constant 0 : i32
    %dma_start3A_76 = arith.constant 0 : i32
    %dma_start3A_77 = tpu.memref_slice %arg9[%dma_start3A_68, %dma_start3A_75, %dma_start3A_76] : memref<4x1x200xi32, #tpu.memory_space<vmem>> -> memref<1x1x200xi32, #tpu.memory_space<vmem>>
    %dma_start3A_78 = tpu.memref_squeeze %dma_start3A_77 : memref<1x1x200xi32, #tpu.memory_space<vmem>> -> memref<1x200xi32, #tpu.memory_space<vmem>>
    %dma_start3A_79 = arith.constant 0 : i32
    %dma_start3A_80 = tpu.memref_slice %arg4[%add3A_54, %dma_start3A_79] : memref<1600x200xi32, #tpu.memory_space<hbm>> -> memref<1x200xi32, #tpu.memory_space<hbm>>
    tpu.enqueue_dma source(%dma_start3A_80 : memref<1x200xi32, #tpu.memory_space<hbm>>) target(%dma_start3A_78 : memref<1x200xi32, #tpu.memory_space<vmem>>) target_semaphore(%arg11 : memref<!tpu.dma_semaphore, #tpu.memory_space<semaphore_mem>>)
    %dma_start3A_81 = arith.constant 1 : i32
    %dma_start3A_82 = arith.constant 0 : i32
    %dma_start3A_83 = arith.constant 0 : i32
    %dma_start3A_84 = tpu.memref_slice %arg17[%dma_start3A_81, %dma_start3A_82, %dma_start3A_83] : memref<4x1x200xf32, #tpu.memory_space<vmem>> -> memref<1x1x200xf32, #tpu.memory_space<vmem>>
    %dma_start3A_85 = tpu.memref_squeeze %dma_start3A_84 : memref<1x1x200xf32, #tpu.memory_space<vmem>> -> memref<1x200xf32, #tpu.memory_space<vmem>>
    %dma_start3A_86 = arith.constant 0 : i32
    %dma_start3A_87 = tpu.memref_slice %arg5[%add3A_54, %dma_start3A_86] : memref<1600x200xf32, #tpu.memory_space<hbm>> -> memref<1x200xf32, #tpu.memory_space<hbm>>
    %dma_start3A_88 = arith.constant 0 : i32
    %dma_start3A_89 = arith.constant 0 : i32
    %dma_start3A_90 = tpu.memref_slice %arg17[%dma_start3A_81, %dma_start3A_88, %dma_start3A_89] : memref<4x1x200xf32, #tpu.memory_space<vmem>> -> memref<1x1x200xf32, #tpu.memory_space<vmem>>
    %dma_start3A_91 = tpu.memref_squeeze %dma_start3A_90 : memref<1x1x200xf32, #tpu.memory_space<vmem>> -> memref<1x200xf32, #tpu.memory_space<vmem>>
    %dma_start3A_92 = arith.constant 0 : i32
    %dma_start3A_93 = tpu.memref_slice %arg5[%add3A_54, %dma_start3A_92] : memref<1600x200xf32, #tpu.memory_space<hbm>> -> memref<1x200xf32, #tpu.memory_space<hbm>>
    tpu.enqueue_dma source(%dma_start3A_93 : memref<1x200xf32, #tpu.memory_space<hbm>>) target(%dma_start3A_91 : memref<1x200xf32, #tpu.memory_space<vmem>>) target_semaphore(%arg11 : memref<!tpu.dma_semaphore, #tpu.memory_space<semaphore_mem>>)
    %barrier3A = arith.constant 0 : index
    tpu.barrier barrier_id(%barrier3A)
    %add3A_94 = arith.constant 0 : i32
    %add3A_95 = arith.addi %mul3A_4, %add3A_94 : i32
    %dma_wait3A_96 = arith.constant 0 : i32
    %dma_wait3A_97 = arith.constant 0 : i32
    %dma_wait3A_98 = arith.constant 0 : i32
    %dma_wait3A_99 = tpu.memref_slice %arg13[%dma_wait3A_96, %dma_wait3A_97, %dma_wait3A_98] : memref<4x1x200xi32, #tpu.memory_space<vmem>> -> memref<1x1x200xi32, #tpu.memory_space<vmem>>
    %dma_wait3A_100 = tpu.memref_squeeze %dma_wait3A_99 : memref<1x1x200xi32, #tpu.memory_space<vmem>> -> memref<1x200xi32, #tpu.memory_space<vmem>>
    %dma_wait3A_101 = arith.constant 0 : i32
    %dma_wait3A_102 = tpu.memref_slice %arg3[%add3A_95, %dma_wait3A_101] : memref<1600x200xi32, #tpu.memory_space<hbm>> -> memref<1x200xi32, #tpu.memory_space<hbm>>
    %dma_wait3A_103 = arith.constant 0 : i32
    %dma_wait3A_104 = arith.constant 0 : i32
    %dma_wait3A_105 = tpu.memref_slice %arg13[%dma_wait3A_96, %dma_wait3A_103, %dma_wait3A_104] : memref<4x1x200xi32, #tpu.memory_space<vmem>> -> memref<1x1x200xi32, #tpu.memory_space<vmem>>
    %dma_wait3A_106 = tpu.memref_squeeze %dma_wait3A_105 : memref<1x1x200xi32, #tpu.memory_space<vmem>> -> memref<1x200xi32, #tpu.memory_space<vmem>>
    %dma_wait3A_107 = arith.constant 0 : i32
    %dma_wait3A_108 = tpu.memref_slice %arg3[%add3A_95, %dma_wait3A_107] : memref<1600x200xi32, #tpu.memory_space<hbm>> -> memref<1x200xi32, #tpu.memory_space<hbm>>
    tpu.wait_dma2 semaphore(%arg11 : memref<!tpu.dma_semaphore, #tpu.memory_space<semaphore_mem>>) src(%dma_wait3A_108 : memref<1x200xi32, #tpu.memory_space<hbm>>) dst(%dma_wait3A_106 : memref<1x200xi32, #tpu.memory_space<vmem>>)
    %dma_wait3A_109 = arith.constant 0 : i32
    %dma_wait3A_110 = arith.constant 0 : i32
    %dma_wait3A_111 = arith.constant 0 : i32
    %dma_wait3A_112 = tpu.memref_slice %arg9[%dma_wait3A_109, %dma_wait3A_110, %dma_wait3A_111] : memref<4x1x200xi32, #tpu.memory_space<vmem>> -> memref<1x1x200xi32, #tpu.memory_space<vmem>>
    %dma_wait3A_113 = tpu.memref_squeeze %dma_wait3A_112 : memref<1x1x200xi32, #tpu.memory_space<vmem>> -> memref<1x200xi32, #tpu.memory_space<vmem>>
    %dma_wait3A_114 = arith.constant 0 : i32
    %dma_wait3A_115 = tpu.memref_slice %arg4[%add3A_95, %dma_wait3A_114] : memref<1600x200xi32, #tpu.memory_space<hbm>> -> memref<1x200xi32, #tpu.memory_space<hbm>>
    %dma_wait3A_116 = arith.constant 0 : i32
    %dma_wait3A_117 = arith.constant 0 : i32
    %dma_wait3A_118 = tpu.memref_slice %arg9[%dma_wait3A_109, %dma_wait3A_116, %dma_wait3A_117] : memref<4x1x200xi32, #tpu.memory_space<vmem>> -> memref<1x1x200xi32, #tpu.memory_space<vmem>>
    %dma_wait3A_119 = tpu.memref_squeeze %dma_wait3A_118 : memref<1x1x200xi32, #tpu.memory_space<vmem>> -> memref<1x200xi32, #tpu.memory_space<vmem>>
    %dma_wait3A_120 = arith.constant 0 : i32
    %dma_wait3A_121 = tpu.memref_slice %arg4[%add3A_95, %dma_wait3A_120] : memref<1600x200xi32, #tpu.memory_space<hbm>> -> memref<1x200xi32, #tpu.memory_space<hbm>>
    tpu.wait_dma2 semaphore(%arg11 : memref<!tpu.dma_semaphore, #tpu.memory_space<semaphore_mem>>) src(%dma_wait3A_121 : memref<1x200xi32, #tpu.memory_space<hbm>>) dst(%dma_wait3A_119 : memref<1x200xi32, #tpu.memory_space<vmem>>)
    %dma_wait3A_122 = arith.constant 0 : i32
    %dma_wait3A_123 = arith.constant 0 : i32
    %dma_wait3A_124 = arith.constant 0 : i32
    %dma_wait3A_125 = tpu.memref_slice %arg17[%dma_wait3A_122, %dma_wait3A_123, %dma_wait3A_124] : memref<4x1x200xf32, #tpu.memory_space<vmem>> -> memref<1x1x200xf32, #tpu.memory_space<vmem>>
    %dma_wait3A_126 = tpu.memref_squeeze %dma_wait3A_125 : memref<1x1x200xf32, #tpu.memory_space<vmem>> -> memref<1x200xf32, #tpu.memory_space<vmem>>
    %dma_wait3A_127 = arith.constant 0 : i32
    %dma_wait3A_128 = tpu.memref_slice %arg5[%add3A_95, %dma_wait3A_127] : memref<1600x200xf32, #tpu.memory_space<hbm>> -> memref<1x200xf32, #tpu.memory_space<hbm>>
    %dma_wait3A_129 = arith.constant 0 : i32
    %dma_wait3A_130 = arith.constant 0 : i32
    %dma_wait3A_131 = tpu.memref_slice %arg17[%dma_wait3A_122, %dma_wait3A_129, %dma_wait3A_130] : memref<4x1x200xf32, #tpu.memory_space<vmem>> -> memref<1x1x200xf32, #tpu.memory_space<vmem>>
    %dma_wait3A_132 = tpu.memref_squeeze %dma_wait3A_131 : memref<1x1x200xf32, #tpu.memory_space<vmem>> -> memref<1x200xf32, #tpu.memory_space<vmem>>
    %dma_wait3A_133 = arith.constant 0 : i32
    %dma_wait3A_134 = tpu.memref_slice %arg5[%add3A_95, %dma_wait3A_133] : memref<1600x200xf32, #tpu.memory_space<hbm>> -> memref<1x200xf32, #tpu.memory_space<hbm>>
    tpu.wait_dma2 semaphore(%arg11 : memref<!tpu.dma_semaphore, #tpu.memory_space<semaphore_mem>>) src(%dma_wait3A_134 : memref<1x200xf32, #tpu.memory_space<hbm>>) dst(%dma_wait3A_132 : memref<1x200xf32, #tpu.memory_space<vmem>>)
    %dma_start3A_135 = arith.constant 0 : i32
    %dma_start3A_136 = arith.constant 0 : i32
    %dma_start3A_137 = arith.constant 0 : i32
    %dma_start3A_138 = arith.constant 0 : i32
    %dma_start3A_139 = arith.constant 0 : i32
    %dma_start3A_140 = tpu.memref_slice %arg12[%dma_start3A_137, %dma_start3A_138, %dma_start3A_139] : memref<2x200x64xf32, #tpu.memory_space<vmem>> -> memref<1x200x64xf32, #tpu.memory_space<vmem>>
    %dma_start3A_141 = tpu.memref_squeeze %dma_start3A_140 : memref<1x200x64xf32, #tpu.memory_space<vmem>> -> memref<200x64xf32, #tpu.memory_space<vmem>>
    %dma_start3A_142 = arith.constant 0 : i32
    %dma_start3A_143 = tpu.memref_slice %arg13[%dma_start3A_135, %dma_start3A_136, %dma_start3A_142] : memref<4x1x200xi32, #tpu.memory_space<vmem>> -> memref<1x1x200xi32, #tpu.memory_space<vmem>>
    %dma_start3A_144 = tpu.memref_squeeze %dma_start3A_143 : memref<1x1x200xi32, #tpu.memory_space<vmem>> -> memref<200xi32, #tpu.memory_space<vmem>>
    %dma_start3A_145 = arith.constant 0 : i32
    %dma_start3A_146 = arith.constant 0 : i32
    %dma_start3A_147 = tpu.memref_slice %arg16[%dma_start3A_145, %dma_start3A_146] : memref<10000x64xf32, #tpu.memory_space<vmem_shared>> -> memref<10000x64xf32, #tpu.memory_space<vmem_shared>>
    tpu.enqueue_indirect_dma source(%dma_start3A_147 : memref<10000x64xf32, #tpu.memory_space<vmem_shared>>) target(%dma_start3A_141 : memref<200x64xf32, #tpu.memory_space<vmem>>) offsets(%dma_start3A_144 : memref<200xi32, #tpu.memory_space<vmem>>) semaphore(%arg10 : memref<!tpu.dma_semaphore, #tpu.memory_space<semaphore_mem>>)
    %scan3A = arith.constant 0 : i32
    %scan3A_148 = arith.constant 0 : i32
    %scan3A_149 = arith.constant 25 : i32
    %scan3A_150 = arith.addi %scan3A_148, %scan3A_149 : i32
    %scan3A_151 = arith.constant 1 : i32
    %scan3A_152 = scf.for %scan3A_181 = %scan3A_148 to %scan3A_150 step %scan3A_151 iter_args(%scan3A_182 = %scan3A) -> (i32)  : i32 {
      %mul3A_183 = arith.constant 4 : i32
      %mul3A_184 = arith.muli %mul3A_183, %scan3A_181 : i32
      %dma_wait3A_185 = arith.constant 0 : i32
      %dma_wait3A_186 = arith.constant 0 : i32
      %dma_wait3A_187 = arith.constant 0 : i32
      %dma_wait3A_188 = arith.constant 0 : i32
      %dma_wait3A_189 = arith.constant 0 : i32
      %dma_wait3A_190 = tpu.memref_slice %arg12[%dma_wait3A_187, %dma_wait3A_188, %dma_wait3A_189] : memref<2x200x64xf32, #tpu.memory_space<vmem>> -> memref<1x200x64xf32, #tpu.memory_space<vmem>>
      %dma_wait3A_191 = tpu.memref_squeeze %dma_wait3A_190 : memref<1x200x64xf32, #tpu.memory_space<vmem>> -> memref<200x64xf32, #tpu.memory_space<vmem>>
      %dma_wait3A_192 = arith.constant 0 : i32
      %dma_wait3A_193 = tpu.memref_slice %arg13[%dma_wait3A_185, %dma_wait3A_186, %dma_wait3A_192] : memref<4x1x200xi32, #tpu.memory_space<vmem>> -> memref<1x1x200xi32, #tpu.memory_space<vmem>>
      %dma_wait3A_194 = tpu.memref_squeeze %dma_wait3A_193 : memref<1x1x200xi32, #tpu.memory_space<vmem>> -> memref<200xi32, #tpu.memory_space<vmem>>
      %dma_wait3A_195 = arith.constant 0 : i32
      %dma_wait3A_196 = arith.constant 0 : i32
      %dma_wait3A_197 = tpu.memref_slice %arg16[%dma_wait3A_195, %dma_wait3A_196] : memref<10000x64xf32, #tpu.memory_space<vmem_shared>> -> memref<10000x64xf32, #tpu.memory_space<vmem_shared>>
      tpu.wait_indirect_dma semaphore(%arg10 : memref<!tpu.dma_semaphore, #tpu.memory_space<semaphore_mem>>) src(%dma_wait3A_197 : memref<10000x64xf32, #tpu.memory_space<vmem_shared>>) dst(%dma_wait3A_191 : memref<200x64xf32, #tpu.memory_space<vmem>>)
      %add3A_198 = arith.constant 1 : i32
      %add3A_199 = arith.addi %mul3A_184, %add3A_198 : i32
      %lt3A = arith.constant 100 : i32
      %lt3A_200 = arith.cmpi slt, %add3A_199, %lt3A : i32
      %convert_element_type3A = arith.extui %lt3A_200 : i1 to i32
      %cond3A = arith.constant 0 : i32
      %cond3A_201 = arith.cmpi ne, %convert_element_type3A, %cond3A : i32
      scf.if %cond3A_201 {
        %add3A_338 = arith.constant 1 : i32
        %add3A_339 = arith.addi %mul3A_184, %add3A_338 : i32
        %add3A_340 = arith.addi %mul3A_4, %add3A_339 : i32
        %dma_wait3A_341 = arith.constant 1 : i32
        %dma_wait3A_342 = arith.constant 0 : i32
        %dma_wait3A_343 = arith.constant 0 : i32
        %dma_wait3A_344 = tpu.memref_slice %arg13[%dma_wait3A_341, %dma_wait3A_342, %dma_wait3A_343] : memref<4x1x200xi32, #tpu.memory_space<vmem>> -> memref<1x1x200xi32, #tpu.memory_space<vmem>>
        %dma_wait3A_345 = tpu.memref_squeeze %dma_wait3A_344 : memref<1x1x200xi32, #tpu.memory_space<vmem>> -> memref<1x200xi32, #tpu.memory_space<vmem>>
        %dma_wait3A_346 = arith.constant 0 : i32
        %dma_wait3A_347 = tpu.memref_slice %arg3[%add3A_340, %dma_wait3A_346] : memref<1600x200xi32, #tpu.memory_space<hbm>> -> memref<1x200xi32, #tpu.memory_space<hbm>>
        %dma_wait3A_348 = arith.constant 0 : i32
        %dma_wait3A_349 = arith.constant 0 : i32
        %dma_wait3A_350 = tpu.memref_slice %arg13[%dma_wait3A_341, %dma_wait3A_348, %dma_wait3A_349] : memref<4x1x200xi32, #tpu.memory_space<vmem>> -> memref<1x1x200xi32, #tpu.memory_space<vmem>>
        %dma_wait3A_351 = tpu.memref_squeeze %dma_wait3A_350 : memref<1x1x200xi32, #tpu.memory_space<vmem>> -> memref<1x200xi32, #tpu.memory_space<vmem>>
        %dma_wait3A_352 = arith.constant 0 : i32
        %dma_wait3A_353 = tpu.memref_slice %arg3[%add3A_340, %dma_wait3A_352] : memref<1600x200xi32, #tpu.memory_space<hbm>> -> memref<1x200xi32, #tpu.memory_space<hbm>>
        tpu.wait_dma2 semaphore(%arg11 : memref<!tpu.dma_semaphore, #tpu.memory_space<semaphore_mem>>) src(%dma_wait3A_353 : memref<1x200xi32, #tpu.memory_space<hbm>>) dst(%dma_wait3A_351 : memref<1x200xi32, #tpu.memory_space<vmem>>)
        %dma_wait3A_354 = arith.constant 1 : i32
        %dma_wait3A_355 = arith.constant 0 : i32
        %dma_wait3A_356 = arith.constant 0 : i32
        %dma_wait3A_357 = tpu.memref_slice %arg9[%dma_wait3A_354, %dma_wait3A_355, %dma_wait3A_356] : memref<4x1x200xi32, #tpu.memory_space<vmem>> -> memref<1x1x200xi32, #tpu.memory_space<vmem>>
        %dma_wait3A_358 = tpu.memref_squeeze %dma_wait3A_357 : memref<1x1x200xi32, #tpu.memory_space<vmem>> -> memref<1x200xi32, #tpu.memory_space<vmem>>
        %dma_wait3A_359 = arith.constant 0 : i32
        %dma_wait3A_360 = tpu.memref_slice %arg4[%add3A_340, %dma_wait3A_359] : memref<1600x200xi32, #tpu.memory_space<hbm>> -> memref<1x200xi32, #tpu.memory_space<hbm>>
        %dma_wait3A_361 = arith.constant 0 : i32
        %dma_wait3A_362 = arith.constant 0 : i32
        %dma_wait3A_363 = tpu.memref_slice %arg9[%dma_wait3A_354, %dma_wait3A_361, %dma_wait3A_362] : memref<4x1x200xi32, #tpu.memory_space<vmem>> -> memref<1x1x200xi32, #tpu.memory_space<vmem>>
        %dma_wait3A_364 = tpu.memref_squeeze %dma_wait3A_363 : memref<1x1x200xi32, #tpu.memory_space<vmem>> -> memref<1x200xi32, #tpu.memory_space<vmem>>
        %dma_wait3A_365 = arith.constant 0 : i32
        %dma_wait3A_366 = tpu.memref_slice %arg4[%add3A_340, %dma_wait3A_365] : memref<1600x200xi32, #tpu.memory_space<hbm>> -> memref<1x200xi32, #tpu.memory_space<hbm>>
        tpu.wait_dma2 semaphore(%arg11 : memref<!tpu.dma_semaphore, #tpu.memory_space<semaphore_mem>>) src(%dma_wait3A_366 : memref<1x200xi32, #tpu.memory_space<hbm>>) dst(%dma_wait3A_364 : memref<1x200xi32, #tpu.memory_space<vmem>>)
        %dma_wait3A_367 = arith.constant 1 : i32
        %dma_wait3A_368 = arith.constant 0 : i32
        %dma_wait3A_369 = arith.constant 0 : i32
        %dma_wait3A_370 = tpu.memref_slice %arg17[%dma_wait3A_367, %dma_wait3A_368, %dma_wait3A_369] : memref<4x1x200xf32, #tpu.memory_space<vmem>> -> memref<1x1x200xf32, #tpu.memory_space<vmem>>
        %dma_wait3A_371 = tpu.memref_squeeze %dma_wait3A_370 : memref<1x1x200xf32, #tpu.memory_space<vmem>> -> memref<1x200xf32, #tpu.memory_space<vmem>>
        %dma_wait3A_372 = arith.constant 0 : i32
        %dma_wait3A_373 = tpu.memref_slice %arg5[%add3A_340, %dma_wait3A_372] : memref<1600x200xf32, #tpu.memory_space<hbm>> -> memref<1x200xf32, #tpu.memory_space<hbm>>
        %dma_wait3A_374 = arith.constant 0 : i32
        %dma_wait3A_375 = arith.constant 0 : i32
        %dma_wait3A_376 = tpu.memref_slice %arg17[%dma_wait3A_367, %dma_wait3A_374, %dma_wait3A_375] : memref<4x1x200xf32, #tpu.memory_space<vmem>> -> memref<1x1x200xf32, #tpu.memory_space<vmem>>
        %dma_wait3A_377 = tpu.memref_squeeze %dma_wait3A_376 : memref<1x1x200xf32, #tpu.memory_space<vmem>> -> memref<1x200xf32, #tpu.memory_space<vmem>>
        %dma_wait3A_378 = arith.constant 0 : i32
        %dma_wait3A_379 = tpu.memref_slice %arg5[%add3A_340, %dma_wait3A_378] : memref<1600x200xf32, #tpu.memory_space<hbm>> -> memref<1x200xf32, #tpu.memory_space<hbm>>
        tpu.wait_dma2 semaphore(%arg11 : memref<!tpu.dma_semaphore, #tpu.memory_space<semaphore_mem>>) src(%dma_wait3A_379 : memref<1x200xf32, #tpu.memory_space<hbm>>) dst(%dma_wait3A_377 : memref<1x200xf32, #tpu.memory_space<vmem>>)
        %ge3A = arith.constant 1 : i32
        %ge3A_380 = arith.cmpi sge, %mul3A_184, %ge3A : i32
        %convert_element_type3A_381 = arith.extui %ge3A_380 : i1 to i32
        %cond3A_382 = arith.constant 0 : i32
        %cond3A_383 = arith.cmpi ne, %convert_element_type3A_381, %cond3A_382 : i32
        scf.if %cond3A_383 {
          %dma_wait3A_404 = arith.constant 1 : i32
          %dma_wait3A_405 = arith.constant 0 : i32
          %dma_wait3A_406 = arith.constant 0 : i32
          %dma_wait3A_407 = arith.constant 0 : i32
          %dma_wait3A_408 = arith.constant 0 : i32
          %dma_wait3A_409 = tpu.memref_slice %arg12[%dma_wait3A_404, %dma_wait3A_407, %dma_wait3A_408] : memref<2x200x64xf32, #tpu.memory_space<vmem>> -> memref<1x200x64xf32, #tpu.memory_space<vmem>>
          %dma_wait3A_410 = tpu.memref_squeeze %dma_wait3A_409 : memref<1x200x64xf32, #tpu.memory_space<vmem>> -> memref<200x64xf32, #tpu.memory_space<vmem>>
          %dma_wait3A_411 = arith.constant 0 : i32
          %dma_wait3A_412 = tpu.memref_slice %arg9[%dma_wait3A_405, %dma_wait3A_406, %dma_wait3A_411] : memref<4x1x200xi32, #tpu.memory_space<vmem>> -> memref<1x1x200xi32, #tpu.memory_space<vmem>>
          %dma_wait3A_413 = tpu.memref_squeeze %dma_wait3A_412 : memref<1x1x200xi32, #tpu.memory_space<vmem>> -> memref<200xi32, #tpu.memory_space<vmem>>
          %dma_wait3A_414 = arith.constant 0 : i32
          %dma_wait3A_415 = arith.constant 0 : i32
          %dma_wait3A_416 = tpu.memref_slice %arg8[%dma_wait3A_414, %dma_wait3A_415] : memref<10000x64xf32, #tpu.memory_space<vmem_shared>> -> memref<10000x64xf32, #tpu.memory_space<vmem_shared>>
          tpu.wait_indirect_dma semaphore(%arg15 : memref<!tpu.dma_semaphore, #tpu.memory_space<semaphore_mem>>) src(%dma_wait3A_410 : memref<200x64xf32, #tpu.memory_space<vmem>>) dst(%dma_wait3A_416 : memref<10000x64xf32, #tpu.memory_space<vmem_shared>>)
        } else {
        }
        %dma_start3A_384 = arith.constant 1 : i32
        %dma_start3A_385 = arith.constant 0 : i32
        %dma_start3A_386 = arith.constant 1 : i32
        %dma_start3A_387 = arith.constant 0 : i32
        %dma_start3A_388 = arith.constant 0 : i32
        %dma_start3A_389 = tpu.memref_slice %arg12[%dma_start3A_386, %dma_start3A_387, %dma_start3A_388] : memref<2x200x64xf32, #tpu.memory_space<vmem>> -> memref<1x200x64xf32, #tpu.memory_space<vmem>>
        %dma_start3A_390 = tpu.memref_squeeze %dma_start3A_389 : memref<1x200x64xf32, #tpu.memory_space<vmem>> -> memref<200x64xf32, #tpu.memory_space<vmem>>
        %dma_start3A_391 = arith.constant 0 : i32
        %dma_start3A_392 = tpu.memref_slice %arg13[%dma_start3A_384, %dma_start3A_385, %dma_start3A_391] : memref<4x1x200xi32, #tpu.memory_space<vmem>> -> memref<1x1x200xi32, #tpu.memory_space<vmem>>
        %dma_start3A_393 = tpu.memref_squeeze %dma_start3A_392 : memref<1x1x200xi32, #tpu.memory_space<vmem>> -> memref<200xi32, #tpu.memory_space<vmem>>
        %dma_start3A_394 = arith.constant 0 : i32
        %dma_start3A_395 = arith.constant 0 : i32
        %dma_start3A_396 = tpu.memref_slice %arg16[%dma_start3A_394, %dma_start3A_395] : memref<10000x64xf32, #tpu.memory_space<vmem_shared>> -> memref<10000x64xf32, #tpu.memory_space<vmem_shared>>
        tpu.enqueue_indirect_dma source(%dma_start3A_396 : memref<10000x64xf32, #tpu.memory_space<vmem_shared>>) target(%dma_start3A_390 : memref<200x64xf32, #tpu.memory_space<vmem>>) offsets(%dma_start3A_393 : memref<200xi32, #tpu.memory_space<vmem>>) semaphore(%arg10 : memref<!tpu.dma_semaphore, #tpu.memory_space<semaphore_mem>>)
        %add3A_397 = arith.constant 2 : i32
        %add3A_398 = arith.addi %mul3A_184, %add3A_397 : i32
        %lt3A_399 = arith.constant 100 : i32
        %lt3A_400 = arith.cmpi slt, %add3A_398, %lt3A_399 : i32
        %convert_element_type3A_401 = arith.extui %lt3A_400 : i1 to i32
        %cond3A_402 = arith.constant 0 : i32
        %cond3A_403 = arith.cmpi ne, %convert_element_type3A_401, %cond3A_402 : i32
        scf.if %cond3A_403 {
          %add3A_404 = arith.constant 2 : i32
          %add3A_405 = arith.addi %mul3A_184, %add3A_404 : i32
          %add3A_406 = arith.addi %mul3A_4, %add3A_405 : i32
          %dma_start3A_407 = arith.constant 2 : i32
          %dma_start3A_408 = arith.constant 0 : i32
          %dma_start3A_409 = arith.constant 0 : i32
          %dma_start3A_410 = tpu.memref_slice %arg13[%dma_start3A_407, %dma_start3A_408, %dma_start3A_409] : memref<4x1x200xi32, #tpu.memory_space<vmem>> -> memref<1x1x200xi32, #tpu.memory_space<vmem>>
          %dma_start3A_411 = tpu.memref_squeeze %dma_start3A_410 : memref<1x1x200xi32, #tpu.memory_space<vmem>> -> memref<1x200xi32, #tpu.memory_space<vmem>>
          %dma_start3A_412 = arith.constant 0 : i32
          %dma_start3A_413 = tpu.memref_slice %arg3[%add3A_406, %dma_start3A_412] : memref<1600x200xi32, #tpu.memory_space<hbm>> -> memref<1x200xi32, #tpu.memory_space<hbm>>
          %dma_start3A_414 = arith.constant 0 : i32
          %dma_start3A_415 = arith.constant 0 : i32
          %dma_start3A_416 = tpu.memref_slice %arg13[%dma_start3A_407, %dma_start3A_414, %dma_start3A_415] : memref<4x1x200xi32, #tpu.memory_space<vmem>> -> memref<1x1x200xi32, #tpu.memory_space<vmem>>
          %dma_start3A_417 = tpu.memref_squeeze %dma_start3A_416 : memref<1x1x200xi32, #tpu.memory_space<vmem>> -> memref<1x200xi32, #tpu.memory_space<vmem>>
          %dma_start3A_418 = arith.constant 0 : i32
          %dma_start3A_419 = tpu.memref_slice %arg3[%add3A_406, %dma_start3A_418] : memref<1600x200xi32, #tpu.memory_space<hbm>> -> memref<1x200xi32, #tpu.memory_space<hbm>>
          tpu.enqueue_dma source(%dma_start3A_419 : memref<1x200xi32, #tpu.memory_space<hbm>>) target(%dma_start3A_417 : memref<1x200xi32, #tpu.memory_space<vmem>>) target_semaphore(%arg11 : memref<!tpu.dma_semaphore, #tpu.memory_space<semaphore_mem>>)
          %dma_start3A_420 = arith.constant 2 : i32
          %dma_start3A_421 = arith.constant 0 : i32
          %dma_start3A_422 = arith.constant 0 : i32
          %dma_start3A_423 = tpu.memref_slice %arg9[%dma_start3A_420, %dma_start3A_421, %dma_start3A_422] : memref<4x1x200xi32, #tpu.memory_space<vmem>> -> memref<1x1x200xi32, #tpu.memory_space<vmem>>
          %dma_start3A_424 = tpu.memref_squeeze %dma_start3A_423 : memref<1x1x200xi32, #tpu.memory_space<vmem>> -> memref<1x200xi32, #tpu.memory_space<vmem>>
          %dma_start3A_425 = arith.constant 0 : i32
          %dma_start3A_426 = tpu.memref_slice %arg4[%add3A_406, %dma_start3A_425] : memref<1600x200xi32, #tpu.memory_space<hbm>> -> memref<1x200xi32, #tpu.memory_space<hbm>>
          %dma_start3A_427 = arith.constant 0 : i32
          %dma_start3A_428 = arith.constant 0 : i32
          %dma_start3A_429 = tpu.memref_slice %arg9[%dma_start3A_420, %dma_start3A_427, %dma_start3A_428] : memref<4x1x200xi32, #tpu.memory_space<vmem>> -> memref<1x1x200xi32, #tpu.memory_space<vmem>>
          %dma_start3A_430 = tpu.memref_squeeze %dma_start3A_429 : memref<1x1x200xi32, #tpu.memory_space<vmem>> -> memref<1x200xi32, #tpu.memory_space<vmem>>
          %dma_start3A_431 = arith.constant 0 : i32
          %dma_start3A_432 = tpu.memref_slice %arg4[%add3A_406, %dma_start3A_431] : memref<1600x200xi32, #tpu.memory_space<hbm>> -> memref<1x200xi32, #tpu.memory_space<hbm>>
          tpu.enqueue_dma source(%dma_start3A_432 : memref<1x200xi32, #tpu.memory_space<hbm>>) target(%dma_start3A_430 : memref<1x200xi32, #tpu.memory_space<vmem>>) target_semaphore(%arg11 : memref<!tpu.dma_semaphore, #tpu.memory_space<semaphore_mem>>)
          %dma_start3A_433 = arith.constant 2 : i32
          %dma_start3A_434 = arith.constant 0 : i32
          %dma_start3A_435 = arith.constant 0 : i32
          %dma_start3A_436 = tpu.memref_slice %arg17[%dma_start3A_433, %dma_start3A_434, %dma_start3A_435] : memref<4x1x200xf32, #tpu.memory_space<vmem>> -> memref<1x1x200xf32, #tpu.memory_space<vmem>>
          %dma_start3A_437 = tpu.memref_squeeze %dma_start3A_436 : memref<1x1x200xf32, #tpu.memory_space<vmem>> -> memref<1x200xf32, #tpu.memory_space<vmem>>
          %dma_start3A_438 = arith.constant 0 : i32
          %dma_start3A_439 = tpu.memref_slice %arg5[%add3A_406, %dma_start3A_438] : memref<1600x200xf32, #tpu.memory_space<hbm>> -> memref<1x200xf32, #tpu.memory_space<hbm>>
          %dma_start3A_440 = arith.constant 0 : i32
          %dma_start3A_441 = arith.constant 0 : i32
          %dma_start3A_442 = tpu.memref_slice %arg17[%dma_start3A_433, %dma_start3A_440, %dma_start3A_441] : memref<4x1x200xf32, #tpu.memory_space<vmem>> -> memref<1x1x200xf32, #tpu.memory_space<vmem>>
          %dma_start3A_443 = tpu.memref_squeeze %dma_start3A_442 : memref<1x1x200xf32, #tpu.memory_space<vmem>> -> memref<1x200xf32, #tpu.memory_space<vmem>>
          %dma_start3A_444 = arith.constant 0 : i32
          %dma_start3A_445 = tpu.memref_slice %arg5[%add3A_406, %dma_start3A_444] : memref<1600x200xf32, #tpu.memory_space<hbm>> -> memref<1x200xf32, #tpu.memory_space<hbm>>
          tpu.enqueue_dma source(%dma_start3A_445 : memref<1x200xf32, #tpu.memory_space<hbm>>) target(%dma_start3A_443 : memref<1x200xf32, #tpu.memory_space<vmem>>) target_semaphore(%arg11 : memref<!tpu.dma_semaphore, #tpu.memory_space<semaphore_mem>>)
        } else {
        }
      } else {
      }
      %parallel_loop3A = arith.constant 0 : i32
      %parallel_loop3A_202 = arith.constant 200 : i32
      %parallel_loop3A_203 = arith.constant 1 : i32
      scf.for %parallel_loop3A_338 = %parallel_loop3A to %parallel_loop3A_202 step %parallel_loop3A_203  : i32 {
        %parallel_loop3A_339 = arith.constant 0 : i32
        %parallel_loop3A_340 = vector.broadcast %parallel_loop3A_339 : i32 to vector<16xi32>
        %parallel_loop3A_341 = arith.constant 0 : i32
        %parallel_loop3A_342 = vector.broadcast %parallel_loop3A_341 : i32 to vector<16xi32>
        %parallel_loop3A_343 = vector.broadcast %parallel_loop3A_338 : i32 to vector<16xi32>
        %parallel_loop3A_344 = tpu.vector_load_idx %arg17[%parallel_loop3A_340, %parallel_loop3A_342, %parallel_loop3A_343] : memref<4x1x200xf32, #tpu.memory_space<vmem>>[vector<16xi32>, vector<16xi32>, vector<16xi32>], vector<16xf32>,
        %parallel_loop3A_345 = arith.constant 0 : i32
        %parallel_loop3A_346 = arith.index_cast %parallel_loop3A_345 : i32 to index
        %parallel_loop3A_347 = arith.index_cast %parallel_loop3A_338 : i32 to index
        %parallel_loop3A_348 = arith.constant 0 : index
        %parallel_loop3A_349 = tpu.vector_load %arg12[%parallel_loop3A_346, %parallel_loop3A_347, %parallel_loop3A_348] {strides = array<i32>} : memref<2x200x64xf32, #tpu.memory_space<vmem>>, vector<16xf32>,
        %parallel_loop3A_350 = arith.mulf %parallel_loop3A_349, %parallel_loop3A_344 : vector<16xf32>
        %parallel_loop3A_351 = arith.constant 0 : i32
        %parallel_loop3A_352 = arith.index_cast %parallel_loop3A_351 : i32 to index
        %parallel_loop3A_353 = arith.index_cast %parallel_loop3A_338 : i32 to index
        %parallel_loop3A_354 = arith.constant 0 : index
        %parallel_loop3A_355 = tpu.vector_load %arg12[%parallel_loop3A_352, %parallel_loop3A_353, %parallel_loop3A_354] {strides = array<i32>} : memref<2x200x64xf32, #tpu.memory_space<vmem>>, vector<16xf32>,
        tpu.vector_store %arg12[%parallel_loop3A_352, %parallel_loop3A_353, %parallel_loop3A_354], %parallel_loop3A_350 {strides = array<i32>} : memref<2x200x64xf32, #tpu.memory_space<vmem>>, vector<16xf32>,
        %parallel_loop3A_356 = arith.constant 0 : i32
        %parallel_loop3A_357 = arith.index_cast %parallel_loop3A_356 : i32 to index
        %parallel_loop3A_358 = arith.index_cast %parallel_loop3A_338 : i32 to index
        %parallel_loop3A_359 = arith.constant 16 : index
        %parallel_loop3A_360 = tpu.vector_load %arg12[%parallel_loop3A_357, %parallel_loop3A_358, %parallel_loop3A_359] {strides = array<i32>} : memref<2x200x64xf32, #tpu.memory_space<vmem>>, vector<16xf32>,
        %parallel_loop3A_361 = arith.mulf %parallel_loop3A_360, %parallel_loop3A_344 : vector<16xf32>
        %parallel_loop3A_362 = arith.constant 0 : i32
        %parallel_loop3A_363 = arith.index_cast %parallel_loop3A_362 : i32 to index
        %parallel_loop3A_364 = arith.index_cast %parallel_loop3A_338 : i32 to index
        %parallel_loop3A_365 = arith.constant 16 : index
        %parallel_loop3A_366 = tpu.vector_load %arg12[%parallel_loop3A_363, %parallel_loop3A_364, %parallel_loop3A_365] {strides = array<i32>} : memref<2x200x64xf32, #tpu.memory_space<vmem>>, vector<16xf32>,
        tpu.vector_store %arg12[%parallel_loop3A_363, %parallel_loop3A_364, %parallel_loop3A_365], %parallel_loop3A_361 {strides = array<i32>} : memref<2x200x64xf32, #tpu.memory_space<vmem>>, vector<16xf32>,
        %parallel_loop3A_367 = arith.constant 0 : i32
        %parallel_loop3A_368 = arith.index_cast %parallel_loop3A_367 : i32 to index
        %parallel_loop3A_369 = arith.index_cast %parallel_loop3A_338 : i32 to index
        %parallel_loop3A_370 = arith.constant 32 : index
        %parallel_loop3A_371 = tpu.vector_load %arg12[%parallel_loop3A_368, %parallel_loop3A_369, %parallel_loop3A_370] {strides = array<i32>} : memref<2x200x64xf32, #tpu.memory_space<vmem>>, vector<16xf32>,
        %parallel_loop3A_372 = arith.mulf %parallel_loop3A_371, %parallel_loop3A_344 : vector<16xf32>
        %parallel_loop3A_373 = arith.constant 0 : i32
        %parallel_loop3A_374 = arith.index_cast %parallel_loop3A_373 : i32 to index
        %parallel_loop3A_375 = arith.index_cast %parallel_loop3A_338 : i32 to index
        %parallel_loop3A_376 = arith.constant 32 : index
        %parallel_loop3A_377 = tpu.vector_load %arg12[%parallel_loop3A_374, %parallel_loop3A_375, %parallel_loop3A_376] {strides = array<i32>} : memref<2x200x64xf32, #tpu.memory_space<vmem>>, vector<16xf32>,
        tpu.vector_store %arg12[%parallel_loop3A_374, %parallel_loop3A_375, %parallel_loop3A_376], %parallel_loop3A_372 {strides = array<i32>} : memref<2x200x64xf32, #tpu.memory_space<vmem>>, vector<16xf32>,
        %parallel_loop3A_378 = arith.constant 0 : i32
        %parallel_loop3A_379 = arith.index_cast %parallel_loop3A_378 : i32 to index
        %parallel_loop3A_380 = arith.index_cast %parallel_loop3A_338 : i32 to index
        %parallel_loop3A_381 = arith.constant 48 : index
        %parallel_loop3A_382 = tpu.vector_load %arg12[%parallel_loop3A_379, %parallel_loop3A_380, %parallel_loop3A_381] {strides = array<i32>} : memref<2x200x64xf32, #tpu.memory_space<vmem>>, vector<16xf32>,
        %parallel_loop3A_383 = arith.mulf %parallel_loop3A_382, %parallel_loop3A_344 : vector<16xf32>
        %parallel_loop3A_384 = arith.constant 0 : i32
        %parallel_loop3A_385 = arith.index_cast %parallel_loop3A_384 : i32 to index
        %parallel_loop3A_386 = arith.index_cast %parallel_loop3A_338 : i32 to index
        %parallel_loop3A_387 = arith.constant 48 : index
        %parallel_loop3A_388 = tpu.vector_load %arg12[%parallel_loop3A_385, %parallel_loop3A_386, %parallel_loop3A_387] {strides = array<i32>} : memref<2x200x64xf32, #tpu.memory_space<vmem>>, vector<16xf32>,
        tpu.vector_store %arg12[%parallel_loop3A_385, %parallel_loop3A_386, %parallel_loop3A_387], %parallel_loop3A_383 {strides = array<i32>} : memref<2x200x64xf32, #tpu.memory_space<vmem>>, vector<16xf32>,
      } {sc.loop_unroll_factor = 8 : i64, sc.parallel_access}
      %dma_start3A_204 = arith.constant 0 : i32
      %dma_start3A_205 = arith.constant 0 : i32
      %dma_start3A_206 = arith.constant 0 : i32
      %dma_start3A_207 = arith.constant 0 : i32
      %dma_start3A_208 = arith.constant 0 : i32
      %dma_start3A_209 = tpu.memref_slice %arg12[%dma_start3A_204, %dma_start3A_207, %dma_start3A_208] : memref<2x200x64xf32, #tpu.memory_space<vmem>> -> memref<1x200x64xf32, #tpu.memory_space<vmem>>
      %dma_start3A_210 = tpu.memref_squeeze %dma_start3A_209 : memref<1x200x64xf32, #tpu.memory_space<vmem>> -> memref<200x64xf32, #tpu.memory_space<vmem>>
      %dma_start3A_211 = arith.constant 0 : i32
      %dma_start3A_212 = tpu.memref_slice %arg9[%dma_start3A_205, %dma_start3A_206, %dma_start3A_211] : memref<4x1x200xi32, #tpu.memory_space<vmem>> -> memref<1x1x200xi32, #tpu.memory_space<vmem>>
      %dma_start3A_213 = tpu.memref_squeeze %dma_start3A_212 : memref<1x1x200xi32, #tpu.memory_space<vmem>> -> memref<200xi32, #tpu.memory_space<vmem>>
      %dma_start3A_214 = arith.constant 0 : i32
      %dma_start3A_215 = arith.constant 0 : i32
      %dma_start3A_216 = tpu.memref_slice %arg8[%dma_start3A_214, %dma_start3A_215] : memref<10000x64xf32, #tpu.memory_space<vmem_shared>> -> memref<10000x64xf32, #tpu.memory_space<vmem_shared>>
      tpu.enqueue_indirect_dma source(%dma_start3A_210 : memref<200x64xf32, #tpu.memory_space<vmem>>) target(%dma_start3A_216 : memref<10000x64xf32, #tpu.memory_space<vmem_shared>>) offsets(%dma_start3A_213 : memref<200xi32, #tpu.memory_space<vmem>>) semaphore(%arg15 : memref<!tpu.dma_semaphore, #tpu.memory_space<semaphore_mem>>) {add = true}
      %mul3A_217 = arith.constant 4 : i32
      %mul3A_218 = arith.muli %mul3A_217, %scan3A_181 : i32
      %add3A_219 = arith.constant 1 : i32
      %add3A_220 = arith.addi %mul3A_218, %add3A_219 : i32
      %dma_wait3A_221 = arith.constant 1 : i32
      %dma_wait3A_222 = arith.constant 0 : i32
      %dma_wait3A_223 = arith.constant 1 : i32
      %dma_wait3A_224 = arith.constant 0 : i32
      %dma_wait3A_225 = arith.constant 0 : i32
      %dma_wait3A_226 = tpu.memref_slice %arg12[%dma_wait3A_223, %dma_wait3A_224, %dma_wait3A_225] : memref<2x200x64xf32, #tpu.memory_space<vmem>> -> memref<1x200x64xf32, #tpu.memory_space<vmem>>
      %dma_wait3A_227 = tpu.memref_squeeze %dma_wait3A_226 : memref<1x200x64xf32, #tpu.memory_space<vmem>> -> memref<200x64xf32, #tpu.memory_space<vmem>>
      %dma_wait3A_228 = arith.constant 0 : i32
      %dma_wait3A_229 = tpu.memref_slice %arg13[%dma_wait3A_221, %dma_wait3A_222, %dma_wait3A_228] : memref<4x1x200xi32, #tpu.memory_space<vmem>> -> memref<1x1x200xi32, #tpu.memory_space<vmem>>
      %dma_wait3A_230 = tpu.memref_squeeze %dma_wait3A_229 : memref<1x1x200xi32, #tpu.memory_space<vmem>> -> memref<200xi32, #tpu.memory_space<vmem>>
      %dma_wait3A_231 = arith.constant 0 : i32
      %dma_wait3A_232 = arith.constant 0 : i32
      %dma_wait3A_233 = tpu.memref_slice %arg16[%dma_wait3A_231, %dma_wait3A_232] : memref<10000x64xf32, #tpu.memory_space<vmem_shared>> -> memref<10000x64xf32, #tpu.memory_space<vmem_shared>>
      tpu.wait_indirect_dma semaphore(%arg10 : memref<!tpu.dma_semaphore, #tpu.memory_space<semaphore_mem>>) src(%dma_wait3A_233 : memref<10000x64xf32, #tpu.memory_space<vmem_shared>>) dst(%dma_wait3A_227 : memref<200x64xf32, #tpu.memory_space<vmem>>)
      %add3A_234 = arith.constant 1 : i32
      %add3A_235 = arith.addi %add3A_220, %add3A_234 : i32
      %lt3A_236 = arith.constant 100 : i32
      %lt3A_237 = arith.cmpi slt, %add3A_235, %lt3A_236 : i32
      %convert_element_type3A_238 = arith.extui %lt3A_237 : i1 to i32
      %cond3A_239 = arith.constant 0 : i32
      %cond3A_240 = arith.cmpi ne, %convert_element_type3A_238, %cond3A_239 : i32
      scf.if %cond3A_240 {
        %add3A_338 = arith.constant 1 : i32
        %add3A_339 = arith.addi %add3A_220, %add3A_338 : i32
        %add3A_340 = arith.addi %mul3A_4, %add3A_339 : i32
        %dma_wait3A_341 = arith.constant 2 : i32
        %dma_wait3A_342 = arith.constant 0 : i32
        %dma_wait3A_343 = arith.constant 0 : i32
        %dma_wait3A_344 = tpu.memref_slice %arg13[%dma_wait3A_341, %dma_wait3A_342, %dma_wait3A_343] : memref<4x1x200xi32, #tpu.memory_space<vmem>> -> memref<1x1x200xi32, #tpu.memory_space<vmem>>
        %dma_wait3A_345 = tpu.memref_squeeze %dma_wait3A_344 : memref<1x1x200xi32, #tpu.memory_space<vmem>> -> memref<1x200xi32, #tpu.memory_space<vmem>>
        %dma_wait3A_346 = arith.constant 0 : i32
        %dma_wait3A_347 = tpu.memref_slice %arg3[%add3A_340, %dma_wait3A_346] : memref<1600x200xi32, #tpu.memory_space<hbm>> -> memref<1x200xi32, #tpu.memory_space<hbm>>
        %dma_wait3A_348 = arith.constant 0 : i32
        %dma_wait3A_349 = arith.constant 0 : i32
        %dma_wait3A_350 = tpu.memref_slice %arg13[%dma_wait3A_341, %dma_wait3A_348, %dma_wait3A_349] : memref<4x1x200xi32, #tpu.memory_space<vmem>> -> memref<1x1x200xi32, #tpu.memory_space<vmem>>
        %dma_wait3A_351 = tpu.memref_squeeze %dma_wait3A_350 : memref<1x1x200xi32, #tpu.memory_space<vmem>> -> memref<1x200xi32, #tpu.memory_space<vmem>>
        %dma_wait3A_352 = arith.constant 0 : i32
        %dma_wait3A_353 = tpu.memref_slice %arg3[%add3A_340, %dma_wait3A_352] : memref<1600x200xi32, #tpu.memory_space<hbm>> -> memref<1x200xi32, #tpu.memory_space<hbm>>
        tpu.wait_dma2 semaphore(%arg11 : memref<!tpu.dma_semaphore, #tpu.memory_space<semaphore_mem>>) src(%dma_wait3A_353 : memref<1x200xi32, #tpu.memory_space<hbm>>) dst(%dma_wait3A_351 : memref<1x200xi32, #tpu.memory_space<vmem>>)
        %dma_wait3A_354 = arith.constant 2 : i32
        %dma_wait3A_355 = arith.constant 0 : i32
        %dma_wait3A_356 = arith.constant 0 : i32
        %dma_wait3A_357 = tpu.memref_slice %arg9[%dma_wait3A_354, %dma_wait3A_355, %dma_wait3A_356] : memref<4x1x200xi32, #tpu.memory_space<vmem>> -> memref<1x1x200xi32, #tpu.memory_space<vmem>>
        %dma_wait3A_358 = tpu.memref_squeeze %dma_wait3A_357 : memref<1x1x200xi32, #tpu.memory_space<vmem>> -> memref<1x200xi32, #tpu.memory_space<vmem>>
        %dma_wait3A_359 = arith.constant 0 : i32
        %dma_wait3A_360 = tpu.memref_slice %arg4[%add3A_340, %dma_wait3A_359] : memref<1600x200xi32, #tpu.memory_space<hbm>> -> memref<1x200xi32, #tpu.memory_space<hbm>>
        %dma_wait3A_361 = arith.constant 0 : i32
        %dma_wait3A_362 = arith.constant 0 : i32
        %dma_wait3A_363 = tpu.memref_slice %arg9[%dma_wait3A_354, %dma_wait3A_361, %dma_wait3A_362] : memref<4x1x200xi32, #tpu.memory_space<vmem>> -> memref<1x1x200xi32, #tpu.memory_space<vmem>>
        %dma_wait3A_364 = tpu.memref_squeeze %dma_wait3A_363 : memref<1x1x200xi32, #tpu.memory_space<vmem>> -> memref<1x200xi32, #tpu.memory_space<vmem>>
        %dma_wait3A_365 = arith.constant 0 : i32
        %dma_wait3A_366 = tpu.memref_slice %arg4[%add3A_340, %dma_wait3A_365] : memref<1600x200xi32, #tpu.memory_space<hbm>> -> memref<1x200xi32, #tpu.memory_space<hbm>>
        tpu.wait_dma2 semaphore(%arg11 : memref<!tpu.dma_semaphore, #tpu.memory_space<semaphore_mem>>) src(%dma_wait3A_366 : memref<1x200xi32, #tpu.memory_space<hbm>>) dst(%dma_wait3A_364 : memref<1x200xi32, #tpu.memory_space<vmem>>)
        %dma_wait3A_367 = arith.constant 2 : i32
        %dma_wait3A_368 = arith.constant 0 : i32
        %dma_wait3A_369 = arith.constant 0 : i32
        %dma_wait3A_370 = tpu.memref_slice %arg17[%dma_wait3A_367, %dma_wait3A_368, %dma_wait3A_369] : memref<4x1x200xf32, #tpu.memory_space<vmem>> -> memref<1x1x200xf32, #tpu.memory_space<vmem>>
        %dma_wait3A_371 = tpu.memref_squeeze %dma_wait3A_370 : memref<1x1x200xf32, #tpu.memory_space<vmem>> -> memref<1x200xf32, #tpu.memory_space<vmem>>
        %dma_wait3A_372 = arith.constant 0 : i32
        %dma_wait3A_373 = tpu.memref_slice %arg5[%add3A_340, %dma_wait3A_372] : memref<1600x200xf32, #tpu.memory_space<hbm>> -> memref<1x200xf32, #tpu.memory_space<hbm>>
        %dma_wait3A_374 = arith.constant 0 : i32
        %dma_wait3A_375 = arith.constant 0 : i32
        %dma_wait3A_376 = tpu.memref_slice %arg17[%dma_wait3A_367, %dma_wait3A_374, %dma_wait3A_375] : memref<4x1x200xf32, #tpu.memory_space<vmem>> -> memref<1x1x200xf32, #tpu.memory_space<vmem>>
        %dma_wait3A_377 = tpu.memref_squeeze %dma_wait3A_376 : memref<1x1x200xf32, #tpu.memory_space<vmem>> -> memref<1x200xf32, #tpu.memory_space<vmem>>
        %dma_wait3A_378 = arith.constant 0 : i32
        %dma_wait3A_379 = tpu.memref_slice %arg5[%add3A_340, %dma_wait3A_378] : memref<1600x200xf32, #tpu.memory_space<hbm>> -> memref<1x200xf32, #tpu.memory_space<hbm>>
        tpu.wait_dma2 semaphore(%arg11 : memref<!tpu.dma_semaphore, #tpu.memory_space<semaphore_mem>>) src(%dma_wait3A_379 : memref<1x200xf32, #tpu.memory_space<hbm>>) dst(%dma_wait3A_377 : memref<1x200xf32, #tpu.memory_space<vmem>>)
        %ge3A = arith.constant 1 : i32
        %ge3A_380 = arith.cmpi sge, %add3A_220, %ge3A : i32
        %convert_element_type3A_381 = arith.extui %ge3A_380 : i1 to i32
        %cond3A_382 = arith.constant 0 : i32
        %cond3A_383 = arith.cmpi ne, %convert_element_type3A_381, %cond3A_382 : i32
        scf.if %cond3A_383 {
          %dma_wait3A_404 = arith.constant 0 : i32
          %dma_wait3A_405 = arith.constant 0 : i32
          %dma_wait3A_406 = arith.constant 0 : i32
          %dma_wait3A_407 = arith.constant 0 : i32
          %dma_wait3A_408 = arith.constant 0 : i32
          %dma_wait3A_409 = tpu.memref_slice %arg12[%dma_wait3A_404, %dma_wait3A_407, %dma_wait3A_408] : memref<2x200x64xf32, #tpu.memory_space<vmem>> -> memref<1x200x64xf32, #tpu.memory_space<vmem>>
          %dma_wait3A_410 = tpu.memref_squeeze %dma_wait3A_409 : memref<1x200x64xf32, #tpu.memory_space<vmem>> -> memref<200x64xf32, #tpu.memory_space<vmem>>
          %dma_wait3A_411 = arith.constant 0 : i32
          %dma_wait3A_412 = tpu.memref_slice %arg9[%dma_wait3A_405, %dma_wait3A_406, %dma_wait3A_411] : memref<4x1x200xi32, #tpu.memory_space<vmem>> -> memref<1x1x200xi32, #tpu.memory_space<vmem>>
          %dma_wait3A_413 = tpu.memref_squeeze %dma_wait3A_412 : memref<1x1x200xi32, #tpu.memory_space<vmem>> -> memref<200xi32, #tpu.memory_space<vmem>>
          %dma_wait3A_414 = arith.constant 0 : i32
          %dma_wait3A_415 = arith.constant 0 : i32
          %dma_wait3A_416 = tpu.memref_slice %arg8[%dma_wait3A_414, %dma_wait3A_415] : memref<10000x64xf32, #tpu.memory_space<vmem_shared>> -> memref<10000x64xf32, #tpu.memory_space<vmem_shared>>
          tpu.wait_indirect_dma semaphore(%arg15 : memref<!tpu.dma_semaphore, #tpu.memory_space<semaphore_mem>>) src(%dma_wait3A_410 : memref<200x64xf32, #tpu.memory_space<vmem>>) dst(%dma_wait3A_416 : memref<10000x64xf32, #tpu.memory_space<vmem_shared>>)
        } else {
        }
        %dma_start3A_384 = arith.constant 2 : i32
        %dma_start3A_385 = arith.constant 0 : i32
        %dma_start3A_386 = arith.constant 0 : i32
        %dma_start3A_387 = arith.constant 0 : i32
        %dma_start3A_388 = arith.constant 0 : i32
        %dma_start3A_389 = tpu.memref_slice %arg12[%dma_start3A_386, %dma_start3A_387, %dma_start3A_388] : memref<2x200x64xf32, #tpu.memory_space<vmem>> -> memref<1x200x64xf32, #tpu.memory_space<vmem>>
        %dma_start3A_390 = tpu.memref_squeeze %dma_start3A_389 : memref<1x200x64xf32, #tpu.memory_space<vmem>> -> memref<200x64xf32, #tpu.memory_space<vmem>>
        %dma_start3A_391 = arith.constant 0 : i32
        %dma_start3A_392 = tpu.memref_slice %arg13[%dma_start3A_384, %dma_start3A_385, %dma_start3A_391] : memref<4x1x200xi32, #tpu.memory_space<vmem>> -> memref<1x1x200xi32, #tpu.memory_space<vmem>>
        %dma_start3A_393 = tpu.memref_squeeze %dma_start3A_392 : memref<1x1x200xi32, #tpu.memory_space<vmem>> -> memref<200xi32, #tpu.memory_space<vmem>>
        %dma_start3A_394 = arith.constant 0 : i32
        %dma_start3A_395 = arith.constant 0 : i32
        %dma_start3A_396 = tpu.memref_slice %arg16[%dma_start3A_394, %dma_start3A_395] : memref<10000x64xf32, #tpu.memory_space<vmem_shared>> -> memref<10000x64xf32, #tpu.memory_space<vmem_shared>>
        tpu.enqueue_indirect_dma source(%dma_start3A_396 : memref<10000x64xf32, #tpu.memory_space<vmem_shared>>) target(%dma_start3A_390 : memref<200x64xf32, #tpu.memory_space<vmem>>) offsets(%dma_start3A_393 : memref<200xi32, #tpu.memory_space<vmem>>) semaphore(%arg10 : memref<!tpu.dma_semaphore, #tpu.memory_space<semaphore_mem>>)
        %add3A_397 = arith.constant 2 : i32
        %add3A_398 = arith.addi %add3A_220, %add3A_397 : i32
        %lt3A_399 = arith.constant 100 : i32
        %lt3A_400 = arith.cmpi slt, %add3A_398, %lt3A_399 : i32
        %convert_element_type3A_401 = arith.extui %lt3A_400 : i1 to i32
        %cond3A_402 = arith.constant 0 : i32
        %cond3A_403 = arith.cmpi ne, %convert_element_type3A_401, %cond3A_402 : i32
        scf.if %cond3A_403 {
          %add3A_404 = arith.constant 2 : i32
          %add3A_405 = arith.addi %add3A_220, %add3A_404 : i32
          %add3A_406 = arith.addi %mul3A_4, %add3A_405 : i32
          %dma_start3A_407 = arith.constant 3 : i32
          %dma_start3A_408 = arith.constant 0 : i32
          %dma_start3A_409 = arith.constant 0 : i32
          %dma_start3A_410 = tpu.memref_slice %arg13[%dma_start3A_407, %dma_start3A_408, %dma_start3A_409] : memref<4x1x200xi32, #tpu.memory_space<vmem>> -> memref<1x1x200xi32, #tpu.memory_space<vmem>>
          %dma_start3A_411 = tpu.memref_squeeze %dma_start3A_410 : memref<1x1x200xi32, #tpu.memory_space<vmem>> -> memref<1x200xi32, #tpu.memory_space<vmem>>
          %dma_start3A_412 = arith.constant 0 : i32
          %dma_start3A_413 = tpu.memref_slice %arg3[%add3A_406, %dma_start3A_412] : memref<1600x200xi32, #tpu.memory_space<hbm>> -> memref<1x200xi32, #tpu.memory_space<hbm>>
          %dma_start3A_414 = arith.constant 0 : i32
          %dma_start3A_415 = arith.constant 0 : i32
          %dma_start3A_416 = tpu.memref_slice %arg13[%dma_start3A_407, %dma_start3A_414, %dma_start3A_415] : memref<4x1x200xi32, #tpu.memory_space<vmem>> -> memref<1x1x200xi32, #tpu.memory_space<vmem>>
          %dma_start3A_417 = tpu.memref_squeeze %dma_start3A_416 : memref<1x1x200xi32, #tpu.memory_space<vmem>> -> memref<1x200xi32, #tpu.memory_space<vmem>>
          %dma_start3A_418 = arith.constant 0 : i32
          %dma_start3A_419 = tpu.memref_slice %arg3[%add3A_406, %dma_start3A_418] : memref<1600x200xi32, #tpu.memory_space<hbm>> -> memref<1x200xi32, #tpu.memory_space<hbm>>
          tpu.enqueue_dma source(%dma_start3A_419 : memref<1x200xi32, #tpu.memory_space<hbm>>) target(%dma_start3A_417 : memref<1x200xi32, #tpu.memory_space<vmem>>) target_semaphore(%arg11 : memref<!tpu.dma_semaphore, #tpu.memory_space<semaphore_mem>>)
          %dma_start3A_420 = arith.constant 3 : i32
          %dma_start3A_421 = arith.constant 0 : i32
          %dma_start3A_422 = arith.constant 0 : i32
          %dma_start3A_423 = tpu.memref_slice %arg9[%dma_start3A_420, %dma_start3A_421, %dma_start3A_422] : memref<4x1x200xi32, #tpu.memory_space<vmem>> -> memref<1x1x200xi32, #tpu.memory_space<vmem>>
          %dma_start3A_424 = tpu.memref_squeeze %dma_start3A_423 : memref<1x1x200xi32, #tpu.memory_space<vmem>> -> memref<1x200xi32, #tpu.memory_space<vmem>>
          %dma_start3A_425 = arith.constant 0 : i32
          %dma_start3A_426 = tpu.memref_slice %arg4[%add3A_406, %dma_start3A_425] : memref<1600x200xi32, #tpu.memory_space<hbm>> -> memref<1x200xi32, #tpu.memory_space<hbm>>
          %dma_start3A_427 = arith.constant 0 : i32
          %dma_start3A_428 = arith.constant 0 : i32
          %dma_start3A_429 = tpu.memref_slice %arg9[%dma_start3A_420, %dma_start3A_427, %dma_start3A_428] : memref<4x1x200xi32, #tpu.memory_space<vmem>> -> memref<1x1x200xi32, #tpu.memory_space<vmem>>
          %dma_start3A_430 = tpu.memref_squeeze %dma_start3A_429 : memref<1x1x200xi32, #tpu.memory_space<vmem>> -> memref<1x200xi32, #tpu.memory_space<vmem>>
          %dma_start3A_431 = arith.constant 0 : i32
          %dma_start3A_432 = tpu.memref_slice %arg4[%add3A_406, %dma_start3A_431] : memref<1600x200xi32, #tpu.memory_space<hbm>> -> memref<1x200xi32, #tpu.memory_space<hbm>>
          tpu.enqueue_dma source(%dma_start3A_432 : memref<1x200xi32, #tpu.memory_space<hbm>>) target(%dma_start3A_430 : memref<1x200xi32, #tpu.memory_space<vmem>>) target_semaphore(%arg11 : memref<!tpu.dma_semaphore, #tpu.memory_space<semaphore_mem>>)
          %dma_start3A_433 = arith.constant 3 : i32
          %dma_start3A_434 = arith.constant 0 : i32
          %dma_start3A_435 = arith.constant 0 : i32
          %dma_start3A_436 = tpu.memref_slice %arg17[%dma_start3A_433, %dma_start3A_434, %dma_start3A_435] : memref<4x1x200xf32, #tpu.memory_space<vmem>> -> memref<1x1x200xf32, #tpu.memory_space<vmem>>
          %dma_start3A_437 = tpu.memref_squeeze %dma_start3A_436 : memref<1x1x200xf32, #tpu.memory_space<vmem>> -> memref<1x200xf32, #tpu.memory_space<vmem>>
          %dma_start3A_438 = arith.constant 0 : i32
          %dma_start3A_439 = tpu.memref_slice %arg5[%add3A_406, %dma_start3A_438] : memref<1600x200xf32, #tpu.memory_space<hbm>> -> memref<1x200xf32, #tpu.memory_space<hbm>>
          %dma_start3A_440 = arith.constant 0 : i32
          %dma_start3A_441 = arith.constant 0 : i32
          %dma_start3A_442 = tpu.memref_slice %arg17[%dma_start3A_433, %dma_start3A_440, %dma_start3A_441] : memref<4x1x200xf32, #tpu.memory_space<vmem>> -> memref<1x1x200xf32, #tpu.memory_space<vmem>>
          %dma_start3A_443 = tpu.memref_squeeze %dma_start3A_442 : memref<1x1x200xf32, #tpu.memory_space<vmem>> -> memref<1x200xf32, #tpu.memory_space<vmem>>
          %dma_start3A_444 = arith.constant 0 : i32
          %dma_start3A_445 = tpu.memref_slice %arg5[%add3A_406, %dma_start3A_444] : memref<1600x200xf32, #tpu.memory_space<hbm>> -> memref<1x200xf32, #tpu.memory_space<hbm>>
          tpu.enqueue_dma source(%dma_start3A_445 : memref<1x200xf32, #tpu.memory_space<hbm>>) target(%dma_start3A_443 : memref<1x200xf32, #tpu.memory_space<vmem>>) target_semaphore(%arg11 : memref<!tpu.dma_semaphore, #tpu.memory_space<semaphore_mem>>)
        } else {
        }
      } else {
      }
      %parallel_loop3A_241 = arith.constant 0 : i32
      %parallel_loop3A_242 = arith.constant 200 : i32
      %parallel_loop3A_243 = arith.constant 1 : i32
      scf.for %parallel_loop3A_338 = %parallel_loop3A_241 to %parallel_loop3A_242 step %parallel_loop3A_243  : i32 {
        %parallel_loop3A_339 = arith.constant 1 : i32
        %parallel_loop3A_340 = vector.broadcast %parallel_loop3A_339 : i32 to vector<16xi32>
        %parallel_loop3A_341 = arith.constant 0 : i32
        %parallel_loop3A_342 = vector.broadcast %parallel_loop3A_341 : i32 to vector<16xi32>
        %parallel_loop3A_343 = vector.broadcast %parallel_loop3A_338 : i32 to vector<16xi32>
        %parallel_loop3A_344 = tpu.vector_load_idx %arg17[%parallel_loop3A_340, %parallel_loop3A_342, %parallel_loop3A_343] : memref<4x1x200xf32, #tpu.memory_space<vmem>>[vector<16xi32>, vector<16xi32>, vector<16xi32>], vector<16xf32>,
        %parallel_loop3A_345 = arith.constant 1 : i32
        %parallel_loop3A_346 = arith.index_cast %parallel_loop3A_345 : i32 to index
        %parallel_loop3A_347 = arith.index_cast %parallel_loop3A_338 : i32 to index
        %parallel_loop3A_348 = arith.constant 0 : index
        %parallel_loop3A_349 = tpu.vector_load %arg12[%parallel_loop3A_346, %parallel_loop3A_347, %parallel_loop3A_348] {strides = array<i32>} : memref<2x200x64xf32, #tpu.memory_space<vmem>>, vector<16xf32>,
        %parallel_loop3A_350 = arith.mulf %parallel_loop3A_349, %parallel_loop3A_344 : vector<16xf32>
        %parallel_loop3A_351 = arith.constant 1 : i32
        %parallel_loop3A_352 = arith.index_cast %parallel_loop3A_351 : i32 to index
        %parallel_loop3A_353 = arith.index_cast %parallel_loop3A_338 : i32 to index
        %parallel_loop3A_354 = arith.constant 0 : index
        %parallel_loop3A_355 = tpu.vector_load %arg12[%parallel_loop3A_352, %parallel_loop3A_353, %parallel_loop3A_354] {strides = array<i32>} : memref<2x200x64xf32, #tpu.memory_space<vmem>>, vector<16xf32>,
        tpu.vector_store %arg12[%parallel_loop3A_352, %parallel_loop3A_353, %parallel_loop3A_354], %parallel_loop3A_350 {strides = array<i32>} : memref<2x200x64xf32, #tpu.memory_space<vmem>>, vector<16xf32>,
        %parallel_loop3A_356 = arith.constant 1 : i32
        %parallel_loop3A_357 = arith.index_cast %parallel_loop3A_356 : i32 to index
        %parallel_loop3A_358 = arith.index_cast %parallel_loop3A_338 : i32 to index
        %parallel_loop3A_359 = arith.constant 16 : index
        %parallel_loop3A_360 = tpu.vector_load %arg12[%parallel_loop3A_357, %parallel_loop3A_358, %parallel_loop3A_359] {strides = array<i32>} : memref<2x200x64xf32, #tpu.memory_space<vmem>>, vector<16xf32>,
        %parallel_loop3A_361 = arith.mulf %parallel_loop3A_360, %parallel_loop3A_344 : vector<16xf32>
        %parallel_loop3A_362 = arith.constant 1 : i32
        %parallel_loop3A_363 = arith.index_cast %parallel_loop3A_362 : i32 to index
        %parallel_loop3A_364 = arith.index_cast %parallel_loop3A_338 : i32 to index
        %parallel_loop3A_365 = arith.constant 16 : index
        %parallel_loop3A_366 = tpu.vector_load %arg12[%parallel_loop3A_363, %parallel_loop3A_364, %parallel_loop3A_365] {strides = array<i32>} : memref<2x200x64xf32, #tpu.memory_space<vmem>>, vector<16xf32>,
        tpu.vector_store %arg12[%parallel_loop3A_363, %parallel_loop3A_364, %parallel_loop3A_365], %parallel_loop3A_361 {strides = array<i32>} : memref<2x200x64xf32, #tpu.memory_space<vmem>>, vector<16xf32>,
        %parallel_loop3A_367 = arith.constant 1 : i32
        %parallel_loop3A_368 = arith.index_cast %parallel_loop3A_367 : i32 to index
        %parallel_loop3A_369 = arith.index_cast %parallel_loop3A_338 : i32 to index
        %parallel_loop3A_370 = arith.constant 32 : index
        %parallel_loop3A_371 = tpu.vector_load %arg12[%parallel_loop3A_368, %parallel_loop3A_369, %parallel_loop3A_370] {strides = array<i32>} : memref<2x200x64xf32, #tpu.memory_space<vmem>>, vector<16xf32>,
        %parallel_loop3A_372 = arith.mulf %parallel_loop3A_371, %parallel_loop3A_344 : vector<16xf32>
        %parallel_loop3A_373 = arith.constant 1 : i32
        %parallel_loop3A_374 = arith.index_cast %parallel_loop3A_373 : i32 to index
        %parallel_loop3A_375 = arith.index_cast %parallel_loop3A_338 : i32 to index
        %parallel_loop3A_376 = arith.constant 32 : index
        %parallel_loop3A_377 = tpu.vector_load %arg12[%parallel_loop3A_374, %parallel_loop3A_375, %parallel_loop3A_376] {strides = array<i32>} : memref<2x200x64xf32, #tpu.memory_space<vmem>>, vector<16xf32>,
        tpu.vector_store %arg12[%parallel_loop3A_374, %parallel_loop3A_375, %parallel_loop3A_376], %parallel_loop3A_372 {strides = array<i32>} : memref<2x200x64xf32, #tpu.memory_space<vmem>>, vector<16xf32>,
        %parallel_loop3A_378 = arith.constant 1 : i32
        %parallel_loop3A_379 = arith.index_cast %parallel_loop3A_378 : i32 to index
        %parallel_loop3A_380 = arith.index_cast %parallel_loop3A_338 : i32 to index
        %parallel_loop3A_381 = arith.constant 48 : index
        %parallel_loop3A_382 = tpu.vector_load %arg12[%parallel_loop3A_379, %parallel_loop3A_380, %parallel_loop3A_381] {strides = array<i32>} : memref<2x200x64xf32, #tpu.memory_space<vmem>>, vector<16xf32>,
        %parallel_loop3A_383 = arith.mulf %parallel_loop3A_382, %parallel_loop3A_344 : vector<16xf32>
        %parallel_loop3A_384 = arith.constant 1 : i32
        %parallel_loop3A_385 = arith.index_cast %parallel_loop3A_384 : i32 to index
        %parallel_loop3A_386 = arith.index_cast %parallel_loop3A_338 : i32 to index
        %parallel_loop3A_387 = arith.constant 48 : index
        %parallel_loop3A_388 = tpu.vector_load %arg12[%parallel_loop3A_385, %parallel_loop3A_386, %parallel_loop3A_387] {strides = array<i32>} : memref<2x200x64xf32, #tpu.memory_space<vmem>>, vector<16xf32>,
        tpu.vector_store %arg12[%parallel_loop3A_385, %parallel_loop3A_386, %parallel_loop3A_387], %parallel_loop3A_383 {strides = array<i32>} : memref<2x200x64xf32, #tpu.memory_space<vmem>>, vector<16xf32>,
      } {sc.loop_unroll_factor = 8 : i64, sc.parallel_access}
      %dma_start3A_244 = arith.constant 1 : i32
      %dma_start3A_245 = arith.constant 1 : i32
      %dma_start3A_246 = arith.constant 0 : i32
      %dma_start3A_247 = arith.constant 0 : i32
      %dma_start3A_248 = arith.constant 0 : i32
      %dma_start3A_249 = tpu.memref_slice %arg12[%dma_start3A_244, %dma_start3A_247, %dma_start3A_248] : memref<2x200x64xf32, #tpu.memory_space<vmem>> -> memref<1x200x64xf32, #tpu.memory_space<vmem>>
      %dma_start3A_250 = tpu.memref_squeeze %dma_start3A_249 : memref<1x200x64xf32, #tpu.memory_space<vmem>> -> memref<200x64xf32, #tpu.memory_space<vmem>>
      %dma_start3A_251 = arith.constant 0 : i32
      %dma_start3A_252 = tpu.memref_slice %arg9[%dma_start3A_245, %dma_start3A_246, %dma_start3A_251] : memref<4x1x200xi32, #tpu.memory_space<vmem>> -> memref<1x1x200xi32, #tpu.memory_space<vmem>>
      %dma_start3A_253 = tpu.memref_squeeze %dma_start3A_252 : memref<1x1x200xi32, #tpu.memory_space<vmem>> -> memref<200xi32, #tpu.memory_space<vmem>>
      %dma_start3A_254 = arith.constant 0 : i32
      %dma_start3A_255 = arith.constant 0 : i32
      %dma_start3A_256 = tpu.memref_slice %arg8[%dma_start3A_254, %dma_start3A_255] : memref<10000x64xf32, #tpu.memory_space<vmem_shared>> -> memref<10000x64xf32, #tpu.memory_space<vmem_shared>>
      tpu.enqueue_indirect_dma source(%dma_start3A_250 : memref<200x64xf32, #tpu.memory_space<vmem>>) target(%dma_start3A_256 : memref<10000x64xf32, #tpu.memory_space<vmem_shared>>) offsets(%dma_start3A_253 : memref<200xi32, #tpu.memory_space<vmem>>) semaphore(%arg15 : memref<!tpu.dma_semaphore, #tpu.memory_space<semaphore_mem>>) {add = true}
      %mul3A_257 = arith.constant 4 : i32
      %mul3A_258 = arith.muli %mul3A_257, %scan3A_181 : i32
      %add3A_259 = arith.constant 2 : i32
      %add3A_260 = arith.addi %mul3A_258, %add3A_259 : i32
      %dma_wait3A_261 = arith.constant 2 : i32
      %dma_wait3A_262 = arith.constant 0 : i32
      %dma_wait3A_263 = arith.constant 0 : i32
      %dma_wait3A_264 = arith.constant 0 : i32
      %dma_wait3A_265 = arith.constant 0 : i32
      %dma_wait3A_266 = tpu.memref_slice %arg12[%dma_wait3A_263, %dma_wait3A_264, %dma_wait3A_265] : memref<2x200x64xf32, #tpu.memory_space<vmem>> -> memref<1x200x64xf32, #tpu.memory_space<vmem>>
      %dma_wait3A_267 = tpu.memref_squeeze %dma_wait3A_266 : memref<1x200x64xf32, #tpu.memory_space<vmem>> -> memref<200x64xf32, #tpu.memory_space<vmem>>
      %dma_wait3A_268 = arith.constant 0 : i32
      %dma_wait3A_269 = tpu.memref_slice %arg13[%dma_wait3A_261, %dma_wait3A_262, %dma_wait3A_268] : memref<4x1x200xi32, #tpu.memory_space<vmem>> -> memref<1x1x200xi32, #tpu.memory_space<vmem>>
      %dma_wait3A_270 = tpu.memref_squeeze %dma_wait3A_269 : memref<1x1x200xi32, #tpu.memory_space<vmem>> -> memref<200xi32, #tpu.memory_space<vmem>>
      %dma_wait3A_271 = arith.constant 0 : i32
      %dma_wait3A_272 = arith.constant 0 : i32
      %dma_wait3A_273 = tpu.memref_slice %arg16[%dma_wait3A_271, %dma_wait3A_272] : memref<10000x64xf32, #tpu.memory_space<vmem_shared>> -> memref<10000x64xf32, #tpu.memory_space<vmem_shared>>
      tpu.wait_indirect_dma semaphore(%arg10 : memref<!tpu.dma_semaphore, #tpu.memory_space<semaphore_mem>>) src(%dma_wait3A_273 : memref<10000x64xf32, #tpu.memory_space<vmem_shared>>) dst(%dma_wait3A_267 : memref<200x64xf32, #tpu.memory_space<vmem>>)
      %add3A_274 = arith.constant 1 : i32
      %add3A_275 = arith.addi %add3A_260, %add3A_274 : i32
      %lt3A_276 = arith.constant 100 : i32
      %lt3A_277 = arith.cmpi slt, %add3A_275, %lt3A_276 : i32
      %convert_element_type3A_278 = arith.extui %lt3A_277 : i1 to i32
      %cond3A_279 = arith.constant 0 : i32
      %cond3A_280 = arith.cmpi ne, %convert_element_type3A_278, %cond3A_279 : i32
      scf.if %cond3A_280 {
        %add3A_338 = arith.constant 1 : i32
        %add3A_339 = arith.addi %add3A_260, %add3A_338 : i32
        %add3A_340 = arith.addi %mul3A_4, %add3A_339 : i32
        %dma_wait3A_341 = arith.constant 3 : i32
        %dma_wait3A_342 = arith.constant 0 : i32
        %dma_wait3A_343 = arith.constant 0 : i32
        %dma_wait3A_344 = tpu.memref_slice %arg13[%dma_wait3A_341, %dma_wait3A_342, %dma_wait3A_343] : memref<4x1x200xi32, #tpu.memory_space<vmem>> -> memref<1x1x200xi32, #tpu.memory_space<vmem>>
        %dma_wait3A_345 = tpu.memref_squeeze %dma_wait3A_344 : memref<1x1x200xi32, #tpu.memory_space<vmem>> -> memref<1x200xi32, #tpu.memory_space<vmem>>
        %dma_wait3A_346 = arith.constant 0 : i32
        %dma_wait3A_347 = tpu.memref_slice %arg3[%add3A_340, %dma_wait3A_346] : memref<1600x200xi32, #tpu.memory_space<hbm>> -> memref<1x200xi32, #tpu.memory_space<hbm>>
        %dma_wait3A_348 = arith.constant 0 : i32
        %dma_wait3A_349 = arith.constant 0 : i32
        %dma_wait3A_350 = tpu.memref_slice %arg13[%dma_wait3A_341, %dma_wait3A_348, %dma_wait3A_349] : memref<4x1x200xi32, #tpu.memory_space<vmem>> -> memref<1x1x200xi32, #tpu.memory_space<vmem>>
        %dma_wait3A_351 = tpu.memref_squeeze %dma_wait3A_350 : memref<1x1x200xi32, #tpu.memory_space<vmem>> -> memref<1x200xi32, #tpu.memory_space<vmem>>
        %dma_wait3A_352 = arith.constant 0 : i32
        %dma_wait3A_353 = tpu.memref_slice %arg3[%add3A_340, %dma_wait3A_352] : memref<1600x200xi32, #tpu.memory_space<hbm>> -> memref<1x200xi32, #tpu.memory_space<hbm>>
        tpu.wait_dma2 semaphore(%arg11 : memref<!tpu.dma_semaphore, #tpu.memory_space<semaphore_mem>>) src(%dma_wait3A_353 : memref<1x200xi32, #tpu.memory_space<hbm>>) dst(%dma_wait3A_351 : memref<1x200xi32, #tpu.memory_space<vmem>>)
        %dma_wait3A_354 = arith.constant 3 : i32
        %dma_wait3A_355 = arith.constant 0 : i32
        %dma_wait3A_356 = arith.constant 0 : i32
        %dma_wait3A_357 = tpu.memref_slice %arg9[%dma_wait3A_354, %dma_wait3A_355, %dma_wait3A_356] : memref<4x1x200xi32, #tpu.memory_space<vmem>> -> memref<1x1x200xi32, #tpu.memory_space<vmem>>
        %dma_wait3A_358 = tpu.memref_squeeze %dma_wait3A_357 : memref<1x1x200xi32, #tpu.memory_space<vmem>> -> memref<1x200xi32, #tpu.memory_space<vmem>>
        %dma_wait3A_359 = arith.constant 0 : i32
        %dma_wait3A_360 = tpu.memref_slice %arg4[%add3A_340, %dma_wait3A_359] : memref<1600x200xi32, #tpu.memory_space<hbm>> -> memref<1x200xi32, #tpu.memory_space<hbm>>
        %dma_wait3A_361 = arith.constant 0 : i32
        %dma_wait3A_362 = arith.constant 0 : i32
        %dma_wait3A_363 = tpu.memref_slice %arg9[%dma_wait3A_354, %dma_wait3A_361, %dma_wait3A_362] : memref<4x1x200xi32, #tpu.memory_space<vmem>> -> memref<1x1x200xi32, #tpu.memory_space<vmem>>
        %dma_wait3A_364 = tpu.memref_squeeze %dma_wait3A_363 : memref<1x1x200xi32, #tpu.memory_space<vmem>> -> memref<1x200xi32, #tpu.memory_space<vmem>>
        %dma_wait3A_365 = arith.constant 0 : i32
        %dma_wait3A_366 = tpu.memref_slice %arg4[%add3A_340, %dma_wait3A_365] : memref<1600x200xi32, #tpu.memory_space<hbm>> -> memref<1x200xi32, #tpu.memory_space<hbm>>
        tpu.wait_dma2 semaphore(%arg11 : memref<!tpu.dma_semaphore, #tpu.memory_space<semaphore_mem>>) src(%dma_wait3A_366 : memref<1x200xi32, #tpu.memory_space<hbm>>) dst(%dma_wait3A_364 : memref<1x200xi32, #tpu.memory_space<vmem>>)
        %dma_wait3A_367 = arith.constant 3 : i32
        %dma_wait3A_368 = arith.constant 0 : i32
        %dma_wait3A_369 = arith.constant 0 : i32
        %dma_wait3A_370 = tpu.memref_slice %arg17[%dma_wait3A_367, %dma_wait3A_368, %dma_wait3A_369] : memref<4x1x200xf32, #tpu.memory_space<vmem>> -> memref<1x1x200xf32, #tpu.memory_space<vmem>>
        %dma_wait3A_371 = tpu.memref_squeeze %dma_wait3A_370 : memref<1x1x200xf32, #tpu.memory_space<vmem>> -> memref<1x200xf32, #tpu.memory_space<vmem>>
        %dma_wait3A_372 = arith.constant 0 : i32
        %dma_wait3A_373 = tpu.memref_slice %arg5[%add3A_340, %dma_wait3A_372] : memref<1600x200xf32, #tpu.memory_space<hbm>> -> memref<1x200xf32, #tpu.memory_space<hbm>>
        %dma_wait3A_374 = arith.constant 0 : i32
        %dma_wait3A_375 = arith.constant 0 : i32
        %dma_wait3A_376 = tpu.memref_slice %arg17[%dma_wait3A_367, %dma_wait3A_374, %dma_wait3A_375] : memref<4x1x200xf32, #tpu.memory_space<vmem>> -> memref<1x1x200xf32, #tpu.memory_space<vmem>>
        %dma_wait3A_377 = tpu.memref_squeeze %dma_wait3A_376 : memref<1x1x200xf32, #tpu.memory_space<vmem>> -> memref<1x200xf32, #tpu.memory_space<vmem>>
        %dma_wait3A_378 = arith.constant 0 : i32
        %dma_wait3A_379 = tpu.memref_slice %arg5[%add3A_340, %dma_wait3A_378] : memref<1600x200xf32, #tpu.memory_space<hbm>> -> memref<1x200xf32, #tpu.memory_space<hbm>>
        tpu.wait_dma2 semaphore(%arg11 : memref<!tpu.dma_semaphore, #tpu.memory_space<semaphore_mem>>) src(%dma_wait3A_379 : memref<1x200xf32, #tpu.memory_space<hbm>>) dst(%dma_wait3A_377 : memref<1x200xf32, #tpu.memory_space<vmem>>)
        %ge3A = arith.constant 1 : i32
        %ge3A_380 = arith.cmpi sge, %add3A_260, %ge3A : i32
        %convert_element_type3A_381 = arith.extui %ge3A_380 : i1 to i32
        %cond3A_382 = arith.constant 0 : i32
        %cond3A_383 = arith.cmpi ne, %convert_element_type3A_381, %cond3A_382 : i32
        scf.if %cond3A_383 {
          %dma_wait3A_404 = arith.constant 1 : i32
          %dma_wait3A_405 = arith.constant 0 : i32
          %dma_wait3A_406 = arith.constant 0 : i32
          %dma_wait3A_407 = arith.constant 0 : i32
          %dma_wait3A_408 = arith.constant 0 : i32
          %dma_wait3A_409 = tpu.memref_slice %arg12[%dma_wait3A_404, %dma_wait3A_407, %dma_wait3A_408] : memref<2x200x64xf32, #tpu.memory_space<vmem>> -> memref<1x200x64xf32, #tpu.memory_space<vmem>>
          %dma_wait3A_410 = tpu.memref_squeeze %dma_wait3A_409 : memref<1x200x64xf32, #tpu.memory_space<vmem>> -> memref<200x64xf32, #tpu.memory_space<vmem>>
          %dma_wait3A_411 = arith.constant 0 : i32
          %dma_wait3A_412 = tpu.memref_slice %arg9[%dma_wait3A_405, %dma_wait3A_406, %dma_wait3A_411] : memref<4x1x200xi32, #tpu.memory_space<vmem>> -> memref<1x1x200xi32, #tpu.memory_space<vmem>>
          %dma_wait3A_413 = tpu.memref_squeeze %dma_wait3A_412 : memref<1x1x200xi32, #tpu.memory_space<vmem>> -> memref<200xi32, #tpu.memory_space<vmem>>
          %dma_wait3A_414 = arith.constant 0 : i32
          %dma_wait3A_415 = arith.constant 0 : i32
          %dma_wait3A_416 = tpu.memref_slice %arg8[%dma_wait3A_414, %dma_wait3A_415] : memref<10000x64xf32, #tpu.memory_space<vmem_shared>> -> memref<10000x64xf32, #tpu.memory_space<vmem_shared>>
          tpu.wait_indirect_dma semaphore(%arg15 : memref<!tpu.dma_semaphore, #tpu.memory_space<semaphore_mem>>) src(%dma_wait3A_410 : memref<200x64xf32, #tpu.memory_space<vmem>>) dst(%dma_wait3A_416 : memref<10000x64xf32, #tpu.memory_space<vmem_shared>>)
        } else {
        }
        %dma_start3A_384 = arith.constant 3 : i32
        %dma_start3A_385 = arith.constant 0 : i32
        %dma_start3A_386 = arith.constant 1 : i32
        %dma_start3A_387 = arith.constant 0 : i32
        %dma_start3A_388 = arith.constant 0 : i32
        %dma_start3A_389 = tpu.memref_slice %arg12[%dma_start3A_386, %dma_start3A_387, %dma_start3A_388] : memref<2x200x64xf32, #tpu.memory_space<vmem>> -> memref<1x200x64xf32, #tpu.memory_space<vmem>>
        %dma_start3A_390 = tpu.memref_squeeze %dma_start3A_389 : memref<1x200x64xf32, #tpu.memory_space<vmem>> -> memref<200x64xf32, #tpu.memory_space<vmem>>
        %dma_start3A_391 = arith.constant 0 : i32
        %dma_start3A_392 = tpu.memref_slice %arg13[%dma_start3A_384, %dma_start3A_385, %dma_start3A_391] : memref<4x1x200xi32, #tpu.memory_space<vmem>> -> memref<1x1x200xi32, #tpu.memory_space<vmem>>
        %dma_start3A_393 = tpu.memref_squeeze %dma_start3A_392 : memref<1x1x200xi32, #tpu.memory_space<vmem>> -> memref<200xi32, #tpu.memory_space<vmem>>
        %dma_start3A_394 = arith.constant 0 : i32
        %dma_start3A_395 = arith.constant 0 : i32
        %dma_start3A_396 = tpu.memref_slice %arg16[%dma_start3A_394, %dma_start3A_395] : memref<10000x64xf32, #tpu.memory_space<vmem_shared>> -> memref<10000x64xf32, #tpu.memory_space<vmem_shared>>
        tpu.enqueue_indirect_dma source(%dma_start3A_396 : memref<10000x64xf32, #tpu.memory_space<vmem_shared>>) target(%dma_start3A_390 : memref<200x64xf32, #tpu.memory_space<vmem>>) offsets(%dma_start3A_393 : memref<200xi32, #tpu.memory_space<vmem>>) semaphore(%arg10 : memref<!tpu.dma_semaphore, #tpu.memory_space<semaphore_mem>>)
        %add3A_397 = arith.constant 2 : i32
        %add3A_398 = arith.addi %add3A_260, %add3A_397 : i32
        %lt3A_399 = arith.constant 100 : i32
        %lt3A_400 = arith.cmpi slt, %add3A_398, %lt3A_399 : i32
        %convert_element_type3A_401 = arith.extui %lt3A_400 : i1 to i32
        %cond3A_402 = arith.constant 0 : i32
        %cond3A_403 = arith.cmpi ne, %convert_element_type3A_401, %cond3A_402 : i32
        scf.if %cond3A_403 {
          %add3A_404 = arith.constant 2 : i32
          %add3A_405 = arith.addi %add3A_260, %add3A_404 : i32
          %add3A_406 = arith.addi %mul3A_4, %add3A_405 : i32
          %dma_start3A_407 = arith.constant 0 : i32
          %dma_start3A_408 = arith.constant 0 : i32
          %dma_start3A_409 = arith.constant 0 : i32
          %dma_start3A_410 = tpu.memref_slice %arg13[%dma_start3A_407, %dma_start3A_408, %dma_start3A_409] : memref<4x1x200xi32, #tpu.memory_space<vmem>> -> memref<1x1x200xi32, #tpu.memory_space<vmem>>
          %dma_start3A_411 = tpu.memref_squeeze %dma_start3A_410 : memref<1x1x200xi32, #tpu.memory_space<vmem>> -> memref<1x200xi32, #tpu.memory_space<vmem>>
          %dma_start3A_412 = arith.constant 0 : i32
          %dma_start3A_413 = tpu.memref_slice %arg3[%add3A_406, %dma_start3A_412] : memref<1600x200xi32, #tpu.memory_space<hbm>> -> memref<1x200xi32, #tpu.memory_space<hbm>>
          %dma_start3A_414 = arith.constant 0 : i32
          %dma_start3A_415 = arith.constant 0 : i32
          %dma_start3A_416 = tpu.memref_slice %arg13[%dma_start3A_407, %dma_start3A_414, %dma_start3A_415] : memref<4x1x200xi32, #tpu.memory_space<vmem>> -> memref<1x1x200xi32, #tpu.memory_space<vmem>>
          %dma_start3A_417 = tpu.memref_squeeze %dma_start3A_416 : memref<1x1x200xi32, #tpu.memory_space<vmem>> -> memref<1x200xi32, #tpu.memory_space<vmem>>
          %dma_start3A_418 = arith.constant 0 : i32
          %dma_start3A_419 = tpu.memref_slice %arg3[%add3A_406, %dma_start3A_418] : memref<1600x200xi32, #tpu.memory_space<hbm>> -> memref<1x200xi32, #tpu.memory_space<hbm>>
          tpu.enqueue_dma source(%dma_start3A_419 : memref<1x200xi32, #tpu.memory_space<hbm>>) target(%dma_start3A_417 : memref<1x200xi32, #tpu.memory_space<vmem>>) target_semaphore(%arg11 : memref<!tpu.dma_semaphore, #tpu.memory_space<semaphore_mem>>)
          %dma_start3A_420 = arith.constant 0 : i32
          %dma_start3A_421 = arith.constant 0 : i32
          %dma_start3A_422 = arith.constant 0 : i32
          %dma_start3A_423 = tpu.memref_slice %arg9[%dma_start3A_420, %dma_start3A_421, %dma_start3A_422] : memref<4x1x200xi32, #tpu.memory_space<vmem>> -> memref<1x1x200xi32, #tpu.memory_space<vmem>>
          %dma_start3A_424 = tpu.memref_squeeze %dma_start3A_423 : memref<1x1x200xi32, #tpu.memory_space<vmem>> -> memref<1x200xi32, #tpu.memory_space<vmem>>
          %dma_start3A_425 = arith.constant 0 : i32
          %dma_start3A_426 = tpu.memref_slice %arg4[%add3A_406, %dma_start3A_425] : memref<1600x200xi32, #tpu.memory_space<hbm>> -> memref<1x200xi32, #tpu.memory_space<hbm>>
          %dma_start3A_427 = arith.constant 0 : i32
          %dma_start3A_428 = arith.constant 0 : i32
          %dma_start3A_429 = tpu.memref_slice %arg9[%dma_start3A_420, %dma_start3A_427, %dma_start3A_428] : memref<4x1x200xi32, #tpu.memory_space<vmem>> -> memref<1x1x200xi32, #tpu.memory_space<vmem>>
          %dma_start3A_430 = tpu.memref_squeeze %dma_start3A_429 : memref<1x1x200xi32, #tpu.memory_space<vmem>> -> memref<1x200xi32, #tpu.memory_space<vmem>>
          %dma_start3A_431 = arith.constant 0 : i32
          %dma_start3A_432 = tpu.memref_slice %arg4[%add3A_406, %dma_start3A_431] : memref<1600x200xi32, #tpu.memory_space<hbm>> -> memref<1x200xi32, #tpu.memory_space<hbm>>
          tpu.enqueue_dma source(%dma_start3A_432 : memref<1x200xi32, #tpu.memory_space<hbm>>) target(%dma_start3A_430 : memref<1x200xi32, #tpu.memory_space<vmem>>) target_semaphore(%arg11 : memref<!tpu.dma_semaphore, #tpu.memory_space<semaphore_mem>>)
          %dma_start3A_433 = arith.constant 0 : i32
          %dma_start3A_434 = arith.constant 0 : i32
          %dma_start3A_435 = arith.constant 0 : i32
          %dma_start3A_436 = tpu.memref_slice %arg17[%dma_start3A_433, %dma_start3A_434, %dma_start3A_435] : memref<4x1x200xf32, #tpu.memory_space<vmem>> -> memref<1x1x200xf32, #tpu.memory_space<vmem>>
          %dma_start3A_437 = tpu.memref_squeeze %dma_start3A_436 : memref<1x1x200xf32, #tpu.memory_space<vmem>> -> memref<1x200xf32, #tpu.memory_space<vmem>>
          %dma_start3A_438 = arith.constant 0 : i32
          %dma_start3A_439 = tpu.memref_slice %arg5[%add3A_406, %dma_start3A_438] : memref<1600x200xf32, #tpu.memory_space<hbm>> -> memref<1x200xf32, #tpu.memory_space<hbm>>
          %dma_start3A_440 = arith.constant 0 : i32
          %dma_start3A_441 = arith.constant 0 : i32
          %dma_start3A_442 = tpu.memref_slice %arg17[%dma_start3A_433, %dma_start3A_440, %dma_start3A_441] : memref<4x1x200xf32, #tpu.memory_space<vmem>> -> memref<1x1x200xf32, #tpu.memory_space<vmem>>
          %dma_start3A_443 = tpu.memref_squeeze %dma_start3A_442 : memref<1x1x200xf32, #tpu.memory_space<vmem>> -> memref<1x200xf32, #tpu.memory_space<vmem>>
          %dma_start3A_444 = arith.constant 0 : i32
          %dma_start3A_445 = tpu.memref_slice %arg5[%add3A_406, %dma_start3A_444] : memref<1600x200xf32, #tpu.memory_space<hbm>> -> memref<1x200xf32, #tpu.memory_space<hbm>>
          tpu.enqueue_dma source(%dma_start3A_445 : memref<1x200xf32, #tpu.memory_space<hbm>>) target(%dma_start3A_443 : memref<1x200xf32, #tpu.memory_space<vmem>>) target_semaphore(%arg11 : memref<!tpu.dma_semaphore, #tpu.memory_space<semaphore_mem>>)
        } else {
        }
      } else {
      }
      %parallel_loop3A_281 = arith.constant 0 : i32
      %parallel_loop3A_282 = arith.constant 200 : i32
      %parallel_loop3A_283 = arith.constant 1 : i32
      scf.for %parallel_loop3A_338 = %parallel_loop3A_281 to %parallel_loop3A_282 step %parallel_loop3A_283  : i32 {
        %parallel_loop3A_339 = arith.constant 2 : i32
        %parallel_loop3A_340 = vector.broadcast %parallel_loop3A_339 : i32 to vector<16xi32>
        %parallel_loop3A_341 = arith.constant 0 : i32
        %parallel_loop3A_342 = vector.broadcast %parallel_loop3A_341 : i32 to vector<16xi32>
        %parallel_loop3A_343 = vector.broadcast %parallel_loop3A_338 : i32 to vector<16xi32>
        %parallel_loop3A_344 = tpu.vector_load_idx %arg17[%parallel_loop3A_340, %parallel_loop3A_342, %parallel_loop3A_343] : memref<4x1x200xf32, #tpu.memory_space<vmem>>[vector<16xi32>, vector<16xi32>, vector<16xi32>], vector<16xf32>,
        %parallel_loop3A_345 = arith.constant 0 : i32
        %parallel_loop3A_346 = arith.index_cast %parallel_loop3A_345 : i32 to index
        %parallel_loop3A_347 = arith.index_cast %parallel_loop3A_338 : i32 to index
        %parallel_loop3A_348 = arith.constant 0 : index
        %parallel_loop3A_349 = tpu.vector_load %arg12[%parallel_loop3A_346, %parallel_loop3A_347, %parallel_loop3A_348] {strides = array<i32>} : memref<2x200x64xf32, #tpu.memory_space<vmem>>, vector<16xf32>,
        %parallel_loop3A_350 = arith.mulf %parallel_loop3A_349, %parallel_loop3A_344 : vector<16xf32>
        %parallel_loop3A_351 = arith.constant 0 : i32
        %parallel_loop3A_352 = arith.index_cast %parallel_loop3A_351 : i32 to index
        %parallel_loop3A_353 = arith.index_cast %parallel_loop3A_338 : i32 to index
        %parallel_loop3A_354 = arith.constant 0 : index
        %parallel_loop3A_355 = tpu.vector_load %arg12[%parallel_loop3A_352, %parallel_loop3A_353, %parallel_loop3A_354] {strides = array<i32>} : memref<2x200x64xf32, #tpu.memory_space<vmem>>, vector<16xf32>,
        tpu.vector_store %arg12[%parallel_loop3A_352, %parallel_loop3A_353, %parallel_loop3A_354], %parallel_loop3A_350 {strides = array<i32>} : memref<2x200x64xf32, #tpu.memory_space<vmem>>, vector<16xf32>,
        %parallel_loop3A_356 = arith.constant 0 : i32
        %parallel_loop3A_357 = arith.index_cast %parallel_loop3A_356 : i32 to index
        %parallel_loop3A_358 = arith.index_cast %parallel_loop3A_338 : i32 to index
        %parallel_loop3A_359 = arith.constant 16 : index
        %parallel_loop3A_360 = tpu.vector_load %arg12[%parallel_loop3A_357, %parallel_loop3A_358, %parallel_loop3A_359] {strides = array<i32>} : memref<2x200x64xf32, #tpu.memory_space<vmem>>, vector<16xf32>,
        %parallel_loop3A_361 = arith.mulf %parallel_loop3A_360, %parallel_loop3A_344 : vector<16xf32>
        %parallel_loop3A_362 = arith.constant 0 : i32
        %parallel_loop3A_363 = arith.index_cast %parallel_loop3A_362 : i32 to index
        %parallel_loop3A_364 = arith.index_cast %parallel_loop3A_338 : i32 to index
        %parallel_loop3A_365 = arith.constant 16 : index
        %parallel_loop3A_366 = tpu.vector_load %arg12[%parallel_loop3A_363, %parallel_loop3A_364, %parallel_loop3A_365] {strides = array<i32>} : memref<2x200x64xf32, #tpu.memory_space<vmem>>, vector<16xf32>,
        tpu.vector_store %arg12[%parallel_loop3A_363, %parallel_loop3A_364, %parallel_loop3A_365], %parallel_loop3A_361 {strides = array<i32>} : memref<2x200x64xf32, #tpu.memory_space<vmem>>, vector<16xf32>,
        %parallel_loop3A_367 = arith.constant 0 : i32
        %parallel_loop3A_368 = arith.index_cast %parallel_loop3A_367 : i32 to index
        %parallel_loop3A_369 = arith.index_cast %parallel_loop3A_338 : i32 to index
        %parallel_loop3A_370 = arith.constant 32 : index
        %parallel_loop3A_371 = tpu.vector_load %arg12[%parallel_loop3A_368, %parallel_loop3A_369, %parallel_loop3A_370] {strides = array<i32>} : memref<2x200x64xf32, #tpu.memory_space<vmem>>, vector<16xf32>,
        %parallel_loop3A_372 = arith.mulf %parallel_loop3A_371, %parallel_loop3A_344 : vector<16xf32>
        %parallel_loop3A_373 = arith.constant 0 : i32
        %parallel_loop3A_374 = arith.index_cast %parallel_loop3A_373 : i32 to index
        %parallel_loop3A_375 = arith.index_cast %parallel_loop3A_338 : i32 to index
        %parallel_loop3A_376 = arith.constant 32 : index
        %parallel_loop3A_377 = tpu.vector_load %arg12[%parallel_loop3A_374, %parallel_loop3A_375, %parallel_loop3A_376] {strides = array<i32>} : memref<2x200x64xf32, #tpu.memory_space<vmem>>, vector<16xf32>,
        tpu.vector_store %arg12[%parallel_loop3A_374, %parallel_loop3A_375, %parallel_loop3A_376], %parallel_loop3A_372 {strides = array<i32>} : memref<2x200x64xf32, #tpu.memory_space<vmem>>, vector<16xf32>,
        %parallel_loop3A_378 = arith.constant 0 : i32
        %parallel_loop3A_379 = arith.index_cast %parallel_loop3A_378 : i32 to index
        %parallel_loop3A_380 = arith.index_cast %parallel_loop3A_338 : i32 to index
        %parallel_loop3A_381 = arith.constant 48 : index
        %parallel_loop3A_382 = tpu.vector_load %arg12[%parallel_loop3A_379, %parallel_loop3A_380, %parallel_loop3A_381] {strides = array<i32>} : memref<2x200x64xf32, #tpu.memory_space<vmem>>, vector<16xf32>,
        %parallel_loop3A_383 = arith.mulf %parallel_loop3A_382, %parallel_loop3A_344 : vector<16xf32>
        %parallel_loop3A_384 = arith.constant 0 : i32
        %parallel_loop3A_385 = arith.index_cast %parallel_loop3A_384 : i32 to index
        %parallel_loop3A_386 = arith.index_cast %parallel_loop3A_338 : i32 to index
        %parallel_loop3A_387 = arith.constant 48 : index
        %parallel_loop3A_388 = tpu.vector_load %arg12[%parallel_loop3A_385, %parallel_loop3A_386, %parallel_loop3A_387] {strides = array<i32>} : memref<2x200x64xf32, #tpu.memory_space<vmem>>, vector<16xf32>,
        tpu.vector_store %arg12[%parallel_loop3A_385, %parallel_loop3A_386, %parallel_loop3A_387], %parallel_loop3A_383 {strides = array<i32>} : memref<2x200x64xf32, #tpu.memory_space<vmem>>, vector<16xf32>,
      } {sc.loop_unroll_factor = 8 : i64, sc.parallel_access}
      %dma_start3A_284 = arith.constant 0 : i32
      %dma_start3A_285 = arith.constant 2 : i32
      %dma_start3A_286 = arith.constant 0 : i32
      %dma_start3A_287 = arith.constant 0 : i32
      %dma_start3A_288 = arith.constant 0 : i32
      %dma_start3A_289 = tpu.memref_slice %arg12[%dma_start3A_284, %dma_start3A_287, %dma_start3A_288] : memref<2x200x64xf32, #tpu.memory_space<vmem>> -> memref<1x200x64xf32, #tpu.memory_space<vmem>>
      %dma_start3A_290 = tpu.memref_squeeze %dma_start3A_289 : memref<1x200x64xf32, #tpu.memory_space<vmem>> -> memref<200x64xf32, #tpu.memory_space<vmem>>
      %dma_start3A_291 = arith.constant 0 : i32
      %dma_start3A_292 = tpu.memref_slice %arg9[%dma_start3A_285, %dma_start3A_286, %dma_start3A_291] : memref<4x1x200xi32, #tpu.memory_space<vmem>> -> memref<1x1x200xi32, #tpu.memory_space<vmem>>
      %dma_start3A_293 = tpu.memref_squeeze %dma_start3A_292 : memref<1x1x200xi32, #tpu.memory_space<vmem>> -> memref<200xi32, #tpu.memory_space<vmem>>
      %dma_start3A_294 = arith.constant 0 : i32
      %dma_start3A_295 = arith.constant 0 : i32
      %dma_start3A_296 = tpu.memref_slice %arg8[%dma_start3A_294, %dma_start3A_295] : memref<10000x64xf32, #tpu.memory_space<vmem_shared>> -> memref<10000x64xf32, #tpu.memory_space<vmem_shared>>
      tpu.enqueue_indirect_dma source(%dma_start3A_290 : memref<200x64xf32, #tpu.memory_space<vmem>>) target(%dma_start3A_296 : memref<10000x64xf32, #tpu.memory_space<vmem_shared>>) offsets(%dma_start3A_293 : memref<200xi32, #tpu.memory_space<vmem>>) semaphore(%arg15 : memref<!tpu.dma_semaphore, #tpu.memory_space<semaphore_mem>>) {add = true}
      %mul3A_297 = arith.constant 4 : i32
      %mul3A_298 = arith.muli %mul3A_297, %scan3A_181 : i32
      %add3A_299 = arith.constant 3 : i32
      %add3A_300 = arith.addi %mul3A_298, %add3A_299 : i32
      %dma_wait3A_301 = arith.constant 3 : i32
      %dma_wait3A_302 = arith.constant 0 : i32
      %dma_wait3A_303 = arith.constant 1 : i32
      %dma_wait3A_304 = arith.constant 0 : i32
      %dma_wait3A_305 = arith.constant 0 : i32
      %dma_wait3A_306 = tpu.memref_slice %arg12[%dma_wait3A_303, %dma_wait3A_304, %dma_wait3A_305] : memref<2x200x64xf32, #tpu.memory_space<vmem>> -> memref<1x200x64xf32, #tpu.memory_space<vmem>>
      %dma_wait3A_307 = tpu.memref_squeeze %dma_wait3A_306 : memref<1x200x64xf32, #tpu.memory_space<vmem>> -> memref<200x64xf32, #tpu.memory_space<vmem>>
      %dma_wait3A_308 = arith.constant 0 : i32
      %dma_wait3A_309 = tpu.memref_slice %arg13[%dma_wait3A_301, %dma_wait3A_302, %dma_wait3A_308] : memref<4x1x200xi32, #tpu.memory_space<vmem>> -> memref<1x1x200xi32, #tpu.memory_space<vmem>>
      %dma_wait3A_310 = tpu.memref_squeeze %dma_wait3A_309 : memref<1x1x200xi32, #tpu.memory_space<vmem>> -> memref<200xi32, #tpu.memory_space<vmem>>
      %dma_wait3A_311 = arith.constant 0 : i32
      %dma_wait3A_312 = arith.constant 0 : i32
      %dma_wait3A_313 = tpu.memref_slice %arg16[%dma_wait3A_311, %dma_wait3A_312] : memref<10000x64xf32, #tpu.memory_space<vmem_shared>> -> memref<10000x64xf32, #tpu.memory_space<vmem_shared>>
      tpu.wait_indirect_dma semaphore(%arg10 : memref<!tpu.dma_semaphore, #tpu.memory_space<semaphore_mem>>) src(%dma_wait3A_313 : memref<10000x64xf32, #tpu.memory_space<vmem_shared>>) dst(%dma_wait3A_307 : memref<200x64xf32, #tpu.memory_space<vmem>>)
      %add3A_314 = arith.constant 1 : i32
      %add3A_315 = arith.addi %add3A_300, %add3A_314 : i32
      %lt3A_316 = arith.constant 100 : i32
      %lt3A_317 = arith.cmpi slt, %add3A_315, %lt3A_316 : i32
      %convert_element_type3A_318 = arith.extui %lt3A_317 : i1 to i32
      %cond3A_319 = arith.constant 0 : i32
      %cond3A_320 = arith.cmpi ne, %convert_element_type3A_318, %cond3A_319 : i32
      scf.if %cond3A_320 {
        %add3A_338 = arith.constant 1 : i32
        %add3A_339 = arith.addi %add3A_300, %add3A_338 : i32
        %add3A_340 = arith.addi %mul3A_4, %add3A_339 : i32
        %dma_wait3A_341 = arith.constant 0 : i32
        %dma_wait3A_342 = arith.constant 0 : i32
        %dma_wait3A_343 = arith.constant 0 : i32
        %dma_wait3A_344 = tpu.memref_slice %arg13[%dma_wait3A_341, %dma_wait3A_342, %dma_wait3A_343] : memref<4x1x200xi32, #tpu.memory_space<vmem>> -> memref<1x1x200xi32, #tpu.memory_space<vmem>>
        %dma_wait3A_345 = tpu.memref_squeeze %dma_wait3A_344 : memref<1x1x200xi32, #tpu.memory_space<vmem>> -> memref<1x200xi32, #tpu.memory_space<vmem>>
        %dma_wait3A_346 = arith.constant 0 : i32
        %dma_wait3A_347 = tpu.memref_slice %arg3[%add3A_340, %dma_wait3A_346] : memref<1600x200xi32, #tpu.memory_space<hbm>> -> memref<1x200xi32, #tpu.memory_space<hbm>>
        %dma_wait3A_348 = arith.constant 0 : i32
        %dma_wait3A_349 = arith.constant 0 : i32
        %dma_wait3A_350 = tpu.memref_slice %arg13[%dma_wait3A_341, %dma_wait3A_348, %dma_wait3A_349] : memref<4x1x200xi32, #tpu.memory_space<vmem>> -> memref<1x1x200xi32, #tpu.memory_space<vmem>>
        %dma_wait3A_351 = tpu.memref_squeeze %dma_wait3A_350 : memref<1x1x200xi32, #tpu.memory_space<vmem>> -> memref<1x200xi32, #tpu.memory_space<vmem>>
        %dma_wait3A_352 = arith.constant 0 : i32
        %dma_wait3A_353 = tpu.memref_slice %arg3[%add3A_340, %dma_wait3A_352] : memref<1600x200xi32, #tpu.memory_space<hbm>> -> memref<1x200xi32, #tpu.memory_space<hbm>>
        tpu.wait_dma2 semaphore(%arg11 : memref<!tpu.dma_semaphore, #tpu.memory_space<semaphore_mem>>) src(%dma_wait3A_353 : memref<1x200xi32, #tpu.memory_space<hbm>>) dst(%dma_wait3A_351 : memref<1x200xi32, #tpu.memory_space<vmem>>)
        %dma_wait3A_354 = arith.constant 0 : i32
        %dma_wait3A_355 = arith.constant 0 : i32
        %dma_wait3A_356 = arith.constant 0 : i32
        %dma_wait3A_357 = tpu.memref_slice %arg9[%dma_wait3A_354, %dma_wait3A_355, %dma_wait3A_356] : memref<4x1x200xi32, #tpu.memory_space<vmem>> -> memref<1x1x200xi32, #tpu.memory_space<vmem>>
        %dma_wait3A_358 = tpu.memref_squeeze %dma_wait3A_357 : memref<1x1x200xi32, #tpu.memory_space<vmem>> -> memref<1x200xi32, #tpu.memory_space<vmem>>
        %dma_wait3A_359 = arith.constant 0 : i32
        %dma_wait3A_360 = tpu.memref_slice %arg4[%add3A_340, %dma_wait3A_359] : memref<1600x200xi32, #tpu.memory_space<hbm>> -> memref<1x200xi32, #tpu.memory_space<hbm>>
        %dma_wait3A_361 = arith.constant 0 : i32
        %dma_wait3A_362 = arith.constant 0 : i32
        %dma_wait3A_363 = tpu.memref_slice %arg9[%dma_wait3A_354, %dma_wait3A_361, %dma_wait3A_362] : memref<4x1x200xi32, #tpu.memory_space<vmem>> -> memref<1x1x200xi32, #tpu.memory_space<vmem>>
        %dma_wait3A_364 = tpu.memref_squeeze %dma_wait3A_363 : memref<1x1x200xi32, #tpu.memory_space<vmem>> -> memref<1x200xi32, #tpu.memory_space<vmem>>
        %dma_wait3A_365 = arith.constant 0 : i32
        %dma_wait3A_366 = tpu.memref_slice %arg4[%add3A_340, %dma_wait3A_365] : memref<1600x200xi32, #tpu.memory_space<hbm>> -> memref<1x200xi32, #tpu.memory_space<hbm>>
        tpu.wait_dma2 semaphore(%arg11 : memref<!tpu.dma_semaphore, #tpu.memory_space<semaphore_mem>>) src(%dma_wait3A_366 : memref<1x200xi32, #tpu.memory_space<hbm>>) dst(%dma_wait3A_364 : memref<1x200xi32, #tpu.memory_space<vmem>>)
        %dma_wait3A_367 = arith.constant 0 : i32
        %dma_wait3A_368 = arith.constant 0 : i32
        %dma_wait3A_369 = arith.constant 0 : i32
        %dma_wait3A_370 = tpu.memref_slice %arg17[%dma_wait3A_367, %dma_wait3A_368, %dma_wait3A_369] : memref<4x1x200xf32, #tpu.memory_space<vmem>> -> memref<1x1x200xf32, #tpu.memory_space<vmem>>
        %dma_wait3A_371 = tpu.memref_squeeze %dma_wait3A_370 : memref<1x1x200xf32, #tpu.memory_space<vmem>> -> memref<1x200xf32, #tpu.memory_space<vmem>>
        %dma_wait3A_372 = arith.constant 0 : i32
        %dma_wait3A_373 = tpu.memref_slice %arg5[%add3A_340, %dma_wait3A_372] : memref<1600x200xf32, #tpu.memory_space<hbm>> -> memref<1x200xf32, #tpu.memory_space<hbm>>
        %dma_wait3A_374 = arith.constant 0 : i32
        %dma_wait3A_375 = arith.constant 0 : i32
        %dma_wait3A_376 = tpu.memref_slice %arg17[%dma_wait3A_367, %dma_wait3A_374, %dma_wait3A_375] : memref<4x1x200xf32, #tpu.memory_space<vmem>> -> memref<1x1x200xf32, #tpu.memory_space<vmem>>
        %dma_wait3A_377 = tpu.memref_squeeze %dma_wait3A_376 : memref<1x1x200xf32, #tpu.memory_space<vmem>> -> memref<1x200xf32, #tpu.memory_space<vmem>>
        %dma_wait3A_378 = arith.constant 0 : i32
        %dma_wait3A_379 = tpu.memref_slice %arg5[%add3A_340, %dma_wait3A_378] : memref<1600x200xf32, #tpu.memory_space<hbm>> -> memref<1x200xf32, #tpu.memory_space<hbm>>
        tpu.wait_dma2 semaphore(%arg11 : memref<!tpu.dma_semaphore, #tpu.memory_space<semaphore_mem>>) src(%dma_wait3A_379 : memref<1x200xf32, #tpu.memory_space<hbm>>) dst(%dma_wait3A_377 : memref<1x200xf32, #tpu.memory_space<vmem>>)
        %ge3A = arith.constant 1 : i32
        %ge3A_380 = arith.cmpi sge, %add3A_300, %ge3A : i32
        %convert_element_type3A_381 = arith.extui %ge3A_380 : i1 to i32
        %cond3A_382 = arith.constant 0 : i32
        %cond3A_383 = arith.cmpi ne, %convert_element_type3A_381, %cond3A_382 : i32
        scf.if %cond3A_383 {
          %dma_wait3A_404 = arith.constant 0 : i32
          %dma_wait3A_405 = arith.constant 0 : i32
          %dma_wait3A_406 = arith.constant 0 : i32
          %dma_wait3A_407 = arith.constant 0 : i32
          %dma_wait3A_408 = arith.constant 0 : i32
          %dma_wait3A_409 = tpu.memref_slice %arg12[%dma_wait3A_404, %dma_wait3A_407, %dma_wait3A_408] : memref<2x200x64xf32, #tpu.memory_space<vmem>> -> memref<1x200x64xf32, #tpu.memory_space<vmem>>
          %dma_wait3A_410 = tpu.memref_squeeze %dma_wait3A_409 : memref<1x200x64xf32, #tpu.memory_space<vmem>> -> memref<200x64xf32, #tpu.memory_space<vmem>>
          %dma_wait3A_411 = arith.constant 0 : i32
          %dma_wait3A_412 = tpu.memref_slice %arg9[%dma_wait3A_405, %dma_wait3A_406, %dma_wait3A_411] : memref<4x1x200xi32, #tpu.memory_space<vmem>> -> memref<1x1x200xi32, #tpu.memory_space<vmem>>
          %dma_wait3A_413 = tpu.memref_squeeze %dma_wait3A_412 : memref<1x1x200xi32, #tpu.memory_space<vmem>> -> memref<200xi32, #tpu.memory_space<vmem>>
          %dma_wait3A_414 = arith.constant 0 : i32
          %dma_wait3A_415 = arith.constant 0 : i32
          %dma_wait3A_416 = tpu.memref_slice %arg8[%dma_wait3A_414, %dma_wait3A_415] : memref<10000x64xf32, #tpu.memory_space<vmem_shared>> -> memref<10000x64xf32, #tpu.memory_space<vmem_shared>>
          tpu.wait_indirect_dma semaphore(%arg15 : memref<!tpu.dma_semaphore, #tpu.memory_space<semaphore_mem>>) src(%dma_wait3A_410 : memref<200x64xf32, #tpu.memory_space<vmem>>) dst(%dma_wait3A_416 : memref<10000x64xf32, #tpu.memory_space<vmem_shared>>)
        } else {
        }
        %dma_start3A_384 = arith.constant 0 : i32
        %dma_start3A_385 = arith.constant 0 : i32
        %dma_start3A_386 = arith.constant 0 : i32
        %dma_start3A_387 = arith.constant 0 : i32
        %dma_start3A_388 = arith.constant 0 : i32
        %dma_start3A_389 = tpu.memref_slice %arg12[%dma_start3A_386, %dma_start3A_387, %dma_start3A_388] : memref<2x200x64xf32, #tpu.memory_space<vmem>> -> memref<1x200x64xf32, #tpu.memory_space<vmem>>
        %dma_start3A_390 = tpu.memref_squeeze %dma_start3A_389 : memref<1x200x64xf32, #tpu.memory_space<vmem>> -> memref<200x64xf32, #tpu.memory_space<vmem>>
        %dma_start3A_391 = arith.constant 0 : i32
        %dma_start3A_392 = tpu.memref_slice %arg13[%dma_start3A_384, %dma_start3A_385, %dma_start3A_391] : memref<4x1x200xi32, #tpu.memory_space<vmem>> -> memref<1x1x200xi32, #tpu.memory_space<vmem>>
        %dma_start3A_393 = tpu.memref_squeeze %dma_start3A_392 : memref<1x1x200xi32, #tpu.memory_space<vmem>> -> memref<200xi32, #tpu.memory_space<vmem>>
        %dma_start3A_394 = arith.constant 0 : i32
        %dma_start3A_395 = arith.constant 0 : i32
        %dma_start3A_396 = tpu.memref_slice %arg16[%dma_start3A_394, %dma_start3A_395] : memref<10000x64xf32, #tpu.memory_space<vmem_shared>> -> memref<10000x64xf32, #tpu.memory_space<vmem_shared>>
        tpu.enqueue_indirect_dma source(%dma_start3A_396 : memref<10000x64xf32, #tpu.memory_space<vmem_shared>>) target(%dma_start3A_390 : memref<200x64xf32, #tpu.memory_space<vmem>>) offsets(%dma_start3A_393 : memref<200xi32, #tpu.memory_space<vmem>>) semaphore(%arg10 : memref<!tpu.dma_semaphore, #tpu.memory_space<semaphore_mem>>)
        %add3A_397 = arith.constant 2 : i32
        %add3A_398 = arith.addi %add3A_300, %add3A_397 : i32
        %lt3A_399 = arith.constant 100 : i32
        %lt3A_400 = arith.cmpi slt, %add3A_398, %lt3A_399 : i32
        %convert_element_type3A_401 = arith.extui %lt3A_400 : i1 to i32
        %cond3A_402 = arith.constant 0 : i32
        %cond3A_403 = arith.cmpi ne, %convert_element_type3A_401, %cond3A_402 : i32
        scf.if %cond3A_403 {
          %add3A_404 = arith.constant 2 : i32
          %add3A_405 = arith.addi %add3A_300, %add3A_404 : i32
          %add3A_406 = arith.addi %mul3A_4, %add3A_405 : i32
          %dma_start3A_407 = arith.constant 1 : i32
          %dma_start3A_408 = arith.constant 0 : i32
          %dma_start3A_409 = arith.constant 0 : i32
          %dma_start3A_410 = tpu.memref_slice %arg13[%dma_start3A_407, %dma_start3A_408, %dma_start3A_409] : memref<4x1x200xi32, #tpu.memory_space<vmem>> -> memref<1x1x200xi32, #tpu.memory_space<vmem>>
          %dma_start3A_411 = tpu.memref_squeeze %dma_start3A_410 : memref<1x1x200xi32, #tpu.memory_space<vmem>> -> memref<1x200xi32, #tpu.memory_space<vmem>>
          %dma_start3A_412 = arith.constant 0 : i32
          %dma_start3A_413 = tpu.memref_slice %arg3[%add3A_406, %dma_start3A_412] : memref<1600x200xi32, #tpu.memory_space<hbm>> -> memref<1x200xi32, #tpu.memory_space<hbm>>
          %dma_start3A_414 = arith.constant 0 : i32
          %dma_start3A_415 = arith.constant 0 : i32
          %dma_start3A_416 = tpu.memref_slice %arg13[%dma_start3A_407, %dma_start3A_414, %dma_start3A_415] : memref<4x1x200xi32, #tpu.memory_space<vmem>> -> memref<1x1x200xi32, #tpu.memory_space<vmem>>
          %dma_start3A_417 = tpu.memref_squeeze %dma_start3A_416 : memref<1x1x200xi32, #tpu.memory_space<vmem>> -> memref<1x200xi32, #tpu.memory_space<vmem>>
          %dma_start3A_418 = arith.constant 0 : i32
          %dma_start3A_419 = tpu.memref_slice %arg3[%add3A_406, %dma_start3A_418] : memref<1600x200xi32, #tpu.memory_space<hbm>> -> memref<1x200xi32, #tpu.memory_space<hbm>>
          tpu.enqueue_dma source(%dma_start3A_419 : memref<1x200xi32, #tpu.memory_space<hbm>>) target(%dma_start3A_417 : memref<1x200xi32, #tpu.memory_space<vmem>>) target_semaphore(%arg11 : memref<!tpu.dma_semaphore, #tpu.memory_space<semaphore_mem>>)
          %dma_start3A_420 = arith.constant 1 : i32
          %dma_start3A_421 = arith.constant 0 : i32
          %dma_start3A_422 = arith.constant 0 : i32
          %dma_start3A_423 = tpu.memref_slice %arg9[%dma_start3A_420, %dma_start3A_421, %dma_start3A_422] : memref<4x1x200xi32, #tpu.memory_space<vmem>> -> memref<1x1x200xi32, #tpu.memory_space<vmem>>
          %dma_start3A_424 = tpu.memref_squeeze %dma_start3A_423 : memref<1x1x200xi32, #tpu.memory_space<vmem>> -> memref<1x200xi32, #tpu.memory_space<vmem>>
          %dma_start3A_425 = arith.constant 0 : i32
          %dma_start3A_426 = tpu.memref_slice %arg4[%add3A_406, %dma_start3A_425] : memref<1600x200xi32, #tpu.memory_space<hbm>> -> memref<1x200xi32, #tpu.memory_space<hbm>>
          %dma_start3A_427 = arith.constant 0 : i32
          %dma_start3A_428 = arith.constant 0 : i32
          %dma_start3A_429 = tpu.memref_slice %arg9[%dma_start3A_420, %dma_start3A_427, %dma_start3A_428] : memref<4x1x200xi32, #tpu.memory_space<vmem>> -> memref<1x1x200xi32, #tpu.memory_space<vmem>>
          %dma_start3A_430 = tpu.memref_squeeze %dma_start3A_429 : memref<1x1x200xi32, #tpu.memory_space<vmem>> -> memref<1x200xi32, #tpu.memory_space<vmem>>
          %dma_start3A_431 = arith.constant 0 : i32
          %dma_start3A_432 = tpu.memref_slice %arg4[%add3A_406, %dma_start3A_431] : memref<1600x200xi32, #tpu.memory_space<hbm>> -> memref<1x200xi32, #tpu.memory_space<hbm>>
          tpu.enqueue_dma source(%dma_start3A_432 : memref<1x200xi32, #tpu.memory_space<hbm>>) target(%dma_start3A_430 : memref<1x200xi32, #tpu.memory_space<vmem>>) target_semaphore(%arg11 : memref<!tpu.dma_semaphore, #tpu.memory_space<semaphore_mem>>)
          %dma_start3A_433 = arith.constant 1 : i32
          %dma_start3A_434 = arith.constant 0 : i32
          %dma_start3A_435 = arith.constant 0 : i32
          %dma_start3A_436 = tpu.memref_slice %arg17[%dma_start3A_433, %dma_start3A_434, %dma_start3A_435] : memref<4x1x200xf32, #tpu.memory_space<vmem>> -> memref<1x1x200xf32, #tpu.memory_space<vmem>>
          %dma_start3A_437 = tpu.memref_squeeze %dma_start3A_436 : memref<1x1x200xf32, #tpu.memory_space<vmem>> -> memref<1x200xf32, #tpu.memory_space<vmem>>
          %dma_start3A_438 = arith.constant 0 : i32
          %dma_start3A_439 = tpu.memref_slice %arg5[%add3A_406, %dma_start3A_438] : memref<1600x200xf32, #tpu.memory_space<hbm>> -> memref<1x200xf32, #tpu.memory_space<hbm>>
          %dma_start3A_440 = arith.constant 0 : i32
          %dma_start3A_441 = arith.constant 0 : i32
          %dma_start3A_442 = tpu.memref_slice %arg17[%dma_start3A_433, %dma_start3A_440, %dma_start3A_441] : memref<4x1x200xf32, #tpu.memory_space<vmem>> -> memref<1x1x200xf32, #tpu.memory_space<vmem>>
          %dma_start3A_443 = tpu.memref_squeeze %dma_start3A_442 : memref<1x1x200xf32, #tpu.memory_space<vmem>> -> memref<1x200xf32, #tpu.memory_space<vmem>>
          %dma_start3A_444 = arith.constant 0 : i32
          %dma_start3A_445 = tpu.memref_slice %arg5[%add3A_406, %dma_start3A_444] : memref<1600x200xf32, #tpu.memory_space<hbm>> -> memref<1x200xf32, #tpu.memory_space<hbm>>
          tpu.enqueue_dma source(%dma_start3A_445 : memref<1x200xf32, #tpu.memory_space<hbm>>) target(%dma_start3A_443 : memref<1x200xf32, #tpu.memory_space<vmem>>) target_semaphore(%arg11 : memref<!tpu.dma_semaphore, #tpu.memory_space<semaphore_mem>>)
        } else {
        }
      } else {
      }
      %parallel_loop3A_321 = arith.constant 0 : i32
      %parallel_loop3A_322 = arith.constant 200 : i32
      %parallel_loop3A_323 = arith.constant 1 : i32
      scf.for %parallel_loop3A_338 = %parallel_loop3A_321 to %parallel_loop3A_322 step %parallel_loop3A_323  : i32 {
        %parallel_loop3A_339 = arith.constant 3 : i32
        %parallel_loop3A_340 = vector.broadcast %parallel_loop3A_339 : i32 to vector<16xi32>
        %parallel_loop3A_341 = arith.constant 0 : i32
        %parallel_loop3A_342 = vector.broadcast %parallel_loop3A_341 : i32 to vector<16xi32>
        %parallel_loop3A_343 = vector.broadcast %parallel_loop3A_338 : i32 to vector<16xi32>
        %parallel_loop3A_344 = tpu.vector_load_idx %arg17[%parallel_loop3A_340, %parallel_loop3A_342, %parallel_loop3A_343] : memref<4x1x200xf32, #tpu.memory_space<vmem>>[vector<16xi32>, vector<16xi32>, vector<16xi32>], vector<16xf32>,
        %parallel_loop3A_345 = arith.constant 1 : i32
        %parallel_loop3A_346 = arith.index_cast %parallel_loop3A_345 : i32 to index
        %parallel_loop3A_347 = arith.index_cast %parallel_loop3A_338 : i32 to index
        %parallel_loop3A_348 = arith.constant 0 : index
        %parallel_loop3A_349 = tpu.vector_load %arg12[%parallel_loop3A_346, %parallel_loop3A_347, %parallel_loop3A_348] {strides = array<i32>} : memref<2x200x64xf32, #tpu.memory_space<vmem>>, vector<16xf32>,
        %parallel_loop3A_350 = arith.mulf %parallel_loop3A_349, %parallel_loop3A_344 : vector<16xf32>
        %parallel_loop3A_351 = arith.constant 1 : i32
        %parallel_loop3A_352 = arith.index_cast %parallel_loop3A_351 : i32 to index
        %parallel_loop3A_353 = arith.index_cast %parallel_loop3A_338 : i32 to index
        %parallel_loop3A_354 = arith.constant 0 : index
        %parallel_loop3A_355 = tpu.vector_load %arg12[%parallel_loop3A_352, %parallel_loop3A_353, %parallel_loop3A_354] {strides = array<i32>} : memref<2x200x64xf32, #tpu.memory_space<vmem>>, vector<16xf32>,
        tpu.vector_store %arg12[%parallel_loop3A_352, %parallel_loop3A_353, %parallel_loop3A_354], %parallel_loop3A_350 {strides = array<i32>} : memref<2x200x64xf32, #tpu.memory_space<vmem>>, vector<16xf32>,
        %parallel_loop3A_356 = arith.constant 1 : i32
        %parallel_loop3A_357 = arith.index_cast %parallel_loop3A_356 : i32 to index
        %parallel_loop3A_358 = arith.index_cast %parallel_loop3A_338 : i32 to index
        %parallel_loop3A_359 = arith.constant 16 : index
        %parallel_loop3A_360 = tpu.vector_load %arg12[%parallel_loop3A_357, %parallel_loop3A_358, %parallel_loop3A_359] {strides = array<i32>} : memref<2x200x64xf32, #tpu.memory_space<vmem>>, vector<16xf32>,
        %parallel_loop3A_361 = arith.mulf %parallel_loop3A_360, %parallel_loop3A_344 : vector<16xf32>
        %parallel_loop3A_362 = arith.constant 1 : i32
        %parallel_loop3A_363 = arith.index_cast %parallel_loop3A_362 : i32 to index
        %parallel_loop3A_364 = arith.index_cast %parallel_loop3A_338 : i32 to index
        %parallel_loop3A_365 = arith.constant 16 : index
        %parallel_loop3A_366 = tpu.vector_load %arg12[%parallel_loop3A_363, %parallel_loop3A_364, %parallel_loop3A_365] {strides = array<i32>} : memref<2x200x64xf32, #tpu.memory_space<vmem>>, vector<16xf32>,
        tpu.vector_store %arg12[%parallel_loop3A_363, %parallel_loop3A_364, %parallel_loop3A_365], %parallel_loop3A_361 {strides = array<i32>} : memref<2x200x64xf32, #tpu.memory_space<vmem>>, vector<16xf32>,
        %parallel_loop3A_367 = arith.constant 1 : i32
        %parallel_loop3A_368 = arith.index_cast %parallel_loop3A_367 : i32 to index
        %parallel_loop3A_369 = arith.index_cast %parallel_loop3A_338 : i32 to index
        %parallel_loop3A_370 = arith.constant 32 : index
        %parallel_loop3A_371 = tpu.vector_load %arg12[%parallel_loop3A_368, %parallel_loop3A_369, %parallel_loop3A_370] {strides = array<i32>} : memref<2x200x64xf32, #tpu.memory_space<vmem>>, vector<16xf32>,
        %parallel_loop3A_372 = arith.mulf %parallel_loop3A_371, %parallel_loop3A_344 : vector<16xf32>
        %parallel_loop3A_373 = arith.constant 1 : i32
        %parallel_loop3A_374 = arith.index_cast %parallel_loop3A_373 : i32 to index
        %parallel_loop3A_375 = arith.index_cast %parallel_loop3A_338 : i32 to index
        %parallel_loop3A_376 = arith.constant 32 : index
        %parallel_loop3A_377 = tpu.vector_load %arg12[%parallel_loop3A_374, %parallel_loop3A_375, %parallel_loop3A_376] {strides = array<i32>} : memref<2x200x64xf32, #tpu.memory_space<vmem>>, vector<16xf32>,
        tpu.vector_store %arg12[%parallel_loop3A_374, %parallel_loop3A_375, %parallel_loop3A_376], %parallel_loop3A_372 {strides = array<i32>} : memref<2x200x64xf32, #tpu.memory_space<vmem>>, vector<16xf32>,
        %parallel_loop3A_378 = arith.constant 1 : i32
        %parallel_loop3A_379 = arith.index_cast %parallel_loop3A_378 : i32 to index
        %parallel_loop3A_380 = arith.index_cast %parallel_loop3A_338 : i32 to index
        %parallel_loop3A_381 = arith.constant 48 : index
        %parallel_loop3A_382 = tpu.vector_load %arg12[%parallel_loop3A_379, %parallel_loop3A_380, %parallel_loop3A_381] {strides = array<i32>} : memref<2x200x64xf32, #tpu.memory_space<vmem>>, vector<16xf32>,
        %parallel_loop3A_383 = arith.mulf %parallel_loop3A_382, %parallel_loop3A_344 : vector<16xf32>
        %parallel_loop3A_384 = arith.constant 1 : i32
        %parallel_loop3A_385 = arith.index_cast %parallel_loop3A_384 : i32 to index
        %parallel_loop3A_386 = arith.index_cast %parallel_loop3A_338 : i32 to index
        %parallel_loop3A_387 = arith.constant 48 : index
        %parallel_loop3A_388 = tpu.vector_load %arg12[%parallel_loop3A_385, %parallel_loop3A_386, %parallel_loop3A_387] {strides = array<i32>} : memref<2x200x64xf32, #tpu.memory_space<vmem>>, vector<16xf32>,
        tpu.vector_store %arg12[%parallel_loop3A_385, %parallel_loop3A_386, %parallel_loop3A_387], %parallel_loop3A_383 {strides = array<i32>} : memref<2x200x64xf32, #tpu.memory_space<vmem>>, vector<16xf32>,
      } {sc.loop_unroll_factor = 8 : i64, sc.parallel_access}
      %dma_start3A_324 = arith.constant 1 : i32
      %dma_start3A_325 = arith.constant 3 : i32
      %dma_start3A_326 = arith.constant 0 : i32
      %dma_start3A_327 = arith.constant 0 : i32
      %dma_start3A_328 = arith.constant 0 : i32
      %dma_start3A_329 = tpu.memref_slice %arg12[%dma_start3A_324, %dma_start3A_327, %dma_start3A_328] : memref<2x200x64xf32, #tpu.memory_space<vmem>> -> memref<1x200x64xf32, #tpu.memory_space<vmem>>
      %dma_start3A_330 = tpu.memref_squeeze %dma_start3A_329 : memref<1x200x64xf32, #tpu.memory_space<vmem>> -> memref<200x64xf32, #tpu.memory_space<vmem>>
      %dma_start3A_331 = arith.constant 0 : i32
      %dma_start3A_332 = tpu.memref_slice %arg9[%dma_start3A_325, %dma_start3A_326, %dma_start3A_331] : memref<4x1x200xi32, #tpu.memory_space<vmem>> -> memref<1x1x200xi32, #tpu.memory_space<vmem>>
      %dma_start3A_333 = tpu.memref_squeeze %dma_start3A_332 : memref<1x1x200xi32, #tpu.memory_space<vmem>> -> memref<200xi32, #tpu.memory_space<vmem>>
      %dma_start3A_334 = arith.constant 0 : i32
      %dma_start3A_335 = arith.constant 0 : i32
      %dma_start3A_336 = tpu.memref_slice %arg8[%dma_start3A_334, %dma_start3A_335] : memref<10000x64xf32, #tpu.memory_space<vmem_shared>> -> memref<10000x64xf32, #tpu.memory_space<vmem_shared>>
      tpu.enqueue_indirect_dma source(%dma_start3A_330 : memref<200x64xf32, #tpu.memory_space<vmem>>) target(%dma_start3A_336 : memref<10000x64xf32, #tpu.memory_space<vmem_shared>>) offsets(%dma_start3A_333 : memref<200xi32, #tpu.memory_space<vmem>>) semaphore(%arg15 : memref<!tpu.dma_semaphore, #tpu.memory_space<semaphore_mem>>) {add = true}
      %scan3A_337 = arith.constant 0 : i32
      scf.yield %scan3A_337 : i32
    }
    %scan3A_153 = arith.constant 25 : i32
    %dma_wait3A_154 = arith.constant 0 : i32
    %dma_wait3A_155 = arith.constant 0 : i32
    %dma_wait3A_156 = arith.constant 0 : i32
    %dma_wait3A_157 = arith.constant 0 : i32
    %dma_wait3A_158 = arith.constant 0 : i32
    %dma_wait3A_159 = tpu.memref_slice %arg12[%dma_wait3A_154, %dma_wait3A_157, %dma_wait3A_158] : memref<2x200x64xf32, #tpu.memory_space<vmem>> -> memref<1x200x64xf32, #tpu.memory_space<vmem>>
    %dma_wait3A_160 = tpu.memref_squeeze %dma_wait3A_159 : memref<1x200x64xf32, #tpu.memory_space<vmem>> -> memref<200x64xf32, #tpu.memory_space<vmem>>
    %dma_wait3A_161 = arith.constant 0 : i32
    %dma_wait3A_162 = tpu.memref_slice %arg9[%dma_wait3A_155, %dma_wait3A_156, %dma_wait3A_161] : memref<4x1x200xi32, #tpu.memory_space<vmem>> -> memref<1x1x200xi32, #tpu.memory_space<vmem>>
    %dma_wait3A_163 = tpu.memref_squeeze %dma_wait3A_162 : memref<1x1x200xi32, #tpu.memory_space<vmem>> -> memref<200xi32, #tpu.memory_space<vmem>>
    %dma_wait3A_164 = arith.constant 0 : i32
    %dma_wait3A_165 = arith.constant 0 : i32
    %dma_wait3A_166 = tpu.memref_slice %arg8[%dma_wait3A_164, %dma_wait3A_165] : memref<10000x64xf32, #tpu.memory_space<vmem_shared>> -> memref<10000x64xf32, #tpu.memory_space<vmem_shared>>
    tpu.wait_indirect_dma semaphore(%arg15 : memref<!tpu.dma_semaphore, #tpu.memory_space<semaphore_mem>>) src(%dma_wait3A_160 : memref<200x64xf32, #tpu.memory_space<vmem>>) dst(%dma_wait3A_166 : memref<10000x64xf32, #tpu.memory_space<vmem_shared>>)
    %dma_wait3A_167 = arith.constant 1 : i32
    %dma_wait3A_168 = arith.constant 0 : i32
    %dma_wait3A_169 = arith.constant 0 : i32
    %dma_wait3A_170 = arith.constant 0 : i32
    %dma_wait3A_171 = arith.constant 0 : i32
    %dma_wait3A_172 = tpu.memref_slice %arg12[%dma_wait3A_167, %dma_wait3A_170, %dma_wait3A_171] : memref<2x200x64xf32, #tpu.memory_space<vmem>> -> memref<1x200x64xf32, #tpu.memory_space<vmem>>
    %dma_wait3A_173 = tpu.memref_squeeze %dma_wait3A_172 : memref<1x200x64xf32, #tpu.memory_space<vmem>> -> memref<200x64xf32, #tpu.memory_space<vmem>>
    %dma_wait3A_174 = arith.constant 0 : i32
    %dma_wait3A_175 = tpu.memref_slice %arg9[%dma_wait3A_168, %dma_wait3A_169, %dma_wait3A_174] : memref<4x1x200xi32, #tpu.memory_space<vmem>> -> memref<1x1x200xi32, #tpu.memory_space<vmem>>
    %dma_wait3A_176 = tpu.memref_squeeze %dma_wait3A_175 : memref<1x1x200xi32, #tpu.memory_space<vmem>> -> memref<200xi32, #tpu.memory_space<vmem>>
    %dma_wait3A_177 = arith.constant 0 : i32
    %dma_wait3A_178 = arith.constant 0 : i32
    %dma_wait3A_179 = tpu.memref_slice %arg8[%dma_wait3A_177, %dma_wait3A_178] : memref<10000x64xf32, #tpu.memory_space<vmem_shared>> -> memref<10000x64xf32, #tpu.memory_space<vmem_shared>>
    tpu.wait_indirect_dma semaphore(%arg15 : memref<!tpu.dma_semaphore, #tpu.memory_space<semaphore_mem>>) src(%dma_wait3A_173 : memref<200x64xf32, #tpu.memory_space<vmem>>) dst(%dma_wait3A_179 : memref<10000x64xf32, #tpu.memory_space<vmem_shared>>)
    %barrier3A_180 = arith.constant 0 : index
    tpu.barrier barrier_id(%barrier3A_180)
    "tpu.region"() ({
      %run_scoped3A = tpu.sem_alloc : memref<!tpu.dma_semaphore, #tpu.memory_space<semaphore_mem>>
      %dma_start3A_181 = tpu.memref_slice %arg7[%mul3A_0, %mul3A_2] : memref<10000x128xf32, #tpu.memory_space<hbm>> -> memref<625x64xf32, #tpu.memory_space<hbm>>
      %dma_start3A_182 = arith.constant 0 : i32
      %dma_start3A_183 = tpu.memref_slice %arg8[%mul3A_0, %dma_start3A_182] : memref<10000x64xf32, #tpu.memory_space<vmem_shared>> -> memref<625x64xf32, #tpu.memory_space<vmem_shared>>
      tpu.enqueue_dma source(%dma_start3A_183 : memref<625x64xf32, #tpu.memory_space<vmem_shared>>) target(%dma_start3A_181 : memref<625x64xf32, #tpu.memory_space<hbm>>) target_semaphore(%run_scoped3A : memref<!tpu.dma_semaphore, #tpu.memory_space<semaphore_mem>>)
      %dma_wait3A_184 = tpu.memref_slice %arg7[%mul3A_0, %mul3A_2] : memref<10000x128xf32, #tpu.memory_space<hbm>> -> memref<625x64xf32, #tpu.memory_space<hbm>>
      %dma_wait3A_185 = arith.constant 0 : i32
      %dma_wait3A_186 = tpu.memref_slice %arg8[%mul3A_0, %dma_wait3A_185] : memref<10000x64xf32, #tpu.memory_space<vmem_shared>> -> memref<625x64xf32, #tpu.memory_space<vmem_shared>>
      tpu.wait_dma2 semaphore(%run_scoped3A : memref<!tpu.dma_semaphore, #tpu.memory_space<semaphore_mem>>) src(%dma_wait3A_186 : memref<625x64xf32, #tpu.memory_space<vmem_shared>>) dst(%dma_wait3A_184 : memref<625x64xf32, #tpu.memory_space<hbm>>)
      tpu.yield
    }) : () -> ()
    return
  }
}

#map = affine_map<(d0, d1) -> (0, 0)>
#map1 = affine_map<(d0, d1) -> (0, 0, 0)>
module attributes {stable_mosaic.version = 14 : i64} {
  func.func @k(%arg0: i32, %arg1: i32, %arg2: memref<10000x16xf32, #tpu.memory_space<hbm>>, %arg3: memref<800x400xi32, #tpu.memory_space<hbm>>, %arg4: memref<800x400xi32, #tpu.memory_space<hbm>>, %arg5: memref<800x400xf32, #tpu.memory_space<hbm>>, %arg6: memref<625x16xf32, #tpu.memory_space<hbm>>, %arg7: memref<2x10000x16xf32, #tpu.memory_space<hbm>>, %arg8: memref<10000x16xf32, #tpu.memory_space<vmem_shared>>, %arg9: memref<25x400xi32, #tpu.memory_space<vmem>>, %arg10: memref<!tpu.dma_semaphore, #tpu.memory_space<semaphore_mem>>, %arg11: memref<2x400x16xf32, #tpu.memory_space<vmem>>, %arg12: memref<25x400xi32, #tpu.memory_space<vmem>>, %arg13: memref<!tpu.dma_semaphore, #tpu.memory_space<semaphore_mem>>, %arg14: memref<!tpu.dma_semaphore, #tpu.memory_space<semaphore_mem>>, %arg15: memref<10000x16xf32, #tpu.memory_space<vmem_shared>>, %arg16: memref<25x400xf32, #tpu.memory_space<vmem>>) attributes {dimension_semantics = [#tpu.dimension_semantics<core_parallel>, #tpu.dimension_semantics<subcore_parallel>], iteration_bounds = array<i64: 2, 16>, scalar_prefetch = 0 : i64, scratch_operands = 9 : i64, tpu.core_type = #tpu.core_type<sc_vector_subcore>, window_params = [{transform_indices = #map}, {transform_indices = #map}, {transform_indices = #map}, {transform_indices = #map}, {transform_indices = #map}, {transform_indices = #map1}]} {
    %mul3A = arith.constant 625 : i32
    %mul3A_0 = arith.muli %arg1, %mul3A : i32
    %mul3A_1 = arith.constant 16 : i32
    %mul3A_2 = arith.muli %arg0, %mul3A_1 : i32
    %add3A = arith.addi %mul3A_2, %arg1 : i32
    %mul3A_3 = arith.constant 25 : i32
    %mul3A_4 = arith.muli %add3A, %mul3A_3 : i32
    %dma_start3A = arith.constant 0 : i32
    %dma_start3A_5 = tpu.memref_slice %arg15[%mul3A_0, %dma_start3A] : memref<10000x16xf32, #tpu.memory_space<vmem_shared>> -> memref<625x16xf32, #tpu.memory_space<vmem_shared>>
    %dma_start3A_6 = arith.constant 0 : i32
    %dma_start3A_7 = tpu.memref_slice %arg2[%mul3A_0, %dma_start3A_6] : memref<10000x16xf32, #tpu.memory_space<hbm>> -> memref<625x16xf32, #tpu.memory_space<hbm>>
    tpu.enqueue_dma source(%dma_start3A_7 : memref<625x16xf32, #tpu.memory_space<hbm>>) target(%dma_start3A_5 : memref<625x16xf32, #tpu.memory_space<vmem_shared>>) target_semaphore(%arg13 : memref<!tpu.dma_semaphore, #tpu.memory_space<semaphore_mem>>)
    %dma_start3A_8 = arith.constant 0 : i32
    %dma_start3A_9 = tpu.memref_slice %arg8[%mul3A_0, %dma_start3A_8] : memref<10000x16xf32, #tpu.memory_space<vmem_shared>> -> memref<625x16xf32, #tpu.memory_space<vmem_shared>>
    tpu.enqueue_dma source(%arg6 : memref<625x16xf32, #tpu.memory_space<hbm>>) target(%dma_start3A_9 : memref<625x16xf32, #tpu.memory_space<vmem_shared>>) target_semaphore(%arg13 : memref<!tpu.dma_semaphore, #tpu.memory_space<semaphore_mem>>)
    %dma_start3A_10 = arith.constant 0 : i32
    %dma_start3A_11 = tpu.memref_slice %arg3[%mul3A_4, %dma_start3A_10] : memref<800x400xi32, #tpu.memory_space<hbm>> -> memref<25x400xi32, #tpu.memory_space<hbm>>
    %dma_start3A_12 = arith.constant 0 : i32
    %dma_start3A_13 = tpu.memref_slice %arg3[%mul3A_4, %dma_start3A_12] : memref<800x400xi32, #tpu.memory_space<hbm>> -> memref<25x400xi32, #tpu.memory_space<hbm>>
    tpu.enqueue_dma source(%dma_start3A_13 : memref<25x400xi32, #tpu.memory_space<hbm>>) target(%arg12 : memref<25x400xi32, #tpu.memory_space<vmem>>) target_semaphore(%arg13 : memref<!tpu.dma_semaphore, #tpu.memory_space<semaphore_mem>>)
    %dma_start3A_14 = arith.constant 0 : i32
    %dma_start3A_15 = tpu.memref_slice %arg4[%mul3A_4, %dma_start3A_14] : memref<800x400xi32, #tpu.memory_space<hbm>> -> memref<25x400xi32, #tpu.memory_space<hbm>>
    %dma_start3A_16 = arith.constant 0 : i32
    %dma_start3A_17 = tpu.memref_slice %arg4[%mul3A_4, %dma_start3A_16] : memref<800x400xi32, #tpu.memory_space<hbm>> -> memref<25x400xi32, #tpu.memory_space<hbm>>
    tpu.enqueue_dma source(%dma_start3A_17 : memref<25x400xi32, #tpu.memory_space<hbm>>) target(%arg9 : memref<25x400xi32, #tpu.memory_space<vmem>>) target_semaphore(%arg13 : memref<!tpu.dma_semaphore, #tpu.memory_space<semaphore_mem>>)
    %dma_start3A_18 = arith.constant 0 : i32
    %dma_start3A_19 = tpu.memref_slice %arg5[%mul3A_4, %dma_start3A_18] : memref<800x400xf32, #tpu.memory_space<hbm>> -> memref<25x400xf32, #tpu.memory_space<hbm>>
    %dma_start3A_20 = arith.constant 0 : i32
    %dma_start3A_21 = tpu.memref_slice %arg5[%mul3A_4, %dma_start3A_20] : memref<800x400xf32, #tpu.memory_space<hbm>> -> memref<25x400xf32, #tpu.memory_space<hbm>>
    tpu.enqueue_dma source(%dma_start3A_21 : memref<25x400xf32, #tpu.memory_space<hbm>>) target(%arg16 : memref<25x400xf32, #tpu.memory_space<vmem>>) target_semaphore(%arg13 : memref<!tpu.dma_semaphore, #tpu.memory_space<semaphore_mem>>)
    %dma_wait3A = arith.constant 0 : i32
    %dma_wait3A_22 = tpu.memref_slice %arg15[%mul3A_0, %dma_wait3A] : memref<10000x16xf32, #tpu.memory_space<vmem_shared>> -> memref<625x16xf32, #tpu.memory_space<vmem_shared>>
    %dma_wait3A_23 = arith.constant 0 : i32
    %dma_wait3A_24 = tpu.memref_slice %arg2[%mul3A_0, %dma_wait3A_23] : memref<10000x16xf32, #tpu.memory_space<hbm>> -> memref<625x16xf32, #tpu.memory_space<hbm>>
    tpu.wait_dma2 semaphore(%arg13 : memref<!tpu.dma_semaphore, #tpu.memory_space<semaphore_mem>>) src(%dma_wait3A_24 : memref<625x16xf32, #tpu.memory_space<hbm>>) dst(%dma_wait3A_22 : memref<625x16xf32, #tpu.memory_space<vmem_shared>>)
    %dma_wait3A_25 = arith.constant 0 : i32
    %dma_wait3A_26 = tpu.memref_slice %arg8[%mul3A_0, %dma_wait3A_25] : memref<10000x16xf32, #tpu.memory_space<vmem_shared>> -> memref<625x16xf32, #tpu.memory_space<vmem_shared>>
    tpu.wait_dma2 semaphore(%arg13 : memref<!tpu.dma_semaphore, #tpu.memory_space<semaphore_mem>>) src(%arg6 : memref<625x16xf32, #tpu.memory_space<hbm>>) dst(%dma_wait3A_26 : memref<625x16xf32, #tpu.memory_space<vmem_shared>>)
    %dma_wait3A_27 = arith.constant 0 : i32
    %dma_wait3A_28 = tpu.memref_slice %arg3[%mul3A_4, %dma_wait3A_27] : memref<800x400xi32, #tpu.memory_space<hbm>> -> memref<25x400xi32, #tpu.memory_space<hbm>>
    %dma_wait3A_29 = arith.constant 0 : i32
    %dma_wait3A_30 = tpu.memref_slice %arg3[%mul3A_4, %dma_wait3A_29] : memref<800x400xi32, #tpu.memory_space<hbm>> -> memref<25x400xi32, #tpu.memory_space<hbm>>
    tpu.wait_dma2 semaphore(%arg13 : memref<!tpu.dma_semaphore, #tpu.memory_space<semaphore_mem>>) src(%dma_wait3A_30 : memref<25x400xi32, #tpu.memory_space<hbm>>) dst(%arg12 : memref<25x400xi32, #tpu.memory_space<vmem>>)
    %dma_wait3A_31 = arith.constant 0 : i32
    %dma_wait3A_32 = tpu.memref_slice %arg4[%mul3A_4, %dma_wait3A_31] : memref<800x400xi32, #tpu.memory_space<hbm>> -> memref<25x400xi32, #tpu.memory_space<hbm>>
    %dma_wait3A_33 = arith.constant 0 : i32
    %dma_wait3A_34 = tpu.memref_slice %arg4[%mul3A_4, %dma_wait3A_33] : memref<800x400xi32, #tpu.memory_space<hbm>> -> memref<25x400xi32, #tpu.memory_space<hbm>>
    tpu.wait_dma2 semaphore(%arg13 : memref<!tpu.dma_semaphore, #tpu.memory_space<semaphore_mem>>) src(%dma_wait3A_34 : memref<25x400xi32, #tpu.memory_space<hbm>>) dst(%arg9 : memref<25x400xi32, #tpu.memory_space<vmem>>)
    %dma_wait3A_35 = arith.constant 0 : i32
    %dma_wait3A_36 = tpu.memref_slice %arg5[%mul3A_4, %dma_wait3A_35] : memref<800x400xf32, #tpu.memory_space<hbm>> -> memref<25x400xf32, #tpu.memory_space<hbm>>
    %dma_wait3A_37 = arith.constant 0 : i32
    %dma_wait3A_38 = tpu.memref_slice %arg5[%mul3A_4, %dma_wait3A_37] : memref<800x400xf32, #tpu.memory_space<hbm>> -> memref<25x400xf32, #tpu.memory_space<hbm>>
    tpu.wait_dma2 semaphore(%arg13 : memref<!tpu.dma_semaphore, #tpu.memory_space<semaphore_mem>>) src(%dma_wait3A_38 : memref<25x400xf32, #tpu.memory_space<hbm>>) dst(%arg16 : memref<25x400xf32, #tpu.memory_space<vmem>>)
    %barrier3A = arith.constant 0 : index
    tpu.barrier barrier_id(%barrier3A)
    %dma_start3A_39 = arith.constant 0 : i32
    %dma_start3A_40 = arith.constant 0 : i32
    %dma_start3A_41 = arith.constant 0 : i32
    %dma_start3A_42 = arith.constant 0 : i32
    %dma_start3A_43 = tpu.memref_slice %arg11[%dma_start3A_40, %dma_start3A_41, %dma_start3A_42] : memref<2x400x16xf32, #tpu.memory_space<vmem>> -> memref<1x400x16xf32, #tpu.memory_space<vmem>>
    %dma_start3A_44 = tpu.memref_squeeze %dma_start3A_43 : memref<1x400x16xf32, #tpu.memory_space<vmem>> -> memref<400x16xf32, #tpu.memory_space<vmem>>
    %dma_start3A_45 = arith.constant 0 : i32
    %dma_start3A_46 = tpu.memref_slice %arg12[%dma_start3A_39, %dma_start3A_45] : memref<25x400xi32, #tpu.memory_space<vmem>> -> memref<1x400xi32, #tpu.memory_space<vmem>>
    %dma_start3A_47 = tpu.memref_squeeze %dma_start3A_46 : memref<1x400xi32, #tpu.memory_space<vmem>> -> memref<400xi32, #tpu.memory_space<vmem>>
    %dma_start3A_48 = arith.constant 0 : i32
    %dma_start3A_49 = arith.constant 0 : i32
    %dma_start3A_50 = tpu.memref_slice %arg15[%dma_start3A_48, %dma_start3A_49] : memref<10000x16xf32, #tpu.memory_space<vmem_shared>> -> memref<10000x16xf32, #tpu.memory_space<vmem_shared>>
    tpu.enqueue_indirect_dma source(%dma_start3A_50 : memref<10000x16xf32, #tpu.memory_space<vmem_shared>>) target(%dma_start3A_44 : memref<400x16xf32, #tpu.memory_space<vmem>>) offsets(%dma_start3A_47 : memref<400xi32, #tpu.memory_space<vmem>>) semaphore(%arg10 : memref<!tpu.dma_semaphore, #tpu.memory_space<semaphore_mem>>)
    %scan3A = arith.constant 0 : i32
    %scan3A_51 = arith.constant 0 : i32
    %scan3A_52 = arith.constant 12 : i32
    %scan3A_53 = arith.addi %scan3A_51, %scan3A_52 : i32
    %scan3A_54 = arith.constant 1 : i32
    %scan3A_55 = scf.for %scan3A_108 = %scan3A_51 to %scan3A_53 step %scan3A_54 iter_args(%scan3A_109 = %scan3A) -> (i32)  : i32 {
      %mul3A_110 = arith.constant 2 : i32
      %mul3A_111 = arith.muli %mul3A_110, %scan3A_108 : i32
      %dma_wait3A_112 = arith.constant 0 : i32
      %dma_wait3A_113 = arith.constant 0 : i32
      %dma_wait3A_114 = arith.constant 0 : i32
      %dma_wait3A_115 = tpu.memref_slice %arg11[%dma_wait3A_112, %dma_wait3A_113, %dma_wait3A_114] : memref<2x400x16xf32, #tpu.memory_space<vmem>> -> memref<1x400x16xf32, #tpu.memory_space<vmem>>
      %dma_wait3A_116 = tpu.memref_squeeze %dma_wait3A_115 : memref<1x400x16xf32, #tpu.memory_space<vmem>> -> memref<400x16xf32, #tpu.memory_space<vmem>>
      %dma_wait3A_117 = arith.constant 0 : i32
      %dma_wait3A_118 = tpu.memref_slice %arg12[%mul3A_111, %dma_wait3A_117] : memref<25x400xi32, #tpu.memory_space<vmem>> -> memref<1x400xi32, #tpu.memory_space<vmem>>
      %dma_wait3A_119 = tpu.memref_squeeze %dma_wait3A_118 : memref<1x400xi32, #tpu.memory_space<vmem>> -> memref<400xi32, #tpu.memory_space<vmem>>
      %dma_wait3A_120 = arith.constant 0 : i32
      %dma_wait3A_121 = arith.constant 0 : i32
      %dma_wait3A_122 = tpu.memref_slice %arg15[%dma_wait3A_120, %dma_wait3A_121] : memref<10000x16xf32, #tpu.memory_space<vmem_shared>> -> memref<10000x16xf32, #tpu.memory_space<vmem_shared>>
      tpu.wait_indirect_dma semaphore(%arg10 : memref<!tpu.dma_semaphore, #tpu.memory_space<semaphore_mem>>) src(%dma_wait3A_122 : memref<10000x16xf32, #tpu.memory_space<vmem_shared>>) dst(%dma_wait3A_116 : memref<400x16xf32, #tpu.memory_space<vmem>>)
      %add3A_123 = arith.constant 1 : i32
      %add3A_124 = arith.addi %mul3A_111, %add3A_123 : i32
      %lt3A = arith.constant 25 : i32
      %lt3A_125 = arith.cmpi slt, %add3A_124, %lt3A : i32
      %convert_element_type3A = arith.extui %lt3A_125 : i1 to i32
      %cond3A = arith.constant 0 : i32
      %cond3A_126 = arith.cmpi ne, %convert_element_type3A, %cond3A : i32
      scf.if %cond3A_126 {
        %ge3A = arith.constant 1 : i32
        %ge3A_178 = arith.cmpi sge, %mul3A_111, %ge3A : i32
        %convert_element_type3A_179 = arith.extui %ge3A_178 : i1 to i32
        %cond3A_180 = arith.constant 0 : i32
        %cond3A_181 = arith.cmpi ne, %convert_element_type3A_179, %cond3A_180 : i32
        scf.if %cond3A_181 {
          %dma_wait3A_195 = arith.constant 1 : i32
          %dma_wait3A_196 = arith.constant 0 : i32
          %dma_wait3A_197 = arith.constant 0 : i32
          %dma_wait3A_198 = arith.constant 0 : i32
          %dma_wait3A_199 = tpu.memref_slice %arg11[%dma_wait3A_195, %dma_wait3A_197, %dma_wait3A_198] : memref<2x400x16xf32, #tpu.memory_space<vmem>> -> memref<1x400x16xf32, #tpu.memory_space<vmem>>
          %dma_wait3A_200 = tpu.memref_squeeze %dma_wait3A_199 : memref<1x400x16xf32, #tpu.memory_space<vmem>> -> memref<400x16xf32, #tpu.memory_space<vmem>>
          %dma_wait3A_201 = arith.constant 0 : i32
          %dma_wait3A_202 = tpu.memref_slice %arg9[%dma_wait3A_196, %dma_wait3A_201] : memref<25x400xi32, #tpu.memory_space<vmem>> -> memref<1x400xi32, #tpu.memory_space<vmem>>
          %dma_wait3A_203 = tpu.memref_squeeze %dma_wait3A_202 : memref<1x400xi32, #tpu.memory_space<vmem>> -> memref<400xi32, #tpu.memory_space<vmem>>
          %dma_wait3A_204 = arith.constant 0 : i32
          %dma_wait3A_205 = arith.constant 0 : i32
          %dma_wait3A_206 = tpu.memref_slice %arg8[%dma_wait3A_204, %dma_wait3A_205] : memref<10000x16xf32, #tpu.memory_space<vmem_shared>> -> memref<10000x16xf32, #tpu.memory_space<vmem_shared>>
          tpu.wait_indirect_dma semaphore(%arg14 : memref<!tpu.dma_semaphore, #tpu.memory_space<semaphore_mem>>) src(%dma_wait3A_200 : memref<400x16xf32, #tpu.memory_space<vmem>>) dst(%dma_wait3A_206 : memref<10000x16xf32, #tpu.memory_space<vmem_shared>>)
        } else {
        }
        %add3A_182 = arith.constant 1 : i32
        %add3A_183 = arith.addi %mul3A_111, %add3A_182 : i32
        %dma_start3A_184 = arith.constant 1 : i32
        %dma_start3A_185 = arith.constant 0 : i32
        %dma_start3A_186 = arith.constant 0 : i32
        %dma_start3A_187 = tpu.memref_slice %arg11[%dma_start3A_184, %dma_start3A_185, %dma_start3A_186] : memref<2x400x16xf32, #tpu.memory_space<vmem>> -> memref<1x400x16xf32, #tpu.memory_space<vmem>>
        %dma_start3A_188 = tpu.memref_squeeze %dma_start3A_187 : memref<1x400x16xf32, #tpu.memory_space<vmem>> -> memref<400x16xf32, #tpu.memory_space<vmem>>
        %dma_start3A_189 = arith.constant 0 : i32
        %dma_start3A_190 = tpu.memref_slice %arg12[%add3A_183, %dma_start3A_189] : memref<25x400xi32, #tpu.memory_space<vmem>> -> memref<1x400xi32, #tpu.memory_space<vmem>>
        %dma_start3A_191 = tpu.memref_squeeze %dma_start3A_190 : memref<1x400xi32, #tpu.memory_space<vmem>> -> memref<400xi32, #tpu.memory_space<vmem>>
        %dma_start3A_192 = arith.constant 0 : i32
        %dma_start3A_193 = arith.constant 0 : i32
        %dma_start3A_194 = tpu.memref_slice %arg15[%dma_start3A_192, %dma_start3A_193] : memref<10000x16xf32, #tpu.memory_space<vmem_shared>> -> memref<10000x16xf32, #tpu.memory_space<vmem_shared>>
        tpu.enqueue_indirect_dma source(%dma_start3A_194 : memref<10000x16xf32, #tpu.memory_space<vmem_shared>>) target(%dma_start3A_188 : memref<400x16xf32, #tpu.memory_space<vmem>>) offsets(%dma_start3A_191 : memref<400xi32, #tpu.memory_space<vmem>>) semaphore(%arg10 : memref<!tpu.dma_semaphore, #tpu.memory_space<semaphore_mem>>)
      } else {
      }
      %parallel_loop3A_127 = arith.constant 0 : i32
      %parallel_loop3A_128 = arith.constant 400 : i32
      %parallel_loop3A_129 = arith.constant 1 : i32
      scf.for %parallel_loop3A_178 = %parallel_loop3A_127 to %parallel_loop3A_128 step %parallel_loop3A_129  : i32 {
        %parallel_loop3A_179 = vector.broadcast %mul3A_111 : i32 to vector<16xi32>
        %parallel_loop3A_180 = vector.broadcast %parallel_loop3A_178 : i32 to vector<16xi32>
        %parallel_loop3A_181 = tpu.vector_load_idx %arg16[%parallel_loop3A_179, %parallel_loop3A_180] : memref<25x400xf32, #tpu.memory_space<vmem>>[vector<16xi32>, vector<16xi32>], vector<16xf32>,
        %parallel_loop3A_182 = arith.constant 0 : i32
        %parallel_loop3A_183 = arith.index_cast %parallel_loop3A_182 : i32 to index
        %parallel_loop3A_184 = arith.index_cast %parallel_loop3A_178 : i32 to index
        %parallel_loop3A_185 = arith.constant 0 : index
        %parallel_loop3A_186 = tpu.vector_load %arg11[%parallel_loop3A_183, %parallel_loop3A_184, %parallel_loop3A_185] {strides = array<i32>} : memref<2x400x16xf32, #tpu.memory_space<vmem>>, vector<16xf32>,
        %parallel_loop3A_187 = arith.mulf %parallel_loop3A_186, %parallel_loop3A_181 : vector<16xf32>
        %parallel_loop3A_188 = arith.constant 0 : i32
        %parallel_loop3A_189 = arith.index_cast %parallel_loop3A_188 : i32 to index
        %parallel_loop3A_190 = arith.index_cast %parallel_loop3A_178 : i32 to index
        %parallel_loop3A_191 = arith.constant 0 : index
        %parallel_loop3A_192 = tpu.vector_load %arg11[%parallel_loop3A_189, %parallel_loop3A_190, %parallel_loop3A_191] {strides = array<i32>} : memref<2x400x16xf32, #tpu.memory_space<vmem>>, vector<16xf32>,
        tpu.vector_store %arg11[%parallel_loop3A_189, %parallel_loop3A_190, %parallel_loop3A_191], %parallel_loop3A_187 {strides = array<i32>} : memref<2x400x16xf32, #tpu.memory_space<vmem>>, vector<16xf32>,
      } {sc.loop_unroll_factor = 8 : i64, sc.parallel_access}
      %dma_start3A_130 = arith.constant 0 : i32
      %dma_start3A_131 = arith.constant 0 : i32
      %dma_start3A_132 = arith.constant 0 : i32
      %dma_start3A_133 = tpu.memref_slice %arg11[%dma_start3A_130, %dma_start3A_131, %dma_start3A_132] : memref<2x400x16xf32, #tpu.memory_space<vmem>> -> memref<1x400x16xf32, #tpu.memory_space<vmem>>
      %dma_start3A_134 = tpu.memref_squeeze %dma_start3A_133 : memref<1x400x16xf32, #tpu.memory_space<vmem>> -> memref<400x16xf32, #tpu.memory_space<vmem>>
      %dma_start3A_135 = arith.constant 0 : i32
      %dma_start3A_136 = tpu.memref_slice %arg9[%mul3A_111, %dma_start3A_135] : memref<25x400xi32, #tpu.memory_space<vmem>> -> memref<1x400xi32, #tpu.memory_space<vmem>>
      %dma_start3A_137 = tpu.memref_squeeze %dma_start3A_136 : memref<1x400xi32, #tpu.memory_space<vmem>> -> memref<400xi32, #tpu.memory_space<vmem>>
      %dma_start3A_138 = arith.constant 0 : i32
      %dma_start3A_139 = arith.constant 0 : i32
      %dma_start3A_140 = tpu.memref_slice %arg8[%dma_start3A_138, %dma_start3A_139] : memref<10000x16xf32, #tpu.memory_space<vmem_shared>> -> memref<10000x16xf32, #tpu.memory_space<vmem_shared>>
      tpu.enqueue_indirect_dma source(%dma_start3A_134 : memref<400x16xf32, #tpu.memory_space<vmem>>) target(%dma_start3A_140 : memref<10000x16xf32, #tpu.memory_space<vmem_shared>>) offsets(%dma_start3A_137 : memref<400xi32, #tpu.memory_space<vmem>>) semaphore(%arg14 : memref<!tpu.dma_semaphore, #tpu.memory_space<semaphore_mem>>) {add = true}
      %mul3A_141 = arith.constant 2 : i32
      %mul3A_142 = arith.muli %mul3A_141, %scan3A_108 : i32
      %add3A_143 = arith.constant 1 : i32
      %add3A_144 = arith.addi %mul3A_142, %add3A_143 : i32
      %dma_wait3A_145 = arith.constant 1 : i32
      %dma_wait3A_146 = arith.constant 0 : i32
      %dma_wait3A_147 = arith.constant 0 : i32
      %dma_wait3A_148 = tpu.memref_slice %arg11[%dma_wait3A_145, %dma_wait3A_146, %dma_wait3A_147] : memref<2x400x16xf32, #tpu.memory_space<vmem>> -> memref<1x400x16xf32, #tpu.memory_space<vmem>>
      %dma_wait3A_149 = tpu.memref_squeeze %dma_wait3A_148 : memref<1x400x16xf32, #tpu.memory_space<vmem>> -> memref<400x16xf32, #tpu.memory_space<vmem>>
      %dma_wait3A_150 = arith.constant 0 : i32
      %dma_wait3A_151 = tpu.memref_slice %arg12[%add3A_144, %dma_wait3A_150] : memref<25x400xi32, #tpu.memory_space<vmem>> -> memref<1x400xi32, #tpu.memory_space<vmem>>
      %dma_wait3A_152 = tpu.memref_squeeze %dma_wait3A_151 : memref<1x400xi32, #tpu.memory_space<vmem>> -> memref<400xi32, #tpu.memory_space<vmem>>
      %dma_wait3A_153 = arith.constant 0 : i32
      %dma_wait3A_154 = arith.constant 0 : i32
      %dma_wait3A_155 = tpu.memref_slice %arg15[%dma_wait3A_153, %dma_wait3A_154] : memref<10000x16xf32, #tpu.memory_space<vmem_shared>> -> memref<10000x16xf32, #tpu.memory_space<vmem_shared>>
      tpu.wait_indirect_dma semaphore(%arg10 : memref<!tpu.dma_semaphore, #tpu.memory_space<semaphore_mem>>) src(%dma_wait3A_155 : memref<10000x16xf32, #tpu.memory_space<vmem_shared>>) dst(%dma_wait3A_149 : memref<400x16xf32, #tpu.memory_space<vmem>>)
      %add3A_156 = arith.constant 1 : i32
      %add3A_157 = arith.addi %add3A_144, %add3A_156 : i32
      %lt3A_158 = arith.constant 25 : i32
      %lt3A_159 = arith.cmpi slt, %add3A_157, %lt3A_158 : i32
      %convert_element_type3A_160 = arith.extui %lt3A_159 : i1 to i32
      %cond3A_161 = arith.constant 0 : i32
      %cond3A_162 = arith.cmpi ne, %convert_element_type3A_160, %cond3A_161 : i32
      scf.if %cond3A_162 {
        %ge3A = arith.constant 1 : i32
        %ge3A_178 = arith.cmpi sge, %add3A_144, %ge3A : i32
        %convert_element_type3A_179 = arith.extui %ge3A_178 : i1 to i32
        %cond3A_180 = arith.constant 0 : i32
        %cond3A_181 = arith.cmpi ne, %convert_element_type3A_179, %cond3A_180 : i32
        scf.if %cond3A_181 {
          %dma_wait3A_195 = arith.constant 0 : i32
          %dma_wait3A_196 = arith.constant 0 : i32
          %dma_wait3A_197 = arith.constant 0 : i32
          %dma_wait3A_198 = arith.constant 0 : i32
          %dma_wait3A_199 = tpu.memref_slice %arg11[%dma_wait3A_195, %dma_wait3A_197, %dma_wait3A_198] : memref<2x400x16xf32, #tpu.memory_space<vmem>> -> memref<1x400x16xf32, #tpu.memory_space<vmem>>
          %dma_wait3A_200 = tpu.memref_squeeze %dma_wait3A_199 : memref<1x400x16xf32, #tpu.memory_space<vmem>> -> memref<400x16xf32, #tpu.memory_space<vmem>>
          %dma_wait3A_201 = arith.constant 0 : i32
          %dma_wait3A_202 = tpu.memref_slice %arg9[%dma_wait3A_196, %dma_wait3A_201] : memref<25x400xi32, #tpu.memory_space<vmem>> -> memref<1x400xi32, #tpu.memory_space<vmem>>
          %dma_wait3A_203 = tpu.memref_squeeze %dma_wait3A_202 : memref<1x400xi32, #tpu.memory_space<vmem>> -> memref<400xi32, #tpu.memory_space<vmem>>
          %dma_wait3A_204 = arith.constant 0 : i32
          %dma_wait3A_205 = arith.constant 0 : i32
          %dma_wait3A_206 = tpu.memref_slice %arg8[%dma_wait3A_204, %dma_wait3A_205] : memref<10000x16xf32, #tpu.memory_space<vmem_shared>> -> memref<10000x16xf32, #tpu.memory_space<vmem_shared>>
          tpu.wait_indirect_dma semaphore(%arg14 : memref<!tpu.dma_semaphore, #tpu.memory_space<semaphore_mem>>) src(%dma_wait3A_200 : memref<400x16xf32, #tpu.memory_space<vmem>>) dst(%dma_wait3A_206 : memref<10000x16xf32, #tpu.memory_space<vmem_shared>>)
        } else {
        }
        %add3A_182 = arith.constant 1 : i32
        %add3A_183 = arith.addi %add3A_144, %add3A_182 : i32
        %dma_start3A_184 = arith.constant 0 : i32
        %dma_start3A_185 = arith.constant 0 : i32
        %dma_start3A_186 = arith.constant 0 : i32
        %dma_start3A_187 = tpu.memref_slice %arg11[%dma_start3A_184, %dma_start3A_185, %dma_start3A_186] : memref<2x400x16xf32, #tpu.memory_space<vmem>> -> memref<1x400x16xf32, #tpu.memory_space<vmem>>
        %dma_start3A_188 = tpu.memref_squeeze %dma_start3A_187 : memref<1x400x16xf32, #tpu.memory_space<vmem>> -> memref<400x16xf32, #tpu.memory_space<vmem>>
        %dma_start3A_189 = arith.constant 0 : i32
        %dma_start3A_190 = tpu.memref_slice %arg12[%add3A_183, %dma_start3A_189] : memref<25x400xi32, #tpu.memory_space<vmem>> -> memref<1x400xi32, #tpu.memory_space<vmem>>
        %dma_start3A_191 = tpu.memref_squeeze %dma_start3A_190 : memref<1x400xi32, #tpu.memory_space<vmem>> -> memref<400xi32, #tpu.memory_space<vmem>>
        %dma_start3A_192 = arith.constant 0 : i32
        %dma_start3A_193 = arith.constant 0 : i32
        %dma_start3A_194 = tpu.memref_slice %arg15[%dma_start3A_192, %dma_start3A_193] : memref<10000x16xf32, #tpu.memory_space<vmem_shared>> -> memref<10000x16xf32, #tpu.memory_space<vmem_shared>>
        tpu.enqueue_indirect_dma source(%dma_start3A_194 : memref<10000x16xf32, #tpu.memory_space<vmem_shared>>) target(%dma_start3A_188 : memref<400x16xf32, #tpu.memory_space<vmem>>) offsets(%dma_start3A_191 : memref<400xi32, #tpu.memory_space<vmem>>) semaphore(%arg10 : memref<!tpu.dma_semaphore, #tpu.memory_space<semaphore_mem>>)
      } else {
      }
      %parallel_loop3A_163 = arith.constant 0 : i32
      %parallel_loop3A_164 = arith.constant 400 : i32
      %parallel_loop3A_165 = arith.constant 1 : i32
      scf.for %parallel_loop3A_178 = %parallel_loop3A_163 to %parallel_loop3A_164 step %parallel_loop3A_165  : i32 {
        %parallel_loop3A_179 = vector.broadcast %add3A_144 : i32 to vector<16xi32>
        %parallel_loop3A_180 = vector.broadcast %parallel_loop3A_178 : i32 to vector<16xi32>
        %parallel_loop3A_181 = tpu.vector_load_idx %arg16[%parallel_loop3A_179, %parallel_loop3A_180] : memref<25x400xf32, #tpu.memory_space<vmem>>[vector<16xi32>, vector<16xi32>], vector<16xf32>,
        %parallel_loop3A_182 = arith.constant 1 : i32
        %parallel_loop3A_183 = arith.index_cast %parallel_loop3A_182 : i32 to index
        %parallel_loop3A_184 = arith.index_cast %parallel_loop3A_178 : i32 to index
        %parallel_loop3A_185 = arith.constant 0 : index
        %parallel_loop3A_186 = tpu.vector_load %arg11[%parallel_loop3A_183, %parallel_loop3A_184, %parallel_loop3A_185] {strides = array<i32>} : memref<2x400x16xf32, #tpu.memory_space<vmem>>, vector<16xf32>,
        %parallel_loop3A_187 = arith.mulf %parallel_loop3A_186, %parallel_loop3A_181 : vector<16xf32>
        %parallel_loop3A_188 = arith.constant 1 : i32
        %parallel_loop3A_189 = arith.index_cast %parallel_loop3A_188 : i32 to index
        %parallel_loop3A_190 = arith.index_cast %parallel_loop3A_178 : i32 to index
        %parallel_loop3A_191 = arith.constant 0 : index
        %parallel_loop3A_192 = tpu.vector_load %arg11[%parallel_loop3A_189, %parallel_loop3A_190, %parallel_loop3A_191] {strides = array<i32>} : memref<2x400x16xf32, #tpu.memory_space<vmem>>, vector<16xf32>,
        tpu.vector_store %arg11[%parallel_loop3A_189, %parallel_loop3A_190, %parallel_loop3A_191], %parallel_loop3A_187 {strides = array<i32>} : memref<2x400x16xf32, #tpu.memory_space<vmem>>, vector<16xf32>,
      } {sc.loop_unroll_factor = 8 : i64, sc.parallel_access}
      %dma_start3A_166 = arith.constant 1 : i32
      %dma_start3A_167 = arith.constant 0 : i32
      %dma_start3A_168 = arith.constant 0 : i32
      %dma_start3A_169 = tpu.memref_slice %arg11[%dma_start3A_166, %dma_start3A_167, %dma_start3A_168] : memref<2x400x16xf32, #tpu.memory_space<vmem>> -> memref<1x400x16xf32, #tpu.memory_space<vmem>>
      %dma_start3A_170 = tpu.memref_squeeze %dma_start3A_169 : memref<1x400x16xf32, #tpu.memory_space<vmem>> -> memref<400x16xf32, #tpu.memory_space<vmem>>
      %dma_start3A_171 = arith.constant 0 : i32
      %dma_start3A_172 = tpu.memref_slice %arg9[%add3A_144, %dma_start3A_171] : memref<25x400xi32, #tpu.memory_space<vmem>> -> memref<1x400xi32, #tpu.memory_space<vmem>>
      %dma_start3A_173 = tpu.memref_squeeze %dma_start3A_172 : memref<1x400xi32, #tpu.memory_space<vmem>> -> memref<400xi32, #tpu.memory_space<vmem>>
      %dma_start3A_174 = arith.constant 0 : i32
      %dma_start3A_175 = arith.constant 0 : i32
      %dma_start3A_176 = tpu.memref_slice %arg8[%dma_start3A_174, %dma_start3A_175] : memref<10000x16xf32, #tpu.memory_space<vmem_shared>> -> memref<10000x16xf32, #tpu.memory_space<vmem_shared>>
      tpu.enqueue_indirect_dma source(%dma_start3A_170 : memref<400x16xf32, #tpu.memory_space<vmem>>) target(%dma_start3A_176 : memref<10000x16xf32, #tpu.memory_space<vmem_shared>>) offsets(%dma_start3A_173 : memref<400xi32, #tpu.memory_space<vmem>>) semaphore(%arg14 : memref<!tpu.dma_semaphore, #tpu.memory_space<semaphore_mem>>) {add = true}
      %scan3A_177 = arith.constant 0 : i32
      scf.yield %scan3A_177 : i32
    }
    %scan3A_56 = arith.constant 12 : i32
    %dma_wait3A_57 = arith.constant 24 : i32
    %dma_wait3A_58 = arith.constant 0 : i32
    %dma_wait3A_59 = arith.constant 0 : i32
    %dma_wait3A_60 = arith.constant 0 : i32
    %dma_wait3A_61 = tpu.memref_slice %arg11[%dma_wait3A_58, %dma_wait3A_59, %dma_wait3A_60] : memref<2x400x16xf32, #tpu.memory_space<vmem>> -> memref<1x400x16xf32, #tpu.memory_space<vmem>>
    %dma_wait3A_62 = tpu.memref_squeeze %dma_wait3A_61 : memref<1x400x16xf32, #tpu.memory_space<vmem>> -> memref<400x16xf32, #tpu.memory_space<vmem>>
    %dma_wait3A_63 = arith.constant 0 : i32
    %dma_wait3A_64 = tpu.memref_slice %arg12[%dma_wait3A_57, %dma_wait3A_63] : memref<25x400xi32, #tpu.memory_space<vmem>> -> memref<1x400xi32, #tpu.memory_space<vmem>>
    %dma_wait3A_65 = tpu.memref_squeeze %dma_wait3A_64 : memref<1x400xi32, #tpu.memory_space<vmem>> -> memref<400xi32, #tpu.memory_space<vmem>>
    %dma_wait3A_66 = arith.constant 0 : i32
    %dma_wait3A_67 = arith.constant 0 : i32
    %dma_wait3A_68 = tpu.memref_slice %arg15[%dma_wait3A_66, %dma_wait3A_67] : memref<10000x16xf32, #tpu.memory_space<vmem_shared>> -> memref<10000x16xf32, #tpu.memory_space<vmem_shared>>
    tpu.wait_indirect_dma semaphore(%arg10 : memref<!tpu.dma_semaphore, #tpu.memory_space<semaphore_mem>>) src(%dma_wait3A_68 : memref<10000x16xf32, #tpu.memory_space<vmem_shared>>) dst(%dma_wait3A_62 : memref<400x16xf32, #tpu.memory_space<vmem>>)
    %parallel_loop3A = arith.constant 0 : i32
    %parallel_loop3A_69 = arith.constant 400 : i32
    %parallel_loop3A_70 = arith.constant 1 : i32
    scf.for %parallel_loop3A_108 = %parallel_loop3A to %parallel_loop3A_69 step %parallel_loop3A_70  : i32 {
      %parallel_loop3A_109 = arith.constant 24 : i32
      %parallel_loop3A_110 = vector.broadcast %parallel_loop3A_109 : i32 to vector<16xi32>
      %parallel_loop3A_111 = vector.broadcast %parallel_loop3A_108 : i32 to vector<16xi32>
      %parallel_loop3A_112 = tpu.vector_load_idx %arg16[%parallel_loop3A_110, %parallel_loop3A_111] : memref<25x400xf32, #tpu.memory_space<vmem>>[vector<16xi32>, vector<16xi32>], vector<16xf32>,
      %parallel_loop3A_113 = arith.constant 0 : i32
      %parallel_loop3A_114 = arith.index_cast %parallel_loop3A_113 : i32 to index
      %parallel_loop3A_115 = arith.index_cast %parallel_loop3A_108 : i32 to index
      %parallel_loop3A_116 = arith.constant 0 : index
      %parallel_loop3A_117 = tpu.vector_load %arg11[%parallel_loop3A_114, %parallel_loop3A_115, %parallel_loop3A_116] {strides = array<i32>} : memref<2x400x16xf32, #tpu.memory_space<vmem>>, vector<16xf32>,
      %parallel_loop3A_118 = arith.mulf %parallel_loop3A_117, %parallel_loop3A_112 : vector<16xf32>
      %parallel_loop3A_119 = arith.constant 0 : i32
      %parallel_loop3A_120 = arith.index_cast %parallel_loop3A_119 : i32 to index
      %parallel_loop3A_121 = arith.index_cast %parallel_loop3A_108 : i32 to index
      %parallel_loop3A_122 = arith.constant 0 : index
      %parallel_loop3A_123 = tpu.vector_load %arg11[%parallel_loop3A_120, %parallel_loop3A_121, %parallel_loop3A_122] {strides = array<i32>} : memref<2x400x16xf32, #tpu.memory_space<vmem>>, vector<16xf32>,
      tpu.vector_store %arg11[%parallel_loop3A_120, %parallel_loop3A_121, %parallel_loop3A_122], %parallel_loop3A_118 {strides = array<i32>} : memref<2x400x16xf32, #tpu.memory_space<vmem>>, vector<16xf32>,
    } {sc.loop_unroll_factor = 8 : i64, sc.parallel_access}
    %dma_start3A_71 = arith.constant 0 : i32
    %dma_start3A_72 = arith.constant 24 : i32
    %dma_start3A_73 = arith.constant 0 : i32
    %dma_start3A_74 = arith.constant 0 : i32
    %dma_start3A_75 = tpu.memref_slice %arg11[%dma_start3A_71, %dma_start3A_73, %dma_start3A_74] : memref<2x400x16xf32, #tpu.memory_space<vmem>> -> memref<1x400x16xf32, #tpu.memory_space<vmem>>
    %dma_start3A_76 = tpu.memref_squeeze %dma_start3A_75 : memref<1x400x16xf32, #tpu.memory_space<vmem>> -> memref<400x16xf32, #tpu.memory_space<vmem>>
    %dma_start3A_77 = arith.constant 0 : i32
    %dma_start3A_78 = tpu.memref_slice %arg9[%dma_start3A_72, %dma_start3A_77] : memref<25x400xi32, #tpu.memory_space<vmem>> -> memref<1x400xi32, #tpu.memory_space<vmem>>
    %dma_start3A_79 = tpu.memref_squeeze %dma_start3A_78 : memref<1x400xi32, #tpu.memory_space<vmem>> -> memref<400xi32, #tpu.memory_space<vmem>>
    %dma_start3A_80 = arith.constant 0 : i32
    %dma_start3A_81 = arith.constant 0 : i32
    %dma_start3A_82 = tpu.memref_slice %arg8[%dma_start3A_80, %dma_start3A_81] : memref<10000x16xf32, #tpu.memory_space<vmem_shared>> -> memref<10000x16xf32, #tpu.memory_space<vmem_shared>>
    tpu.enqueue_indirect_dma source(%dma_start3A_76 : memref<400x16xf32, #tpu.memory_space<vmem>>) target(%dma_start3A_82 : memref<10000x16xf32, #tpu.memory_space<vmem_shared>>) offsets(%dma_start3A_79 : memref<400xi32, #tpu.memory_space<vmem>>) semaphore(%arg14 : memref<!tpu.dma_semaphore, #tpu.memory_space<semaphore_mem>>) {add = true}
    %dma_wait3A_83 = arith.constant 0 : i32
    %dma_wait3A_84 = arith.constant 0 : i32
    %dma_wait3A_85 = arith.constant 0 : i32
    %dma_wait3A_86 = arith.constant 0 : i32
    %dma_wait3A_87 = tpu.memref_slice %arg11[%dma_wait3A_83, %dma_wait3A_85, %dma_wait3A_86] : memref<2x400x16xf32, #tpu.memory_space<vmem>> -> memref<1x400x16xf32, #tpu.memory_space<vmem>>
    %dma_wait3A_88 = tpu.memref_squeeze %dma_wait3A_87 : memref<1x400x16xf32, #tpu.memory_space<vmem>> -> memref<400x16xf32, #tpu.memory_space<vmem>>
    %dma_wait3A_89 = arith.constant 0 : i32
    %dma_wait3A_90 = tpu.memref_slice %arg9[%dma_wait3A_84, %dma_wait3A_89] : memref<25x400xi32, #tpu.memory_space<vmem>> -> memref<1x400xi32, #tpu.memory_space<vmem>>
    %dma_wait3A_91 = tpu.memref_squeeze %dma_wait3A_90 : memref<1x400xi32, #tpu.memory_space<vmem>> -> memref<400xi32, #tpu.memory_space<vmem>>
    %dma_wait3A_92 = arith.constant 0 : i32
    %dma_wait3A_93 = arith.constant 0 : i32
    %dma_wait3A_94 = tpu.memref_slice %arg8[%dma_wait3A_92, %dma_wait3A_93] : memref<10000x16xf32, #tpu.memory_space<vmem_shared>> -> memref<10000x16xf32, #tpu.memory_space<vmem_shared>>
    tpu.wait_indirect_dma semaphore(%arg14 : memref<!tpu.dma_semaphore, #tpu.memory_space<semaphore_mem>>) src(%dma_wait3A_88 : memref<400x16xf32, #tpu.memory_space<vmem>>) dst(%dma_wait3A_94 : memref<10000x16xf32, #tpu.memory_space<vmem_shared>>)
    %dma_wait3A_95 = arith.constant 1 : i32
    %dma_wait3A_96 = arith.constant 0 : i32
    %dma_wait3A_97 = arith.constant 0 : i32
    %dma_wait3A_98 = arith.constant 0 : i32
    %dma_wait3A_99 = tpu.memref_slice %arg11[%dma_wait3A_95, %dma_wait3A_97, %dma_wait3A_98] : memref<2x400x16xf32, #tpu.memory_space<vmem>> -> memref<1x400x16xf32, #tpu.memory_space<vmem>>
    %dma_wait3A_100 = tpu.memref_squeeze %dma_wait3A_99 : memref<1x400x16xf32, #tpu.memory_space<vmem>> -> memref<400x16xf32, #tpu.memory_space<vmem>>
    %dma_wait3A_101 = arith.constant 0 : i32
    %dma_wait3A_102 = tpu.memref_slice %arg9[%dma_wait3A_96, %dma_wait3A_101] : memref<25x400xi32, #tpu.memory_space<vmem>> -> memref<1x400xi32, #tpu.memory_space<vmem>>
    %dma_wait3A_103 = tpu.memref_squeeze %dma_wait3A_102 : memref<1x400xi32, #tpu.memory_space<vmem>> -> memref<400xi32, #tpu.memory_space<vmem>>
    %dma_wait3A_104 = arith.constant 0 : i32
    %dma_wait3A_105 = arith.constant 0 : i32
    %dma_wait3A_106 = tpu.memref_slice %arg8[%dma_wait3A_104, %dma_wait3A_105] : memref<10000x16xf32, #tpu.memory_space<vmem_shared>> -> memref<10000x16xf32, #tpu.memory_space<vmem_shared>>
    tpu.wait_indirect_dma semaphore(%arg14 : memref<!tpu.dma_semaphore, #tpu.memory_space<semaphore_mem>>) src(%dma_wait3A_100 : memref<400x16xf32, #tpu.memory_space<vmem>>) dst(%dma_wait3A_106 : memref<10000x16xf32, #tpu.memory_space<vmem_shared>>)
    %barrier3A_107 = arith.constant 0 : index
    tpu.barrier barrier_id(%barrier3A_107)
    "tpu.region"() ({
      %run_scoped3A = tpu.sem_alloc : memref<!tpu.dma_semaphore, #tpu.memory_space<semaphore_mem>>
      %dma_start3A_108 = arith.constant 0 : i32
      %dma_start3A_109 = tpu.memref_slice %arg7[%arg0, %mul3A_0, %dma_start3A_108] : memref<2x10000x16xf32, #tpu.memory_space<hbm>> -> memref<1x625x16xf32, #tpu.memory_space<hbm>>
      %dma_start3A_110 = tpu.memref_squeeze %dma_start3A_109 : memref<1x625x16xf32, #tpu.memory_space<hbm>> -> memref<625x16xf32, #tpu.memory_space<hbm>>
      %dma_start3A_111 = arith.constant 0 : i32
      %dma_start3A_112 = tpu.memref_slice %arg8[%mul3A_0, %dma_start3A_111] : memref<10000x16xf32, #tpu.memory_space<vmem_shared>> -> memref<625x16xf32, #tpu.memory_space<vmem_shared>>
      tpu.enqueue_dma source(%dma_start3A_112 : memref<625x16xf32, #tpu.memory_space<vmem_shared>>) target(%dma_start3A_110 : memref<625x16xf32, #tpu.memory_space<hbm>>) target_semaphore(%run_scoped3A : memref<!tpu.dma_semaphore, #tpu.memory_space<semaphore_mem>>)
      %dma_wait3A_113 = arith.constant 0 : i32
      %dma_wait3A_114 = tpu.memref_slice %arg7[%arg0, %mul3A_0, %dma_wait3A_113] : memref<2x10000x16xf32, #tpu.memory_space<hbm>> -> memref<1x625x16xf32, #tpu.memory_space<hbm>>
      %dma_wait3A_115 = tpu.memref_squeeze %dma_wait3A_114 : memref<1x625x16xf32, #tpu.memory_space<hbm>> -> memref<625x16xf32, #tpu.memory_space<hbm>>
      %dma_wait3A_116 = arith.constant 0 : i32
      %dma_wait3A_117 = tpu.memref_slice %arg8[%mul3A_0, %dma_wait3A_116] : memref<10000x16xf32, #tpu.memory_space<vmem_shared>> -> memref<625x16xf32, #tpu.memory_space<vmem_shared>>
      tpu.wait_dma2 semaphore(%run_scoped3A : memref<!tpu.dma_semaphore, #tpu.memory_space<semaphore_mem>>) src(%dma_wait3A_117 : memref<625x16xf32, #tpu.memory_space<vmem_shared>>) dst(%dma_wait3A_115 : memref<625x16xf32, #tpu.memory_space<hbm>>)
      tpu.yield
    }) : () -> ()
    return
  }
}

#map = affine_map<(d0, d1) -> (0, 0)>
#map1 = affine_map<(d0, d1) -> (0, 0, 0)>
module attributes {stable_mosaic.version = 14 : i64} {
  func.func @k(%arg0: i32, %arg1: i32, %arg2: memref<10000x16xf32, #tpu.memory_space<hbm>>, %arg3: memref<800x400xi32, #tpu.memory_space<hbm>>, %arg4: memref<800x400xi32, #tpu.memory_space<hbm>>, %arg5: memref<800x400xf32, #tpu.memory_space<hbm>>, %arg6: memref<625x16xf32, #tpu.memory_space<hbm>>, %arg7: memref<2x10000x16xf32, #tpu.memory_space<hbm>>, %arg8: memref<10000x16xf32, #tpu.memory_space<vmem_shared>>, %arg9: memref<25x400xi32, #tpu.memory_space<vmem>>, %arg10: memref<!tpu.dma_semaphore, #tpu.memory_space<semaphore_mem>>, %arg11: memref<2x400x16xf32, #tpu.memory_space<vmem>>, %arg12: memref<25x400xi32, #tpu.memory_space<vmem>>, %arg13: memref<!tpu.dma_semaphore, #tpu.memory_space<semaphore_mem>>, %arg14: memref<!tpu.dma_semaphore, #tpu.memory_space<semaphore_mem>>, %arg15: memref<10000x16xf32, #tpu.memory_space<vmem_shared>>, %arg16: memref<25x400xf32, #tpu.memory_space<vmem>>) attributes {dimension_semantics = [#tpu.dimension_semantics<core_parallel>, #tpu.dimension_semantics<subcore_parallel>], iteration_bounds = array<i64: 2, 16>, scalar_prefetch = 0 : i64, scratch_operands = 9 : i64, tpu.core_type = #tpu.core_type<sc_vector_subcore>, window_params = [{transform_indices = #map}, {transform_indices = #map}, {transform_indices = #map}, {transform_indices = #map}, {transform_indices = #map}, {transform_indices = #map1}]} {
    %mul3A = arith.constant 625 : i32
    %mul3A_0 = arith.muli %arg1, %mul3A : i32
    %mul3A_1 = arith.constant 16 : i32
    %mul3A_2 = arith.muli %arg0, %mul3A_1 : i32
    %add3A = arith.addi %mul3A_2, %arg1 : i32
    %mul3A_3 = arith.constant 25 : i32
    %mul3A_4 = arith.muli %add3A, %mul3A_3 : i32
    %dma_start3A = arith.constant 0 : i32
    %dma_start3A_5 = tpu.memref_slice %arg15[%mul3A_0, %dma_start3A] : memref<10000x16xf32, #tpu.memory_space<vmem_shared>> -> memref<625x16xf32, #tpu.memory_space<vmem_shared>>
    %dma_start3A_6 = arith.constant 0 : i32
    %dma_start3A_7 = tpu.memref_slice %arg2[%mul3A_0, %dma_start3A_6] : memref<10000x16xf32, #tpu.memory_space<hbm>> -> memref<625x16xf32, #tpu.memory_space<hbm>>
    tpu.enqueue_dma source(%dma_start3A_7 : memref<625x16xf32, #tpu.memory_space<hbm>>) target(%dma_start3A_5 : memref<625x16xf32, #tpu.memory_space<vmem_shared>>) target_semaphore(%arg13 : memref<!tpu.dma_semaphore, #tpu.memory_space<semaphore_mem>>)
    %dma_start3A_8 = arith.constant 0 : i32
    %dma_start3A_9 = tpu.memref_slice %arg8[%mul3A_0, %dma_start3A_8] : memref<10000x16xf32, #tpu.memory_space<vmem_shared>> -> memref<625x16xf32, #tpu.memory_space<vmem_shared>>
    tpu.enqueue_dma source(%arg6 : memref<625x16xf32, #tpu.memory_space<hbm>>) target(%dma_start3A_9 : memref<625x16xf32, #tpu.memory_space<vmem_shared>>) target_semaphore(%arg13 : memref<!tpu.dma_semaphore, #tpu.memory_space<semaphore_mem>>)
    %dma_start3A_10 = arith.constant 0 : i32
    %dma_start3A_11 = tpu.memref_slice %arg3[%mul3A_4, %dma_start3A_10] : memref<800x400xi32, #tpu.memory_space<hbm>> -> memref<25x400xi32, #tpu.memory_space<hbm>>
    %dma_start3A_12 = arith.constant 0 : i32
    %dma_start3A_13 = tpu.memref_slice %arg3[%mul3A_4, %dma_start3A_12] : memref<800x400xi32, #tpu.memory_space<hbm>> -> memref<25x400xi32, #tpu.memory_space<hbm>>
    tpu.enqueue_dma source(%dma_start3A_13 : memref<25x400xi32, #tpu.memory_space<hbm>>) target(%arg12 : memref<25x400xi32, #tpu.memory_space<vmem>>) target_semaphore(%arg13 : memref<!tpu.dma_semaphore, #tpu.memory_space<semaphore_mem>>)
    %dma_start3A_14 = arith.constant 0 : i32
    %dma_start3A_15 = tpu.memref_slice %arg4[%mul3A_4, %dma_start3A_14] : memref<800x400xi32, #tpu.memory_space<hbm>> -> memref<25x400xi32, #tpu.memory_space<hbm>>
    %dma_start3A_16 = arith.constant 0 : i32
    %dma_start3A_17 = tpu.memref_slice %arg4[%mul3A_4, %dma_start3A_16] : memref<800x400xi32, #tpu.memory_space<hbm>> -> memref<25x400xi32, #tpu.memory_space<hbm>>
    tpu.enqueue_dma source(%dma_start3A_17 : memref<25x400xi32, #tpu.memory_space<hbm>>) target(%arg9 : memref<25x400xi32, #tpu.memory_space<vmem>>) target_semaphore(%arg13 : memref<!tpu.dma_semaphore, #tpu.memory_space<semaphore_mem>>)
    %dma_start3A_18 = arith.constant 0 : i32
    %dma_start3A_19 = tpu.memref_slice %arg5[%mul3A_4, %dma_start3A_18] : memref<800x400xf32, #tpu.memory_space<hbm>> -> memref<25x400xf32, #tpu.memory_space<hbm>>
    %dma_start3A_20 = arith.constant 0 : i32
    %dma_start3A_21 = tpu.memref_slice %arg5[%mul3A_4, %dma_start3A_20] : memref<800x400xf32, #tpu.memory_space<hbm>> -> memref<25x400xf32, #tpu.memory_space<hbm>>
    tpu.enqueue_dma source(%dma_start3A_21 : memref<25x400xf32, #tpu.memory_space<hbm>>) target(%arg16 : memref<25x400xf32, #tpu.memory_space<vmem>>) target_semaphore(%arg13 : memref<!tpu.dma_semaphore, #tpu.memory_space<semaphore_mem>>)
    %dma_wait3A = arith.constant 0 : i32
    %dma_wait3A_22 = tpu.memref_slice %arg15[%mul3A_0, %dma_wait3A] : memref<10000x16xf32, #tpu.memory_space<vmem_shared>> -> memref<625x16xf32, #tpu.memory_space<vmem_shared>>
    %dma_wait3A_23 = arith.constant 0 : i32
    %dma_wait3A_24 = tpu.memref_slice %arg2[%mul3A_0, %dma_wait3A_23] : memref<10000x16xf32, #tpu.memory_space<hbm>> -> memref<625x16xf32, #tpu.memory_space<hbm>>
    tpu.wait_dma2 semaphore(%arg13 : memref<!tpu.dma_semaphore, #tpu.memory_space<semaphore_mem>>) src(%dma_wait3A_24 : memref<625x16xf32, #tpu.memory_space<hbm>>) dst(%dma_wait3A_22 : memref<625x16xf32, #tpu.memory_space<vmem_shared>>)
    %dma_wait3A_25 = arith.constant 0 : i32
    %dma_wait3A_26 = tpu.memref_slice %arg8[%mul3A_0, %dma_wait3A_25] : memref<10000x16xf32, #tpu.memory_space<vmem_shared>> -> memref<625x16xf32, #tpu.memory_space<vmem_shared>>
    tpu.wait_dma2 semaphore(%arg13 : memref<!tpu.dma_semaphore, #tpu.memory_space<semaphore_mem>>) src(%arg6 : memref<625x16xf32, #tpu.memory_space<hbm>>) dst(%dma_wait3A_26 : memref<625x16xf32, #tpu.memory_space<vmem_shared>>)
    %dma_wait3A_27 = arith.constant 0 : i32
    %dma_wait3A_28 = tpu.memref_slice %arg3[%mul3A_4, %dma_wait3A_27] : memref<800x400xi32, #tpu.memory_space<hbm>> -> memref<25x400xi32, #tpu.memory_space<hbm>>
    %dma_wait3A_29 = arith.constant 0 : i32
    %dma_wait3A_30 = tpu.memref_slice %arg3[%mul3A_4, %dma_wait3A_29] : memref<800x400xi32, #tpu.memory_space<hbm>> -> memref<25x400xi32, #tpu.memory_space<hbm>>
    tpu.wait_dma2 semaphore(%arg13 : memref<!tpu.dma_semaphore, #tpu.memory_space<semaphore_mem>>) src(%dma_wait3A_30 : memref<25x400xi32, #tpu.memory_space<hbm>>) dst(%arg12 : memref<25x400xi32, #tpu.memory_space<vmem>>)
    %dma_wait3A_31 = arith.constant 0 : i32
    %dma_wait3A_32 = tpu.memref_slice %arg4[%mul3A_4, %dma_wait3A_31] : memref<800x400xi32, #tpu.memory_space<hbm>> -> memref<25x400xi32, #tpu.memory_space<hbm>>
    %dma_wait3A_33 = arith.constant 0 : i32
    %dma_wait3A_34 = tpu.memref_slice %arg4[%mul3A_4, %dma_wait3A_33] : memref<800x400xi32, #tpu.memory_space<hbm>> -> memref<25x400xi32, #tpu.memory_space<hbm>>
    tpu.wait_dma2 semaphore(%arg13 : memref<!tpu.dma_semaphore, #tpu.memory_space<semaphore_mem>>) src(%dma_wait3A_34 : memref<25x400xi32, #tpu.memory_space<hbm>>) dst(%arg9 : memref<25x400xi32, #tpu.memory_space<vmem>>)
    %dma_wait3A_35 = arith.constant 0 : i32
    %dma_wait3A_36 = tpu.memref_slice %arg5[%mul3A_4, %dma_wait3A_35] : memref<800x400xf32, #tpu.memory_space<hbm>> -> memref<25x400xf32, #tpu.memory_space<hbm>>
    %dma_wait3A_37 = arith.constant 0 : i32
    %dma_wait3A_38 = tpu.memref_slice %arg5[%mul3A_4, %dma_wait3A_37] : memref<800x400xf32, #tpu.memory_space<hbm>> -> memref<25x400xf32, #tpu.memory_space<hbm>>
    tpu.wait_dma2 semaphore(%arg13 : memref<!tpu.dma_semaphore, #tpu.memory_space<semaphore_mem>>) src(%dma_wait3A_38 : memref<25x400xf32, #tpu.memory_space<hbm>>) dst(%arg16 : memref<25x400xf32, #tpu.memory_space<vmem>>)
    %barrier3A = arith.constant 0 : index
    tpu.barrier barrier_id(%barrier3A)
    %dma_start3A_39 = arith.constant 0 : i32
    %dma_start3A_40 = arith.constant 0 : i32
    %dma_start3A_41 = arith.constant 0 : i32
    %dma_start3A_42 = arith.constant 0 : i32
    %dma_start3A_43 = tpu.memref_slice %arg11[%dma_start3A_40, %dma_start3A_41, %dma_start3A_42] : memref<2x400x16xf32, #tpu.memory_space<vmem>> -> memref<1x400x16xf32, #tpu.memory_space<vmem>>
    %dma_start3A_44 = tpu.memref_squeeze %dma_start3A_43 : memref<1x400x16xf32, #tpu.memory_space<vmem>> -> memref<400x16xf32, #tpu.memory_space<vmem>>
    %dma_start3A_45 = arith.constant 0 : i32
    %dma_start3A_46 = tpu.memref_slice %arg12[%dma_start3A_39, %dma_start3A_45] : memref<25x400xi32, #tpu.memory_space<vmem>> -> memref<1x400xi32, #tpu.memory_space<vmem>>
    %dma_start3A_47 = tpu.memref_squeeze %dma_start3A_46 : memref<1x400xi32, #tpu.memory_space<vmem>> -> memref<400xi32, #tpu.memory_space<vmem>>
    %dma_start3A_48 = arith.constant 0 : i32
    %dma_start3A_49 = arith.constant 0 : i32
    %dma_start3A_50 = tpu.memref_slice %arg15[%dma_start3A_48, %dma_start3A_49] : memref<10000x16xf32, #tpu.memory_space<vmem_shared>> -> memref<10000x16xf32, #tpu.memory_space<vmem_shared>>
    tpu.enqueue_indirect_dma source(%dma_start3A_50 : memref<10000x16xf32, #tpu.memory_space<vmem_shared>>) target(%dma_start3A_44 : memref<400x16xf32, #tpu.memory_space<vmem>>) offsets(%dma_start3A_47 : memref<400xi32, #tpu.memory_space<vmem>>) semaphore(%arg10 : memref<!tpu.dma_semaphore, #tpu.memory_space<semaphore_mem>>)
    %scan3A = arith.constant 0 : i32
    %scan3A_51 = arith.constant 0 : i32
    %scan3A_52 = arith.constant 12 : i32
    %scan3A_53 = arith.addi %scan3A_51, %scan3A_52 : i32
    %scan3A_54 = arith.constant 1 : i32
    %scan3A_55 = scf.for %scan3A_108 = %scan3A_51 to %scan3A_53 step %scan3A_54 iter_args(%scan3A_109 = %scan3A) -> (i32)  : i32 {
      %mul3A_110 = arith.constant 2 : i32
      %mul3A_111 = arith.muli %mul3A_110, %scan3A_108 : i32
      %dma_wait3A_112 = arith.constant 0 : i32
      %dma_wait3A_113 = arith.constant 0 : i32
      %dma_wait3A_114 = arith.constant 0 : i32
      %dma_wait3A_115 = tpu.memref_slice %arg11[%dma_wait3A_112, %dma_wait3A_113, %dma_wait3A_114] : memref<2x400x16xf32, #tpu.memory_space<vmem>> -> memref<1x400x16xf32, #tpu.memory_space<vmem>>
      %dma_wait3A_116 = tpu.memref_squeeze %dma_wait3A_115 : memref<1x400x16xf32, #tpu.memory_space<vmem>> -> memref<400x16xf32, #tpu.memory_space<vmem>>
      %dma_wait3A_117 = arith.constant 0 : i32
      %dma_wait3A_118 = tpu.memref_slice %arg12[%mul3A_111, %dma_wait3A_117] : memref<25x400xi32, #tpu.memory_space<vmem>> -> memref<1x400xi32, #tpu.memory_space<vmem>>
      %dma_wait3A_119 = tpu.memref_squeeze %dma_wait3A_118 : memref<1x400xi32, #tpu.memory_space<vmem>> -> memref<400xi32, #tpu.memory_space<vmem>>
      %dma_wait3A_120 = arith.constant 0 : i32
      %dma_wait3A_121 = arith.constant 0 : i32
      %dma_wait3A_122 = tpu.memref_slice %arg15[%dma_wait3A_120, %dma_wait3A_121] : memref<10000x16xf32, #tpu.memory_space<vmem_shared>> -> memref<10000x16xf32, #tpu.memory_space<vmem_shared>>
      tpu.wait_indirect_dma semaphore(%arg10 : memref<!tpu.dma_semaphore, #tpu.memory_space<semaphore_mem>>) src(%dma_wait3A_122 : memref<10000x16xf32, #tpu.memory_space<vmem_shared>>) dst(%dma_wait3A_116 : memref<400x16xf32, #tpu.memory_space<vmem>>)
      %add3A_123 = arith.constant 1 : i32
      %add3A_124 = arith.addi %mul3A_111, %add3A_123 : i32
      %lt3A = arith.constant 25 : i32
      %lt3A_125 = arith.cmpi slt, %add3A_124, %lt3A : i32
      %convert_element_type3A = arith.extui %lt3A_125 : i1 to i32
      %cond3A = arith.constant 0 : i32
      %cond3A_126 = arith.cmpi ne, %convert_element_type3A, %cond3A : i32
      scf.if %cond3A_126 {
        %ge3A = arith.constant 1 : i32
        %ge3A_178 = arith.cmpi sge, %mul3A_111, %ge3A : i32
        %convert_element_type3A_179 = arith.extui %ge3A_178 : i1 to i32
        %cond3A_180 = arith.constant 0 : i32
        %cond3A_181 = arith.cmpi ne, %convert_element_type3A_179, %cond3A_180 : i32
        scf.if %cond3A_181 {
          %dma_wait3A_195 = arith.constant 1 : i32
          %dma_wait3A_196 = arith.constant 0 : i32
          %dma_wait3A_197 = arith.constant 0 : i32
          %dma_wait3A_198 = arith.constant 0 : i32
          %dma_wait3A_199 = tpu.memref_slice %arg11[%dma_wait3A_195, %dma_wait3A_197, %dma_wait3A_198] : memref<2x400x16xf32, #tpu.memory_space<vmem>> -> memref<1x400x16xf32, #tpu.memory_space<vmem>>
          %dma_wait3A_200 = tpu.memref_squeeze %dma_wait3A_199 : memref<1x400x16xf32, #tpu.memory_space<vmem>> -> memref<400x16xf32, #tpu.memory_space<vmem>>
          %dma_wait3A_201 = arith.constant 0 : i32
          %dma_wait3A_202 = tpu.memref_slice %arg9[%dma_wait3A_196, %dma_wait3A_201] : memref<25x400xi32, #tpu.memory_space<vmem>> -> memref<1x400xi32, #tpu.memory_space<vmem>>
          %dma_wait3A_203 = tpu.memref_squeeze %dma_wait3A_202 : memref<1x400xi32, #tpu.memory_space<vmem>> -> memref<400xi32, #tpu.memory_space<vmem>>
          %dma_wait3A_204 = arith.constant 0 : i32
          %dma_wait3A_205 = arith.constant 0 : i32
          %dma_wait3A_206 = tpu.memref_slice %arg8[%dma_wait3A_204, %dma_wait3A_205] : memref<10000x16xf32, #tpu.memory_space<vmem_shared>> -> memref<10000x16xf32, #tpu.memory_space<vmem_shared>>
          tpu.wait_indirect_dma semaphore(%arg14 : memref<!tpu.dma_semaphore, #tpu.memory_space<semaphore_mem>>) src(%dma_wait3A_200 : memref<400x16xf32, #tpu.memory_space<vmem>>) dst(%dma_wait3A_206 : memref<10000x16xf32, #tpu.memory_space<vmem_shared>>)
        } else {
        }
        %add3A_182 = arith.constant 1 : i32
        %add3A_183 = arith.addi %mul3A_111, %add3A_182 : i32
        %dma_start3A_184 = arith.constant 1 : i32
        %dma_start3A_185 = arith.constant 0 : i32
        %dma_start3A_186 = arith.constant 0 : i32
        %dma_start3A_187 = tpu.memref_slice %arg11[%dma_start3A_184, %dma_start3A_185, %dma_start3A_186] : memref<2x400x16xf32, #tpu.memory_space<vmem>> -> memref<1x400x16xf32, #tpu.memory_space<vmem>>
        %dma_start3A_188 = tpu.memref_squeeze %dma_start3A_187 : memref<1x400x16xf32, #tpu.memory_space<vmem>> -> memref<400x16xf32, #tpu.memory_space<vmem>>
        %dma_start3A_189 = arith.constant 0 : i32
        %dma_start3A_190 = tpu.memref_slice %arg12[%add3A_183, %dma_start3A_189] : memref<25x400xi32, #tpu.memory_space<vmem>> -> memref<1x400xi32, #tpu.memory_space<vmem>>
        %dma_start3A_191 = tpu.memref_squeeze %dma_start3A_190 : memref<1x400xi32, #tpu.memory_space<vmem>> -> memref<400xi32, #tpu.memory_space<vmem>>
        %dma_start3A_192 = arith.constant 0 : i32
        %dma_start3A_193 = arith.constant 0 : i32
        %dma_start3A_194 = tpu.memref_slice %arg15[%dma_start3A_192, %dma_start3A_193] : memref<10000x16xf32, #tpu.memory_space<vmem_shared>> -> memref<10000x16xf32, #tpu.memory_space<vmem_shared>>
        tpu.enqueue_indirect_dma source(%dma_start3A_194 : memref<10000x16xf32, #tpu.memory_space<vmem_shared>>) target(%dma_start3A_188 : memref<400x16xf32, #tpu.memory_space<vmem>>) offsets(%dma_start3A_191 : memref<400xi32, #tpu.memory_space<vmem>>) semaphore(%arg10 : memref<!tpu.dma_semaphore, #tpu.memory_space<semaphore_mem>>)
      } else {
      }
      %parallel_loop3A_127 = arith.constant 0 : i32
      %parallel_loop3A_128 = arith.constant 400 : i32
      %parallel_loop3A_129 = arith.constant 1 : i32
      scf.for %parallel_loop3A_178 = %parallel_loop3A_127 to %parallel_loop3A_128 step %parallel_loop3A_129  : i32 {
        %parallel_loop3A_179 = vector.broadcast %mul3A_111 : i32 to vector<16xi32>
        %parallel_loop3A_180 = vector.broadcast %parallel_loop3A_178 : i32 to vector<16xi32>
        %parallel_loop3A_181 = tpu.vector_load_idx %arg16[%parallel_loop3A_179, %parallel_loop3A_180] : memref<25x400xf32, #tpu.memory_space<vmem>>[vector<16xi32>, vector<16xi32>], vector<16xf32>,
        %parallel_loop3A_182 = arith.constant 0 : i32
        %parallel_loop3A_183 = arith.index_cast %parallel_loop3A_182 : i32 to index
        %parallel_loop3A_184 = arith.index_cast %parallel_loop3A_178 : i32 to index
        %parallel_loop3A_185 = arith.constant 0 : index
        %parallel_loop3A_186 = tpu.vector_load %arg11[%parallel_loop3A_183, %parallel_loop3A_184, %parallel_loop3A_185] {strides = array<i32>} : memref<2x400x16xf32, #tpu.memory_space<vmem>>, vector<16xf32>,
        %parallel_loop3A_187 = arith.mulf %parallel_loop3A_186, %parallel_loop3A_181 : vector<16xf32>
        %parallel_loop3A_188 = arith.constant 0 : i32
        %parallel_loop3A_189 = arith.index_cast %parallel_loop3A_188 : i32 to index
        %parallel_loop3A_190 = arith.index_cast %parallel_loop3A_178 : i32 to index
        %parallel_loop3A_191 = arith.constant 0 : index
        %parallel_loop3A_192 = tpu.vector_load %arg11[%parallel_loop3A_189, %parallel_loop3A_190, %parallel_loop3A_191] {strides = array<i32>} : memref<2x400x16xf32, #tpu.memory_space<vmem>>, vector<16xf32>,
        tpu.vector_store %arg11[%parallel_loop3A_189, %parallel_loop3A_190, %parallel_loop3A_191], %parallel_loop3A_187 {strides = array<i32>} : memref<2x400x16xf32, #tpu.memory_space<vmem>>, vector<16xf32>,
      } {sc.loop_unroll_factor = 8 : i64, sc.parallel_access}
      %dma_start3A_130 = arith.constant 0 : i32
      %dma_start3A_131 = arith.constant 0 : i32
      %dma_start3A_132 = arith.constant 0 : i32
      %dma_start3A_133 = tpu.memref_slice %arg11[%dma_start3A_130, %dma_start3A_131, %dma_start3A_132] : memref<2x400x16xf32, #tpu.memory_space<vmem>> -> memref<1x400x16xf32, #tpu.memory_space<vmem>>
      %dma_start3A_134 = tpu.memref_squeeze %dma_start3A_133 : memref<1x400x16xf32, #tpu.memory_space<vmem>> -> memref<400x16xf32, #tpu.memory_space<vmem>>
      %dma_start3A_135 = arith.constant 0 : i32
      %dma_start3A_136 = tpu.memref_slice %arg9[%mul3A_111, %dma_start3A_135] : memref<25x400xi32, #tpu.memory_space<vmem>> -> memref<1x400xi32, #tpu.memory_space<vmem>>
      %dma_start3A_137 = tpu.memref_squeeze %dma_start3A_136 : memref<1x400xi32, #tpu.memory_space<vmem>> -> memref<400xi32, #tpu.memory_space<vmem>>
      %dma_start3A_138 = arith.constant 0 : i32
      %dma_start3A_139 = arith.constant 0 : i32
      %dma_start3A_140 = tpu.memref_slice %arg8[%dma_start3A_138, %dma_start3A_139] : memref<10000x16xf32, #tpu.memory_space<vmem_shared>> -> memref<10000x16xf32, #tpu.memory_space<vmem_shared>>
      tpu.enqueue_indirect_dma source(%dma_start3A_134 : memref<400x16xf32, #tpu.memory_space<vmem>>) target(%dma_start3A_140 : memref<10000x16xf32, #tpu.memory_space<vmem_shared>>) offsets(%dma_start3A_137 : memref<400xi32, #tpu.memory_space<vmem>>) semaphore(%arg14 : memref<!tpu.dma_semaphore, #tpu.memory_space<semaphore_mem>>) {add = true}
      %mul3A_141 = arith.constant 2 : i32
      %mul3A_142 = arith.muli %mul3A_141, %scan3A_108 : i32
      %add3A_143 = arith.constant 1 : i32
      %add3A_144 = arith.addi %mul3A_142, %add3A_143 : i32
      %dma_wait3A_145 = arith.constant 1 : i32
      %dma_wait3A_146 = arith.constant 0 : i32
      %dma_wait3A_147 = arith.constant 0 : i32
      %dma_wait3A_148 = tpu.memref_slice %arg11[%dma_wait3A_145, %dma_wait3A_146, %dma_wait3A_147] : memref<2x400x16xf32, #tpu.memory_space<vmem>> -> memref<1x400x16xf32, #tpu.memory_space<vmem>>
      %dma_wait3A_149 = tpu.memref_squeeze %dma_wait3A_148 : memref<1x400x16xf32, #tpu.memory_space<vmem>> -> memref<400x16xf32, #tpu.memory_space<vmem>>
      %dma_wait3A_150 = arith.constant 0 : i32
      %dma_wait3A_151 = tpu.memref_slice %arg12[%add3A_144, %dma_wait3A_150] : memref<25x400xi32, #tpu.memory_space<vmem>> -> memref<1x400xi32, #tpu.memory_space<vmem>>
      %dma_wait3A_152 = tpu.memref_squeeze %dma_wait3A_151 : memref<1x400xi32, #tpu.memory_space<vmem>> -> memref<400xi32, #tpu.memory_space<vmem>>
      %dma_wait3A_153 = arith.constant 0 : i32
      %dma_wait3A_154 = arith.constant 0 : i32
      %dma_wait3A_155 = tpu.memref_slice %arg15[%dma_wait3A_153, %dma_wait3A_154] : memref<10000x16xf32, #tpu.memory_space<vmem_shared>> -> memref<10000x16xf32, #tpu.memory_space<vmem_shared>>
      tpu.wait_indirect_dma semaphore(%arg10 : memref<!tpu.dma_semaphore, #tpu.memory_space<semaphore_mem>>) src(%dma_wait3A_155 : memref<10000x16xf32, #tpu.memory_space<vmem_shared>>) dst(%dma_wait3A_149 : memref<400x16xf32, #tpu.memory_space<vmem>>)
      %add3A_156 = arith.constant 1 : i32
      %add3A_157 = arith.addi %add3A_144, %add3A_156 : i32
      %lt3A_158 = arith.constant 25 : i32
      %lt3A_159 = arith.cmpi slt, %add3A_157, %lt3A_158 : i32
      %convert_element_type3A_160 = arith.extui %lt3A_159 : i1 to i32
      %cond3A_161 = arith.constant 0 : i32
      %cond3A_162 = arith.cmpi ne, %convert_element_type3A_160, %cond3A_161 : i32
      scf.if %cond3A_162 {
        %ge3A = arith.constant 1 : i32
        %ge3A_178 = arith.cmpi sge, %add3A_144, %ge3A : i32
        %convert_element_type3A_179 = arith.extui %ge3A_178 : i1 to i32
        %cond3A_180 = arith.constant 0 : i32
        %cond3A_181 = arith.cmpi ne, %convert_element_type3A_179, %cond3A_180 : i32
        scf.if %cond3A_181 {
          %dma_wait3A_195 = arith.constant 0 : i32
          %dma_wait3A_196 = arith.constant 0 : i32
          %dma_wait3A_197 = arith.constant 0 : i32
          %dma_wait3A_198 = arith.constant 0 : i32
          %dma_wait3A_199 = tpu.memref_slice %arg11[%dma_wait3A_195, %dma_wait3A_197, %dma_wait3A_198] : memref<2x400x16xf32, #tpu.memory_space<vmem>> -> memref<1x400x16xf32, #tpu.memory_space<vmem>>
          %dma_wait3A_200 = tpu.memref_squeeze %dma_wait3A_199 : memref<1x400x16xf32, #tpu.memory_space<vmem>> -> memref<400x16xf32, #tpu.memory_space<vmem>>
          %dma_wait3A_201 = arith.constant 0 : i32
          %dma_wait3A_202 = tpu.memref_slice %arg9[%dma_wait3A_196, %dma_wait3A_201] : memref<25x400xi32, #tpu.memory_space<vmem>> -> memref<1x400xi32, #tpu.memory_space<vmem>>
          %dma_wait3A_203 = tpu.memref_squeeze %dma_wait3A_202 : memref<1x400xi32, #tpu.memory_space<vmem>> -> memref<400xi32, #tpu.memory_space<vmem>>
          %dma_wait3A_204 = arith.constant 0 : i32
          %dma_wait3A_205 = arith.constant 0 : i32
          %dma_wait3A_206 = tpu.memref_slice %arg8[%dma_wait3A_204, %dma_wait3A_205] : memref<10000x16xf32, #tpu.memory_space<vmem_shared>> -> memref<10000x16xf32, #tpu.memory_space<vmem_shared>>
          tpu.wait_indirect_dma semaphore(%arg14 : memref<!tpu.dma_semaphore, #tpu.memory_space<semaphore_mem>>) src(%dma_wait3A_200 : memref<400x16xf32, #tpu.memory_space<vmem>>) dst(%dma_wait3A_206 : memref<10000x16xf32, #tpu.memory_space<vmem_shared>>)
        } else {
        }
        %add3A_182 = arith.constant 1 : i32
        %add3A_183 = arith.addi %add3A_144, %add3A_182 : i32
        %dma_start3A_184 = arith.constant 0 : i32
        %dma_start3A_185 = arith.constant 0 : i32
        %dma_start3A_186 = arith.constant 0 : i32
        %dma_start3A_187 = tpu.memref_slice %arg11[%dma_start3A_184, %dma_start3A_185, %dma_start3A_186] : memref<2x400x16xf32, #tpu.memory_space<vmem>> -> memref<1x400x16xf32, #tpu.memory_space<vmem>>
        %dma_start3A_188 = tpu.memref_squeeze %dma_start3A_187 : memref<1x400x16xf32, #tpu.memory_space<vmem>> -> memref<400x16xf32, #tpu.memory_space<vmem>>
        %dma_start3A_189 = arith.constant 0 : i32
        %dma_start3A_190 = tpu.memref_slice %arg12[%add3A_183, %dma_start3A_189] : memref<25x400xi32, #tpu.memory_space<vmem>> -> memref<1x400xi32, #tpu.memory_space<vmem>>
        %dma_start3A_191 = tpu.memref_squeeze %dma_start3A_190 : memref<1x400xi32, #tpu.memory_space<vmem>> -> memref<400xi32, #tpu.memory_space<vmem>>
        %dma_start3A_192 = arith.constant 0 : i32
        %dma_start3A_193 = arith.constant 0 : i32
        %dma_start3A_194 = tpu.memref_slice %arg15[%dma_start3A_192, %dma_start3A_193] : memref<10000x16xf32, #tpu.memory_space<vmem_shared>> -> memref<10000x16xf32, #tpu.memory_space<vmem_shared>>
        tpu.enqueue_indirect_dma source(%dma_start3A_194 : memref<10000x16xf32, #tpu.memory_space<vmem_shared>>) target(%dma_start3A_188 : memref<400x16xf32, #tpu.memory_space<vmem>>) offsets(%dma_start3A_191 : memref<400xi32, #tpu.memory_space<vmem>>) semaphore(%arg10 : memref<!tpu.dma_semaphore, #tpu.memory_space<semaphore_mem>>)
      } else {
      }
      %parallel_loop3A_163 = arith.constant 0 : i32
      %parallel_loop3A_164 = arith.constant 400 : i32
      %parallel_loop3A_165 = arith.constant 1 : i32
      scf.for %parallel_loop3A_178 = %parallel_loop3A_163 to %parallel_loop3A_164 step %parallel_loop3A_165  : i32 {
        %parallel_loop3A_179 = vector.broadcast %add3A_144 : i32 to vector<16xi32>
        %parallel_loop3A_180 = vector.broadcast %parallel_loop3A_178 : i32 to vector<16xi32>
        %parallel_loop3A_181 = tpu.vector_load_idx %arg16[%parallel_loop3A_179, %parallel_loop3A_180] : memref<25x400xf32, #tpu.memory_space<vmem>>[vector<16xi32>, vector<16xi32>], vector<16xf32>,
        %parallel_loop3A_182 = arith.constant 1 : i32
        %parallel_loop3A_183 = arith.index_cast %parallel_loop3A_182 : i32 to index
        %parallel_loop3A_184 = arith.index_cast %parallel_loop3A_178 : i32 to index
        %parallel_loop3A_185 = arith.constant 0 : index
        %parallel_loop3A_186 = tpu.vector_load %arg11[%parallel_loop3A_183, %parallel_loop3A_184, %parallel_loop3A_185] {strides = array<i32>} : memref<2x400x16xf32, #tpu.memory_space<vmem>>, vector<16xf32>,
        %parallel_loop3A_187 = arith.mulf %parallel_loop3A_186, %parallel_loop3A_181 : vector<16xf32>
        %parallel_loop3A_188 = arith.constant 1 : i32
        %parallel_loop3A_189 = arith.index_cast %parallel_loop3A_188 : i32 to index
        %parallel_loop3A_190 = arith.index_cast %parallel_loop3A_178 : i32 to index
        %parallel_loop3A_191 = arith.constant 0 : index
        %parallel_loop3A_192 = tpu.vector_load %arg11[%parallel_loop3A_189, %parallel_loop3A_190, %parallel_loop3A_191] {strides = array<i32>} : memref<2x400x16xf32, #tpu.memory_space<vmem>>, vector<16xf32>,
        tpu.vector_store %arg11[%parallel_loop3A_189, %parallel_loop3A_190, %parallel_loop3A_191], %parallel_loop3A_187 {strides = array<i32>} : memref<2x400x16xf32, #tpu.memory_space<vmem>>, vector<16xf32>,
      } {sc.loop_unroll_factor = 8 : i64, sc.parallel_access}
      %dma_start3A_166 = arith.constant 1 : i32
      %dma_start3A_167 = arith.constant 0 : i32
      %dma_start3A_168 = arith.constant 0 : i32
      %dma_start3A_169 = tpu.memref_slice %arg11[%dma_start3A_166, %dma_start3A_167, %dma_start3A_168] : memref<2x400x16xf32, #tpu.memory_space<vmem>> -> memref<1x400x16xf32, #tpu.memory_space<vmem>>
      %dma_start3A_170 = tpu.memref_squeeze %dma_start3A_169 : memref<1x400x16xf32, #tpu.memory_space<vmem>> -> memref<400x16xf32, #tpu.memory_space<vmem>>
      %dma_start3A_171 = arith.constant 0 : i32
      %dma_start3A_172 = tpu.memref_slice %arg9[%add3A_144, %dma_start3A_171] : memref<25x400xi32, #tpu.memory_space<vmem>> -> memref<1x400xi32, #tpu.memory_space<vmem>>
      %dma_start3A_173 = tpu.memref_squeeze %dma_start3A_172 : memref<1x400xi32, #tpu.memory_space<vmem>> -> memref<400xi32, #tpu.memory_space<vmem>>
      %dma_start3A_174 = arith.constant 0 : i32
      %dma_start3A_175 = arith.constant 0 : i32
      %dma_start3A_176 = tpu.memref_slice %arg8[%dma_start3A_174, %dma_start3A_175] : memref<10000x16xf32, #tpu.memory_space<vmem_shared>> -> memref<10000x16xf32, #tpu.memory_space<vmem_shared>>
      tpu.enqueue_indirect_dma source(%dma_start3A_170 : memref<400x16xf32, #tpu.memory_space<vmem>>) target(%dma_start3A_176 : memref<10000x16xf32, #tpu.memory_space<vmem_shared>>) offsets(%dma_start3A_173 : memref<400xi32, #tpu.memory_space<vmem>>) semaphore(%arg14 : memref<!tpu.dma_semaphore, #tpu.memory_space<semaphore_mem>>) {add = true}
      %scan3A_177 = arith.constant 0 : i32
      scf.yield %scan3A_177 : i32
    }
    %scan3A_56 = arith.constant 12 : i32
    %dma_wait3A_57 = arith.constant 24 : i32
    %dma_wait3A_58 = arith.constant 0 : i32
    %dma_wait3A_59 = arith.constant 0 : i32
    %dma_wait3A_60 = arith.constant 0 : i32
    %dma_wait3A_61 = tpu.memref_slice %arg11[%dma_wait3A_58, %dma_wait3A_59, %dma_wait3A_60] : memref<2x400x16xf32, #tpu.memory_space<vmem>> -> memref<1x400x16xf32, #tpu.memory_space<vmem>>
    %dma_wait3A_62 = tpu.memref_squeeze %dma_wait3A_61 : memref<1x400x16xf32, #tpu.memory_space<vmem>> -> memref<400x16xf32, #tpu.memory_space<vmem>>
    %dma_wait3A_63 = arith.constant 0 : i32
    %dma_wait3A_64 = tpu.memref_slice %arg12[%dma_wait3A_57, %dma_wait3A_63] : memref<25x400xi32, #tpu.memory_space<vmem>> -> memref<1x400xi32, #tpu.memory_space<vmem>>
    %dma_wait3A_65 = tpu.memref_squeeze %dma_wait3A_64 : memref<1x400xi32, #tpu.memory_space<vmem>> -> memref<400xi32, #tpu.memory_space<vmem>>
    %dma_wait3A_66 = arith.constant 0 : i32
    %dma_wait3A_67 = arith.constant 0 : i32
    %dma_wait3A_68 = tpu.memref_slice %arg15[%dma_wait3A_66, %dma_wait3A_67] : memref<10000x16xf32, #tpu.memory_space<vmem_shared>> -> memref<10000x16xf32, #tpu.memory_space<vmem_shared>>
    tpu.wait_indirect_dma semaphore(%arg10 : memref<!tpu.dma_semaphore, #tpu.memory_space<semaphore_mem>>) src(%dma_wait3A_68 : memref<10000x16xf32, #tpu.memory_space<vmem_shared>>) dst(%dma_wait3A_62 : memref<400x16xf32, #tpu.memory_space<vmem>>)
    %parallel_loop3A = arith.constant 0 : i32
    %parallel_loop3A_69 = arith.constant 400 : i32
    %parallel_loop3A_70 = arith.constant 1 : i32
    scf.for %parallel_loop3A_108 = %parallel_loop3A to %parallel_loop3A_69 step %parallel_loop3A_70  : i32 {
      %parallel_loop3A_109 = arith.constant 24 : i32
      %parallel_loop3A_110 = vector.broadcast %parallel_loop3A_109 : i32 to vector<16xi32>
      %parallel_loop3A_111 = vector.broadcast %parallel_loop3A_108 : i32 to vector<16xi32>
      %parallel_loop3A_112 = tpu.vector_load_idx %arg16[%parallel_loop3A_110, %parallel_loop3A_111] : memref<25x400xf32, #tpu.memory_space<vmem>>[vector<16xi32>, vector<16xi32>], vector<16xf32>,
      %parallel_loop3A_113 = arith.constant 0 : i32
      %parallel_loop3A_114 = arith.index_cast %parallel_loop3A_113 : i32 to index
      %parallel_loop3A_115 = arith.index_cast %parallel_loop3A_108 : i32 to index
      %parallel_loop3A_116 = arith.constant 0 : index
      %parallel_loop3A_117 = tpu.vector_load %arg11[%parallel_loop3A_114, %parallel_loop3A_115, %parallel_loop3A_116] {strides = array<i32>} : memref<2x400x16xf32, #tpu.memory_space<vmem>>, vector<16xf32>,
      %parallel_loop3A_118 = arith.mulf %parallel_loop3A_117, %parallel_loop3A_112 : vector<16xf32>
      %parallel_loop3A_119 = arith.constant 0 : i32
      %parallel_loop3A_120 = arith.index_cast %parallel_loop3A_119 : i32 to index
      %parallel_loop3A_121 = arith.index_cast %parallel_loop3A_108 : i32 to index
      %parallel_loop3A_122 = arith.constant 0 : index
      %parallel_loop3A_123 = tpu.vector_load %arg11[%parallel_loop3A_120, %parallel_loop3A_121, %parallel_loop3A_122] {strides = array<i32>} : memref<2x400x16xf32, #tpu.memory_space<vmem>>, vector<16xf32>,
      tpu.vector_store %arg11[%parallel_loop3A_120, %parallel_loop3A_121, %parallel_loop3A_122], %parallel_loop3A_118 {strides = array<i32>} : memref<2x400x16xf32, #tpu.memory_space<vmem>>, vector<16xf32>,
    } {sc.loop_unroll_factor = 8 : i64, sc.parallel_access}
    %dma_start3A_71 = arith.constant 0 : i32
    %dma_start3A_72 = arith.constant 24 : i32
    %dma_start3A_73 = arith.constant 0 : i32
    %dma_start3A_74 = arith.constant 0 : i32
    %dma_start3A_75 = tpu.memref_slice %arg11[%dma_start3A_71, %dma_start3A_73, %dma_start3A_74] : memref<2x400x16xf32, #tpu.memory_space<vmem>> -> memref<1x400x16xf32, #tpu.memory_space<vmem>>
    %dma_start3A_76 = tpu.memref_squeeze %dma_start3A_75 : memref<1x400x16xf32, #tpu.memory_space<vmem>> -> memref<400x16xf32, #tpu.memory_space<vmem>>
    %dma_start3A_77 = arith.constant 0 : i32
    %dma_start3A_78 = tpu.memref_slice %arg9[%dma_start3A_72, %dma_start3A_77] : memref<25x400xi32, #tpu.memory_space<vmem>> -> memref<1x400xi32, #tpu.memory_space<vmem>>
    %dma_start3A_79 = tpu.memref_squeeze %dma_start3A_78 : memref<1x400xi32, #tpu.memory_space<vmem>> -> memref<400xi32, #tpu.memory_space<vmem>>
    %dma_start3A_80 = arith.constant 0 : i32
    %dma_start3A_81 = arith.constant 0 : i32
    %dma_start3A_82 = tpu.memref_slice %arg8[%dma_start3A_80, %dma_start3A_81] : memref<10000x16xf32, #tpu.memory_space<vmem_shared>> -> memref<10000x16xf32, #tpu.memory_space<vmem_shared>>
    tpu.enqueue_indirect_dma source(%dma_start3A_76 : memref<400x16xf32, #tpu.memory_space<vmem>>) target(%dma_start3A_82 : memref<10000x16xf32, #tpu.memory_space<vmem_shared>>) offsets(%dma_start3A_79 : memref<400xi32, #tpu.memory_space<vmem>>) semaphore(%arg14 : memref<!tpu.dma_semaphore, #tpu.memory_space<semaphore_mem>>) {add = true}
    %dma_wait3A_83 = arith.constant 0 : i32
    %dma_wait3A_84 = arith.constant 0 : i32
    %dma_wait3A_85 = arith.constant 0 : i32
    %dma_wait3A_86 = arith.constant 0 : i32
    %dma_wait3A_87 = tpu.memref_slice %arg11[%dma_wait3A_83, %dma_wait3A_85, %dma_wait3A_86] : memref<2x400x16xf32, #tpu.memory_space<vmem>> -> memref<1x400x16xf32, #tpu.memory_space<vmem>>
    %dma_wait3A_88 = tpu.memref_squeeze %dma_wait3A_87 : memref<1x400x16xf32, #tpu.memory_space<vmem>> -> memref<400x16xf32, #tpu.memory_space<vmem>>
    %dma_wait3A_89 = arith.constant 0 : i32
    %dma_wait3A_90 = tpu.memref_slice %arg9[%dma_wait3A_84, %dma_wait3A_89] : memref<25x400xi32, #tpu.memory_space<vmem>> -> memref<1x400xi32, #tpu.memory_space<vmem>>
    %dma_wait3A_91 = tpu.memref_squeeze %dma_wait3A_90 : memref<1x400xi32, #tpu.memory_space<vmem>> -> memref<400xi32, #tpu.memory_space<vmem>>
    %dma_wait3A_92 = arith.constant 0 : i32
    %dma_wait3A_93 = arith.constant 0 : i32
    %dma_wait3A_94 = tpu.memref_slice %arg8[%dma_wait3A_92, %dma_wait3A_93] : memref<10000x16xf32, #tpu.memory_space<vmem_shared>> -> memref<10000x16xf32, #tpu.memory_space<vmem_shared>>
    tpu.wait_indirect_dma semaphore(%arg14 : memref<!tpu.dma_semaphore, #tpu.memory_space<semaphore_mem>>) src(%dma_wait3A_88 : memref<400x16xf32, #tpu.memory_space<vmem>>) dst(%dma_wait3A_94 : memref<10000x16xf32, #tpu.memory_space<vmem_shared>>)
    %dma_wait3A_95 = arith.constant 1 : i32
    %dma_wait3A_96 = arith.constant 0 : i32
    %dma_wait3A_97 = arith.constant 0 : i32
    %dma_wait3A_98 = arith.constant 0 : i32
    %dma_wait3A_99 = tpu.memref_slice %arg11[%dma_wait3A_95, %dma_wait3A_97, %dma_wait3A_98] : memref<2x400x16xf32, #tpu.memory_space<vmem>> -> memref<1x400x16xf32, #tpu.memory_space<vmem>>
    %dma_wait3A_100 = tpu.memref_squeeze %dma_wait3A_99 : memref<1x400x16xf32, #tpu.memory_space<vmem>> -> memref<400x16xf32, #tpu.memory_space<vmem>>
    %dma_wait3A_101 = arith.constant 0 : i32
    %dma_wait3A_102 = tpu.memref_slice %arg9[%dma_wait3A_96, %dma_wait3A_101] : memref<25x400xi32, #tpu.memory_space<vmem>> -> memref<1x400xi32, #tpu.memory_space<vmem>>
    %dma_wait3A_103 = tpu.memref_squeeze %dma_wait3A_102 : memref<1x400xi32, #tpu.memory_space<vmem>> -> memref<400xi32, #tpu.memory_space<vmem>>
    %dma_wait3A_104 = arith.constant 0 : i32
    %dma_wait3A_105 = arith.constant 0 : i32
    %dma_wait3A_106 = tpu.memref_slice %arg8[%dma_wait3A_104, %dma_wait3A_105] : memref<10000x16xf32, #tpu.memory_space<vmem_shared>> -> memref<10000x16xf32, #tpu.memory_space<vmem_shared>>
    tpu.wait_indirect_dma semaphore(%arg14 : memref<!tpu.dma_semaphore, #tpu.memory_space<semaphore_mem>>) src(%dma_wait3A_100 : memref<400x16xf32, #tpu.memory_space<vmem>>) dst(%dma_wait3A_106 : memref<10000x16xf32, #tpu.memory_space<vmem_shared>>)
    %barrier3A_107 = arith.constant 0 : index
    tpu.barrier barrier_id(%barrier3A_107)
    "tpu.region"() ({
      %run_scoped3A = tpu.sem_alloc : memref<!tpu.dma_semaphore, #tpu.memory_space<semaphore_mem>>
      %dma_start3A_108 = arith.constant 0 : i32
      %dma_start3A_109 = tpu.memref_slice %arg7[%arg0, %mul3A_0, %dma_start3A_108] : memref<2x10000x16xf32, #tpu.memory_space<hbm>> -> memref<1x625x16xf32, #tpu.memory_space<hbm>>
      %dma_start3A_110 = tpu.memref_squeeze %dma_start3A_109 : memref<1x625x16xf32, #tpu.memory_space<hbm>> -> memref<625x16xf32, #tpu.memory_space<hbm>>
      %dma_start3A_111 = arith.constant 0 : i32
      %dma_start3A_112 = tpu.memref_slice %arg8[%mul3A_0, %dma_start3A_111] : memref<10000x16xf32, #tpu.memory_space<vmem_shared>> -> memref<625x16xf32, #tpu.memory_space<vmem_shared>>
      tpu.enqueue_dma source(%dma_start3A_112 : memref<625x16xf32, #tpu.memory_space<vmem_shared>>) target(%dma_start3A_110 : memref<625x16xf32, #tpu.memory_space<hbm>>) target_semaphore(%run_scoped3A : memref<!tpu.dma_semaphore, #tpu.memory_space<semaphore_mem>>)
      %dma_wait3A_113 = arith.constant 0 : i32
      %dma_wait3A_114 = tpu.memref_slice %arg7[%arg0, %mul3A_0, %dma_wait3A_113] : memref<2x10000x16xf32, #tpu.memory_space<hbm>> -> memref<1x625x16xf32, #tpu.memory_space<hbm>>
      %dma_wait3A_115 = tpu.memref_squeeze %dma_wait3A_114 : memref<1x625x16xf32, #tpu.memory_space<hbm>> -> memref<625x16xf32, #tpu.memory_space<hbm>>
      %dma_wait3A_116 = arith.constant 0 : i32
      %dma_wait3A_117 = tpu.memref_slice %arg8[%mul3A_0, %dma_wait3A_116] : memref<10000x16xf32, #tpu.memory_space<vmem_shared>> -> memref<625x16xf32, #tpu.memory_space<vmem_shared>>
      tpu.wait_dma2 semaphore(%run_scoped3A : memref<!tpu.dma_semaphore, #tpu.memory_space<semaphore_mem>>) src(%dma_wait3A_117 : memref<625x16xf32, #tpu.memory_space<vmem_shared>>) dst(%dma_wait3A_115 : memref<625x16xf32, #tpu.memory_space<hbm>>)
      tpu.yield
    }) : () -> ()
    return
  }
}

module attributes {stable_mosaic.version = 14 : i64} {
  func.func @_tc_scale_kernel(%arg0: memref<10000x128xf32, #tpu.memory_space<vmem>>, %arg1: memref<10000x1xf32, #tpu.memory_space<vmem>>, %arg2: memref<10000x128xf32, #tpu.memory_space<vmem>>) attributes {dimension_semantics = [], scalar_prefetch = 0 : i64, scratch_operands = 0 : i64, tpu.core_type = #tpu.core_type<tc>} {
    %get3A = arith.constant 0 : index
    %get3A_0 = arith.constant 0 : index
    %get3A_1 = vector.load %arg0[%get3A, %get3A_0] : memref<10000x128xf32, #tpu.memory_space<vmem>>, vector<10000x128xf32>
    %get3A_2 = arith.constant 0 : index
    %get3A_3 = arith.constant 0 : index
    %get3A_4 = vector.load %arg1[%get3A_2, %get3A_3] : memref<10000x1xf32, #tpu.memory_space<vmem>>, vector<10000x1xf32>
    %mul3A = vector.broadcast %get3A_4 : vector<10000x1xf32> to vector<10000x128xf32>
    %mul3A_5 = arith.mulf %get3A_1, %mul3A : vector<10000x128xf32>
    %swap3A = arith.constant 0 : index
    %swap3A_6 = arith.constant 0 : index
    %swap3A_7 = vector.load %arg2[%swap3A, %swap3A_6] : memref<10000x128xf32, #tpu.memory_space<vmem>>, vector<10000x128xf32>
    tpu.vector_store %arg2[%swap3A, %swap3A_6], %mul3A_5 {strides = array<i32>} : memref<10000x128xf32, #tpu.memory_space<vmem>>, vector<10000x128xf32>,
    return
  }
}

module attributes {stable_mosaic.version = 14 : i64} {
  func.func @_tc_layer1_kernel(%arg0: memref<10000x128xf32, #tpu.memory_space<vmem>>, %arg1: memref<10000x1xf32, #tpu.memory_space<vmem>>, %arg2: memref<128x128xf32, #tpu.memory_space<vmem>>, %arg3: memref<1x128xf32, #tpu.memory_space<vmem>>, %arg4: memref<10000x1xf32, #tpu.memory_space<vmem>>, %arg5: memref<16x128xf32, #tpu.memory_space<vmem>>, %arg6: memref<10000x16xf32, #tpu.memory_space<vmem>>) attributes {dimension_semantics = [], scalar_prefetch = 0 : i64, scratch_operands = 0 : i64, tpu.core_type = #tpu.core_type<tc>} {
    %get3A = arith.constant 0 : index
    %get3A_0 = arith.constant 0 : index
    %get3A_1 = vector.load %arg0[%get3A, %get3A_0] : memref<10000x128xf32, #tpu.memory_space<vmem>>, vector<10000x128xf32>
    %get3A_2 = arith.constant 0 : index
    %get3A_3 = arith.constant 0 : index
    %get3A_4 = vector.load %arg1[%get3A_2, %get3A_3] : memref<10000x1xf32, #tpu.memory_space<vmem>>, vector<10000x1xf32>
    %mul3A = vector.broadcast %get3A_4 : vector<10000x1xf32> to vector<10000x128xf32>
    %mul3A_5 = arith.mulf %get3A_1, %mul3A : vector<10000x128xf32>
    %get3A_6 = arith.constant 0 : index
    %get3A_7 = arith.constant 0 : index
    %get3A_8 = vector.load %arg2[%get3A_6, %get3A_7] : memref<128x128xf32, #tpu.memory_space<vmem>>, vector<128x128xf32>
    %dot_general3A = arith.constant dense<0.000000e+00> : vector<10000x128xf32>
    %dot_general3A_9 = tpu.matmul %mul3A_5, %get3A_8, %dot_general3A {dimension_numbers = #tpu.dot_dimension_numbers<[1], [1], [0], [0], [0, 0, 1, 0], [], []>, transpose_lhs_hint = false} : vector<10000x128xf32>, vector<128x128xf32>, vector<10000x128xf32> -> vector<10000x128xf32>
    %get3A_10 = arith.constant 0 : index
    %get3A_11 = arith.constant 0 : index
    %get3A_12 = vector.load %arg3[%get3A_10, %get3A_11] : memref<1x128xf32, #tpu.memory_space<vmem>>, vector<1x128xf32>
    %add3A = vector.broadcast %get3A_12 : vector<1x128xf32> to vector<10000x128xf32>
    %add3A_13 = arith.addf %dot_general3A_9, %add3A : vector<10000x128xf32>
    %max3A = arith.constant 0.000000e+00 : f32
    %max3A_14 = vector.broadcast %max3A : f32 to vector<10000x128xf32>
    %max3A_15 = arith.maximumf %add3A_13, %max3A_14 : vector<10000x128xf32>
    %get3A_16 = arith.constant 0 : index
    %get3A_17 = arith.constant 0 : index
    %get3A_18 = vector.load %arg4[%get3A_16, %get3A_17] : memref<10000x1xf32, #tpu.memory_space<vmem>>, vector<10000x1xf32>
    %mul3A_19 = vector.broadcast %get3A_18 : vector<10000x1xf32> to vector<10000x128xf32>
    %mul3A_20 = arith.mulf %max3A_15, %mul3A_19 : vector<10000x128xf32>
    %get3A_21 = arith.constant 0 : index
    %get3A_22 = arith.constant 0 : index
    %get3A_23 = vector.load %arg5[%get3A_21, %get3A_22] : memref<16x128xf32, #tpu.memory_space<vmem>>, vector<16x128xf32>
    %dot_general3A_24 = arith.constant dense<0.000000e+00> : vector<10000x16xf32>
    %dot_general3A_25 = tpu.matmul %mul3A_20, %get3A_23, %dot_general3A_24 {dimension_numbers = #tpu.dot_dimension_numbers<[1], [1], [0], [0], [0, 0, 1, 0], [], []>, transpose_lhs_hint = false} : vector<10000x128xf32>, vector<16x128xf32>, vector<10000x16xf32> -> vector<10000x16xf32>
    %swap3A = arith.constant 0 : index
    %swap3A_26 = arith.constant 0 : index
    %swap3A_27 = vector.load %arg6[%swap3A, %swap3A_26] : memref<10000x16xf32, #tpu.memory_space<vmem>>, vector<10000x16xf32>
    tpu.vector_store %arg6[%swap3A, %swap3A_26], %dot_general3A_25 {strides = array<i32>} : memref<10000x16xf32, #tpu.memory_space<vmem>>, vector<10000x16xf32>,
    return
  }
}

module attributes {stable_mosaic.version = 14 : i64} {
  func.func @_tc_layer2_kernel(%arg0: memref<10000x16xf32, #tpu.memory_space<vmem>>, %arg1: memref<10000x16xf32, #tpu.memory_space<vmem>>, %arg2: memref<10000x1xf32, #tpu.memory_space<vmem>>, %arg3: memref<1x16xf32, #tpu.memory_space<vmem>>, %arg4: memref<16x16xf32, #tpu.memory_space<vmem>>, %arg5: memref<10000x16xf32, #tpu.memory_space<vmem>>) attributes {dimension_semantics = [], scalar_prefetch = 0 : i64, scratch_operands = 0 : i64, tpu.core_type = #tpu.core_type<tc>} {
    %get3A = arith.constant 0 : index
    %get3A_0 = arith.constant 0 : index
    %get3A_1 = vector.load %arg0[%get3A, %get3A_0] : memref<10000x16xf32, #tpu.memory_space<vmem>>, vector<10000x16xf32>
    %get3A_2 = arith.constant 0 : index
    %get3A_3 = arith.constant 0 : index
    %get3A_4 = vector.load %arg1[%get3A_2, %get3A_3] : memref<10000x16xf32, #tpu.memory_space<vmem>>, vector<10000x16xf32>
    %add3A = arith.addf %get3A_1, %get3A_4 : vector<10000x16xf32>
    %get3A_5 = arith.constant 0 : index
    %get3A_6 = arith.constant 0 : index
    %get3A_7 = vector.load %arg2[%get3A_5, %get3A_6] : memref<10000x1xf32, #tpu.memory_space<vmem>>, vector<10000x1xf32>
    %mul3A = vector.broadcast %get3A_7 : vector<10000x1xf32> to vector<10000x16xf32>
    %mul3A_8 = arith.mulf %add3A, %mul3A : vector<10000x16xf32>
    %get3A_9 = arith.constant 0 : index
    %get3A_10 = arith.constant 0 : index
    %get3A_11 = vector.load %arg3[%get3A_9, %get3A_10] : memref<1x16xf32, #tpu.memory_space<vmem>>, vector<1x16xf32>
    %add3A_12 = vector.broadcast %get3A_11 : vector<1x16xf32> to vector<10000x16xf32>
    %add3A_13 = arith.addf %mul3A_8, %add3A_12 : vector<10000x16xf32>
    %max3A = arith.constant 0.000000e+00 : f32
    %max3A_14 = vector.broadcast %max3A : f32 to vector<10000x16xf32>
    %max3A_15 = arith.maximumf %add3A_13, %max3A_14 : vector<10000x16xf32>
    %get3A_16 = arith.constant 0 : index
    %get3A_17 = arith.constant 0 : index
    %get3A_18 = vector.load %arg4[%get3A_16, %get3A_17] : memref<16x16xf32, #tpu.memory_space<vmem>>, vector<16x16xf32>
    %dot_general3A = arith.constant dense<0.000000e+00> : vector<10000x16xf32>
    %dot_general3A_19 = tpu.matmul %max3A_15, %get3A_18, %dot_general3A {dimension_numbers = #tpu.dot_dimension_numbers<[1], [1], [0], [0], [0, 0, 1, 0], [], []>, transpose_lhs_hint = false} : vector<10000x16xf32>, vector<16x16xf32>, vector<10000x16xf32> -> vector<10000x16xf32>
    %swap3A = arith.constant 0 : index
    %swap3A_20 = arith.constant 0 : index
    %swap3A_21 = vector.load %arg5[%swap3A, %swap3A_20] : memref<10000x16xf32, #tpu.memory_space<vmem>>, vector<10000x16xf32>
    tpu.vector_store %arg5[%swap3A, %swap3A_20], %dot_general3A_19 {strides = array<i32>} : memref<10000x16xf32, #tpu.memory_space<vmem>>, vector<10000x16xf32>,
    return
  }
}

module attributes {stable_mosaic.version = 14 : i64} {
  func.func @_tc_final_kernel(%arg0: memref<10000x16xf32, #tpu.memory_space<vmem>>, %arg1: memref<10000x16xf32, #tpu.memory_space<vmem>>, %arg2: memref<1x16xf32, #tpu.memory_space<vmem>>, %arg3: memref<10000x16xf32, #tpu.memory_space<vmem>>) attributes {dimension_semantics = [], scalar_prefetch = 0 : i64, scratch_operands = 0 : i64, tpu.core_type = #tpu.core_type<tc>} {
    %get3A = arith.constant 0 : index
    %get3A_0 = arith.constant 0 : index
    %get3A_1 = vector.load %arg0[%get3A, %get3A_0] : memref<10000x16xf32, #tpu.memory_space<vmem>>, vector<10000x16xf32>
    %get3A_2 = arith.constant 0 : index
    %get3A_3 = arith.constant 0 : index
    %get3A_4 = vector.load %arg1[%get3A_2, %get3A_3] : memref<10000x16xf32, #tpu.memory_space<vmem>>, vector<10000x16xf32>
    %add3A = arith.addf %get3A_1, %get3A_4 : vector<10000x16xf32>
    %get3A_5 = arith.constant 0 : index
    %get3A_6 = arith.constant 0 : index
    %get3A_7 = vector.load %arg2[%get3A_5, %get3A_6] : memref<1x16xf32, #tpu.memory_space<vmem>>, vector<1x16xf32>
    %add3A_8 = vector.broadcast %get3A_7 : vector<1x16xf32> to vector<10000x16xf32>
    %add3A_9 = arith.addf %add3A, %add3A_8 : vector<10000x16xf32>
    %reduce_max3A = arith.constant dense<0xFF800000> : vector<10000xf32>
    %reduce_max3A_10 = vector.multi_reduction <maximumf>, %add3A_9, %reduce_max3A [1] : vector<10000x16xf32> to vector<10000xf32>
    %broadcast_in_dim3A = vector.shape_cast %reduce_max3A_10 : vector<10000xf32> to vector<10000x1xf32>
    %sub3A = vector.broadcast %broadcast_in_dim3A : vector<10000x1xf32> to vector<10000x16xf32>
    %sub3A_11 = arith.subf %add3A_9, %sub3A : vector<10000x16xf32>
    %exp3A = math.exp %sub3A_11 : vector<10000x16xf32>
    %reduce_sum3A = arith.constant dense<0.000000e+00> : vector<10000xf32>
    %reduce_sum3A_12 = vector.multi_reduction <add>, %exp3A, %reduce_sum3A [1] : vector<10000x16xf32> to vector<10000xf32>
    %broadcast_in_dim3A_13 = vector.shape_cast %reduce_sum3A_12 : vector<10000xf32> to vector<10000x1xf32>
    %log3A = math.log %broadcast_in_dim3A_13 : vector<10000x1xf32>
    %sub3A_14 = vector.broadcast %log3A : vector<10000x1xf32> to vector<10000x16xf32>
    %sub3A_15 = arith.subf %sub3A_11, %sub3A_14 : vector<10000x16xf32>
    %swap3A = arith.constant 0 : index
    %swap3A_16 = arith.constant 0 : index
    %swap3A_17 = vector.load %arg3[%swap3A, %swap3A_16] : memref<10000x16xf32, #tpu.memory_space<vmem>>, vector<10000x16xf32>
    tpu.vector_store %arg3[%swap3A, %swap3A_16], %sub3A_15 {strides = array<i32>} : memref<10000x16xf32, #tpu.memory_space<vmem>>, vector<10000x16xf32>,
    return
  }
}

</mosaic_0001>

<sc_bundles>
// kernel: kernel.12.cloned.1.call-start
scs
__scs_entry_jumppad:
0x0: {  	(pc) =	sbr.rel $0x88, $3  }
0x1: {  	(tag) =	ssettag $0x0;
	lr =	simm.s32 $0x1  }
0x2: {  	[smem:$0x3F95] =	sst lr;
	_ =	strace $0xD0000000  }
0x3: {  	_ = 	snop  }
0x4: {  	_ = 	snop  }
0x5: {  	_ = 	snop  }
0x6: {  	_ = 	snop  }
0x7: {  	_ = 	snop  }
__scs_overlays_trampoline_lowered:
0x8: {  	[smem:$0x3FA4] =	sst s0  }
0x9: {  	[smem:$0x3FA5] =	sst s1  }
0xa: {  	[smem:$0x3FA6] =	sst s2  }
0xb: {  	[smem:$0x3FA7] =	sst s3  }
0xc: {  	[smem:$0x3FA8] =	sst s4  }
0xd: {  	[smem:$0x3FA9] =	sst s5  }
0xe: {  	[smem:$0x3FAA] =	sst s6  }
0xf: {  	[smem:$0x3FAB] =	sst s7  }
0x10: {  	[smem:$0x3FAC] =	sst s8  }
0x11: {  	[smem:$0x3FAD] =	sst s9;
	s0 =	simm.s32 @!p0 $0x0  }
0x12: {  	s1 =	sld [smem:$0x3F93];
	s0 =	simm.s32 @p0 $0x1  }
0x13: {  	[smem:$0x3FAE] =	sst s0;
	s0 =	simm.s32 @!p1 $0x0  }
0x14: {  	s2 =	sld [smem:$0x3F92];
	s0 =	simm.s32 @p1 $0x1  }
0x15: {  	[smem:$0x3FAF] =	sst s0;
	s0 =	simm.s32 @!p2 $0x0  }
0x16: {  	s3 =	sld [smem:$0x3FDB];
	s0 =	simm.s32 @p2 $0x1  }
0x17: {  	s4 =	simm.s32 $0x1BF5;
	[smem:$0x3FB1] =	sst s0  }
0x18: {  	s0 =	sld [smem:$0x3F94];
	_ =	swait.ge [sflag:s4], $0x0  }
0x19: {  	s7 =	sld [smem:$0x3F95]  }
0x1a: {  	s8 =	sadd.s32 $0xFFFFE003, lr  }
0x1b: {  	s9 =	sadd.s32 $0xFFFFFEF7, lr;
	s5 =	simm.s32 $0xFFFFFFFF;
	p2 =	slt.u32 s8, $0xFFFFF086  }
0x1c: {  	p1 =	slt.u32 s9, $0xF7A;
	s5 =	simm.s32 @!p2 $0x0  }
0x1d: {  	s5 =	simm.s32 @p1 $0x1;
	p0 =	seq.s32 s7, s2  }
0x1e: {  	s7 =	smul.u32 @!p0 $0xF7A, s2;
	p2 =	seq.s32 @!p0 s5, $0x0  }
0x1f: {  	s9 =	smul.u32 $0xF7A, s1;
	s8 =	simm.s32 @!p0 $0x1BF5;
	p2 =	por !p2, p0  }
0x20: {  	[sflag:s8] =	ssyncset.s32 @!p0 $0xFFFFF086;
	s6 =	sadd.s32 @!p0 s3, s7;
	s7 =	simm.s32 @!p0 $0x108  }
0x21: {  	s3 =	sadd.s32 s3, s9;
	s6 =	sadd.s32 @!p0 $0x88, s6;
	s7 =	simm.s32 @p2 $0x1082  }
0x22: {  	[simem:s7], [sflag:s8] =	dma.local @!p0 [hbm:s6], $0xF7A  }
0x23: {  	s9 =	sor.u32 $0xD0000000, s2;
	s6 =	simm.s32 $0x108;
	_ =	swait.ge @!p0 [sflag:s8], $0x0  }
0x24: {  	s3 =	sadd.s32 $0x88, s3;
	s6 =	simm.s32 @!p1 $0x1082;
	[sflag:s4] =	ssyncset.s32 $0xFFFFF086  }
0x25: {  	[simem:s6], [sflag:s4] =	dma.local [hbm:s3], $0xF7A  }
0x26: {  	[smem:$0x3F95] =	sst s1;
	(tag) =	ssettag s2;
	_ =	strace s9  }
0x27: {  	s1 =	sld [smem:$0x3FA5]  }
0x28: {  	s2 =	sld [smem:$0x3FA6]  }
0x29: {  	s4 =	sld [smem:$0x3FA8]  }
0x2a: {  	p0 =	seq.s32 s5, $0x0;
	s5 =	sld [smem:$0x3FA9]  }
0x2b: {  	s6 =	sld [smem:$0x3FAA]  }
0x2c: {  	s7 =	sld [smem:$0x3FAB]  }
0x2d: {  	s3 =	simm.s32 $0x108;
	s8 =	sld [smem:$0x3FAC]  }
0x2e: {  	s3 =	simm.s32 @!p0 $0x1082;
	s9 =	sld [smem:$0x3FAD]  }
0x2f: {  	lr =	sadd.s32 s0, s3;
	s0 =	sld [smem:$0x3FA4]  }
0x30: {  	s3 =	sld [smem:$0x3FA7]  }
0x31: {  	[smem:$0x3FB0] =	sst s10  }
0x32: {  	s10 =	sld [smem:$0x3FAE];
	_ =	sdelay $0x3  }
0x33: {  	p0 =	seq.s32 s10, $0x1;
	s10 =	sld [smem:$0x3FB0];
	_ =	sdelay $0x3  }
0x34: {  	[smem:$0x3FB0] =	sst s10  }
0x35: {  	s10 =	sld [smem:$0x3FAF];
	_ =	sdelay $0x3  }
0x36: {  	p1 =	seq.s32 s10, $0x1;
	s10 =	sld [smem:$0x3FB0];
	_ =	sdelay $0x3  }
0x37: {  	[smem:$0x3FB0] =	sst s10  }
0x38: {  	s10 =	sld [smem:$0x3FB1]  }
0x39: {  	_ = 	snop;
	(pc) =	sbr.ind lr, $3  }
0x3a: {  	_ = 	snop  }
0x3b: {  	_ = 	snop  }
0x3c: {  	p2 =	seq.s32 s10, $0x1;
	s10 =	sld [smem:$0x3FB0]  }
0x3d: {  	_ =	shalt  }
0x3e: {  	_ =	shalt  }
0x3f: {  	_ =	shalt  }
0x40: {  	_ =	shalt  }
0x41: {  	_ =	shalt  }
0x42: {  	_ =	shalt  }
0x43: {  	_ =	shalt  }
0x44: {  	_ =	shalt  }
0x45: {  	_ =	shalt  }
0x46: {  	_ =	shalt  }
0x47: {  	_ =	shalt  }
0x48: {  	_ =	shalt  }
0x49: {  	_ =	shalt  }
0x4a: {  	_ =	shalt  }
0x4b: {  	_ =	shalt  }
0x4c: {  	_ =	shalt  }
0x4d: {  	_ =	shalt  }
0x4e: {  	_ =	shalt  }
0x4f: {  	_ =	shalt  }
0x50: {  	_ =	shalt  }
0x51: {  	_ =	shalt  }
0x52: {  	_ =	shalt  }
0x53: {  	_ =	shalt  }
0x54: {  	_ =	shalt  }
0x55: {  	_ =	shalt  }
0x56: {  	_ =	shalt  }
0x57: {  	_ =	shalt  }
0x58: {  	_ =	shalt  }
0x59: {  	_ =	shalt  }
0x5a: {  	_ =	shalt  }
0x5b: {  	_ =	shalt  }
0x5c: {  	_ =	shalt  }
0x5d: {  	_ =	shalt  }
0x5e: {  	_ =	shalt  }
0x5f: {  	_ =	shalt  }
0x60: {  	_ =	shalt  }
0x61: {  	_ =	shalt  }
0x62: {  	_ =	shalt  }
0x63: {  	_ =	shalt  }
0x64: {  	_ =	shalt  }
0x65: {  	_ =	shalt  }
0x66: {  	_ =	shalt  }
0x67: {  	_ =	shalt  }
0x68: {  	_ =	shalt  }
0x69: {  	_ =	shalt  }
0x6a: {  	_ =	shalt  }
0x6b: {  	_ =	shalt  }
0x6c: {  	_ =	shalt  }
0x6d: {  	_ =	shalt  }
0x6e: {  	_ =	shalt  }
0x6f: {  	_ =	shalt  }
0x70: {  	_ =	shalt  }
0x71: {  	_ =	shalt  }
0x72: {  	_ =	shalt  }
0x73: {  	_ =	shalt  }
0x74: {  	_ =	shalt  }
0x75: {  	_ =	shalt  }
0x76: {  	_ =	shalt  }
0x77: {  	_ =	shalt  }
0x78: {  	_ =	shalt  }
0x79: {  	_ =	shalt  }
0x7a: {  	_ =	shalt  }
0x7b: {  	_ =	shalt  }
0x7c: {  	_ =	shalt  }
0x7d: {  	_ =	shalt  }
0x7e: {  	_ =	shalt  }
0x7f: {  	_ =	shalt  }
0x80: {  	_ =	shalt  }
0x81: {  	_ =	shalt  }
0x82: {  	_ =	shalt  }
0x83: {  	_ =	shalt  }
0x84: {  	_ =	shalt  }
0x85: {  	_ =	shalt  }
0x86: {  	_ =	shalt  }
0x87: {  	_ =	shalt  }
.Lfunc_end0:
.L_simem_size_0:
called_computation.1_lowered:
.L_overlay_start_0:
0x88: {  	s2 =	sld [smem:$0x3FD9]  }
0x89: {  	s3 =	sld [smem:$0x3FFE];
	_ =	sdelay $0x1  }
0x8a: {  	s1 =	srdreg.scid  }
0x8b: {  	s0 =	sand.u32 $0x1, s1  }
0x8c: {  	s17 =	sshll.u32 s0, $0xA;
	s2 =	sadd.s32 s3, s2  }
0x8d: {  	s2 =	sadd.s32 s2, s17  }
0x8e: {  	[smem:$0x3FBC] =	sst s2  }
0x8f: {  	_ = 	snop  }
0x90: {  	s2 =	sld [smem:$0x3FC6]  }
0x91: {  	s18 =	sld [smem:$0x3FD0];
	(tm) =	ssettm $0x1  }
0x92: {  	s4 =	sld [smem:$0x3FFB];
	_ =	sdelay $0x3  }
0x93: {  	_ =	strace s4  }
0x94: {  	s4 =	sld [smem:$0x3FFC];
	_ =	sdelay $0x3  }
0x95: {  	_ =	strace s4  }
0x96: {  	s4 =	sld [smem:$0x3FFD];
	_ =	sdelay $0x3  }
0x97: {  	_ =	strace s4  }
0x98: {  	_ =	strace $0x8FFFFFFF  }
0x99: {  	s19 =	sld [smem:$0x3FDB];
	_ =	sdelay $0x1  }
0x9a: {  	s5 =	simm.s32 $_scs_section_size  }
0x9b: {  	s6 =	simm.s32 $_size__tile_overlayer_lowered;
	s7 =	simm.s32 $_tile_overlayer_lowered  }
0x9c: {  	s22 =	simm.s32 $0x1BFF;
	s21 =	sshll.u32 s7, $0x1;
	s4 =	sadd.s32 s5, s19  }
0x9d: {  	s8 =	simm.s32 $0x0;
	s20 =	sshll.u32 s6, $0x1;
	s6 =	sadd.s32 s21, s4  }
0x9e: {  	[timem:s8], [sflag:s22] =	dma.local [hbm:s6], s20  }
0x9f: {  	_ =	swait.ge [sflag:s22], s20  }
0xa0: {  	s5 =	ssub.s32 $0x0, s20;
	[sflag:s22] =	ssyncset.done $0x0  }
0xa1: {  	[sflag:s22] =	ssyncadd.s32 s5;
	_ =	sdelay $0x1  }
0xa2: {  	s23 =	simm.s32 $0x1B8B  }
0xa3: {  	_ =	swait.ge [sflag:s23], $0x1  }
0xa4: {  	[sflag:s23] =	ssyncset.done $0x0  }
0xa5: {  	s25 =	simm.s32 $0x1B8E;
	s24 =	sld [smem:$0x3FFE];
	[sflag:s23] =	ssyncadd.s32 $0xFFFFFFFF  }
0xa6: {  	s26 =	simm.s32 $execute0_lowered;
	[smem:$0x3FD2] =	sst s25  }
0xa7: {  	s6 =	sshll.u32 s26, $0x1;
	_ =	strace $0x80000049;
	[dreg:$0x1] =	wrdreg $0xFFFFFFFF  }
0xa8: {  	s28 =	simm.s32 $_size_execute0_lowered;
	s4 =	sadd.s32 s4, s6;
	[dreg:$0x0] =	wrdreg $0x0  }
0xa9: {  	s6 =	sshll.u32 s28, $0x1;
	[dreg:$0x2] =	wrdreg s4  }
0xaa: {  	[dreg:$0x3] =	wrdreg s6  }
0xab: {  	[dreg:$0x4] =	wrdreg $0xC0  }
0xac: {  	_ =	task [dreg:s8], $0x5FFFF  }
0xad: {  	[dreg:$0x1] =	wrdreg $0xFFFFFFFF  }
0xae: {  	[dreg:$0x0] =	wrdreg $0x60  }
0xaf: {  	[dreg:$0x2] =	wrdreg s18  }
0xb0: {  	[dreg:$0x3] =	wrdreg s24  }
0xb1: {  	[dreg:$0x4] =	wrdreg s2  }
0xb2: {  	[dreg:$0x5] =	wrdreg $0xA7300  }
0xb3: {  	[dreg:$0x6] =	wrdreg $0x0  }
0xb4: {  	[dreg:$0x7] =	wrdreg $0x9  }
0xb5: {  	_ =	task.clear_ibuf [dreg:s8], $0x8FFFF;
	_ =	strace $0x90000049  }
0xb6: {  	s29 =	simm.s32 $0x9;
	_ =	strace $0x8000004B  }
0xb7: {  	_ =	swait.ge [sflag:s29], $0x1  }
0xb8: {  	[sflag:s29] =	ssyncadd.s32 $0xFFFFFFFF  }
0xb9: {  	_ =	strace $0x9000004B  }
0xba: {  	_ =	sfence  }
0xbb: {  	s30 =	sld [smem:$0x0];
	_ =	sdelay $0x2  }
0xbc: {  	s31 =	sshll.u32 s1, $0xD;
	s1 =	sshrl.u32 s1, $0x2  }
0xbd: {  	s3 =	sand.u32 $0x4000, s31;
	s1 =	sadd.s32 s1, s30  }
0xbe: {  	s0 =	sor.u32 s3, s0;
	s1 =	sshll.u32 s1, $0x11  }
0xbf: {  	s0 =	sor.u32 s1, s0  }
0xc0: {  	s0 =	sadd.s32 $0x8F2B, s0  }
0xc1: {  	[sflag:s0] =	ssyncadd.remote.s32 $0x1  }
0xc2: {  	_ =	sfence.sel $0xFFFF  }
0xc3: {  	[dreg:$0x0] =	wrdreg $0xFFFFFFFF;
	(pc) =	sbr.abs _section_cstart, $3  }
0xc4: {  	[dreg:$0x1] =	wrdreg $0xFFFFFFFF  }
0xc5: {  	_ =	task.clear_ibuf [dreg:s8], $0x2FFFF;
	_ =	strace $0x9FFFFFFF  }
0xc6: {  	(tm) =	ssettm $0x7FFFFFFF  }
0xc7: {  	_ =	shalt  }
tec
execute0_lowered:
.L_overlay_start_1:
0x0: {  	(tag) =	ssettag $0x1  }
0x1: {  	s0 =	rddreg [dreg:$0x0]  }
0x2: {  	s1 =	srdreg.scid;
	s6 =	rddreg [dreg:$0x1]  }
0x3: {  	s11 =	rddreg [dreg:$0x2];
	s15 =	stileid.u32  }
0x4: {  	s2 =	rddreg [dreg:$0x3];
	s16 =	simm.s32 $0x8020;
	s18 =	simm.s32 $0xCE40  }
0x5: {  	s19 =	simm.s32 $0x2;
	s20 =	simm.s32 $0x190;
	s21 =	simm.s32 $0x4E20  }
0x6: {  	s22 =	simm.s32 $0x1;
	s23 =	simm.s32 $0x6720;
	s24 =	simm.s32 $0x3  }
0x7: {  	s26 =	simm.s32 $0x4;
	s1 =	sand.u32 $0x1, s1;
	s9 =	smul.u32 $0x2710, s15  }
0x8: {  	s28 =	simm.s32 $0x0;
	s3 =	sshll.u32 s1, $0x4;
	s5 =	smul.u32 $0x27100, s1  }
0x9: {  	s1 =	ssub.s32 $0x2, s1;
	s4 =	sor.u32 s15, s3;
	s3 =	rddreg [dreg:$0x4]  }
0xa: {  	s8 =	sshrl.u32 s1, $0x1;
	s30 =	sshrl.u32 s9, $0x3;
	s14 =	sadd.s32 s9, s2  }
0xb: {  	s12 =	smul.u32 $0x4E2, s4;
	s4 =	simm.s32 $0x0;
	s7 =	sadd.s32 s9, s5  }
0xc: {  	s5 =	sadd.s32 $0x15A00, s6;
	s1 =	ssub.s32 s1, s8;
	s31 =	sadd.s32 s9, s3  }
0xd: {  	s14 =	sshrl.u32 s14, $0x3;
	[smem:$0x7FF] =	sst s4;
	s7 =	sshrl.u32 s7, $0x3  }
0xe: {  	_ =	strace $0x8000004A;
	s10 =	sadd.s32 s12, s6;
	s13 =	sadd.s32 s7, s6  }
0xf: {  	s6 =	sadd.s32 s0, s30;
	s7 =	sshll.u32 s15, $0x6;
	s11 =	sadd.s32 s11, s12  }
0x10: {  	v0 =	vimm.s32 $0x0;
	vm0 =	vcmask $0x300;
	s15 =	sshrl.u32 s31, $0x3;
	s8 =	sor.u32 $0x1C02, s7;
	s9 =	sadd.s32 $0xBC00, s10  }
0x11: {  	v0 =	vsel vm0, $0x3, v0;
	s10 =	sadd.s32 $0x1E00, s10;
	s12 =	sadd.s32 $0x16000, s13;
	s13 =	smax.u32 s1, $0x1  }
.LBB2_1:
0x12: {  	[spmem:s14], [sflag:s8] =	dma.local [hbm:s6], $0x4E2  }
0x13: {  	[spmem:s15], [sflag:s8] =	dma.local [hbm:s5], $0x4E2  }
0x14: {  	[tilespmem:s16], [sflag:$0x2] =	stream.linear.gather [hbm4b:s9+s4], $0x2710, $0x38;
	[tilespmem:$0xF550] =	vst v63  }
0x15: {  	s0 =	simm.s32 $0x2710  }
0x16: {  	[tilespmem:s0], [sflag:$0x2] =	stream.linear.gather [hbm4b:s10+s4], $0x2710, $0x38;
	[tilespmem:$0xF550] =	vst v63  }
0x17: {  	_ = 	snop  }
0x18: {  	[tilespmem:s18], [sflag:$0x2] =	stream.linear.gather [hbm4b:s11+s4], $0x2710, $0x38;
	[tilespmem:$0xF550] =	vst v63  }
0x19: {  	_ =	swait.ge [sflag:s19], $0x4E2  }
0x1a: {  	[sflag:s19] =	ssyncset.done $0x0  }
0x1b: {  	[sflag:s19] =	ssyncadd.s32 $0xFFFFFB1E  }
0x1c: {  	_ =	swait.ge [sflag:s19], $0x4E2  }
0x1d: {  	[sflag:s19] =	ssyncset.done $0x0  }
0x1e: {  	[sflag:s19] =	ssyncadd.s32 $0xFFFFFB1E  }
0x1f: {  	_ =	swait.ge [sflag:s19], $0x2710  }
0x20: {  	[sflag:s19] =	ssyncset.done $0x0  }
0x21: {  	[sflag:s19] =	ssyncadd.s32 $0xFFFFD8F0  }
0x22: {  	_ =	swait.ge [sflag:s19], $0x2710  }
0x23: {  	[sflag:s19] =	ssyncset.done $0x0  }
0x24: {  	[sflag:s19] =	ssyncadd.s32 $0xFFFFD8F0  }
0x25: {  	_ =	swait.ge [sflag:s19], $0x2710  }
0x26: {  	[sflag:s19] =	ssyncset.done $0x0  }
0x27: {  	[sflag:s19] =	ssyncadd.s32 $0xFFFFD8F0  }
0x28: {  	s29 =	simm.s32 $0x0;
	[bflag:$0x0] =	sbarrier.arrive $0xFFFF  }
0x29: {  	[tilespmem:s21], [sflag:$0x1] =	stream.indirect.gather [spmem:s2], $0x10, s16, s20, $0xb8;
	[tilespmem:$0xF550] =	vst v63  }
.LBB2_2:
0x2a: {  	s0 =	sshll.u32 s29, $0x1;
	s1 =	simm.s32 $0x0  }
0x2b: {  	s17 =	simm.s32 $0x1;
	s25 =	simm.s32 $0x4;
	v1 =	vmov s0;
	v9 =	vmov s1  }
0x2c: {  	s1 =	simm.s32 $0x2;
	v10 =	vmov s17;
	s0 =	simm.s32 $0x3;
	v13 =	vmov s25;
	v2 =	vmul.u32 $0x190, v1  }
0x2d: {  	s17 =	simm.s32 $0x5;
	v9 =	vshrl.u32 v9, $0x3;
	v11 =	vmov s1;
	v12 =	vmov s0  }
0x2e: {  	s25 =	simm.s32 $0x7;
	v14 =	vmov s17;
	s1 =	simm.s32 $0x6;
	v10 =	vshrl.u32 v10, $0x3;
	v13 =	vshrl.u32 v13, $0x3  }
0x2f: {  	v16 =	vmov s25;
	v9 =	vshll.u32 v9, v0;
	v15 =	vmov s1  }
0x30: {  	v11 =	vshrl.u32 v11, $0x3;
	v12 =	vshrl.u32 v12, $0x3;
	v14 =	vshrl.u32 v14, $0x3  }
0x31: {  	v10 =	vshll.u32 v10, v0;
	v13 =	vshll.u32 v13, v0;
	v16 =	vshrl.u32 v16, $0x3  }
0x32: {  	v3 =	vor.u32 $0x1, v2;
	v4 =	vor.u32 $0x2, v2;
	v5 =	vor.u32 $0x3, v2  }
0x33: {  	v6 =	vor.u32 $0x4, v2;
	v7 =	vor.u32 $0x5, v2;
	v8 =	vor.u32 $0x6, v2  }
0x34: {  	_ =	swait.ge [sflag:s22], $0x1900;
	v1 =	vor.u32 $0x7, v2;
	v9 =	vadd.s32 v2, v9;
	v15 =	vshrl.u32 v15, $0x3  }
0x35: {  	p0 =	seq.s32 s29, $0x0;
	[sflag:s22] =	ssyncset.done $0x0;
	s1 =	simm.s32 $0x8;
	v11 =	vshll.u32 v11, v0;
	v12 =	vshll.u32 v12, v0;
	v14 =	vshll.u32 v14, v0  }
0x36: {  	s31 =	sshllo.u32 s29, $0x1;
	[sflag:s22] =	ssyncadd.s32 $0xFFFFE700;
	s0 =	simm.s32 @!p0 $0x3;
	v16 =	vshll.u32 v16, v0;
	v17 =	vmov s1;
	v9 =	vbroadcast v9, $0x0  }
0x37: {  	s17 =	smul.u32 $0x640, s31;
	_ =	swait.ge @!p0 [sflag:s0], $0x1900;
	v10 =	vadd.s32 v10, v3;
	v11 =	vadd.s32 v11, v4;
	v15 =	vshll.u32 v15, v0  }
0x38: {  	[sflag:s0] =	ssyncset.done @!p0 $0x0;
	v12 =	vadd.s32 v12, v5;
	v13 =	vadd.s32 v13, v6;
	v14 =	vadd.s32 v14, v7  }
0x39: {  	s30 =	sshra.s32 s17, $0x2;
	s17 =	simm.s32 $0x9;
	[sflag:s0] =	ssyncadd.s32 @!p0 $0xFFFFE700;
	v16 =	vadd.s32 v16, v1;
	v17 =	vshrl.u32 v17, $0x3;
	v10 =	vbroadcast v10, $0x0  }
0x3a: {  	s25 =	sadd.s32 $0x8020, s30;
	v18 =	vmov s17;
	s0 =	simm.s32 $0xB;
	s17 =	simm.s32 $0xC;
	v11 =	vbroadcast v11, $0x0;
	v12 =	vbroadcast v12, $0x0  }
0x3b: {  	v13 =	vbroadcast v13, $0x0;
	[tilespmem:s23], [sflag:$0x1] =	stream.indirect.gather [spmem:s2], $0x10, s25, s20, $0xb8;
	v16 =	vbroadcast v16, $0x0;
	v20 =	vmov s0;
	[tilespmem:$0xF550] =	vst v63  }
0x3c: {  	s1 =	simm.s32 $0x4E60;
	s25 =	simm.s32 $0xA;
	v21 =	vmov s17;
	v17 =	vshll.u32 v17, v0;
	v18 =	vshrl.u32 v18, $0x3  }
0x3d: {  	v19 =	vmov s25;
	v20 =	vshrl.u32 v20, $0x3;
	v24 =	vadd.s32 v2, v17;
	v17 =	vld [tilespmem:s1+$0x30]  }
0x3e: {  	s25 =	simm.s32 $0xD;
	v21 =	vshrl.u32 v21, $0x3;
	v19 =	vshrl.u32 v19, $0x3;
	v26 =	vshll.u32 v20, v0;
	v20 =	vld [tilespmem:s1+$0xFFFFFFD0]  }
0x3f: {  	v22 =	vmov s25;
	s25 =	simm.s32 $0xE;
	v21 =	vshll.u32 v21, v0;
	v25 =	vshll.u32 v19, v0;
	v19 =	vld [tilespmem:s1+$0xFFFFFFC0]  }
0x40: {  	v18 =	vshll.u32 v18, v0;
	v23 =	vmov s25;
	v27 =	vadd.s32 v21, v6;
	v21 =	vld [tilespmem:s1+$0xFFFFFFF0]  }
0x41: {  	v15 =	vadd.s32 v15, v8;
	v18 =	vadd.s32 v18, v3;
	v23 =	vshrl.u32 v23, $0x3;
	v9 =	vld.idx.msk [tilespmem:v9+s18+$0x0], $0xffff  }
0x42: {  	v14 =	vbroadcast v14, $0x0;
	v30 =	vshll.u32 v23, v0;
	v23 =	vbroadcast v18, $0x0;
	v18 =	vld [tilespmem:s1+$0xFFFFFFE0]  }
0x43: {  	v15 =	vbroadcast v15, $0x0;
	v10 =	vld.idx.msk [tilespmem:v10+s18+$0x0], $0xffff  }
0x44: {  	v11 =	vld.idx.msk [tilespmem:v11+s18+$0x0], $0xffff  }
0x45: {  	v16 =	vld.idx.msk [tilespmem:v16+s18+$0x0], $0xffff  }
0x46: {  	v12 =	vld.idx.msk [tilespmem:v12+s18+$0x0], $0xffff  }
0x47: {  	v24 =	vbroadcast v24, $0x0;
	v22 =	vshrl.u32 v22, $0x3;
	v13 =	vld.idx.msk [tilespmem:v13+s18+$0x0], $0xffff  }
0x48: {  	v28 =	vadd.s32 v26, v5;
	v29 =	vshll.u32 v22, v0;
	v22 =	vadd.s32 v25, v4;
	v14 =	vld.idx.msk [tilespmem:v14+s18+$0x0], $0xffff  }
0x49: {  	s17 =	simm.s32 $0xF;
	s0 =	simm.s32 $0x10;
	v22 =	vbroadcast v22, $0x0;
	v26 =	vadd.s32 v29, v7;
	v25 =	vadd.s32 v30, v8;
	v15 =	vld.idx.msk [tilespmem:v15+s18+$0x0], $0xffff  }
.LBB2_3:
0x4a: {  	p0 =	slt.u32 s0, $0x188;
	v28 =	vbroadcast v28, $0x0;
	v29 =	vmov s17;
	v30 =	vld [tilespmem:s1+$0x0];
	v16 =	vmul.f32 v17, v16  }
0x4b: {  	v17 =	vbroadcast v27, $0x0;
	v27 =	vshrl.u32 v29, $0x3;
	v19 =	vmul.f32 v19, v9;
	v29 =	vld [tilespmem:s1+$0x10]  }
0x4c: {  	v26 =	vbroadcast v26, $0x0;
	v27 =	vshll.u32 v27, v0;
	v20 =	vmul.f32 v20, v10;
	v31 =	vld [tilespmem:s1+$0x20];
	[tilespmem:s1+$0x30] =	vst v16  }
0x4d: {  	v16 =	vbroadcast v25, $0x0;
	v9 =	vld.idx.msk [tilespmem:v24+s18+$0x0], $0xffff;
	v24 =	vadd.s32 v27, v1;
	[tilespmem:s1+$0xFFFFFFC0] =	vst v19;
	v18 =	vmul.f32 v18, v11  }
0x4e: {  	s17 =	sadd.s32 $0x1, s0;
	v11 =	vmov s0;
	v10 =	vld.idx.msk [tilespmem:v23+s18+$0x0], $0xffff;
	v19 =	vbroadcast v24, $0x0;
	[tilespmem:s1+$0xFFFFFFD0] =	vst v20;
	v20 =	vmul.f32 v21, v12  }
0x4f: {  	s25 =	sadd.s32 $0x3, s0;
	v21 =	vshrl.u32 v11, $0x3;
	v23 =	vmov s17;
	s17 =	sadd.s32 $0x2, s0;
	v11 =	vld.idx.msk [tilespmem:v22+s18+$0x0], $0xffff;
	[tilespmem:s1+$0xFFFFFFE0] =	vst v18;
	v18 =	vmul.f32 v30, v13  }
0x50: {  	v24 =	vmov s25;
	s25 =	sadd.s32 $0x5, s0;
	v22 =	vmov s17;
	s17 =	sadd.s32 $0x4, s0;
	v12 =	vld.idx.msk [tilespmem:v28+s18+$0x0], $0xffff;
	[tilespmem:s1+$0xFFFFFFF0] =	vst v20;
	v20 =	vmul.f32 v29, v14  }
0x51: {  	v27 =	vmov s25;
	v25 =	vmov s17;
	s17 =	sadd.s32 $0x6, s0;
	v13 =	vld.idx.msk [tilespmem:v17+s18+$0x0], $0xffff;
	[tilespmem:s1+$0x0] =	vst v18;
	v17 =	vmul.f32 v31, v15  }
0x52: {  	v18 =	vshll.u32 v21, v0;
	v21 =	vshrl.u32 v23, $0x3;
	v23 =	vmov s17;
	v14 =	vld.idx.msk [tilespmem:v26+s18+$0x0], $0xffff;
	[tilespmem:s1+$0x10] =	vst v20  }
0x53: {  	v20 =	vshrl.u32 v22, $0x3;
	v22 =	vshrl.u32 v24, $0x3;
	v24 =	vshrl.u32 v25, $0x3;
	v15 =	vld.idx.msk [tilespmem:v16+s18+$0x0], $0xffff;
	[tilespmem:s1+$0x20] =	vst v17  }
0x54: {  	v18 =	vadd.s32 v2, v18;
	v25 =	vshrl.u32 v27, $0x3;
	v23 =	vshrl.u32 v23, $0x3;
	s1 =	sadd.s32 $0x80, s1;
	v16 =	vld.idx.msk [tilespmem:v19+s18+$0x0], $0xffff  }
.Ltmp0:
0x55: {  	v21 =	vshll.u32 v21, v0;
	v20 =	vshll.u32 v20, v0;
	v22 =	vshll.u32 v22, v0;
	v17 =	vld [tilespmem:s1+$0x30];
	(pc) =	sbr.rel @p0 .LBB2_3-.Ltmp0, $4  }
0x56: {  	v26 =	vshll.u32 v24, v0;
	v25 =	vshll.u32 v25, v0;
	v29 =	vshll.u32 v23, v0;
	v19 =	vld [tilespmem:s1+$0xFFFFFFC0]  }
0x57: {  	v24 =	vbroadcast v18, $0x0;
	v18 =	vadd.s32 v21, v3;
	v21 =	vadd.s32 v20, v4;
	v20 =	vld [tilespmem:s1+$0xFFFFFFD0]  }
0x58: {  	v23 =	vbroadcast v18, $0x0;
	v28 =	vadd.s32 v22, v5;
	v27 =	vadd.s32 v26, v6;
	v18 =	vld [tilespmem:s1+$0xFFFFFFE0]  }
0x59: {  	s17 =	sadd.s32 $0x7, s0;
	s0 =	sadd.s32 $0x8, s0;
	v26 =	vadd.s32 v25, v7;
	v25 =	vadd.s32 v29, v8;
	v22 =	vbroadcast v21, $0x0;
	v21 =	vld [tilespmem:s1+$0xFFFFFFF0]  }
0x5a: {  	_ = 	snop  }
0x5b: {  	v4 =	vld [tilespmem:s1+$0x0]  }
0x5c: {  	v6 =	vld [tilespmem:s1+$0x10]  }
0x5d: {  	v8 =	vld [tilespmem:s1+$0x20]  }
0x5e: {  	v24 =	vld.idx.msk [tilespmem:v24+s18+$0x0], $0xffff  }
0x5f: {  	s0 =	sadd.s32 $0x80, s1;
	v22 =	vld.idx.msk [tilespmem:v22+s18+$0x0], $0xffff  }
0x60: {  	v3 =	vmov s17;
	v16 =	vmul.f32 v17, v16;
	v17 =	vld [tilespmem:s0+$0xFFFFFFC0]  }
0x61: {  	v2 =	vbroadcast v28, $0x0;
	v3 =	vshrl.u32 v3, $0x3;
	v9 =	vmul.f32 v19, v9;
	v19 =	vld [tilespmem:s0+$0xFFFFFFD0]  }
0x62: {  	v5 =	vbroadcast v27, $0x0;
	v3 =	vshll.u32 v3, v0;
	[tilespmem:s1+$0x30] =	vst v16;
	v16 =	vld [tilespmem:s0+$0xFFFFFFE0]  }
0x63: {  	v25 =	vbroadcast v25, $0x0;
	v10 =	vmul.f32 v20, v10;
	v1 =	vadd.s32 v3, v1;
	v3 =	vld.idx.msk [tilespmem:v23+s18+$0x0], $0xffff  }
0x64: {  	[tilespmem:s1+$0xFFFFFFC0] =	vst v9;
	v9 =	vmul.f32 v18, v11;
	v11 =	vld [tilespmem:s0+$0xFFFFFFF0]  }
0x65: {  	v7 =	vbroadcast v26, $0x0;
	[tilespmem:s1+$0xFFFFFFD0] =	vst v10;
	v10 =	vmul.f32 v21, v12;
	v12 =	vld [tilespmem:s0+$0x0]  }
0x66: {  	[tilespmem:s1+$0xFFFFFFE0] =	vst v9;
	v9 =	vld [tilespmem:s0+$0x10]  }
0x67: {  	v2 =	vld.idx.msk [tilespmem:v2+s18+$0x0], $0xffff  }
0x68: {  	v1 =	vbroadcast v1, $0x0;
	v5 =	vld.idx.msk [tilespmem:v5+s18+$0x0], $0xffff  }
0x69: {  	v23 =	vld.idx.msk [tilespmem:v25+s18+$0x0], $0xffff  }
0x6a: {  	v4 =	vmul.f32 v4, v13;
	[tilespmem:s1+$0xFFFFFFF0] =	vst v10;
	v10 =	vld [tilespmem:s0+$0x20]  }
0x6b: {  	v6 =	vmul.f32 v6, v14;
	v7 =	vld.idx.msk [tilespmem:v7+s18+$0x0], $0xffff  }
0x6c: {  	[tilespmem:s1+$0x0] =	vst v4;
	v14 =	vmul.f32 v16, v22  }
0x6d: {  	v25 =	vld [tilespmem:s0+$0x30];
	v4 =	vmul.f32 v8, v15;
	[tilespmem:s1+$0x10] =	vst v6;
	v13 =	vmul.f32 v19, v3  }
0x6e: {  	s25 =	simm.s32 $0x0;
	s17 =	simm.s32 $0x2;
	v6 =	vmul.f32 v17, v24;
	[tilespmem:s0+$0xFFFFFFE0] =	vst v14;
	v1 =	vld.idx.msk [tilespmem:v1+s18+$0x0], $0xffff;
	v12 =	vmul.f32 v12, v5  }
0x6f: {  	v14 =	vmov s17;
	[tilespmem:s0+$0xFFFFFFD0] =	vst v13;
	v13 =	vmov s25;
	s25 =	simm.s32 $0x3;
	v10 =	vmul.f32 v10, v23  }
0x70: {  	v11 =	vmul.f32 v11, v2;
	v9 =	vmul.f32 v9, v7;
	v16 =	vmov s25;
	s25 =	simm.s32 $0x5;
	[tilespmem:s0+$0x0] =	vst v12  }
0x71: {  	v12 =	vshrl.u32 v13, $0x3;
	v13 =	vmov s25;
	[tilespmem:s0+$0x20] =	vst v10;
	v10 =	vshrl.u32 v14, $0x3  }
0x72: {  	[tilespmem:s0+$0x10] =	vst v9;
	v14 =	vshrl.u32 v16, $0x3;
	v9 =	vshll.u32 v12, v0;
	v13 =	vshrl.u32 v13, $0x3  }
0x73: {  	[tilespmem:s1+$0x20] =	vst v4;
	s17 =	smul.u32 $0xC80, s29;
	v10 =	vshll.u32 v10, v0;
	v8 =	vmul.f32 v25, v1;
	v1 =	vmov s31;
	s31 =	simm.s32 $0x1  }
0x74: {  	[tilespmem:s0+$0xFFFFFFC0] =	vst v6;
	v14 =	vshll.u32 v14, v0;
	v1 =	vmul.u32 $0x190, v1;
	v15 =	vmov s31;
	s31 =	simm.s32 $0x4  }
0x75: {  	s17 =	sshra.s32 s17, $0x2;
	[tilespmem:s0+$0xFFFFFFF0] =	vst v11;
	v13 =	vshll.u32 v13, v0;
	v11 =	vmov s31;
	v12 =	vshrl.u32 v15, $0x3  }
0x76: {  	s1 =	sadd.s32 $0x2710, s17;
	[tilespmem:s0+$0x30] =	vst v8;
	s31 =	simm.s32 $0x6;
	v2 =	vor.u32 $0x1, v1;
	v3 =	vor.u32 $0x2, v1;
	v4 =	vor.u32 $0x3, v1  }
0x77: {  	v5 =	vor.u32 $0x4, v1;
	v7 =	vor.u32 $0x5, v1;
	v8 =	vor.u32 $0x6, v1;
	[spmem:s3] =	stream.indirect.scatter.add.f32 [tilespmem:s21], [sflag:$0x3], $0x10, s1, s20, $0xb8;
	[tilespmem:$0xF550] =	vst v63  }
0x78: {  	v15 =	vmov s31;
	v9 =	vadd.s32 v1, v9;
	v12 =	vshll.u32 v12, v0;
	_ =	swait.ge [sflag:s22], $0x1900  }
0x79: {  	v11 =	vshrl.u32 v11, $0x3;
	v9 =	vbroadcast v9, $0x0;
	v12 =	vadd.s32 v12, v2;
	[sflag:s22] =	ssyncset.done $0x0  }
0x7a: {  	v15 =	vshrl.u32 v15, $0x3;
	v10 =	vadd.s32 v10, v3;
	v12 =	vbroadcast v12, $0x0;
	[sflag:s22] =	ssyncadd.s32 $0xFFFFE700  }
0x7b: {  	v11 =	vshll.u32 v11, v0;
	v14 =	vadd.s32 v14, v4;
	v16 =	vbroadcast v10, $0x0;
	_ =	swait.ge [sflag:s24], $0x1900  }
0x7c: {  	s25 =	simm.s32 $0x7;
	v13 =	vadd.s32 v13, v7;
	v10 =	vadd.s32 v11, v5;
	v14 =	vbroadcast v14, $0x0;
	[sflag:s24] =	ssyncset.done $0x0  }
0x7d: {  	s31 =	sadd.s32 $0x8340, s17;
	v15 =	vshll.u32 v15, v0;
	v11 =	vmov s25;
	v17 =	vbroadcast v10, $0x0;
	[sflag:s24] =	ssyncadd.s32 $0xFFFFE700  }
0x7e: {  	v10 =	vshrl.u32 v11, $0x3;
	v11 =	vadd.s32 v15, v8;
	v15 =	vbroadcast v13, $0x0;
	[tilespmem:s21], [sflag:$0x1] =	stream.indirect.gather [spmem:s2], $0x10, s31, s20, $0xb8;
	[tilespmem:$0xF550] =	vst v63  }
0x7f: {  	v6 =	vor.u32 $0x7, v1;
	v10 =	vshll.u32 v10, v0;
	v18 =	vbroadcast v11, $0x0;
	v9 =	vld.idx.msk [tilespmem:v9+s18+$0x0], $0xffff  }
0x80: {  	s1 =	simm.s32 $0x8;
	s17 =	simm.s32 $0x9;
	v11 =	vadd.s32 v10, v6;
	v10 =	vld.idx.msk [tilespmem:v12+s18+$0x0], $0xffff  }
0x81: {  	v20 =	vmov s17;
	s17 =	simm.s32 $0xC;
	s25 =	simm.s32 $0xA;
	v19 =	vbroadcast v11, $0x0;
	v12 =	vmov s1;
	v11 =	vld.idx.msk [tilespmem:v16+s18+$0x0], $0xffff  }
0x82: {  	v23 =	vmov s17;
	v21 =	vmov s25;
	s25 =	simm.s32 $0xD;
	v16 =	vshrl.u32 v12, $0x3;
	v12 =	vld.idx.msk [tilespmem:v14+s18+$0x0], $0xffff  }
0x83: {  	v23 =	vshrl.u32 v23, $0x3;
	v24 =	vmov s25;
	v13 =	vld.idx.msk [tilespmem:v17+s18+$0x0], $0xffff  }
0x84: {  	v21 =	vshrl.u32 v21, $0x3;
	v27 =	vshll.u32 v23, v0;
	v24 =	vshrl.u32 v24, $0x3;
	v14 =	vld.idx.msk [tilespmem:v15+s18+$0x0], $0xffff  }
0x85: {  	v21 =	vshll.u32 v21, v0;
	v27 =	vadd.s32 v27, v5;
	s31 =	simm.s32 $0xB;
	s1 =	simm.s32 $0x6790;
	v17 =	vshrl.u32 v20, $0x3;
	v15 =	vld.idx.msk [tilespmem:v18+s18+$0x0], $0xffff  }
0x86: {  	v22 =	vmov s31;
	s31 =	simm.s32 $0xE;
	v16 =	vshll.u32 v16, v0;
	v25 =	vshll.u32 v17, v0;
	v17 =	vld [tilespmem:s1+$0x0]  }
0x87: {  	v20 =	vmov s31;
	v22 =	vshrl.u32 v22, $0x3;
	v18 =	vadd.s32 v1, v16;
	v16 =	vld.idx.msk [tilespmem:v19+s18+$0x0], $0xffff  }
0x88: {  	v29 =	vshll.u32 v24, v0;
	v20 =	vshrl.u32 v20, $0x3;
	v26 =	vshll.u32 v22, v0;
	v19 =	vld [tilespmem:s1+$0xFFFFFF90]  }
0x89: {  	v22 =	vld [tilespmem:s1+$0xFFFFFFA0];
	v30 =	vshll.u32 v20, v0;
	v24 =	vbroadcast v18, $0x0;
	v18 =	vadd.s32 v25, v2  }
0x8a: {  	v20 =	vadd.s32 v21, v3;
	v28 =	vadd.s32 v26, v4;
	v23 =	vbroadcast v18, $0x0;
	v18 =	vld [tilespmem:s1+$0xFFFFFFB0]  }
0x8b: {  	s0 =	simm.s32 $0x10;
	s17 =	simm.s32 $0xF;
	v26 =	vadd.s32 v29, v7;
	v21 =	vld [tilespmem:s1+$0xFFFFFFC0];
	v20 =	vbroadcast v20, $0x0;
	v25 =	vadd.s32 v30, v8  }
.LBB2_5:
0x8c: {  	p0 =	slt.u32 s0, $0x188;
	v28 =	vbroadcast v28, $0x0;
	v29 =	vmov s17;
	v30 =	vld [tilespmem:s1+$0xFFFFFFD0];
	v16 =	vmul.f32 v17, v16  }
0x8d: {  	v17 =	vbroadcast v27, $0x0;
	v27 =	vshrl.u32 v29, $0x3;
	v19 =	vmul.f32 v19, v9;
	v29 =	vld [tilespmem:s1+$0xFFFFFFE0]  }
0x8e: {  	v26 =	vbroadcast v26, $0x0;
	v27 =	vshll.u32 v27, v0;
	v22 =	vmul.f32 v22, v10;
	v31 =	vld [tilespmem:s1+$0xFFFFFFF0];
	[tilespmem:s1+$0x0] =	vst v16  }
0x8f: {  	v16 =	vbroadcast v25, $0x0;
	v9 =	vld.idx.msk [tilespmem:v24+s18+$0x0], $0xffff;
	v24 =	vadd.s32 v27, v6;
	[tilespmem:s1+$0xFFFFFF90] =	vst v19;
	v18 =	vmul.f32 v18, v11  }
0x90: {  	s17 =	sadd.s32 $0x1, s0;
	v11 =	vmov s0;
	v10 =	vld.idx.msk [tilespmem:v23+s18+$0x0], $0xffff;
	v19 =	vbroadcast v24, $0x0;
	[tilespmem:s1+$0xFFFFFFA0] =	vst v22;
	v21 =	vmul.f32 v21, v12  }
0x91: {  	s25 =	sadd.s32 $0x3, s0;
	v22 =	vshrl.u32 v11, $0x3;
	v23 =	vmov s17;
	s17 =	sadd.s32 $0x2, s0;
	v11 =	vld.idx.msk [tilespmem:v20+s18+$0x0], $0xffff;
	[tilespmem:s1+$0xFFFFFFB0] =	vst v18;
	v18 =	vmul.f32 v30, v13  }
0x92: {  	v24 =	vmov s25;
	s25 =	sadd.s32 $0x5, s0;
	v20 =	vmov s17;
	s17 =	sadd.s32 $0x4, s0;
	v12 =	vld.idx.msk [tilespmem:v28+s18+$0x0], $0xffff;
	[tilespmem:s1+$0xFFFFFFC0] =	vst v21;
	v21 =	vmul.f32 v29, v14  }
0x93: {  	v27 =	vmov s25;
	v25 =	vmov s17;
	s17 =	sadd.s32 $0x6, s0;
	v13 =	vld.idx.msk [tilespmem:v17+s18+$0x0], $0xffff;
	[tilespmem:s1+$0xFFFFFFD0] =	vst v18;
	v17 =	vmul.f32 v31, v15  }
0x94: {  	v18 =	vshll.u32 v22, v0;
	v22 =	vshrl.u32 v23, $0x3;
	v23 =	vmov s17;
	v14 =	vld.idx.msk [tilespmem:v26+s18+$0x0], $0xffff;
	[tilespmem:s1+$0xFFFFFFE0] =	vst v21  }
0x95: {  	v20 =	vshrl.u32 v20, $0x3;
	v21 =	vshrl.u32 v24, $0x3;
	v24 =	vshrl.u32 v25, $0x3;
	v15 =	vld.idx.msk [tilespmem:v16+s18+$0x0], $0xffff;
	[tilespmem:s1+$0xFFFFFFF0] =	vst v17  }
0x96: {  	v18 =	vadd.s32 v1, v18;
	v25 =	vshrl.u32 v27, $0x3;
	v23 =	vshrl.u32 v23, $0x3;
	s1 =	sadd.s32 $0x80, s1;
	v16 =	vld.idx.msk [tilespmem:v19+s18+$0x0], $0xffff  }
.Ltmp1:
0x97: {  	v20 =	vshll.u32 v20, v0;
	v22 =	vshll.u32 v22, v0;
	v21 =	vshll.u32 v21, v0;
	v17 =	vld [tilespmem:s1+$0x0];
	(pc) =	sbr.rel @p0 .LBB2_5-.Ltmp1, $4  }
0x98: {  	v26 =	vshll.u32 v24, v0;
	v25 =	vshll.u32 v25, v0;
	v29 =	vshll.u32 v23, v0;
	v19 =	vld [tilespmem:s1+$0xFFFFFF90]  }
0x99: {  	v20 =	vadd.s32 v20, v3;
	v24 =	vbroadcast v18, $0x0;
	v18 =	vadd.s32 v22, v2;
	v22 =	vld [tilespmem:s1+$0xFFFFFFA0]  }
0x9a: {  	v23 =	vbroadcast v18, $0x0;
	v28 =	vadd.s32 v21, v4;
	v27 =	vadd.s32 v26, v5;
	v18 =	vld [tilespmem:s1+$0xFFFFFFB0]  }
0x9b: {  	s17 =	sadd.s32 $0x7, s0;
	s0 =	sadd.s32 $0x8, s0;
	v20 =	vbroadcast v20, $0x0;
	v26 =	vadd.s32 v25, v7;
	v25 =	vadd.s32 v29, v8;
	v21 =	vld [tilespmem:s1+$0xFFFFFFC0]  }
0x9c: {  	_ = 	snop  }
0x9d: {  	v3 =	vld [tilespmem:s1+$0xFFFFFFD0]  }
0x9e: {  	v5 =	vld [tilespmem:s1+$0xFFFFFFE0]  }
0x9f: {  	v2 =	vmov s17;
	v8 =	vld [tilespmem:s1+$0xFFFFFFF0]  }
0xa0: {  	v51 =	vld.idx.msk [tilespmem:v24+s18+$0x0], $0xffff;
	v2 =	vshrl.u32 v2, $0x3  }
0xa1: {  	v23 =	vld.idx.msk [tilespmem:v23+s18+$0x0], $0xffff;
	v2 =	vshll.u32 v2, v0  }
0xa2: {  	s0 =	sadd.s32 $0x80, s1;
	v20 =	vld.idx.msk [tilespmem:v20+s18+$0x0], $0xffff;
	v2 =	vadd.s32 v2, v6  }
0xa3: {  	v55 =	vld [tilespmem:s0+$0x0];
	v2 =	vbroadcast v2, $0x0  }
0xa4: {  	v57 =	vld [tilespmem:s0+$0xFFFFFF90]  }
0xa5: {  	v16 =	vmul.f32 v17, v16;
	v58 =	vld [tilespmem:s0+$0xFFFFFFA0]  }
0xa6: {  	v1 =	vbroadcast v28, $0x0;
	v9 =	vmul.f32 v19, v9;
	v59 =	vld [tilespmem:s0+$0xFFFFFFB0]  }
0xa7: {  	v4 =	vbroadcast v27, $0x0;
	v60 =	vld [tilespmem:s0+$0xFFFFFFC0];
	v10 =	vmul.f32 v22, v10;
	[tilespmem:s1+$0x0] =	vst v16  }
0xa8: {  	v7 =	vbroadcast v26, $0x0;
	v61 =	vld [tilespmem:s0+$0xFFFFFFD0];
	[tilespmem:s1+$0xFFFFFF90] =	vst v9;
	v54 =	vmul.f32 v18, v11  }
0xa9: {  	v52 =	vbroadcast v25, $0x0;
	[tilespmem:s1+$0xFFFFFFA0] =	vst v10;
	v56 =	vmul.f32 v21, v12;
	v2 =	vld.idx.msk [tilespmem:v2+s18+$0x0], $0xffff  }
0xaa: {  	v62 =	vld [tilespmem:s0+$0xFFFFFFE0];
	[tilespmem:s1+$0xFFFFFFB0] =	vst v54;
	v3 =	vmul.f32 v3, v13  }
0xab: {  	v63 =	vld [tilespmem:s0+$0xFFFFFFF0];
	v5 =	vmul.f32 v5, v14;
	[tilespmem:s1+$0xFFFFFFC0] =	vst v56  }
0xac: {  	v1 =	vld.idx.msk [tilespmem:v1+s18+$0x0], $0xffff;
	v9 =	vmul.f32 v58, v23;
	[tilespmem:s1+$0xFFFFFFD0] =	vst v3  }
0xad: {  	v4 =	vld.idx.msk [tilespmem:v4+s18+$0x0], $0xffff;
	v3 =	vmul.f32 v8, v15;
	[tilespmem:s1+$0xFFFFFFE0] =	vst v5  }
0xae: {  	v7 =	vld.idx.msk [tilespmem:v7+s18+$0x0], $0xffff;
	[tilespmem:s0+$0xFFFFFFA0] =	vst v9;
	v2 =	vmul.f32 v55, v2  }
0xaf: {  	v53 =	vld.idx.msk [tilespmem:v52+s18+$0x0], $0xffff;
	[tilespmem:s1+$0xFFFFFFF0] =	vst v3;
	v3 =	vmul.f32 v57, v51  }
0xb0: {  	[tilespmem:s0+$0x0] =	vst v2;
	v2 =	vmul.f32 v59, v20  }
0xb1: {  	s29 =	sadd.s32 $0x1, s29;
	[tilespmem:s0+$0xFFFFFF90] =	vst v3;
	v1 =	vmul.f32 v60, v1  }
0xb2: {  	p0 =	sne.s32 s29, $0xC;
	[tilespmem:s0+$0xFFFFFFB0] =	vst v2;
	v2 =	vmul.f32 v61, v4  }
.Ltmp2:
0xb3: {  	[tilespmem:s0+$0xFFFFFFC0] =	vst v1;
	v1 =	vmul.f32 v62, v7;
	(pc) =	sbr.rel @p0 .LBB2_2-.Ltmp2, $4  }
0xb4: {  	[tilespmem:s0+$0xFFFFFFD0] =	vst v2;
	v2 =	vmul.f32 v63, v53  }
0xb5: {  	[tilespmem:s0+$0xFFFFFFE0] =	vst v1  }
0xb6: {  	s31 =	sadd.s32 $0x2710, s30;
	[tilespmem:s0+$0xFFFFFFF0] =	vst v2  }
0xb7: {  	[spmem:s3] =	stream.indirect.scatter.add.f32 [tilespmem:s23], [sflag:$0x3], $0x10, s31, s20, $0xb8;
	[tilespmem:$0xF550] =	vst v63  }
0xb8: {  	s0 =	simm.s32 $0x0;
	s30 =	simm.s32 $0x1  }
0xb9: {  	s1 =	simm.s32 $0x2;
	s31 =	simm.s32 $0x3;
	s25 =	simm.s32 $0x4;
	v1 =	vmov s0;
	v2 =	vmov s30  }
0xba: {  	s17 =	simm.s32 $0x5;
	s29 =	simm.s32 $0x6;
	v3 =	vmov s1;
	v4 =	vmov s31;
	v5 =	vmov s25  }
0xbb: {  	v6 =	vmov s17;
	v7 =	vmov s29;
	v1 =	vshrl.u32 v1, $0x3  }
0xbc: {  	v2 =	vshrl.u32 v2, $0x3;
	v3 =	vshrl.u32 v3, $0x3;
	v4 =	vshrl.u32 v4, $0x3  }
0xbd: {  	s30 =	simm.s32 $0x7;
	s31 =	simm.s32 $0x8;
	s1 =	simm.s32 $0x9;
	v5 =	vshrl.u32 v5, $0x3;
	v6 =	vshrl.u32 v6, $0x3;
	v7 =	vshrl.u32 v7, $0x3  }
0xbe: {  	s17 =	simm.s32 $0xA;
	s29 =	simm.s32 $0xC;
	v8 =	vmov s30;
	v9 =	vmov s31;
	v10 =	vmov s1  }
0xbf: {  	v11 =	vmov s17;
	v13 =	vmov s29;
	v1 =	vshll.u32 v1, v0  }
0xc0: {  	v2 =	vshll.u32 v2, v0;
	v3 =	vshll.u32 v3, v0;
	v4 =	vshll.u32 v4, v0  }
0xc1: {  	s30 =	simm.s32 $0xD;
	v5 =	vshll.u32 v5, v0;
	v6 =	vshll.u32 v6, v0;
	v7 =	vshll.u32 v7, v0  }
0xc2: {  	s31 =	simm.s32 $0xE;
	v8 =	vshrl.u32 v8, $0x3;
	v9 =	vshrl.u32 v9, $0x3;
	v14 =	vmov s30  }
0xc3: {  	v10 =	vshrl.u32 v10, $0x3;
	v15 =	vmov s31;
	v11 =	vshrl.u32 v11, $0x3  }
0xc4: {  	v13 =	vshrl.u32 v13, $0x3;
	v1 =	vadd.s32 $0x2580, v1;
	v2 =	vadd.s32 $0x2581, v2  }
0xc5: {  	_ =	swait.ge [sflag:s22], $0x1900;
	v3 =	vadd.s32 $0x2582, v3;
	v4 =	vadd.s32 $0x2583, v4;
	v5 =	vadd.s32 $0x2584, v5  }
0xc6: {  	[sflag:s22] =	ssyncset.done $0x0;
	v6 =	vadd.s32 $0x2585, v6;
	v8 =	vshll.u32 v8, v0;
	v9 =	vshll.u32 v9, v0  }
0xc7: {  	[sflag:s22] =	ssyncadd.s32 $0xFFFFE700;
	s1 =	simm.s32 $0x4E60;
	v14 =	vshrl.u32 v14, $0x3;
	v15 =	vshrl.u32 v15, $0x3;
	v1 =	vbroadcast v1, $0x0  }
0xc8: {  	v10 =	vshll.u32 v10, v0;
	v17 =	vshll.u32 v11, v0;
	v11 =	vld [tilespmem:s1+$0xFFFFFFC0];
	v2 =	vbroadcast v2, $0x0  }
0xc9: {  	v3 =	vbroadcast v3, $0x0;
	v8 =	vadd.s32 $0x2587, v8;
	v16 =	vadd.s32 $0x2580, v9;
	v9 =	vld [tilespmem:s1+$0x30]  }
0xca: {  	v13 =	vshll.u32 v13, v0;
	v18 =	vshll.u32 v14, v0;
	v14 =	vld [tilespmem:s1+$0xFFFFFFD0];
	v8 =	vbroadcast v8, $0x0  }
0xcb: {  	v4 =	vbroadcast v4, $0x0;
	v10 =	vadd.s32 $0x2581, v10;
	v19 =	vadd.s32 $0x2584, v13;
	v13 =	vld [tilespmem:s1+$0xFFFFFFF0]  }
0xcc: {  	v5 =	vbroadcast v5, $0x0;
	v21 =	vshll.u32 v15, v0;
	v15 =	vbroadcast v10, $0x0;
	v10 =	vld [tilespmem:s1+$0xFFFFFFE0]  }
0xcd: {  	v7 =	vadd.s32 $0x2586, v7;
	v6 =	vbroadcast v6, $0x0;
	v1 =	vld.idx.msk [tilespmem:v1+s18+$0x0], $0xffff  }
0xce: {  	v7 =	vbroadcast v7, $0x0;
	v2 =	vld.idx.msk [tilespmem:v2+s18+$0x0], $0xffff  }
0xcf: {  	s25 =	simm.s32 $0xB;
	v3 =	vld.idx.msk [tilespmem:v3+s18+$0x0], $0xffff  }
0xd0: {  	v12 =	vmov s25;
	v8 =	vld.idx.msk [tilespmem:v8+s18+$0x0], $0xffff  }
0xd1: {  	v12 =	vshrl.u32 v12, $0x3;
	v4 =	vld.idx.msk [tilespmem:v4+s18+$0x0], $0xffff  }
0xd2: {  	v12 =	vshll.u32 v12, v0;
	v16 =	vbroadcast v16, $0x0;
	v5 =	vld.idx.msk [tilespmem:v5+s18+$0x0], $0xffff  }
0xd3: {  	v17 =	vadd.s32 $0x2582, v17;
	v20 =	vadd.s32 $0x2583, v12;
	v6 =	vld.idx.msk [tilespmem:v6+s18+$0x0], $0xffff  }
0xd4: {  	s0 =	simm.s32 $0x10;
	s17 =	simm.s32 $0xF;
	v12 =	vbroadcast v17, $0x0;
	v18 =	vadd.s32 $0x2585, v18;
	v17 =	vadd.s32 $0x2586, v21;
	v7 =	vld.idx.msk [tilespmem:v7+s18+$0x0], $0xffff  }
.LBB2_8:
0xd5: {  	p0 =	slt.u32 s0, $0x188;
	v20 =	vbroadcast v20, $0x0;
	v21 =	vmov s17;
	v22 =	vld [tilespmem:s1+$0x0];
	v8 =	vmul.f32 v9, v8  }
0xd6: {  	v9 =	vbroadcast v19, $0x0;
	v19 =	vshrl.u32 v21, $0x3;
	v11 =	vmul.f32 v11, v1;
	v21 =	vld [tilespmem:s1+$0x10]  }
0xd7: {  	v18 =	vbroadcast v18, $0x0;
	v19 =	vshll.u32 v19, v0;
	v14 =	vmul.f32 v14, v2;
	v23 =	vld [tilespmem:s1+$0x20];
	[tilespmem:s1+$0x30] =	vst v8  }
0xd8: {  	v8 =	vbroadcast v17, $0x0;
	v1 =	vld.idx.msk [tilespmem:v16+s18+$0x0], $0xffff;
	v16 =	vadd.s32 $0x2587, v19;
	[tilespmem:s1+$0xFFFFFFC0] =	vst v11;
	v10 =	vmul.f32 v10, v3  }
0xd9: {  	s17 =	sadd.s32 $0x1, s0;
	v3 =	vmov s0;
	v2 =	vld.idx.msk [tilespmem:v15+s18+$0x0], $0xffff;
	v11 =	vbroadcast v16, $0x0;
	[tilespmem:s1+$0xFFFFFFD0] =	vst v14;
	v13 =	vmul.f32 v13, v4  }
0xda: {  	s25 =	sadd.s32 $0x3, s0;
	v14 =	vshrl.u32 v3, $0x3;
	v15 =	vmov s17;
	s17 =	sadd.s32 $0x2, s0;
	v3 =	vld.idx.msk [tilespmem:v12+s18+$0x0], $0xffff;
	[tilespmem:s1+$0xFFFFFFE0] =	vst v10;
	v10 =	vmul.f32 v22, v5  }
0xdb: {  	v16 =	vmov s25;
	s25 =	sadd.s32 $0x5, s0;
	v12 =	vmov s17;
	s17 =	sadd.s32 $0x4, s0;
	v4 =	vld.idx.msk [tilespmem:v20+s18+$0x0], $0xffff;
	[tilespmem:s1+$0xFFFFFFF0] =	vst v13;
	v13 =	vmul.f32 v21, v6  }
0xdc: {  	v19 =	vmov s25;
	v17 =	vmov s17;
	s17 =	sadd.s32 $0x6, s0;
	v5 =	vld.idx.msk [tilespmem:v9+s18+$0x0], $0xffff;
	[tilespmem:s1+$0x0] =	vst v10;
	v9 =	vmul.f32 v23, v7  }
0xdd: {  	v10 =	vshll.u32 v14, v0;
	v14 =	vshrl.u32 v15, $0x3;
	v15 =	vmov s17;
	v6 =	vld.idx.msk [tilespmem:v18+s18+$0x0], $0xffff;
	[tilespmem:s1+$0x10] =	vst v13  }
0xde: {  	v12 =	vshrl.u32 v12, $0x3;
	v13 =	vshrl.u32 v16, $0x3;
	v16 =	vshrl.u32 v17, $0x3;
	v7 =	vld.idx.msk [tilespmem:v8+s18+$0x0], $0xffff;
	[tilespmem:s1+$0x20] =	vst v9  }
0xdf: {  	v10 =	vadd.s32 $0x2580, v10;
	v17 =	vshrl.u32 v19, $0x3;
	v15 =	vshrl.u32 v15, $0x3;
	s1 =	sadd.s32 $0x80, s1;
	v8 =	vld.idx.msk [tilespmem:v11+s18+$0x0], $0xffff  }
.Ltmp3:
0xe0: {  	v12 =	vshll.u32 v12, v0;
	v14 =	vshll.u32 v14, v0;
	v13 =	vshll.u32 v13, v0;
	v9 =	vld [tilespmem:s1+$0x30];
	(pc) =	sbr.rel @p0 .LBB2_8-.Ltmp3, $4  }
0xe1: {  	v18 =	vshll.u32 v16, v0;
	v17 =	vshll.u32 v17, v0;
	v21 =	vshll.u32 v15, v0;
	v11 =	vld [tilespmem:s1+$0xFFFFFFC0]  }
0xe2: {  	v12 =	vadd.s32 $0x2582, v12;
	v16 =	vbroadcast v10, $0x0;
	v10 =	vadd.s32 $0x2581, v14;
	v14 =	vld [tilespmem:s1+$0xFFFFFFD0]  }
0xe3: {  	v15 =	vbroadcast v10, $0x0;
	v20 =	vadd.s32 $0x2583, v13;
	v19 =	vadd.s32 $0x2584, v18;
	v10 =	vld [tilespmem:s1+$0xFFFFFFE0]  }
0xe4: {  	s17 =	sadd.s32 $0x7, s0;
	s0 =	sadd.s32 $0x8, s0;
	v12 =	vbroadcast v12, $0x0;
	v18 =	vadd.s32 $0x2585, v17;
	v17 =	vadd.s32 $0x2586, v21;
	v13 =	vld [tilespmem:s1+$0xFFFFFFF0]  }
0xe5: {  	_ = 	snop  }
0xe6: {  	v22 =	vld [tilespmem:s1+$0x0]  }
0xe7: {  	v23 =	vld [tilespmem:s1+$0x10]  }
0xe8: {  	v24 =	vld [tilespmem:s1+$0x20]  }
0xe9: {  	v16 =	vld.idx.msk [tilespmem:v16+s18+$0x0], $0xffff  }
0xea: {  	v15 =	vld.idx.msk [tilespmem:v15+s18+$0x0], $0xffff  }
0xeb: {  	s0 =	sadd.s32 $0x80, s1;
	v12 =	vld.idx.msk [tilespmem:v12+s18+$0x0], $0xffff  }
0xec: {  	v21 =	vmov s17;
	v58 =	vld [tilespmem:s0+$0xFFFFFFC0]  }
0xed: {  	v19 =	vbroadcast v19, $0x0;
	v21 =	vshrl.u32 v21, $0x3;
	v1 =	vmul.f32 v11, v1;
	v59 =	vld [tilespmem:s0+$0xFFFFFFD0]  }
0xee: {  	v60 =	vld [tilespmem:s0+$0xFFFFFFE0];
	v21 =	vshll.u32 v21, v0;
	v2 =	vmul.f32 v14, v2  }
0xef: {  	v18 =	vbroadcast v18, $0x0;
	v61 =	vld [tilespmem:s0+$0xFFFFFFF0];
	v21 =	vadd.s32 $0x2587, v21;
	[tilespmem:s1+$0xFFFFFFC0] =	vst v1;
	v1 =	vmul.f32 v10, v3  }
0xf0: {  	v62 =	vld [tilespmem:s0+$0x10];
	v21 =	vbroadcast v21, $0x0;
	[tilespmem:s1+$0xFFFFFFD0] =	vst v2;
	v2 =	vmul.f32 v13, v4  }
0xf1: {  	v17 =	vbroadcast v17, $0x0;
	v63 =	vld [tilespmem:s0+$0x20];
	[tilespmem:s1+$0xFFFFFFE0] =	vst v1;
	v1 =	vmul.f32 v22, v5  }
0xf2: {  	v20 =	vbroadcast v20, $0x0;
	v3 =	vld [tilespmem:s0+$0x30];
	[tilespmem:s1+$0xFFFFFFF0] =	vst v2;
	v2 =	vmul.f32 v23, v6  }
0xf3: {  	v19 =	vld.idx.msk [tilespmem:v19+s18+$0x0], $0xffff;
	[tilespmem:s1+$0x0] =	vst v1;
	v1 =	vmul.f32 v24, v7  }
0xf4: {  	[tilespmem:s1+$0x10] =	vst v2;
	v2 =	vld [tilespmem:s0+$0x0]  }
0xf5: {  	v55 =	vld.idx.msk [tilespmem:v18+s18+$0x0], $0xffff;
	[tilespmem:s1+$0x20] =	vst v1;
	v1 =	vmul.f32 v58, v16  }
0xf6: {  	v8 =	vmul.f32 v9, v8;
	v57 =	vld.idx.msk [tilespmem:v21+s18+$0x0], $0xffff  }
0xf7: {  	v56 =	vld.idx.msk [tilespmem:v17+s18+$0x0], $0xffff;
	[tilespmem:s0+$0xFFFFFFC0] =	vst v1;
	v1 =	vmul.f32 v60, v12  }
0xf8: {  	[tilespmem:s1+$0x30] =	vst v8;
	v20 =	vld.idx.msk [tilespmem:v20+s18+$0x0], $0xffff;
	v5 =	vmul.f32 v59, v15  }
0xf9: {  	[tilespmem:s0+$0xFFFFFFE0] =	vst v1;
	v1 =	vmul.f32 v2, v19  }
0xfa: {  	[tilespmem:s0+$0xFFFFFFD0] =	vst v5;
	v2 =	vmul.f32 v62, v55  }
0xfb: {  	v3 =	vmul.f32 v3, v57;
	[tilespmem:s0+$0x0] =	vst v1  }
0xfc: {  	v1 =	vmul.f32 v63, v56;
	[tilespmem:s0+$0x10] =	vst v2  }
0xfd: {  	[tilespmem:s0+$0x30] =	vst v3;
	v3 =	vmul.f32 v61, v20  }
0xfe: {  	[tilespmem:s0+$0x20] =	vst v1  }
0xff: {  	s30 =	simm.s32 $0x4C90;
	[tilespmem:s0+$0xFFFFFFF0] =	vst v3  }
0x100: {  	[spmem:s3] =	stream.indirect.scatter.add.f32 [tilespmem:s21], [sflag:$0x3], $0x10, s30, s20, $0xb8;
	[tilespmem:$0xF550] =	vst v63  }
0x101: {  	_ =	swait.ge [sflag:s24], $0x1900  }
0x102: {  	[sflag:s24] =	ssyncset.done $0x0  }
0x103: {  	[sflag:s24] =	ssyncadd.s32 $0xFFFFE700  }
0x104: {  	_ =	swait.ge [sflag:s24], $0x1900  }
0x105: {  	s28 =	sadd.s32 $0x1, s28;
	[sflag:s24] =	ssyncset.done $0x0  }
0x106: {  	p0 =	sne.s32 s28, s13;
	[sflag:s24] =	ssyncadd.s32 $0xFFFFE700  }
.Ltmp4:
0x107: {  	s31 =	sor.u32 $0x1C04, s7;
	[bflag:$0x0] =	sbarrier.arrive $0xFFFF;
	(pc) =	sbr.rel @p0 .LBB2_1-.Ltmp4, $4  }
0x108: {  	[hbm:s12], [sflag:s31] =	dma.local [spmem:s15], $0x4E2  }
0x109: {  	_ =	swait.ge [sflag:s26], $0x4E2  }
0x10a: {  	[sflag:s26] =	ssyncset.done $0x0  }
0x10b: {  	[sflag:s26] =	ssyncadd.s32 $0xFFFFFB1E  }
0x10c: {  	_ =	sfence.sel $0x180000  }
0x10d: {  	[bflag:$0x0] =	sbarrier.arrive $0xFFFF  }
0x10e: {  	_ =	strace $0x9000004A  }
0x10f: {  	s0 =	stileid.u32;
	[bflag:$0x2] =	sbarrier.arrive $0xFFFF  }
0x110: {  	p0 =	sne.s32 s0, $0x0;
	s0 =	rddreg [dreg:$0x5]  }
0x111: {  	s0 =	sadd.s32 @!p0 $0x100000, s0  }
0x112: {  	[sflag:s0] =	ssyncadd.tile.s32 @!p0 $0x1;
	_ =	shalt  }
.Lfunc_end2:
_tile_overlayer_lowered:
.L_overlay_start_2:
0x113: {  	(tag) =	ssettag $0x2  }
0x114: {  	s0 =	rddreg [dreg:$0x0];
	s2 =	stileid.u32  }
0x115: {  	s1 =	rddreg [dreg:$0x1];
	p0 =	sne.s32 s2, $0x0  }
0x116: {  	s3 =	rddreg [dreg:$0x2];
	[bflag:$0x3] =	sbarrier.arrive $0xFFFF;
	s2 =	simm.s32 @!p0 $0x1C04  }
0x117: {  	[timem:s3], [sflag:s2] =	dma.local @!p0 [hbm:s0], s1  }
0x118: {  	s0 =	simm.s32 @!p0 $0x4  }
0x119: {  	_ =	swait.ge @!p0 [sflag:s0], s1  }
0x11a: {  	s1 =	ssub.s32 @!p0 $0x0, s1;
	[sflag:s0] =	ssyncset.done @!p0 $0x0  }
0x11b: {  	[sflag:s0] =	ssyncadd.s32 @!p0 s1  }
0x11c: {  	[bflag:$0x3] =	sbarrier.arrive $0xFFFF  }
0x11d: {  	_ =	shalt  }

// kernel: kernel.15.cloned.1.call-start
scs
__scs_entry_jumppad:
0x0: {  	(pc) =	sbr.rel $0x88, $3  }
0x1: {  	(tag) =	ssettag $0x0;
	lr =	simm.s32 $0x1  }
0x2: {  	[smem:$0x3F95] =	sst lr;
	_ =	strace $0xD0000000  }
0x3: {  	_ = 	snop  }
0x4: {  	_ = 	snop  }
0x5: {  	_ = 	snop  }
0x6: {  	_ = 	snop  }
0x7: {  	_ = 	snop  }
__scs_overlays_trampoline_lowered:
0x8: {  	[smem:$0x3FA4] =	sst s0  }
0x9: {  	[smem:$0x3FA5] =	sst s1  }
0xa: {  	[smem:$0x3FA6] =	sst s2  }
0xb: {  	[smem:$0x3FA7] =	sst s3  }
0xc: {  	[smem:$0x3FA8] =	sst s4  }
0xd: {  	[smem:$0x3FA9] =	sst s5  }
0xe: {  	[smem:$0x3FAA] =	sst s6  }
0xf: {  	[smem:$0x3FAB] =	sst s7  }
0x10: {  	[smem:$0x3FAC] =	sst s8  }
0x11: {  	[smem:$0x3FAD] =	sst s9;
	s0 =	simm.s32 @!p0 $0x0  }
0x12: {  	s1 =	sld [smem:$0x3F93];
	s0 =	simm.s32 @p0 $0x1  }
0x13: {  	[smem:$0x3FAE] =	sst s0;
	s0 =	simm.s32 @!p1 $0x0  }
0x14: {  	s2 =	sld [smem:$0x3F92];
	s0 =	simm.s32 @p1 $0x1  }
0x15: {  	[smem:$0x3FAF] =	sst s0;
	s0 =	simm.s32 @!p2 $0x0  }
0x16: {  	s3 =	sld [smem:$0x3FDB];
	s0 =	simm.s32 @p2 $0x1  }
0x17: {  	s4 =	simm.s32 $0x1BF5;
	[smem:$0x3FB1] =	sst s0  }
0x18: {  	s0 =	sld [smem:$0x3F94];
	_ =	swait.ge [sflag:s4], $0x0  }
0x19: {  	s7 =	sld [smem:$0x3F95]  }
0x1a: {  	s8 =	sadd.s32 $0xFFFFE003, lr  }
0x1b: {  	s9 =	sadd.s32 $0xFFFFFEF7, lr;
	s5 =	simm.s32 $0xFFFFFFFF;
	p2 =	slt.u32 s8, $0xFFFFF086  }
0x1c: {  	p1 =	slt.u32 s9, $0xF7A;
	s5 =	simm.s32 @!p2 $0x0  }
0x1d: {  	s5 =	simm.s32 @p1 $0x1;
	p0 =	seq.s32 s7, s2  }
0x1e: {  	s7 =	smul.u32 @!p0 $0xF7A, s2;
	p2 =	seq.s32 @!p0 s5, $0x0  }
0x1f: {  	s9 =	smul.u32 $0xF7A, s1;
	s8 =	simm.s32 @!p0 $0x1BF5;
	p2 =	por !p2, p0  }
0x20: {  	[sflag:s8] =	ssyncset.s32 @!p0 $0xFFFFF086;
	s6 =	sadd.s32 @!p0 s3, s7;
	s7 =	simm.s32 @!p0 $0x108  }
0x21: {  	s3 =	sadd.s32 s3, s9;
	s6 =	sadd.s32 @!p0 $0x88, s6;
	s7 =	simm.s32 @p2 $0x1082  }
0x22: {  	[simem:s7], [sflag:s8] =	dma.local @!p0 [hbm:s6], $0xF7A  }
0x23: {  	s9 =	sor.u32 $0xD0000000, s2;
	s6 =	simm.s32 $0x108;
	_ =	swait.ge @!p0 [sflag:s8], $0x0  }
0x24: {  	s3 =	sadd.s32 $0x88, s3;
	s6 =	simm.s32 @!p1 $0x1082;
	[sflag:s4] =	ssyncset.s32 $0xFFFFF086  }
0x25: {  	[simem:s6], [sflag:s4] =	dma.local [hbm:s3], $0xF7A  }
0x26: {  	[smem:$0x3F95] =	sst s1;
	(tag) =	ssettag s2;
	_ =	strace s9  }
0x27: {  	s1 =	sld [smem:$0x3FA5]  }
0x28: {  	s2 =	sld [smem:$0x3FA6]  }
0x29: {  	s4 =	sld [smem:$0x3FA8]  }
0x2a: {  	p0 =	seq.s32 s5, $0x0;
	s5 =	sld [smem:$0x3FA9]  }
0x2b: {  	s6 =	sld [smem:$0x3FAA]  }
0x2c: {  	s7 =	sld [smem:$0x3FAB]  }
0x2d: {  	s3 =	simm.s32 $0x108;
	s8 =	sld [smem:$0x3FAC]  }
0x2e: {  	s3 =	simm.s32 @!p0 $0x1082;
	s9 =	sld [smem:$0x3FAD]  }
0x2f: {  	lr =	sadd.s32 s0, s3;
	s0 =	sld [smem:$0x3FA4]  }
0x30: {  	s3 =	sld [smem:$0x3FA7]  }
0x31: {  	[smem:$0x3FB0] =	sst s10  }
0x32: {  	s10 =	sld [smem:$0x3FAE];
	_ =	sdelay $0x3  }
0x33: {  	p0 =	seq.s32 s10, $0x1;
	s10 =	sld [smem:$0x3FB0];
	_ =	sdelay $0x3  }
0x34: {  	[smem:$0x3FB0] =	sst s10  }
0x35: {  	s10 =	sld [smem:$0x3FAF];
	_ =	sdelay $0x3  }
0x36: {  	p1 =	seq.s32 s10, $0x1;
	s10 =	sld [smem:$0x3FB0];
	_ =	sdelay $0x3  }
0x37: {  	[smem:$0x3FB0] =	sst s10  }
0x38: {  	s10 =	sld [smem:$0x3FB1]  }
0x39: {  	_ = 	snop;
	(pc) =	sbr.ind lr, $3  }
0x3a: {  	_ = 	snop  }
0x3b: {  	_ = 	snop  }
0x3c: {  	p2 =	seq.s32 s10, $0x1;
	s10 =	sld [smem:$0x3FB0]  }
0x3d: {  	_ =	shalt  }
0x3e: {  	_ =	shalt  }
0x3f: {  	_ =	shalt  }
0x40: {  	_ =	shalt  }
0x41: {  	_ =	shalt  }
0x42: {  	_ =	shalt  }
0x43: {  	_ =	shalt  }
0x44: {  	_ =	shalt  }
0x45: {  	_ =	shalt  }
0x46: {  	_ =	shalt  }
0x47: {  	_ =	shalt  }
0x48: {  	_ =	shalt  }
0x49: {  	_ =	shalt  }
0x4a: {  	_ =	shalt  }
0x4b: {  	_ =	shalt  }
0x4c: {  	_ =	shalt  }
0x4d: {  	_ =	shalt  }
0x4e: {  	_ =	shalt  }
0x4f: {  	_ =	shalt  }
0x50: {  	_ =	shalt  }
0x51: {  	_ =	shalt  }
0x52: {  	_ =	shalt  }
0x53: {  	_ =	shalt  }
0x54: {  	_ =	shalt  }
0x55: {  	_ =	shalt  }
0x56: {  	_ =	shalt  }
0x57: {  	_ =	shalt  }
0x58: {  	_ =	shalt  }
0x59: {  	_ =	shalt  }
0x5a: {  	_ =	shalt  }
0x5b: {  	_ =	shalt  }
0x5c: {  	_ =	shalt  }
0x5d: {  	_ =	shalt  }
0x5e: {  	_ =	shalt  }
0x5f: {  	_ =	shalt  }
0x60: {  	_ =	shalt  }
0x61: {  	_ =	shalt  }
0x62: {  	_ =	shalt  }
0x63: {  	_ =	shalt  }
0x64: {  	_ =	shalt  }
0x65: {  	_ =	shalt  }
0x66: {  	_ =	shalt  }
0x67: {  	_ =	shalt  }
0x68: {  	_ =	shalt  }
0x69: {  	_ =	shalt  }
0x6a: {  	_ =	shalt  }
0x6b: {  	_ =	shalt  }
0x6c: {  	_ =	shalt  }
0x6d: {  	_ =	shalt  }
0x6e: {  	_ =	shalt  }
0x6f: {  	_ =	shalt  }
0x70: {  	_ =	shalt  }
0x71: {  	_ =	shalt  }
0x72: {  	_ =	shalt  }
0x73: {  	_ =	shalt  }
0x74: {  	_ =	shalt  }
0x75: {  	_ =	shalt  }
0x76: {  	_ =	shalt  }
0x77: {  	_ =	shalt  }
0x78: {  	_ =	shalt  }
0x79: {  	_ =	shalt  }
0x7a: {  	_ =	shalt  }
0x7b: {  	_ =	shalt  }
0x7c: {  	_ =	shalt  }
0x7d: {  	_ =	shalt  }
0x7e: {  	_ =	shalt  }
0x7f: {  	_ =	shalt  }
0x80: {  	_ =	shalt  }
0x81: {  	_ =	shalt  }
0x82: {  	_ =	shalt  }
0x83: {  	_ =	shalt  }
0x84: {  	_ =	shalt  }
0x85: {  	_ =	shalt  }
0x86: {  	_ =	shalt  }
0x87: {  	_ =	shalt  }
.Lfunc_end0:
.L_simem_size_0:
called_computation.2_lowered:
.L_overlay_start_0:
0x88: {  	s2 =	sld [smem:$0x3FD9]  }
0x89: {  	s3 =	sld [smem:$0x3FFE];
	_ =	sdelay $0x1  }
0x8a: {  	s1 =	srdreg.scid  }
0x8b: {  	s0 =	sand.u32 $0x1, s1  }
0x8c: {  	s17 =	sshll.u32 s0, $0xA;
	s2 =	sadd.s32 s3, s2  }
0x8d: {  	s2 =	sadd.s32 s2, s17  }
0x8e: {  	[smem:$0x3FBC] =	sst s2  }
0x8f: {  	_ = 	snop  }
0x90: {  	s2 =	sld [smem:$0x3FC7]  }
0x91: {  	s18 =	sld [smem:$0x3FD0];
	(tm) =	ssettm $0x1  }
0x92: {  	s4 =	sld [smem:$0x3FFB];
	_ =	sdelay $0x3  }
0x93: {  	_ =	strace s4  }
0x94: {  	s4 =	sld [smem:$0x3FFC];
	_ =	sdelay $0x3  }
0x95: {  	_ =	strace s4  }
0x96: {  	s4 =	sld [smem:$0x3FFD];
	_ =	sdelay $0x3  }
0x97: {  	_ =	strace s4  }
0x98: {  	_ =	strace $0x8FFFFFFF  }
0x99: {  	s19 =	sld [smem:$0x3FDB];
	_ =	sdelay $0x1  }
0x9a: {  	s5 =	simm.s32 $_scs_section_size  }
0x9b: {  	s6 =	simm.s32 $_size__tile_overlayer_lowered;
	s7 =	simm.s32 $_tile_overlayer_lowered  }
0x9c: {  	s22 =	simm.s32 $0x1BFF;
	s21 =	sshll.u32 s7, $0x1;
	s4 =	sadd.s32 s5, s19  }
0x9d: {  	s8 =	simm.s32 $0x0;
	s20 =	sshll.u32 s6, $0x1;
	s6 =	sadd.s32 s21, s4  }
0x9e: {  	[timem:s8], [sflag:s22] =	dma.local [hbm:s6], s20  }
0x9f: {  	_ =	swait.ge [sflag:s22], s20  }
0xa0: {  	s5 =	ssub.s32 $0x0, s20;
	[sflag:s22] =	ssyncset.done $0x0  }
0xa1: {  	[sflag:s22] =	ssyncadd.s32 s5;
	_ =	sdelay $0x1  }
0xa2: {  	s23 =	simm.s32 $0x1B8B  }
0xa3: {  	_ =	swait.ge [sflag:s23], $0x1  }
0xa4: {  	[sflag:s23] =	ssyncset.done $0x0  }
0xa5: {  	s25 =	simm.s32 $0x1B8E;
	s24 =	sld [smem:$0x3FFE];
	[sflag:s23] =	ssyncadd.s32 $0xFFFFFFFF  }
0xa6: {  	s26 =	simm.s32 $execute0_lowered;
	[smem:$0x3FD2] =	sst s25  }
0xa7: {  	s6 =	sshll.u32 s26, $0x1;
	_ =	strace $0x8000004C;
	[dreg:$0x1] =	wrdreg $0xFFFFFFFF  }
0xa8: {  	s28 =	simm.s32 $_size_execute0_lowered;
	s4 =	sadd.s32 s4, s6;
	[dreg:$0x0] =	wrdreg $0x0  }
0xa9: {  	s6 =	sshll.u32 s28, $0x1;
	[dreg:$0x2] =	wrdreg s4  }
0xaa: {  	[dreg:$0x3] =	wrdreg s6  }
0xab: {  	[dreg:$0x4] =	wrdreg $0xC0  }
0xac: {  	_ =	task [dreg:s8], $0x5FFFF  }
0xad: {  	[dreg:$0x1] =	wrdreg $0xFFFFFFFF  }
0xae: {  	[dreg:$0x0] =	wrdreg $0x60  }
0xaf: {  	[dreg:$0x2] =	wrdreg s18  }
0xb0: {  	[dreg:$0x3] =	wrdreg s24  }
0xb1: {  	[dreg:$0x4] =	wrdreg s2  }
0xb2: {  	[dreg:$0x5] =	wrdreg $0xA7300  }
0xb3: {  	[dreg:$0x6] =	wrdreg $0x0  }
0xb4: {  	[dreg:$0x7] =	wrdreg $0x9  }
0xb5: {  	_ =	task.clear_ibuf [dreg:s8], $0x8FFFF;
	_ =	strace $0x9000004C  }
0xb6: {  	s29 =	simm.s32 $0x9;
	_ =	strace $0x8000004E  }
0xb7: {  	_ =	swait.ge [sflag:s29], $0x1  }
0xb8: {  	[sflag:s29] =	ssyncadd.s32 $0xFFFFFFFF  }
0xb9: {  	_ =	strace $0x9000004E  }
0xba: {  	_ =	sfence  }
0xbb: {  	s30 =	sld [smem:$0x0];
	_ =	sdelay $0x2  }
0xbc: {  	s31 =	sshll.u32 s1, $0xD;
	s1 =	sshrl.u32 s1, $0x2  }
0xbd: {  	s3 =	sand.u32 $0x4000, s31;
	s1 =	sadd.s32 s1, s30  }
0xbe: {  	s0 =	sor.u32 s3, s0;
	s1 =	sshll.u32 s1, $0x11  }
0xbf: {  	s0 =	sor.u32 s1, s0  }
0xc0: {  	s0 =	sadd.s32 $0x8F2B, s0  }
0xc1: {  	[sflag:s0] =	ssyncadd.remote.s32 $0x1  }
0xc2: {  	_ =	sfence.sel $0xFFFF  }
0xc3: {  	[dreg:$0x0] =	wrdreg $0xFFFFFFFF;
	(pc) =	sbr.abs _section_cstart, $3  }
0xc4: {  	[dreg:$0x1] =	wrdreg $0xFFFFFFFF  }
0xc5: {  	_ =	task.clear_ibuf [dreg:s8], $0x2FFFF;
	_ =	strace $0x9FFFFFFF  }
0xc6: {  	(tm) =	ssettm $0x7FFFFFFF  }
0xc7: {  	_ =	shalt  }
tec
execute0_lowered:
.L_overlay_start_1:
0x0: {  	(tag) =	ssettag $0x1  }
0x1: {  	s0 =	rddreg [dreg:$0x0]  }
0x2: {  	s1 =	srdreg.scid;
	s6 =	rddreg [dreg:$0x1]  }
0x3: {  	s11 =	rddreg [dreg:$0x2];
	s15 =	stileid.u32  }
0x4: {  	s2 =	rddreg [dreg:$0x3];
	s16 =	simm.s32 $0x8020;
	s18 =	simm.s32 $0xCE40  }
0x5: {  	s19 =	simm.s32 $0x2;
	s20 =	simm.s32 $0x190;
	s21 =	simm.s32 $0x4E20  }
0x6: {  	s22 =	simm.s32 $0x1;
	s23 =	simm.s32 $0x6720;
	s24 =	simm.s32 $0x3  }
0x7: {  	s26 =	simm.s32 $0x4;
	s1 =	sand.u32 $0x1, s1;
	s9 =	smul.u32 $0x2710, s15  }
0x8: {  	s28 =	simm.s32 $0x0;
	s3 =	sshll.u32 s1, $0x4;
	s5 =	smul.u32 $0x27100, s1  }
0x9: {  	s1 =	ssub.s32 $0x2, s1;
	s4 =	sor.u32 s15, s3;
	s3 =	rddreg [dreg:$0x4]  }
0xa: {  	s8 =	sshrl.u32 s1, $0x1;
	s30 =	sshrl.u32 s9, $0x3;
	s14 =	sadd.s32 s9, s2  }
0xb: {  	s12 =	smul.u32 $0x4E2, s4;
	s4 =	simm.s32 $0x0;
	s7 =	sadd.s32 s9, s5  }
0xc: {  	s5 =	sadd.s32 $0x15A00, s6;
	s1 =	ssub.s32 s1, s8;
	s31 =	sadd.s32 s9, s3  }
0xd: {  	s14 =	sshrl.u32 s14, $0x3;
	[smem:$0x7FF] =	sst s4;
	s7 =	sshrl.u32 s7, $0x3  }
0xe: {  	_ =	strace $0x8000004D;
	s10 =	sadd.s32 s12, s6;
	s13 =	sadd.s32 s7, s6  }
0xf: {  	s6 =	sadd.s32 s0, s30;
	s7 =	sshll.u32 s15, $0x6;
	s11 =	sadd.s32 s11, s12  }
0x10: {  	v0 =	vimm.s32 $0x0;
	vm0 =	vcmask $0x300;
	s15 =	sshrl.u32 s31, $0x3;
	s8 =	sor.u32 $0x1C02, s7;
	s9 =	sadd.s32 $0xBC00, s10  }
0x11: {  	v0 =	vsel vm0, $0x3, v0;
	s10 =	sadd.s32 $0x1E00, s10;
	s12 =	sadd.s32 $0x16000, s13;
	s13 =	smax.u32 s1, $0x1  }
.LBB2_1:
0x12: {  	[spmem:s14], [sflag:s8] =	dma.local [hbm:s6], $0x4E2  }
0x13: {  	[spmem:s15], [sflag:s8] =	dma.local [hbm:s5], $0x4E2  }
0x14: {  	[tilespmem:s16], [sflag:$0x2] =	stream.linear.gather [hbm4b:s9+s4], $0x2710, $0x38;
	[tilespmem:$0xF550] =	vst v63  }
0x15: {  	s0 =	simm.s32 $0x2710  }
0x16: {  	[tilespmem:s0], [sflag:$0x2] =	stream.linear.gather [hbm4b:s10+s4], $0x2710, $0x38;
	[tilespmem:$0xF550] =	vst v63  }
0x17: {  	_ = 	snop  }
0x18: {  	[tilespmem:s18], [sflag:$0x2] =	stream.linear.gather [hbm4b:s11+s4], $0x2710, $0x38;
	[tilespmem:$0xF550] =	vst v63  }
0x19: {  	_ =	swait.ge [sflag:s19], $0x4E2  }
0x1a: {  	[sflag:s19] =	ssyncset.done $0x0  }
0x1b: {  	[sflag:s19] =	ssyncadd.s32 $0xFFFFFB1E  }
0x1c: {  	_ =	swait.ge [sflag:s19], $0x4E2  }
0x1d: {  	[sflag:s19] =	ssyncset.done $0x0  }
0x1e: {  	[sflag:s19] =	ssyncadd.s32 $0xFFFFFB1E  }
0x1f: {  	_ =	swait.ge [sflag:s19], $0x2710  }
0x20: {  	[sflag:s19] =	ssyncset.done $0x0  }
0x21: {  	[sflag:s19] =	ssyncadd.s32 $0xFFFFD8F0  }
0x22: {  	_ =	swait.ge [sflag:s19], $0x2710  }
0x23: {  	[sflag:s19] =	ssyncset.done $0x0  }
0x24: {  	[sflag:s19] =	ssyncadd.s32 $0xFFFFD8F0  }
0x25: {  	_ =	swait.ge [sflag:s19], $0x2710  }
0x26: {  	[sflag:s19] =	ssyncset.done $0x0  }
0x27: {  	[sflag:s19] =	ssyncadd.s32 $0xFFFFD8F0  }
0x28: {  	s29 =	simm.s32 $0x0;
	[bflag:$0x0] =	sbarrier.arrive $0xFFFF  }
0x29: {  	[tilespmem:s21], [sflag:$0x1] =	stream.indirect.gather [spmem:s2], $0x10, s16, s20, $0xb8;
	[tilespmem:$0xF550] =	vst v63  }
.LBB2_2:
0x2a: {  	s0 =	sshll.u32 s29, $0x1;
	s1 =	simm.s32 $0x0  }
0x2b: {  	s17 =	simm.s32 $0x1;
	s25 =	simm.s32 $0x4;
	v1 =	vmov s0;
	v9 =	vmov s1  }
0x2c: {  	s1 =	simm.s32 $0x2;
	v10 =	vmov s17;
	s0 =	simm.s32 $0x3;
	v13 =	vmov s25;
	v2 =	vmul.u32 $0x190, v1  }
0x2d: {  	s17 =	simm.s32 $0x5;
	v9 =	vshrl.u32 v9, $0x3;
	v11 =	vmov s1;
	v12 =	vmov s0  }
0x2e: {  	s25 =	simm.s32 $0x7;
	v14 =	vmov s17;
	s1 =	simm.s32 $0x6;
	v10 =	vshrl.u32 v10, $0x3;
	v13 =	vshrl.u32 v13, $0x3  }
0x2f: {  	v16 =	vmov s25;
	v9 =	vshll.u32 v9, v0;
	v15 =	vmov s1  }
0x30: {  	v11 =	vshrl.u32 v11, $0x3;
	v12 =	vshrl.u32 v12, $0x3;
	v14 =	vshrl.u32 v14, $0x3  }
0x31: {  	v10 =	vshll.u32 v10, v0;
	v13 =	vshll.u32 v13, v0;
	v16 =	vshrl.u32 v16, $0x3  }
0x32: {  	v3 =	vor.u32 $0x1, v2;
	v4 =	vor.u32 $0x2, v2;
	v5 =	vor.u32 $0x3, v2  }
0x33: {  	v6 =	vor.u32 $0x4, v2;
	v7 =	vor.u32 $0x5, v2;
	v8 =	vor.u32 $0x6, v2  }
0x34: {  	_ =	swait.ge [sflag:s22], $0x1900;
	v1 =	vor.u32 $0x7, v2;
	v9 =	vadd.s32 v2, v9;
	v15 =	vshrl.u32 v15, $0x3  }
0x35: {  	p0 =	seq.s32 s29, $0x0;
	[sflag:s22] =	ssyncset.done $0x0;
	s1 =	simm.s32 $0x8;
	v11 =	vshll.u32 v11, v0;
	v12 =	vshll.u32 v12, v0;
	v14 =	vshll.u32 v14, v0  }
0x36: {  	s31 =	sshllo.u32 s29, $0x1;
	[sflag:s22] =	ssyncadd.s32 $0xFFFFE700;
	s0 =	simm.s32 @!p0 $0x3;
	v16 =	vshll.u32 v16, v0;
	v17 =	vmov s1;
	v9 =	vbroadcast v9, $0x0  }
0x37: {  	s17 =	smul.u32 $0x640, s31;
	_ =	swait.ge @!p0 [sflag:s0], $0x1900;
	v10 =	vadd.s32 v10, v3;
	v11 =	vadd.s32 v11, v4;
	v15 =	vshll.u32 v15, v0  }
0x38: {  	[sflag:s0] =	ssyncset.done @!p0 $0x0;
	v12 =	vadd.s32 v12, v5;
	v13 =	vadd.s32 v13, v6;
	v14 =	vadd.s32 v14, v7  }
0x39: {  	s30 =	sshra.s32 s17, $0x2;
	s17 =	simm.s32 $0x9;
	[sflag:s0] =	ssyncadd.s32 @!p0 $0xFFFFE700;
	v16 =	vadd.s32 v16, v1;
	v17 =	vshrl.u32 v17, $0x3;
	v10 =	vbroadcast v10, $0x0  }
0x3a: {  	s25 =	sadd.s32 $0x8020, s30;
	v18 =	vmov s17;
	s0 =	simm.s32 $0xB;
	s17 =	simm.s32 $0xC;
	v11 =	vbroadcast v11, $0x0;
	v12 =	vbroadcast v12, $0x0  }
0x3b: {  	v13 =	vbroadcast v13, $0x0;
	[tilespmem:s23], [sflag:$0x1] =	stream.indirect.gather [spmem:s2], $0x10, s25, s20, $0xb8;
	v16 =	vbroadcast v16, $0x0;
	v20 =	vmov s0;
	[tilespmem:$0xF550] =	vst v63  }
0x3c: {  	s1 =	simm.s32 $0x4E60;
	s25 =	simm.s32 $0xA;
	v21 =	vmov s17;
	v17 =	vshll.u32 v17, v0;
	v18 =	vshrl.u32 v18, $0x3  }
0x3d: {  	v19 =	vmov s25;
	v20 =	vshrl.u32 v20, $0x3;
	v24 =	vadd.s32 v2, v17;
	v17 =	vld [tilespmem:s1+$0x30]  }
0x3e: {  	s25 =	simm.s32 $0xD;
	v21 =	vshrl.u32 v21, $0x3;
	v19 =	vshrl.u32 v19, $0x3;
	v26 =	vshll.u32 v20, v0;
	v20 =	vld [tilespmem:s1+$0xFFFFFFD0]  }
0x3f: {  	v22 =	vmov s25;
	s25 =	simm.s32 $0xE;
	v21 =	vshll.u32 v21, v0;
	v25 =	vshll.u32 v19, v0;
	v19 =	vld [tilespmem:s1+$0xFFFFFFC0]  }
0x40: {  	v18 =	vshll.u32 v18, v0;
	v23 =	vmov s25;
	v27 =	vadd.s32 v21, v6;
	v21 =	vld [tilespmem:s1+$0xFFFFFFF0]  }
0x41: {  	v15 =	vadd.s32 v15, v8;
	v18 =	vadd.s32 v18, v3;
	v23 =	vshrl.u32 v23, $0x3;
	v9 =	vld.idx.msk [tilespmem:v9+s18+$0x0], $0xffff  }
0x42: {  	v14 =	vbroadcast v14, $0x0;
	v30 =	vshll.u32 v23, v0;
	v23 =	vbroadcast v18, $0x0;
	v18 =	vld [tilespmem:s1+$0xFFFFFFE0]  }
0x43: {  	v15 =	vbroadcast v15, $0x0;
	v10 =	vld.idx.msk [tilespmem:v10+s18+$0x0], $0xffff  }
0x44: {  	v11 =	vld.idx.msk [tilespmem:v11+s18+$0x0], $0xffff  }
0x45: {  	v16 =	vld.idx.msk [tilespmem:v16+s18+$0x0], $0xffff  }
0x46: {  	v12 =	vld.idx.msk [tilespmem:v12+s18+$0x0], $0xffff  }
0x47: {  	v24 =	vbroadcast v24, $0x0;
	v22 =	vshrl.u32 v22, $0x3;
	v13 =	vld.idx.msk [tilespmem:v13+s18+$0x0], $0xffff  }
0x48: {  	v28 =	vadd.s32 v26, v5;
	v29 =	vshll.u32 v22, v0;
	v22 =	vadd.s32 v25, v4;
	v14 =	vld.idx.msk [tilespmem:v14+s18+$0x0], $0xffff  }
0x49: {  	s17 =	simm.s32 $0xF;
	s0 =	simm.s32 $0x10;
	v22 =	vbroadcast v22, $0x0;
	v26 =	vadd.s32 v29, v7;
	v25 =	vadd.s32 v30, v8;
	v15 =	vld.idx.msk [tilespmem:v15+s18+$0x0], $0xffff  }
.LBB2_3:
0x4a: {  	p0 =	slt.u32 s0, $0x188;
	v28 =	vbroadcast v28, $0x0;
	v29 =	vmov s17;
	v30 =	vld [tilespmem:s1+$0x0];
	v16 =	vmul.f32 v17, v16  }
0x4b: {  	v17 =	vbroadcast v27, $0x0;
	v27 =	vshrl.u32 v29, $0x3;
	v19 =	vmul.f32 v19, v9;
	v29 =	vld [tilespmem:s1+$0x10]  }
0x4c: {  	v26 =	vbroadcast v26, $0x0;
	v27 =	vshll.u32 v27, v0;
	v20 =	vmul.f32 v20, v10;
	v31 =	vld [tilespmem:s1+$0x20];
	[tilespmem:s1+$0x30] =	vst v16  }
0x4d: {  	v16 =	vbroadcast v25, $0x0;
	v9 =	vld.idx.msk [tilespmem:v24+s18+$0x0], $0xffff;
	v24 =	vadd.s32 v27, v1;
	[tilespmem:s1+$0xFFFFFFC0] =	vst v19;
	v18 =	vmul.f32 v18, v11  }
0x4e: {  	s17 =	sadd.s32 $0x1, s0;
	v11 =	vmov s0;
	v10 =	vld.idx.msk [tilespmem:v23+s18+$0x0], $0xffff;
	v19 =	vbroadcast v24, $0x0;
	[tilespmem:s1+$0xFFFFFFD0] =	vst v20;
	v20 =	vmul.f32 v21, v12  }
0x4f: {  	s25 =	sadd.s32 $0x3, s0;
	v21 =	vshrl.u32 v11, $0x3;
	v23 =	vmov s17;
	s17 =	sadd.s32 $0x2, s0;
	v11 =	vld.idx.msk [tilespmem:v22+s18+$0x0], $0xffff;
	[tilespmem:s1+$0xFFFFFFE0] =	vst v18;
	v18 =	vmul.f32 v30, v13  }
0x50: {  	v24 =	vmov s25;
	s25 =	sadd.s32 $0x5, s0;
	v22 =	vmov s17;
	s17 =	sadd.s32 $0x4, s0;
	v12 =	vld.idx.msk [tilespmem:v28+s18+$0x0], $0xffff;
	[tilespmem:s1+$0xFFFFFFF0] =	vst v20;
	v20 =	vmul.f32 v29, v14  }
0x51: {  	v27 =	vmov s25;
	v25 =	vmov s17;
	s17 =	sadd.s32 $0x6, s0;
	v13 =	vld.idx.msk [tilespmem:v17+s18+$0x0], $0xffff;
	[tilespmem:s1+$0x0] =	vst v18;
	v17 =	vmul.f32 v31, v15  }
0x52: {  	v18 =	vshll.u32 v21, v0;
	v21 =	vshrl.u32 v23, $0x3;
	v23 =	vmov s17;
	v14 =	vld.idx.msk [tilespmem:v26+s18+$0x0], $0xffff;
	[tilespmem:s1+$0x10] =	vst v20  }
0x53: {  	v20 =	vshrl.u32 v22, $0x3;
	v22 =	vshrl.u32 v24, $0x3;
	v24 =	vshrl.u32 v25, $0x3;
	v15 =	vld.idx.msk [tilespmem:v16+s18+$0x0], $0xffff;
	[tilespmem:s1+$0x20] =	vst v17  }
0x54: {  	v18 =	vadd.s32 v2, v18;
	v25 =	vshrl.u32 v27, $0x3;
	v23 =	vshrl.u32 v23, $0x3;
	s1 =	sadd.s32 $0x80, s1;
	v16 =	vld.idx.msk [tilespmem:v19+s18+$0x0], $0xffff  }
.Ltmp0:
0x55: {  	v21 =	vshll.u32 v21, v0;
	v20 =	vshll.u32 v20, v0;
	v22 =	vshll.u32 v22, v0;
	v17 =	vld [tilespmem:s1+$0x30];
	(pc) =	sbr.rel @p0 .LBB2_3-.Ltmp0, $4  }
0x56: {  	v26 =	vshll.u32 v24, v0;
	v25 =	vshll.u32 v25, v0;
	v29 =	vshll.u32 v23, v0;
	v19 =	vld [tilespmem:s1+$0xFFFFFFC0]  }
0x57: {  	v24 =	vbroadcast v18, $0x0;
	v18 =	vadd.s32 v21, v3;
	v21 =	vadd.s32 v20, v4;
	v20 =	vld [tilespmem:s1+$0xFFFFFFD0]  }
0x58: {  	v23 =	vbroadcast v18, $0x0;
	v28 =	vadd.s32 v22, v5;
	v27 =	vadd.s32 v26, v6;
	v18 =	vld [tilespmem:s1+$0xFFFFFFE0]  }
0x59: {  	s17 =	sadd.s32 $0x7, s0;
	s0 =	sadd.s32 $0x8, s0;
	v26 =	vadd.s32 v25, v7;
	v25 =	vadd.s32 v29, v8;
	v22 =	vbroadcast v21, $0x0;
	v21 =	vld [tilespmem:s1+$0xFFFFFFF0]  }
0x5a: {  	_ = 	snop  }
0x5b: {  	v4 =	vld [tilespmem:s1+$0x0]  }
0x5c: {  	v6 =	vld [tilespmem:s1+$0x10]  }
0x5d: {  	v8 =	vld [tilespmem:s1+$0x20]  }
0x5e: {  	v24 =	vld.idx.msk [tilespmem:v24+s18+$0x0], $0xffff  }
0x5f: {  	s0 =	sadd.s32 $0x80, s1;
	v22 =	vld.idx.msk [tilespmem:v22+s18+$0x0], $0xffff  }
0x60: {  	v3 =	vmov s17;
	v16 =	vmul.f32 v17, v16;
	v17 =	vld [tilespmem:s0+$0xFFFFFFC0]  }
0x61: {  	v2 =	vbroadcast v28, $0x0;
	v3 =	vshrl.u32 v3, $0x3;
	v9 =	vmul.f32 v19, v9;
	v19 =	vld [tilespmem:s0+$0xFFFFFFD0]  }
0x62: {  	v5 =	vbroadcast v27, $0x0;
	v3 =	vshll.u32 v3, v0;
	[tilespmem:s1+$0x30] =	vst v16;
	v16 =	vld [tilespmem:s0+$0xFFFFFFE0]  }
0x63: {  	v25 =	vbroadcast v25, $0x0;
	v10 =	vmul.f32 v20, v10;
	v1 =	vadd.s32 v3, v1;
	v3 =	vld.idx.msk [tilespmem:v23+s18+$0x0], $0xffff  }
0x64: {  	[tilespmem:s1+$0xFFFFFFC0] =	vst v9;
	v9 =	vmul.f32 v18, v11;
	v11 =	vld [tilespmem:s0+$0xFFFFFFF0]  }
0x65: {  	v7 =	vbroadcast v26, $0x0;
	[tilespmem:s1+$0xFFFFFFD0] =	vst v10;
	v10 =	vmul.f32 v21, v12;
	v12 =	vld [tilespmem:s0+$0x0]  }
0x66: {  	[tilespmem:s1+$0xFFFFFFE0] =	vst v9;
	v9 =	vld [tilespmem:s0+$0x10]  }
0x67: {  	v2 =	vld.idx.msk [tilespmem:v2+s18+$0x0], $0xffff  }
0x68: {  	v1 =	vbroadcast v1, $0x0;
	v5 =	vld.idx.msk [tilespmem:v5+s18+$0x0], $0xffff  }
0x69: {  	v23 =	vld.idx.msk [tilespmem:v25+s18+$0x0], $0xffff  }
0x6a: {  	v4 =	vmul.f32 v4, v13;
	[tilespmem:s1+$0xFFFFFFF0] =	vst v10;
	v10 =	vld [tilespmem:s0+$0x20]  }
0x6b: {  	v6 =	vmul.f32 v6, v14;
	v7 =	vld.idx.msk [tilespmem:v7+s18+$0x0], $0xffff  }
0x6c: {  	[tilespmem:s1+$0x0] =	vst v4;
	v14 =	vmul.f32 v16, v22  }
0x6d: {  	v25 =	vld [tilespmem:s0+$0x30];
	v4 =	vmul.f32 v8, v15;
	[tilespmem:s1+$0x10] =	vst v6;
	v13 =	vmul.f32 v19, v3  }
0x6e: {  	s25 =	simm.s32 $0x0;
	s17 =	simm.s32 $0x2;
	v6 =	vmul.f32 v17, v24;
	[tilespmem:s0+$0xFFFFFFE0] =	vst v14;
	v1 =	vld.idx.msk [tilespmem:v1+s18+$0x0], $0xffff;
	v12 =	vmul.f32 v12, v5  }
0x6f: {  	v14 =	vmov s17;
	[tilespmem:s0+$0xFFFFFFD0] =	vst v13;
	v13 =	vmov s25;
	s25 =	simm.s32 $0x3;
	v10 =	vmul.f32 v10, v23  }
0x70: {  	v11 =	vmul.f32 v11, v2;
	v9 =	vmul.f32 v9, v7;
	v16 =	vmov s25;
	s25 =	simm.s32 $0x5;
	[tilespmem:s0+$0x0] =	vst v12  }
0x71: {  	v12 =	vshrl.u32 v13, $0x3;
	v13 =	vmov s25;
	[tilespmem:s0+$0x20] =	vst v10;
	v10 =	vshrl.u32 v14, $0x3  }
0x72: {  	[tilespmem:s0+$0x10] =	vst v9;
	v14 =	vshrl.u32 v16, $0x3;
	v9 =	vshll.u32 v12, v0;
	v13 =	vshrl.u32 v13, $0x3  }
0x73: {  	[tilespmem:s1+$0x20] =	vst v4;
	s17 =	smul.u32 $0xC80, s29;
	v10 =	vshll.u32 v10, v0;
	v8 =	vmul.f32 v25, v1;
	v1 =	vmov s31;
	s31 =	simm.s32 $0x1  }
0x74: {  	[tilespmem:s0+$0xFFFFFFC0] =	vst v6;
	v14 =	vshll.u32 v14, v0;
	v1 =	vmul.u32 $0x190, v1;
	v15 =	vmov s31;
	s31 =	simm.s32 $0x4  }
0x75: {  	s17 =	sshra.s32 s17, $0x2;
	[tilespmem:s0+$0xFFFFFFF0] =	vst v11;
	v13 =	vshll.u32 v13, v0;
	v11 =	vmov s31;
	v12 =	vshrl.u32 v15, $0x3  }
0x76: {  	s1 =	sadd.s32 $0x2710, s17;
	[tilespmem:s0+$0x30] =	vst v8;
	s31 =	simm.s32 $0x6;
	v2 =	vor.u32 $0x1, v1;
	v3 =	vor.u32 $0x2, v1;
	v4 =	vor.u32 $0x3, v1  }
0x77: {  	v5 =	vor.u32 $0x4, v1;
	v7 =	vor.u32 $0x5, v1;
	v8 =	vor.u32 $0x6, v1;
	[spmem:s3] =	stream.indirect.scatter.add.f32 [tilespmem:s21], [sflag:$0x3], $0x10, s1, s20, $0xb8;
	[tilespmem:$0xF550] =	vst v63  }
0x78: {  	v15 =	vmov s31;
	v9 =	vadd.s32 v1, v9;
	v12 =	vshll.u32 v12, v0;
	_ =	swait.ge [sflag:s22], $0x1900  }
0x79: {  	v11 =	vshrl.u32 v11, $0x3;
	v9 =	vbroadcast v9, $0x0;
	v12 =	vadd.s32 v12, v2;
	[sflag:s22] =	ssyncset.done $0x0  }
0x7a: {  	v15 =	vshrl.u32 v15, $0x3;
	v10 =	vadd.s32 v10, v3;
	v12 =	vbroadcast v12, $0x0;
	[sflag:s22] =	ssyncadd.s32 $0xFFFFE700  }
0x7b: {  	v11 =	vshll.u32 v11, v0;
	v14 =	vadd.s32 v14, v4;
	v16 =	vbroadcast v10, $0x0;
	_ =	swait.ge [sflag:s24], $0x1900  }
0x7c: {  	s25 =	simm.s32 $0x7;
	v13 =	vadd.s32 v13, v7;
	v10 =	vadd.s32 v11, v5;
	v14 =	vbroadcast v14, $0x0;
	[sflag:s24] =	ssyncset.done $0x0  }
0x7d: {  	s31 =	sadd.s32 $0x8340, s17;
	v15 =	vshll.u32 v15, v0;
	v11 =	vmov s25;
	v17 =	vbroadcast v10, $0x0;
	[sflag:s24] =	ssyncadd.s32 $0xFFFFE700  }
0x7e: {  	v10 =	vshrl.u32 v11, $0x3;
	v11 =	vadd.s32 v15, v8;
	v15 =	vbroadcast v13, $0x0;
	[tilespmem:s21], [sflag:$0x1] =	stream.indirect.gather [spmem:s2], $0x10, s31, s20, $0xb8;
	[tilespmem:$0xF550] =	vst v63  }
0x7f: {  	v6 =	vor.u32 $0x7, v1;
	v10 =	vshll.u32 v10, v0;
	v18 =	vbroadcast v11, $0x0;
	v9 =	vld.idx.msk [tilespmem:v9+s18+$0x0], $0xffff  }
0x80: {  	s1 =	simm.s32 $0x8;
	s17 =	simm.s32 $0x9;
	v11 =	vadd.s32 v10, v6;
	v10 =	vld.idx.msk [tilespmem:v12+s18+$0x0], $0xffff  }
0x81: {  	v20 =	vmov s17;
	s17 =	simm.s32 $0xC;
	s25 =	simm.s32 $0xA;
	v19 =	vbroadcast v11, $0x0;
	v12 =	vmov s1;
	v11 =	vld.idx.msk [tilespmem:v16+s18+$0x0], $0xffff  }
0x82: {  	v23 =	vmov s17;
	v21 =	vmov s25;
	s25 =	simm.s32 $0xD;
	v16 =	vshrl.u32 v12, $0x3;
	v12 =	vld.idx.msk [tilespmem:v14+s18+$0x0], $0xffff  }
0x83: {  	v23 =	vshrl.u32 v23, $0x3;
	v24 =	vmov s25;
	v13 =	vld.idx.msk [tilespmem:v17+s18+$0x0], $0xffff  }
0x84: {  	v21 =	vshrl.u32 v21, $0x3;
	v27 =	vshll.u32 v23, v0;
	v24 =	vshrl.u32 v24, $0x3;
	v14 =	vld.idx.msk [tilespmem:v15+s18+$0x0], $0xffff  }
0x85: {  	v21 =	vshll.u32 v21, v0;
	v27 =	vadd.s32 v27, v5;
	s31 =	simm.s32 $0xB;
	s1 =	simm.s32 $0x6790;
	v17 =	vshrl.u32 v20, $0x3;
	v15 =	vld.idx.msk [tilespmem:v18+s18+$0x0], $0xffff  }
0x86: {  	v22 =	vmov s31;
	s31 =	simm.s32 $0xE;
	v16 =	vshll.u32 v16, v0;
	v25 =	vshll.u32 v17, v0;
	v17 =	vld [tilespmem:s1+$0x0]  }
0x87: {  	v20 =	vmov s31;
	v22 =	vshrl.u32 v22, $0x3;
	v18 =	vadd.s32 v1, v16;
	v16 =	vld.idx.msk [tilespmem:v19+s18+$0x0], $0xffff  }
0x88: {  	v29 =	vshll.u32 v24, v0;
	v20 =	vshrl.u32 v20, $0x3;
	v26 =	vshll.u32 v22, v0;
	v19 =	vld [tilespmem:s1+$0xFFFFFF90]  }
0x89: {  	v22 =	vld [tilespmem:s1+$0xFFFFFFA0];
	v30 =	vshll.u32 v20, v0;
	v24 =	vbroadcast v18, $0x0;
	v18 =	vadd.s32 v25, v2  }
0x8a: {  	v20 =	vadd.s32 v21, v3;
	v28 =	vadd.s32 v26, v4;
	v23 =	vbroadcast v18, $0x0;
	v18 =	vld [tilespmem:s1+$0xFFFFFFB0]  }
0x8b: {  	s0 =	simm.s32 $0x10;
	s17 =	simm.s32 $0xF;
	v26 =	vadd.s32 v29, v7;
	v21 =	vld [tilespmem:s1+$0xFFFFFFC0];
	v20 =	vbroadcast v20, $0x0;
	v25 =	vadd.s32 v30, v8  }
.LBB2_5:
0x8c: {  	p0 =	slt.u32 s0, $0x188;
	v28 =	vbroadcast v28, $0x0;
	v29 =	vmov s17;
	v30 =	vld [tilespmem:s1+$0xFFFFFFD0];
	v16 =	vmul.f32 v17, v16  }
0x8d: {  	v17 =	vbroadcast v27, $0x0;
	v27 =	vshrl.u32 v29, $0x3;
	v19 =	vmul.f32 v19, v9;
	v29 =	vld [tilespmem:s1+$0xFFFFFFE0]  }
0x8e: {  	v26 =	vbroadcast v26, $0x0;
	v27 =	vshll.u32 v27, v0;
	v22 =	vmul.f32 v22, v10;
	v31 =	vld [tilespmem:s1+$0xFFFFFFF0];
	[tilespmem:s1+$0x0] =	vst v16  }
0x8f: {  	v16 =	vbroadcast v25, $0x0;
	v9 =	vld.idx.msk [tilespmem:v24+s18+$0x0], $0xffff;
	v24 =	vadd.s32 v27, v6;
	[tilespmem:s1+$0xFFFFFF90] =	vst v19;
	v18 =	vmul.f32 v18, v11  }
0x90: {  	s17 =	sadd.s32 $0x1, s0;
	v11 =	vmov s0;
	v10 =	vld.idx.msk [tilespmem:v23+s18+$0x0], $0xffff;
	v19 =	vbroadcast v24, $0x0;
	[tilespmem:s1+$0xFFFFFFA0] =	vst v22;
	v21 =	vmul.f32 v21, v12  }
0x91: {  	s25 =	sadd.s32 $0x3, s0;
	v22 =	vshrl.u32 v11, $0x3;
	v23 =	vmov s17;
	s17 =	sadd.s32 $0x2, s0;
	v11 =	vld.idx.msk [tilespmem:v20+s18+$0x0], $0xffff;
	[tilespmem:s1+$0xFFFFFFB0] =	vst v18;
	v18 =	vmul.f32 v30, v13  }
0x92: {  	v24 =	vmov s25;
	s25 =	sadd.s32 $0x5, s0;
	v20 =	vmov s17;
	s17 =	sadd.s32 $0x4, s0;
	v12 =	vld.idx.msk [tilespmem:v28+s18+$0x0], $0xffff;
	[tilespmem:s1+$0xFFFFFFC0] =	vst v21;
	v21 =	vmul.f32 v29, v14  }
0x93: {  	v27 =	vmov s25;
	v25 =	vmov s17;
	s17 =	sadd.s32 $0x6, s0;
	v13 =	vld.idx.msk [tilespmem:v17+s18+$0x0], $0xffff;
	[tilespmem:s1+$0xFFFFFFD0] =	vst v18;
	v17 =	vmul.f32 v31, v15  }
0x94: {  	v18 =	vshll.u32 v22, v0;
	v22 =	vshrl.u32 v23, $0x3;
	v23 =	vmov s17;
	v14 =	vld.idx.msk [tilespmem:v26+s18+$0x0], $0xffff;
	[tilespmem:s1+$0xFFFFFFE0] =	vst v21  }
0x95: {  	v20 =	vshrl.u32 v20, $0x3;
	v21 =	vshrl.u32 v24, $0x3;
	v24 =	vshrl.u32 v25, $0x3;
	v15 =	vld.idx.msk [tilespmem:v16+s18+$0x0], $0xffff;
	[tilespmem:s1+$0xFFFFFFF0] =	vst v17  }
0x96: {  	v18 =	vadd.s32 v1, v18;
	v25 =	vshrl.u32 v27, $0x3;
	v23 =	vshrl.u32 v23, $0x3;
	s1 =	sadd.s32 $0x80, s1;
	v16 =	vld.idx.msk [tilespmem:v19+s18+$0x0], $0xffff  }
.Ltmp1:
0x97: {  	v20 =	vshll.u32 v20, v0;
	v22 =	vshll.u32 v22, v0;
	v21 =	vshll.u32 v21, v0;
	v17 =	vld [tilespmem:s1+$0x0];
	(pc) =	sbr.rel @p0 .LBB2_5-.Ltmp1, $4  }
0x98: {  	v26 =	vshll.u32 v24, v0;
	v25 =	vshll.u32 v25, v0;
	v29 =	vshll.u32 v23, v0;
	v19 =	vld [tilespmem:s1+$0xFFFFFF90]  }
0x99: {  	v20 =	vadd.s32 v20, v3;
	v24 =	vbroadcast v18, $0x0;
	v18 =	vadd.s32 v22, v2;
	v22 =	vld [tilespmem:s1+$0xFFFFFFA0]  }
0x9a: {  	v23 =	vbroadcast v18, $0x0;
	v28 =	vadd.s32 v21, v4;
	v27 =	vadd.s32 v26, v5;
	v18 =	vld [tilespmem:s1+$0xFFFFFFB0]  }
0x9b: {  	s17 =	sadd.s32 $0x7, s0;
	s0 =	sadd.s32 $0x8, s0;
	v20 =	vbroadcast v20, $0x0;
	v26 =	vadd.s32 v25, v7;
	v25 =	vadd.s32 v29, v8;
	v21 =	vld [tilespmem:s1+$0xFFFFFFC0]  }
0x9c: {  	_ = 	snop  }
0x9d: {  	v3 =	vld [tilespmem:s1+$0xFFFFFFD0]  }
0x9e: {  	v5 =	vld [tilespmem:s1+$0xFFFFFFE0]  }
0x9f: {  	v2 =	vmov s17;
	v8 =	vld [tilespmem:s1+$0xFFFFFFF0]  }
0xa0: {  	v51 =	vld.idx.msk [tilespmem:v24+s18+$0x0], $0xffff;
	v2 =	vshrl.u32 v2, $0x3  }
0xa1: {  	v23 =	vld.idx.msk [tilespmem:v23+s18+$0x0], $0xffff;
	v2 =	vshll.u32 v2, v0  }
0xa2: {  	s0 =	sadd.s32 $0x80, s1;
	v20 =	vld.idx.msk [tilespmem:v20+s18+$0x0], $0xffff;
	v2 =	vadd.s32 v2, v6  }
0xa3: {  	v55 =	vld [tilespmem:s0+$0x0];
	v2 =	vbroadcast v2, $0x0  }
0xa4: {  	v57 =	vld [tilespmem:s0+$0xFFFFFF90]  }
0xa5: {  	v16 =	vmul.f32 v17, v16;
	v58 =	vld [tilespmem:s0+$0xFFFFFFA0]  }
0xa6: {  	v1 =	vbroadcast v28, $0x0;
	v9 =	vmul.f32 v19, v9;
	v59 =	vld [tilespmem:s0+$0xFFFFFFB0]  }
0xa7: {  	v4 =	vbroadcast v27, $0x0;
	v60 =	vld [tilespmem:s0+$0xFFFFFFC0];
	v10 =	vmul.f32 v22, v10;
	[tilespmem:s1+$0x0] =	vst v16  }
0xa8: {  	v7 =	vbroadcast v26, $0x0;
	v61 =	vld [tilespmem:s0+$0xFFFFFFD0];
	[tilespmem:s1+$0xFFFFFF90] =	vst v9;
	v54 =	vmul.f32 v18, v11  }
0xa9: {  	v52 =	vbroadcast v25, $0x0;
	[tilespmem:s1+$0xFFFFFFA0] =	vst v10;
	v56 =	vmul.f32 v21, v12;
	v2 =	vld.idx.msk [tilespmem:v2+s18+$0x0], $0xffff  }
0xaa: {  	v62 =	vld [tilespmem:s0+$0xFFFFFFE0];
	[tilespmem:s1+$0xFFFFFFB0] =	vst v54;
	v3 =	vmul.f32 v3, v13  }
0xab: {  	v63 =	vld [tilespmem:s0+$0xFFFFFFF0];
	v5 =	vmul.f32 v5, v14;
	[tilespmem:s1+$0xFFFFFFC0] =	vst v56  }
0xac: {  	v1 =	vld.idx.msk [tilespmem:v1+s18+$0x0], $0xffff;
	v9 =	vmul.f32 v58, v23;
	[tilespmem:s1+$0xFFFFFFD0] =	vst v3  }
0xad: {  	v4 =	vld.idx.msk [tilespmem:v4+s18+$0x0], $0xffff;
	v3 =	vmul.f32 v8, v15;
	[tilespmem:s1+$0xFFFFFFE0] =	vst v5  }
0xae: {  	v7 =	vld.idx.msk [tilespmem:v7+s18+$0x0], $0xffff;
	[tilespmem:s0+$0xFFFFFFA0] =	vst v9;
	v2 =	vmul.f32 v55, v2  }
0xaf: {  	v53 =	vld.idx.msk [tilespmem:v52+s18+$0x0], $0xffff;
	[tilespmem:s1+$0xFFFFFFF0] =	vst v3;
	v3 =	vmul.f32 v57, v51  }
0xb0: {  	[tilespmem:s0+$0x0] =	vst v2;
	v2 =	vmul.f32 v59, v20  }
0xb1: {  	s29 =	sadd.s32 $0x1, s29;
	[tilespmem:s0+$0xFFFFFF90] =	vst v3;
	v1 =	vmul.f32 v60, v1  }
0xb2: {  	p0 =	sne.s32 s29, $0xC;
	[tilespmem:s0+$0xFFFFFFB0] =	vst v2;
	v2 =	vmul.f32 v61, v4  }
.Ltmp2:
0xb3: {  	[tilespmem:s0+$0xFFFFFFC0] =	vst v1;
	v1 =	vmul.f32 v62, v7;
	(pc) =	sbr.rel @p0 .LBB2_2-.Ltmp2, $4  }
0xb4: {  	[tilespmem:s0+$0xFFFFFFD0] =	vst v2;
	v2 =	vmul.f32 v63, v53  }
0xb5: {  	[tilespmem:s0+$0xFFFFFFE0] =	vst v1  }
0xb6: {  	s31 =	sadd.s32 $0x2710, s30;
	[tilespmem:s0+$0xFFFFFFF0] =	vst v2  }
0xb7: {  	[spmem:s3] =	stream.indirect.scatter.add.f32 [tilespmem:s23], [sflag:$0x3], $0x10, s31, s20, $0xb8;
	[tilespmem:$0xF550] =	vst v63  }
0xb8: {  	s0 =	simm.s32 $0x0;
	s30 =	simm.s32 $0x1  }
0xb9: {  	s1 =	simm.s32 $0x2;
	s31 =	simm.s32 $0x3;
	s25 =	simm.s32 $0x4;
	v1 =	vmov s0;
	v2 =	vmov s30  }
0xba: {  	s17 =	simm.s32 $0x5;
	s29 =	simm.s32 $0x6;
	v3 =	vmov s1;
	v4 =	vmov s31;
	v5 =	vmov s25  }
0xbb: {  	v6 =	vmov s17;
	v7 =	vmov s29;
	v1 =	vshrl.u32 v1, $0x3  }
0xbc: {  	v2 =	vshrl.u32 v2, $0x3;
	v3 =	vshrl.u32 v3, $0x3;
	v4 =	vshrl.u32 v4, $0x3  }
0xbd: {  	s30 =	simm.s32 $0x7;
	s31 =	simm.s32 $0x8;
	s1 =	simm.s32 $0x9;
	v5 =	vshrl.u32 v5, $0x3;
	v6 =	vshrl.u32 v6, $0x3;
	v7 =	vshrl.u32 v7, $0x3  }
0xbe: {  	s17 =	simm.s32 $0xA;
	s29 =	simm.s32 $0xC;
	v8 =	vmov s30;
	v9 =	vmov s31;
	v10 =	vmov s1  }
0xbf: {  	v11 =	vmov s17;
	v13 =	vmov s29;
	v1 =	vshll.u32 v1, v0  }
0xc0: {  	v2 =	vshll.u32 v2, v0;
	v3 =	vshll.u32 v3, v0;
	v4 =	vshll.u32 v4, v0  }
0xc1: {  	s30 =	simm.s32 $0xD;
	v5 =	vshll.u32 v5, v0;
	v6 =	vshll.u32 v6, v0;
	v7 =	vshll.u32 v7, v0  }
0xc2: {  	s31 =	simm.s32 $0xE;
	v8 =	vshrl.u32 v8, $0x3;
	v9 =	vshrl.u32 v9, $0x3;
	v14 =	vmov s30  }
0xc3: {  	v10 =	vshrl.u32 v10, $0x3;
	v15 =	vmov s31;
	v11 =	vshrl.u32 v11, $0x3  }
0xc4: {  	v13 =	vshrl.u32 v13, $0x3;
	v1 =	vadd.s32 $0x2580, v1;
	v2 =	vadd.s32 $0x2581, v2  }
0xc5: {  	_ =	swait.ge [sflag:s22], $0x1900;
	v3 =	vadd.s32 $0x2582, v3;
	v4 =	vadd.s32 $0x2583, v4;
	v5 =	vadd.s32 $0x2584, v5  }
0xc6: {  	[sflag:s22] =	ssyncset.done $0x0;
	v6 =	vadd.s32 $0x2585, v6;
	v8 =	vshll.u32 v8, v0;
	v9 =	vshll.u32 v9, v0  }
0xc7: {  	[sflag:s22] =	ssyncadd.s32 $0xFFFFE700;
	s1 =	simm.s32 $0x4E60;
	v14 =	vshrl.u32 v14, $0x3;
	v15 =	vshrl.u32 v15, $0x3;
	v1 =	vbroadcast v1, $0x0  }
0xc8: {  	v10 =	vshll.u32 v10, v0;
	v17 =	vshll.u32 v11, v0;
	v11 =	vld [tilespmem:s1+$0xFFFFFFC0];
	v2 =	vbroadcast v2, $0x0  }
0xc9: {  	v3 =	vbroadcast v3, $0x0;
	v8 =	vadd.s32 $0x2587, v8;
	v16 =	vadd.s32 $0x2580, v9;
	v9 =	vld [tilespmem:s1+$0x30]  }
0xca: {  	v13 =	vshll.u32 v13, v0;
	v18 =	vshll.u32 v14, v0;
	v14 =	vld [tilespmem:s1+$0xFFFFFFD0];
	v8 =	vbroadcast v8, $0x0  }
0xcb: {  	v4 =	vbroadcast v4, $0x0;
	v10 =	vadd.s32 $0x2581, v10;
	v19 =	vadd.s32 $0x2584, v13;
	v13 =	vld [tilespmem:s1+$0xFFFFFFF0]  }
0xcc: {  	v5 =	vbroadcast v5, $0x0;
	v21 =	vshll.u32 v15, v0;
	v15 =	vbroadcast v10, $0x0;
	v10 =	vld [tilespmem:s1+$0xFFFFFFE0]  }
0xcd: {  	v7 =	vadd.s32 $0x2586, v7;
	v6 =	vbroadcast v6, $0x0;
	v1 =	vld.idx.msk [tilespmem:v1+s18+$0x0], $0xffff  }
0xce: {  	v7 =	vbroadcast v7, $0x0;
	v2 =	vld.idx.msk [tilespmem:v2+s18+$0x0], $0xffff  }
0xcf: {  	s25 =	simm.s32 $0xB;
	v3 =	vld.idx.msk [tilespmem:v3+s18+$0x0], $0xffff  }
0xd0: {  	v12 =	vmov s25;
	v8 =	vld.idx.msk [tilespmem:v8+s18+$0x0], $0xffff  }
0xd1: {  	v12 =	vshrl.u32 v12, $0x3;
	v4 =	vld.idx.msk [tilespmem:v4+s18+$0x0], $0xffff  }
0xd2: {  	v12 =	vshll.u32 v12, v0;
	v16 =	vbroadcast v16, $0x0;
	v5 =	vld.idx.msk [tilespmem:v5+s18+$0x0], $0xffff  }
0xd3: {  	v17 =	vadd.s32 $0x2582, v17;
	v20 =	vadd.s32 $0x2583, v12;
	v6 =	vld.idx.msk [tilespmem:v6+s18+$0x0], $0xffff  }
0xd4: {  	s0 =	simm.s32 $0x10;
	s17 =	simm.s32 $0xF;
	v12 =	vbroadcast v17, $0x0;
	v18 =	vadd.s32 $0x2585, v18;
	v17 =	vadd.s32 $0x2586, v21;
	v7 =	vld.idx.msk [tilespmem:v7+s18+$0x0], $0xffff  }
.LBB2_8:
0xd5: {  	p0 =	slt.u32 s0, $0x188;
	v20 =	vbroadcast v20, $0x0;
	v21 =	vmov s17;
	v22 =	vld [tilespmem:s1+$0x0];
	v8 =	vmul.f32 v9, v8  }
0xd6: {  	v9 =	vbroadcast v19, $0x0;
	v19 =	vshrl.u32 v21, $0x3;
	v11 =	vmul.f32 v11, v1;
	v21 =	vld [tilespmem:s1+$0x10]  }
0xd7: {  	v18 =	vbroadcast v18, $0x0;
	v19 =	vshll.u32 v19, v0;
	v14 =	vmul.f32 v14, v2;
	v23 =	vld [tilespmem:s1+$0x20];
	[tilespmem:s1+$0x30] =	vst v8  }
0xd8: {  	v8 =	vbroadcast v17, $0x0;
	v1 =	vld.idx.msk [tilespmem:v16+s18+$0x0], $0xffff;
	v16 =	vadd.s32 $0x2587, v19;
	[tilespmem:s1+$0xFFFFFFC0] =	vst v11;
	v10 =	vmul.f32 v10, v3  }
0xd9: {  	s17 =	sadd.s32 $0x1, s0;
	v3 =	vmov s0;
	v2 =	vld.idx.msk [tilespmem:v15+s18+$0x0], $0xffff;
	v11 =	vbroadcast v16, $0x0;
	[tilespmem:s1+$0xFFFFFFD0] =	vst v14;
	v13 =	vmul.f32 v13, v4  }
0xda: {  	s25 =	sadd.s32 $0x3, s0;
	v14 =	vshrl.u32 v3, $0x3;
	v15 =	vmov s17;
	s17 =	sadd.s32 $0x2, s0;
	v3 =	vld.idx.msk [tilespmem:v12+s18+$0x0], $0xffff;
	[tilespmem:s1+$0xFFFFFFE0] =	vst v10;
	v10 =	vmul.f32 v22, v5  }
0xdb: {  	v16 =	vmov s25;
	s25 =	sadd.s32 $0x5, s0;
	v12 =	vmov s17;
	s17 =	sadd.s32 $0x4, s0;
	v4 =	vld.idx.msk [tilespmem:v20+s18+$0x0], $0xffff;
	[tilespmem:s1+$0xFFFFFFF0] =	vst v13;
	v13 =	vmul.f32 v21, v6  }
0xdc: {  	v19 =	vmov s25;
	v17 =	vmov s17;
	s17 =	sadd.s32 $0x6, s0;
	v5 =	vld.idx.msk [tilespmem:v9+s18+$0x0], $0xffff;
	[tilespmem:s1+$0x0] =	vst v10;
	v9 =	vmul.f32 v23, v7  }
0xdd: {  	v10 =	vshll.u32 v14, v0;
	v14 =	vshrl.u32 v15, $0x3;
	v15 =	vmov s17;
	v6 =	vld.idx.msk [tilespmem:v18+s18+$0x0], $0xffff;
	[tilespmem:s1+$0x10] =	vst v13  }
0xde: {  	v12 =	vshrl.u32 v12, $0x3;
	v13 =	vshrl.u32 v16, $0x3;
	v16 =	vshrl.u32 v17, $0x3;
	v7 =	vld.idx.msk [tilespmem:v8+s18+$0x0], $0xffff;
	[tilespmem:s1+$0x20] =	vst v9  }
0xdf: {  	v10 =	vadd.s32 $0x2580, v10;
	v17 =	vshrl.u32 v19, $0x3;
	v15 =	vshrl.u32 v15, $0x3;
	s1 =	sadd.s32 $0x80, s1;
	v8 =	vld.idx.msk [tilespmem:v11+s18+$0x0], $0xffff  }
.Ltmp3:
0xe0: {  	v12 =	vshll.u32 v12, v0;
	v14 =	vshll.u32 v14, v0;
	v13 =	vshll.u32 v13, v0;
	v9 =	vld [tilespmem:s1+$0x30];
	(pc) =	sbr.rel @p0 .LBB2_8-.Ltmp3, $4  }
0xe1: {  	v18 =	vshll.u32 v16, v0;
	v17 =	vshll.u32 v17, v0;
	v21 =	vshll.u32 v15, v0;
	v11 =	vld [tilespmem:s1+$0xFFFFFFC0]  }
0xe2: {  	v12 =	vadd.s32 $0x2582, v12;
	v16 =	vbroadcast v10, $0x0;
	v10 =	vadd.s32 $0x2581, v14;
	v14 =	vld [tilespmem:s1+$0xFFFFFFD0]  }
0xe3: {  	v15 =	vbroadcast v10, $0x0;
	v20 =	vadd.s32 $0x2583, v13;
	v19 =	vadd.s32 $0x2584, v18;
	v10 =	vld [tilespmem:s1+$0xFFFFFFE0]  }
0xe4: {  	s17 =	sadd.s32 $0x7, s0;
	s0 =	sadd.s32 $0x8, s0;
	v12 =	vbroadcast v12, $0x0;
	v18 =	vadd.s32 $0x2585, v17;
	v17 =	vadd.s32 $0x2586, v21;
	v13 =	vld [tilespmem:s1+$0xFFFFFFF0]  }
0xe5: {  	_ = 	snop  }
0xe6: {  	v22 =	vld [tilespmem:s1+$0x0]  }
0xe7: {  	v23 =	vld [tilespmem:s1+$0x10]  }
0xe8: {  	v24 =	vld [tilespmem:s1+$0x20]  }
0xe9: {  	v16 =	vld.idx.msk [tilespmem:v16+s18+$0x0], $0xffff  }
0xea: {  	v15 =	vld.idx.msk [tilespmem:v15+s18+$0x0], $0xffff  }
0xeb: {  	s0 =	sadd.s32 $0x80, s1;
	v12 =	vld.idx.msk [tilespmem:v12+s18+$0x0], $0xffff  }
0xec: {  	v21 =	vmov s17;
	v58 =	vld [tilespmem:s0+$0xFFFFFFC0]  }
0xed: {  	v19 =	vbroadcast v19, $0x0;
	v21 =	vshrl.u32 v21, $0x3;
	v1 =	vmul.f32 v11, v1;
	v59 =	vld [tilespmem:s0+$0xFFFFFFD0]  }
0xee: {  	v60 =	vld [tilespmem:s0+$0xFFFFFFE0];
	v21 =	vshll.u32 v21, v0;
	v2 =	vmul.f32 v14, v2  }
0xef: {  	v18 =	vbroadcast v18, $0x0;
	v61 =	vld [tilespmem:s0+$0xFFFFFFF0];
	v21 =	vadd.s32 $0x2587, v21;
	[tilespmem:s1+$0xFFFFFFC0] =	vst v1;
	v1 =	vmul.f32 v10, v3  }
0xf0: {  	v62 =	vld [tilespmem:s0+$0x10];
	v21 =	vbroadcast v21, $0x0;
	[tilespmem:s1+$0xFFFFFFD0] =	vst v2;
	v2 =	vmul.f32 v13, v4  }
0xf1: {  	v17 =	vbroadcast v17, $0x0;
	v63 =	vld [tilespmem:s0+$0x20];
	[tilespmem:s1+$0xFFFFFFE0] =	vst v1;
	v1 =	vmul.f32 v22, v5  }
0xf2: {  	v20 =	vbroadcast v20, $0x0;
	v3 =	vld [tilespmem:s0+$0x30];
	[tilespmem:s1+$0xFFFFFFF0] =	vst v2;
	v2 =	vmul.f32 v23, v6  }
0xf3: {  	v19 =	vld.idx.msk [tilespmem:v19+s18+$0x0], $0xffff;
	[tilespmem:s1+$0x0] =	vst v1;
	v1 =	vmul.f32 v24, v7  }
0xf4: {  	[tilespmem:s1+$0x10] =	vst v2;
	v2 =	vld [tilespmem:s0+$0x0]  }
0xf5: {  	v55 =	vld.idx.msk [tilespmem:v18+s18+$0x0], $0xffff;
	[tilespmem:s1+$0x20] =	vst v1;
	v1 =	vmul.f32 v58, v16  }
0xf6: {  	v8 =	vmul.f32 v9, v8;
	v57 =	vld.idx.msk [tilespmem:v21+s18+$0x0], $0xffff  }
0xf7: {  	v56 =	vld.idx.msk [tilespmem:v17+s18+$0x0], $0xffff;
	[tilespmem:s0+$0xFFFFFFC0] =	vst v1;
	v1 =	vmul.f32 v60, v12  }
0xf8: {  	[tilespmem:s1+$0x30] =	vst v8;
	v20 =	vld.idx.msk [tilespmem:v20+s18+$0x0], $0xffff;
	v5 =	vmul.f32 v59, v15  }
0xf9: {  	[tilespmem:s0+$0xFFFFFFE0] =	vst v1;
	v1 =	vmul.f32 v2, v19  }
0xfa: {  	[tilespmem:s0+$0xFFFFFFD0] =	vst v5;
	v2 =	vmul.f32 v62, v55  }
0xfb: {  	v3 =	vmul.f32 v3, v57;
	[tilespmem:s0+$0x0] =	vst v1  }
0xfc: {  	v1 =	vmul.f32 v63, v56;
	[tilespmem:s0+$0x10] =	vst v2  }
0xfd: {  	[tilespmem:s0+$0x30] =	vst v3;
	v3 =	vmul.f32 v61, v20  }
0xfe: {  	[tilespmem:s0+$0x20] =	vst v1  }
0xff: {  	s30 =	simm.s32 $0x4C90;
	[tilespmem:s0+$0xFFFFFFF0] =	vst v3  }
0x100: {  	[spmem:s3] =	stream.indirect.scatter.add.f32 [tilespmem:s21], [sflag:$0x3], $0x10, s30, s20, $0xb8;
	[tilespmem:$0xF550] =	vst v63  }
0x101: {  	_ =	swait.ge [sflag:s24], $0x1900  }
0x102: {  	[sflag:s24] =	ssyncset.done $0x0  }
0x103: {  	[sflag:s24] =	ssyncadd.s32 $0xFFFFE700  }
0x104: {  	_ =	swait.ge [sflag:s24], $0x1900  }
0x105: {  	s28 =	sadd.s32 $0x1, s28;
	[sflag:s24] =	ssyncset.done $0x0  }
0x106: {  	p0 =	sne.s32 s28, s13;
	[sflag:s24] =	ssyncadd.s32 $0xFFFFE700  }
.Ltmp4:
0x107: {  	s31 =	sor.u32 $0x1C04, s7;
	[bflag:$0x0] =	sbarrier.arrive $0xFFFF;
	(pc) =	sbr.rel @p0 .LBB2_1-.Ltmp4, $4  }
0x108: {  	[hbm:s12], [sflag:s31] =	dma.local [spmem:s15], $0x4E2  }
0x109: {  	_ =	swait.ge [sflag:s26], $0x4E2  }
0x10a: {  	[sflag:s26] =	ssyncset.done $0x0  }
0x10b: {  	[sflag:s26] =	ssyncadd.s32 $0xFFFFFB1E  }
0x10c: {  	_ =	sfence.sel $0x180000  }
0x10d: {  	[bflag:$0x0] =	sbarrier.arrive $0xFFFF  }
0x10e: {  	_ =	strace $0x9000004D  }
0x10f: {  	s0 =	stileid.u32;
	[bflag:$0x2] =	sbarrier.arrive $0xFFFF  }
0x110: {  	p0 =	sne.s32 s0, $0x0;
	s0 =	rddreg [dreg:$0x5]  }
0x111: {  	s0 =	sadd.s32 @!p0 $0x100000, s0  }
0x112: {  	[sflag:s0] =	ssyncadd.tile.s32 @!p0 $0x1;
	_ =	shalt  }
.Lfunc_end2:
_tile_overlayer_lowered:
.L_overlay_start_2:
0x113: {  	(tag) =	ssettag $0x2  }
0x114: {  	s0 =	rddreg [dreg:$0x0];
	s2 =	stileid.u32  }
0x115: {  	s1 =	rddreg [dreg:$0x1];
	p0 =	sne.s32 s2, $0x0  }
0x116: {  	s3 =	rddreg [dreg:$0x2];
	[bflag:$0x3] =	sbarrier.arrive $0xFFFF;
	s2 =	simm.s32 @!p0 $0x1C04  }
0x117: {  	[timem:s3], [sflag:s2] =	dma.local @!p0 [hbm:s0], s1  }
0x118: {  	s0 =	simm.s32 @!p0 $0x4  }
0x119: {  	_ =	swait.ge @!p0 [sflag:s0], s1  }
0x11a: {  	s1 =	ssub.s32 @!p0 $0x0, s1;
	[sflag:s0] =	ssyncset.done @!p0 $0x0  }
0x11b: {  	[sflag:s0] =	ssyncadd.s32 @!p0 s1  }
0x11c: {  	[bflag:$0x3] =	sbarrier.arrive $0xFFFF  }
0x11d: {  	_ =	shalt  }

// kernel: kernel.9.cloned.1.call-start
scs
__scs_entry_jumppad:
0x0: {  	(pc) =	sbr.rel $0x88, $3  }
0x1: {  	(tag) =	ssettag $0x0;
	lr =	simm.s32 $0x1  }
0x2: {  	[smem:$0x3F95] =	sst lr;
	_ =	strace $0xD0000000  }
0x3: {  	_ = 	snop  }
0x4: {  	_ = 	snop  }
0x5: {  	_ = 	snop  }
0x6: {  	_ = 	snop  }
0x7: {  	_ = 	snop  }
__scs_overlays_trampoline_lowered:
0x8: {  	[smem:$0x3FA4] =	sst s0  }
0x9: {  	[smem:$0x3FA5] =	sst s1  }
0xa: {  	[smem:$0x3FA6] =	sst s2  }
0xb: {  	[smem:$0x3FA7] =	sst s3  }
0xc: {  	[smem:$0x3FA8] =	sst s4  }
0xd: {  	[smem:$0x3FA9] =	sst s5  }
0xe: {  	[smem:$0x3FAA] =	sst s6  }
0xf: {  	[smem:$0x3FAB] =	sst s7  }
0x10: {  	[smem:$0x3FAC] =	sst s8  }
0x11: {  	[smem:$0x3FAD] =	sst s9;
	s0 =	simm.s32 @!p0 $0x0  }
0x12: {  	s1 =	sld [smem:$0x3F93];
	s0 =	simm.s32 @p0 $0x1  }
0x13: {  	[smem:$0x3FAE] =	sst s0;
	s0 =	simm.s32 @!p1 $0x0  }
0x14: {  	s2 =	sld [smem:$0x3F92];
	s0 =	simm.s32 @p1 $0x1  }
0x15: {  	[smem:$0x3FAF] =	sst s0;
	s0 =	simm.s32 @!p2 $0x0  }
0x16: {  	s3 =	sld [smem:$0x3FDB];
	s0 =	simm.s32 @p2 $0x1  }
0x17: {  	s4 =	simm.s32 $0x1BF5;
	[smem:$0x3FB1] =	sst s0  }
0x18: {  	s0 =	sld [smem:$0x3F94];
	_ =	swait.ge [sflag:s4], $0x0  }
0x19: {  	s7 =	sld [smem:$0x3F95]  }
0x1a: {  	s8 =	sadd.s32 $0xFFFFE003, lr  }
0x1b: {  	s9 =	sadd.s32 $0xFFFFFEF7, lr;
	s5 =	simm.s32 $0xFFFFFFFF;
	p2 =	slt.u32 s8, $0xFFFFF086  }
0x1c: {  	p1 =	slt.u32 s9, $0xF7A;
	s5 =	simm.s32 @!p2 $0x0  }
0x1d: {  	s5 =	simm.s32 @p1 $0x1;
	p0 =	seq.s32 s7, s2  }
0x1e: {  	s7 =	smul.u32 @!p0 $0xF7A, s2;
	p2 =	seq.s32 @!p0 s5, $0x0  }
0x1f: {  	s9 =	smul.u32 $0xF7A, s1;
	s8 =	simm.s32 @!p0 $0x1BF5;
	p2 =	por !p2, p0  }
0x20: {  	[sflag:s8] =	ssyncset.s32 @!p0 $0xFFFFF086;
	s6 =	sadd.s32 @!p0 s3, s7;
	s7 =	simm.s32 @!p0 $0x108  }
0x21: {  	s3 =	sadd.s32 s3, s9;
	s6 =	sadd.s32 @!p0 $0x88, s6;
	s7 =	simm.s32 @p2 $0x1082  }
0x22: {  	[simem:s7], [sflag:s8] =	dma.local @!p0 [hbm:s6], $0xF7A  }
0x23: {  	s9 =	sor.u32 $0xD0000000, s2;
	s6 =	simm.s32 $0x108;
	_ =	swait.ge @!p0 [sflag:s8], $0x0  }
0x24: {  	s3 =	sadd.s32 $0x88, s3;
	s6 =	simm.s32 @!p1 $0x1082;
	[sflag:s4] =	ssyncset.s32 $0xFFFFF086  }
0x25: {  	[simem:s6], [sflag:s4] =	dma.local [hbm:s3], $0xF7A  }
0x26: {  	[smem:$0x3F95] =	sst s1;
	(tag) =	ssettag s2;
	_ =	strace s9  }
0x27: {  	s1 =	sld [smem:$0x3FA5]  }
0x28: {  	s2 =	sld [smem:$0x3FA6]  }
0x29: {  	s4 =	sld [smem:$0x3FA8]  }
0x2a: {  	p0 =	seq.s32 s5, $0x0;
	s5 =	sld [smem:$0x3FA9]  }
0x2b: {  	s6 =	sld [smem:$0x3FAA]  }
0x2c: {  	s7 =	sld [smem:$0x3FAB]  }
0x2d: {  	s3 =	simm.s32 $0x108;
	s8 =	sld [smem:$0x3FAC]  }
0x2e: {  	s3 =	simm.s32 @!p0 $0x1082;
	s9 =	sld [smem:$0x3FAD]  }
0x2f: {  	lr =	sadd.s32 s0, s3;
	s0 =	sld [smem:$0x3FA4]  }
0x30: {  	s3 =	sld [smem:$0x3FA7]  }
0x31: {  	[smem:$0x3FB0] =	sst s10  }
0x32: {  	s10 =	sld [smem:$0x3FAE];
	_ =	sdelay $0x3  }
0x33: {  	p0 =	seq.s32 s10, $0x1;
	s10 =	sld [smem:$0x3FB0];
	_ =	sdelay $0x3  }
0x34: {  	[smem:$0x3FB0] =	sst s10  }
0x35: {  	s10 =	sld [smem:$0x3FAF];
	_ =	sdelay $0x3  }
0x36: {  	p1 =	seq.s32 s10, $0x1;
	s10 =	sld [smem:$0x3FB0];
	_ =	sdelay $0x3  }
0x37: {  	[smem:$0x3FB0] =	sst s10  }
0x38: {  	s10 =	sld [smem:$0x3FB1]  }
0x39: {  	_ = 	snop;
	(pc) =	sbr.ind lr, $3  }
0x3a: {  	_ = 	snop  }
0x3b: {  	_ = 	snop  }
0x3c: {  	p2 =	seq.s32 s10, $0x1;
	s10 =	sld [smem:$0x3FB0]  }
0x3d: {  	_ =	shalt  }
0x3e: {  	_ =	shalt  }
0x3f: {  	_ =	shalt  }
0x40: {  	_ =	shalt  }
0x41: {  	_ =	shalt  }
0x42: {  	_ =	shalt  }
0x43: {  	_ =	shalt  }
0x44: {  	_ =	shalt  }
0x45: {  	_ =	shalt  }
0x46: {  	_ =	shalt  }
0x47: {  	_ =	shalt  }
0x48: {  	_ =	shalt  }
0x49: {  	_ =	shalt  }
0x4a: {  	_ =	shalt  }
0x4b: {  	_ =	shalt  }
0x4c: {  	_ =	shalt  }
0x4d: {  	_ =	shalt  }
0x4e: {  	_ =	shalt  }
0x4f: {  	_ =	shalt  }
0x50: {  	_ =	shalt  }
0x51: {  	_ =	shalt  }
0x52: {  	_ =	shalt  }
0x53: {  	_ =	shalt  }
0x54: {  	_ =	shalt  }
0x55: {  	_ =	shalt  }
0x56: {  	_ =	shalt  }
0x57: {  	_ =	shalt  }
0x58: {  	_ =	shalt  }
0x59: {  	_ =	shalt  }
0x5a: {  	_ =	shalt  }
0x5b: {  	_ =	shalt  }
0x5c: {  	_ =	shalt  }
0x5d: {  	_ =	shalt  }
0x5e: {  	_ =	shalt  }
0x5f: {  	_ =	shalt  }
0x60: {  	_ =	shalt  }
0x61: {  	_ =	shalt  }
0x62: {  	_ =	shalt  }
0x63: {  	_ =	shalt  }
0x64: {  	_ =	shalt  }
0x65: {  	_ =	shalt  }
0x66: {  	_ =	shalt  }
0x67: {  	_ =	shalt  }
0x68: {  	_ =	shalt  }
0x69: {  	_ =	shalt  }
0x6a: {  	_ =	shalt  }
0x6b: {  	_ =	shalt  }
0x6c: {  	_ =	shalt  }
0x6d: {  	_ =	shalt  }
0x6e: {  	_ =	shalt  }
0x6f: {  	_ =	shalt  }
0x70: {  	_ =	shalt  }
0x71: {  	_ =	shalt  }
0x72: {  	_ =	shalt  }
0x73: {  	_ =	shalt  }
0x74: {  	_ =	shalt  }
0x75: {  	_ =	shalt  }
0x76: {  	_ =	shalt  }
0x77: {  	_ =	shalt  }
0x78: {  	_ =	shalt  }
0x79: {  	_ =	shalt  }
0x7a: {  	_ =	shalt  }
0x7b: {  	_ =	shalt  }
0x7c: {  	_ =	shalt  }
0x7d: {  	_ =	shalt  }
0x7e: {  	_ =	shalt  }
0x7f: {  	_ =	shalt  }
0x80: {  	_ =	shalt  }
0x81: {  	_ =	shalt  }
0x82: {  	_ =	shalt  }
0x83: {  	_ =	shalt  }
0x84: {  	_ =	shalt  }
0x85: {  	_ =	shalt  }
0x86: {  	_ =	shalt  }
0x87: {  	_ =	shalt  }
.Lfunc_end0:
.L_simem_size_0:
called_computation_lowered:
.L_overlay_start_0:
0x88: {  	s2 =	sld [smem:$0x3FD9]  }
0x89: {  	s3 =	sld [smem:$0x3FFE];
	_ =	sdelay $0x1  }
0x8a: {  	s1 =	srdreg.scid  }
0x8b: {  	s0 =	sand.u32 $0x1, s1  }
0x8c: {  	s17 =	sshll.u32 s0, $0xA;
	s2 =	sadd.s32 s3, s2  }
0x8d: {  	s2 =	sadd.s32 s2, s17  }
0x8e: {  	[smem:$0x3FBC] =	sst s2  }
0x8f: {  	_ = 	snop  }
0x90: {  	s2 =	sld [smem:$0x3FC6]  }
0x91: {  	s18 =	sld [smem:$0x3FD0];
	(tm) =	ssettm $0x1  }
0x92: {  	s4 =	sld [smem:$0x3FFB];
	_ =	sdelay $0x3  }
0x93: {  	_ =	strace s4  }
0x94: {  	s4 =	sld [smem:$0x3FFC];
	_ =	sdelay $0x3  }
0x95: {  	_ =	strace s4  }
0x96: {  	s4 =	sld [smem:$0x3FFD];
	_ =	sdelay $0x3  }
0x97: {  	_ =	strace s4  }
0x98: {  	_ =	strace $0x8FFFFFFF  }
0x99: {  	s19 =	sld [smem:$0x3FDB];
	_ =	sdelay $0x1  }
0x9a: {  	s5 =	simm.s32 $_scs_section_size  }
0x9b: {  	s6 =	simm.s32 $_size__tile_overlayer_lowered;
	s7 =	simm.s32 $_tile_overlayer_lowered  }
0x9c: {  	s22 =	simm.s32 $0x1BFF;
	s21 =	sshll.u32 s7, $0x1;
	s4 =	sadd.s32 s5, s19  }
0x9d: {  	s8 =	simm.s32 $0x0;
	s20 =	sshll.u32 s6, $0x1;
	s6 =	sadd.s32 s21, s4  }
0x9e: {  	[timem:s8], [sflag:s22] =	dma.local [hbm:s6], s20  }
0x9f: {  	_ =	swait.ge [sflag:s22], s20  }
0xa0: {  	s5 =	ssub.s32 $0x0, s20;
	[sflag:s22] =	ssyncset.done $0x0  }
0xa1: {  	[sflag:s22] =	ssyncadd.s32 s5;
	_ =	sdelay $0x1  }
0xa2: {  	s23 =	simm.s32 $0x1B8B  }
0xa3: {  	_ =	swait.ge [sflag:s23], $0x1  }
0xa4: {  	[sflag:s23] =	ssyncset.done $0x0  }
0xa5: {  	s25 =	simm.s32 $0x1B8E;
	s24 =	sld [smem:$0x3FFE];
	[sflag:s23] =	ssyncadd.s32 $0xFFFFFFFF  }
0xa6: {  	s26 =	simm.s32 $execute0_lowered;
	[smem:$0x3FD2] =	sst s25  }
0xa7: {  	s6 =	sshll.u32 s26, $0x1;
	_ =	strace $0x80000046;
	[dreg:$0x1] =	wrdreg $0xFFFFFFFF  }
0xa8: {  	s28 =	simm.s32 $_size_execute0_lowered;
	s4 =	sadd.s32 s4, s6;
	[dreg:$0x0] =	wrdreg $0x0  }
0xa9: {  	s6 =	sshll.u32 s28, $0x1;
	[dreg:$0x2] =	wrdreg s4  }
0xaa: {  	[dreg:$0x3] =	wrdreg s6  }
0xab: {  	[dreg:$0x4] =	wrdreg $0xC0  }
0xac: {  	_ =	task [dreg:s8], $0x5FFFF  }
0xad: {  	[dreg:$0x1] =	wrdreg $0xFFFFFFFF  }
0xae: {  	[dreg:$0x0] =	wrdreg $0x60  }
0xaf: {  	[dreg:$0x2] =	wrdreg s24  }
0xb0: {  	[dreg:$0x3] =	wrdreg s2  }
0xb1: {  	[dreg:$0x4] =	wrdreg s18  }
0xb2: {  	[dreg:$0x5] =	wrdreg $0x106800  }
0xb3: {  	[dreg:$0x6] =	wrdreg $0x0  }
0xb4: {  	[dreg:$0x7] =	wrdreg $0x9  }
0xb5: {  	_ =	task.clear_ibuf [dreg:s8], $0x8FFFF;
	_ =	strace $0x90000046  }
0xb6: {  	s29 =	simm.s32 $0x9;
	_ =	strace $0x80000048  }
0xb7: {  	_ =	swait.ge [sflag:s29], $0x1  }
0xb8: {  	[sflag:s29] =	ssyncadd.s32 $0xFFFFFFFF  }
0xb9: {  	_ =	strace $0x90000048  }
0xba: {  	_ =	sfence  }
0xbb: {  	s30 =	sld [smem:$0x0];
	_ =	sdelay $0x2  }
0xbc: {  	s31 =	sshll.u32 s1, $0xD;
	s1 =	sshrl.u32 s1, $0x2  }
0xbd: {  	s3 =	sand.u32 $0x4000, s31;
	s1 =	sadd.s32 s1, s30  }
0xbe: {  	s0 =	sor.u32 s3, s0;
	s1 =	sshll.u32 s1, $0x11  }
0xbf: {  	s0 =	sor.u32 s1, s0  }
0xc0: {  	s0 =	sadd.s32 $0x8F2B, s0  }
0xc1: {  	[sflag:s0] =	ssyncadd.remote.s32 $0x1  }
0xc2: {  	_ =	sfence.sel $0xFFFF  }
0xc3: {  	[dreg:$0x0] =	wrdreg $0xFFFFFFFF;
	(pc) =	sbr.abs _section_cstart, $3  }
0xc4: {  	[dreg:$0x1] =	wrdreg $0xFFFFFFFF  }
0xc5: {  	_ =	task.clear_ibuf [dreg:s8], $0x2FFFF;
	_ =	strace $0x9FFFFFFF  }
0xc6: {  	(tm) =	ssettm $0x7FFFFFFF  }
0xc7: {  	_ =	shalt  }
tec
execute0_lowered:
.L_overlay_start_1:
0x0: {  	(tag) =	ssettag $0x1  }
0x1: {  	s0 =	rddreg [dreg:$0x0]  }
0x2: {  	s1 =	rddreg [dreg:$0x1]  }
0x3: {  	s3 =	rddreg [dreg:$0x3]  }
0x4: {  	s5 =	rddreg [dreg:$0x4];
	s4 =	simm.s32 $0x0;
	s11 =	stileid.u32  }
0x5: {  	s2 =	srdreg.scid;
	s28 =	simm.s32 $0x9D08;
	s14 =	smul.u32 $0x13880, s11  }
0x6: {  	s29 =	simm.s32 $0x2;
	s31 =	simm.s32 $0xC8;
	s15 =	smul.u32 $0x64, s11  }
0x7: {  	[smem:$0x7FF] =	sst s4;
	s2 =	sand.u32 $0x1, s2;
	s9 =	smul.u32 $0x9C40, s11  }
0x8: {  	s7 =	sadd.s32 $0xBC00, s0;
	s8 =	sadd.s32 $0x1E00, s0;
	s10 =	smul.u32 $0x9C4, s11  }
0x9: {  	s12 =	sshll.u32 s11, $0x6;
	s17 =	smul.u32 $0x4E20, s11;
	s11 =	simm.s32 $0x0  }
0xa: {  	_ =	strace $0x80000047;
	s6 =	sshll.u32 s2, $0x6;
	s2 =	ssub.s32 $0x2, s2  }
0xb: {  	[dreg:$0x6] =	wrdreg s12;
	s12 =	sor.u32 $0x1C03, s12;
	s4 =	sor.u32 s6, s14  }
0xc: {  	s16 =	sshrl.u32 s2, $0x1;
	s18 =	sadd.s32 s9, s3;
	[dreg:$0x8] =	wrdreg s12  }
0xd: {  	s9 =	sadd.s32 s9, s5;
	s21 =	sadd.s32 s7, s10;
	s22 =	sadd.s32 s8, s10  }
0xe: {  	s23 =	sadd.s32 s1, s10;
	s19 =	sor.u32 $0x2, s15;
	[dreg:$0x9] =	wrdreg s9  }
0xf: {  	s20 =	sor.u32 $0x3, s15;
	s10 =	simm.s32 $0x9F60;
	[dreg:$0xa] =	wrdreg s21  }
0x10: {  	s12 =	simm.s32 $0xD160;
	s14 =	simm.s32 $0x9DD0;
	[dreg:$0xb] =	wrdreg s22  }
0x11: {  	s4 =	sshrl.u32 s4, $0x3;
	s2 =	ssub.s32 s2, s16;
	[dreg:$0xc] =	wrdreg s23  }
0x12: {  	s21 =	sadd.s32 $0x4, s15;
	s22 =	sadd.s32 $0x5, s15;
	s30 =	sshrl.u32 s18, $0x3  }
0x13: {  	s15 =	simm.s32 $0x8;
	s16 =	simm.s32 $0x4;
	s18 =	simm.s32 $0x9E98  }
0x14: {  	s23 =	simm.s32 $0x1A518;
	s0 =	sadd.s32 s4, s0;
	s4 =	sadd.s32 $0xC8, s17  }
0x15: {  	s26 =	smax.u32 s2, $0x1;
	[dreg:$0x12] =	wrdreg s30;
	s2 =	simm.s32 $0x10428  }
0x16: {  	s17 =	simm.s32 $0x105B8;
	s13 =	sadd.s32 $0x15A00, s0;
	[dreg:$0x11] =	wrdreg s26  }
0x17: {  	s4 =	sshrl.u32 s4, $0x3;
	s0 =	sadd.s32 $0x3CC00, s0;
	[dreg:$0x7] =	wrdreg s13  }
0x18: {  	s26 =	simm.s32 $0x1;
	s24 =	sadd.s32 s7, s4;
	[dreg:$0x10] =	wrdreg s0  }
0x19: {  	s25 =	sadd.s32 s8, s4;
	s4 =	sadd.s32 s1, s4;
	[dreg:$0xd] =	wrdreg s24  }
0x1a: {  	v0 =	vimm.s32 $0x0;
	vm0 =	vcmask $0x300;
	s0 =	simm.s32 $0x9C40;
	s13 =	simm.s32 $0x104F0;
	[dreg:$0xe] =	wrdreg s25  }
0x1b: {  	v0 =	vsel vm0, $0x3, v0;
	[dreg:$0xf] =	wrdreg s4;
	s24 =	simm.s32 $0x10;
	s4 =	simm.s32 $0x1A2C0  }
.LBB2_1:
0x1c: {  	[dreg:$0x13] =	wrdreg s11  }
0x1d: {  	s6 =	rddreg [dreg:$0x7]  }
0x1e: {  	s9 =	rddreg [dreg:$0x8]  }
0x1f: {  	s30 =	rddreg [dreg:$0x12]  }
0x20: {  	[spmem:s30@s15], [sflag:s9] =	dma.strided [hbm:s6@s24], $0x1388, s26, $0x8   }
0x21: {  	s6 =	rddreg [dreg:$0x9]  }
0x22: {  	s30 =	rddreg [dreg:$0x2];
	s25 =	sshrl.u32 s6, $0x3  }
0x23: {  	s15 =	simm.s32 $0x3;
	[dreg:$0x14] =	wrdreg s25  }
0x24: {  	[spmem:s25], [sflag:s9] =	dma.local [hbm:s30], $0x1388  }
0x25: {  	_ =	swait.ge [sflag:s15], $0x1388  }
0x26: {  	[sflag:s15] =	ssyncset.done $0x0  }
0x27: {  	[sflag:s15] =	ssyncadd.s32 $0xFFFFEC78  }
0x28: {  	_ =	swait.ge [sflag:s15], $0x1388  }
0x29: {  	s11 =	simm.s32 $0x10360;
	[sflag:s15] =	ssyncset.done $0x0  }
0x2a: {  	s6 =	simm.s32 $0x0;
	s24 =	rddreg [dreg:$0xa];
	[sflag:s15] =	ssyncadd.s32 $0xFFFFEC78  }
0x2b: {  	[tilespmem:s11], [sflag:$0x2] =	stream.linear.gather [hbm4b:s24+s6], $0xC8, $0x38;
	[tilespmem:$0x1A5E0] =	vst v63  }
0x2c: {  	s25 =	rddreg [dreg:$0xb]  }
0x2d: {  	[tilespmem:s0], [sflag:$0x2] =	stream.linear.gather [hbm4b:s25+s6], $0xC8, $0x38;
	[tilespmem:$0x1A5E0] =	vst v63  }
0x2e: {  	s30 =	rddreg [dreg:$0xc]  }
0x2f: {  	[tilespmem:s4], [sflag:$0x2] =	stream.linear.gather [hbm4b:s30+s6], $0xC8, $0x38;
	[tilespmem:$0x1A5E0] =	vst v63  }
0x30: {  	s15 =	rddreg [dreg:$0xd]  }
0x31: {  	[tilespmem:s2], [sflag:$0x2] =	stream.linear.gather [hbm4b:s15+s6], $0xC8, $0x38;
	[tilespmem:$0x1A5E0] =	vst v63  }
0x32: {  	s24 =	rddreg [dreg:$0xe]  }
0x33: {  	[tilespmem:s28], [sflag:$0x2] =	stream.linear.gather [hbm4b:s24+s6], $0xC8, $0x38;
	[tilespmem:$0x1A5E0] =	vst v63  }
0x34: {  	s25 =	rddreg [dreg:$0xf];
	s30 =	simm.s32 $0x1A388  }
0x35: {  	[tilespmem:s30], [sflag:$0x2] =	stream.linear.gather [hbm4b:s25+s6], $0xC8, $0x38;
	[tilespmem:$0x1A5E0] =	vst v63  }
0x36: {  	[bflag:$0x0] =	sbarrier.arrive $0xFFFF  }
0x37: {  	_ =	swait.ge [sflag:s29], $0xC8  }
0x38: {  	[sflag:s29] =	ssyncset.done $0x0  }
0x39: {  	[sflag:s29] =	ssyncadd.s32 $0xFFFFFF38  }
0x3a: {  	_ =	swait.ge [sflag:s29], $0xC8  }
0x3b: {  	[sflag:s29] =	ssyncset.done $0x0  }
0x3c: {  	[sflag:s29] =	ssyncadd.s32 $0xFFFFFF38  }
0x3d: {  	_ =	swait.ge [sflag:s29], $0xC8  }
0x3e: {  	[sflag:s29] =	ssyncset.done $0x0  }
0x3f: {  	s24 =	simm.s32 $0x0;
	[sflag:s29] =	ssyncadd.s32 $0xFFFFFF38  }
0x40: {  	[tilespmem:s10], [sflag:$0x1] =	stream.indirect.gather [spmem:s3], $0x40, s11, s31, $0xb8;
	[tilespmem:$0x1A5E0] =	vst v63  }
.LBB2_2:
0x41: {  	_ =	swait.ge [sflag:s26], $0x3200  }
0x42: {  	[sflag:s26] =	ssyncset.done $0x0  }
0x43: {  	[sflag:s26] =	ssyncadd.s32 $0xFFFFCE00  }
0x44: {  	_ =	swait.ge [sflag:s29], $0xC8  }
0x45: {  	[sflag:s29] =	ssyncset.done $0x0  }
0x46: {  	[sflag:s29] =	ssyncadd.s32 $0xFFFFFF38  }
0x47: {  	_ =	swait.ge [sflag:s29], $0xC8  }
0x48: {  	[sflag:s29] =	ssyncset.done $0x0  }
0x49: {  	s6 =	simm.s32 $0x0;
	p0 =	seq.s32 s24, $0x0;
	[sflag:s29] =	ssyncadd.s32 $0xFFFFFF38  }
0x4a: {  	s9 =	simm.s32 $0x1;
	s11 =	simm.s32 $0x2;
	_ =	swait.ge [sflag:s29], $0xC8  }
0x4b: {  	s15 =	simm.s32 $0x3;
	s30 =	simm.s32 $0x4;
	v1 =	vmov s6;
	[sflag:s29] =	ssyncset.done $0x0  }
0x4c: {  	v2 =	vmov s9;
	s25 =	simm.s32 @!p0 $0x4;
	v3 =	vmov s11;
	v4 =	vmov s15;
	s15 =	simm.s32 $0x5;
	[sflag:s29] =	ssyncadd.s32 $0xFFFFFF38  }
0x4d: {  	v5 =	vmov s30;
	s30 =	simm.s32 $0x6;
	s11 =	sshll.u32 s24, $0x2;
	v1 =	vshrl.u32 v1, $0x3;
	v6 =	vmov s15;
	_ =	swait.ge @!p0 [sflag:s25], $0x3200  }
0x4e: {  	v7 =	vmov s30;
	s15 =	sadd.s32 s11, s19;
	v2 =	vshrl.u32 v2, $0x3;
	v3 =	vshrl.u32 v3, $0x3;
	[sflag:s25] =	ssyncset.done @!p0 $0x0  }
0x4f: {  	v4 =	vshrl.u32 v4, $0x3;
	v5 =	vshrl.u32 v5, $0x3;
	v1 =	vshll.u32 v1, v0;
	s9 =	smul.u32 $0x19, s15;
	[sflag:s25] =	ssyncadd.s32 @!p0 $0xFFFFCE00  }
0x50: {  	v6 =	vshrl.u32 v6, $0x3;
	v7 =	vshrl.u32 v7, $0x3;
	v2 =	vshll.u32 v2, v0;
	[tilespmem:s12], [sflag:$0x1] =	stream.indirect.gather [spmem:s3], $0x40, s2, s31, $0xb8;
	[tilespmem:$0x1A5E0] =	vst v63  }
0x51: {  	v3 =	vshll.u32 v3, v0;
	v1 =	vbroadcast v1, $0x0;
	v2 =	vadd.s32 $0x1, v2;
	s15 =	sadd.s32 s7, s9  }
0x52: {  	v4 =	vshll.u32 v4, v0;
	v3 =	vadd.s32 $0x2, v3;
	v2 =	vbroadcast v2, $0x0;
	[tilespmem:s13], [sflag:$0x2] =	stream.linear.gather [hbm4b:s15+s6], $0xC8, $0x38;
	[tilespmem:$0x1A5E0] =	vst v63  }
0x53: {  	s30 =	simm.s32 $0x7;
	v5 =	vshll.u32 v5, v0;
	v4 =	vadd.s32 $0x3, v4;
	v3 =	vbroadcast v3, $0x0;
	s15 =	sadd.s32 s8, s9  }
0x54: {  	v6 =	vshll.u32 v6, v0;
	v5 =	vadd.s32 $0x4, v5;
	v4 =	vbroadcast v4, $0x0;
	[tilespmem:s14], [sflag:$0x2] =	stream.linear.gather [hbm4b:s15+s6], $0xC8, $0x38;
	[tilespmem:$0x1A5E0] =	vst v63  }
0x55: {  	v8 =	vmov s30;
	v6 =	vadd.s32 $0x5, v6;
	v5 =	vbroadcast v5, $0x0;
	s9 =	sadd.s32 s1, s9;
	s15 =	simm.s32 $0x1A450  }
0x56: {  	v7 =	vshll.u32 v7, v0;
	v8 =	vshrl.u32 v8, $0x3;
	v6 =	vbroadcast v6, $0x0;
	[tilespmem:s15], [sflag:$0x2] =	stream.linear.gather [hbm4b:s9+s6], $0xC8, $0x38;
	[tilespmem:$0x1A5E0] =	vst v63  }
0x57: {  	v7 =	vadd.s32 $0x6, v7;
	v8 =	vshll.u32 v8, v0;
	v9 =	vld.idx.msk [tilespmem:v1+s4+$0x0], $0xffff  }
0x58: {  	v1 =	vbroadcast v7, $0x0;
	v7 =	vadd.s32 $0x7, v8;
	v8 =	vld.idx.msk [tilespmem:v2+s4+$0x0], $0xffff  }
0x59: {  	v10 =	vld.idx.msk [tilespmem:v3+s4+$0x0], $0xffff  }
0x5a: {  	v4 =	vld.idx.msk [tilespmem:v4+s4+$0x0], $0xffff;
	v7 =	vbroadcast v7, $0x0  }
0x5b: {  	v11 =	vld.idx.msk [tilespmem:v5+s4+$0x0], $0xffff  }
0x5c: {  	s6 =	simm.s32 $0xA060;
	v3 =	vld.idx.msk [tilespmem:v6+s4+$0x0], $0xffff  }
0x5d: {  	v5 =	vld [tilespmem:s6+$0xF0]  }
0x5e: {  	v6 =	vld [tilespmem:s6+$0xFFFFFF00]  }
0x5f: {  	v2 =	vld.idx.msk [tilespmem:v1+s4+$0x0], $0xffff  }
0x60: {  	v1 =	vld.idx.msk [tilespmem:v7+s4+$0x0], $0xffff  }
0x61: {  	v7 =	vld [tilespmem:s6+$0xFFFFFF10]  }
0x62: {  	v12 =	vld [tilespmem:s6+$0xFFFFFF20]  }
0x63: {  	v13 =	vld [tilespmem:s6+$0xFFFFFF30]  }
0x64: {  	v14 =	vld [tilespmem:s6+$0xFFFFFF40];
	v6 =	vmul.f32 v6, v9  }
0x65: {  	v15 =	vld [tilespmem:s6+$0xFFFFFF50];
	v5 =	vmul.f32 v5, v1  }
0x66: {  	[tilespmem:s6+$0xFFFFFF00] =	vst v6;
	v6 =	vld [tilespmem:s6+$0xFFFFFF70];
	v7 =	vmul.f32 v7, v9  }
0x67: {  	v16 =	vld [tilespmem:s6+$0xFFFFFF60];
	[tilespmem:s6+$0xF0] =	vst v5;
	v5 =	vmul.f32 v12, v9  }
0x68: {  	[tilespmem:s6+$0xFFFFFF10] =	vst v7;
	v7 =	vmul.f32 v13, v9;
	v12 =	vld [tilespmem:s6+$0xFFFFFF90]  }
0x69: {  	v9 =	vld [tilespmem:s6+$0xFFFFFF80];
	[tilespmem:s6+$0xFFFFFF20] =	vst v5;
	v5 =	vmul.f32 v14, v8  }
0x6a: {  	v13 =	vld [tilespmem:s6+$0xFFFFFFA0];
	[tilespmem:s6+$0xFFFFFF30] =	vst v7;
	v7 =	vmul.f32 v15, v8  }
0x6b: {  	v6 =	vmul.f32 v6, v8;
	v14 =	vld [tilespmem:s6+$0xFFFFFFB0];
	[tilespmem:s6+$0xFFFFFF40] =	vst v5  }
0x6c: {  	v5 =	vmul.f32 v16, v8;
	[tilespmem:s6+$0xFFFFFF50] =	vst v7;
	v7 =	vld [tilespmem:s6+$0xFFFFFFC0]  }
0x6d: {  	s15 =	simm.s32 $0x8;
	[tilespmem:s6+$0xFFFFFF70] =	vst v6;
	v6 =	vmul.f32 v12, v10;
	v12 =	vld [tilespmem:s6+$0xFFFFFFE0]  }
0x6e: {  	s25 =	simm.s32 $0x9;
	v15 =	vmov s15;
	s15 =	simm.s32 $0xA;
	[tilespmem:s6+$0xFFFFFF60] =	vst v5;
	v5 =	vmul.f32 v9, v10;
	v9 =	vld [tilespmem:s6+$0xFFFFFFD0]  }
0x6f: {  	v8 =	vshrl.u32 v15, $0x3;
	v15 =	vmov s25;
	v16 =	vmov s15;
	s25 =	simm.s32 $0xB;
	s15 =	simm.s32 $0xC  }
0x70: {  	v17 =	vmov s25;
	v18 =	vmov s15;
	s25 =	simm.s32 $0xD;
	[tilespmem:s6+$0xFFFFFF80] =	vst v5;
	v5 =	vmul.f32 v13, v10;
	v13 =	vld [tilespmem:s6+$0xFFFFFFF0]  }
0x71: {  	s15 =	simm.s32 $0xE;
	v8 =	vshll.u32 v8, v0;
	v19 =	vmov s25;
	[tilespmem:s6+$0xFFFFFF90] =	vst v6;
	v6 =	vmul.f32 v14, v10;
	v10 =	vld [tilespmem:s6+$0x0]  }
0x72: {  	v20 =	vmov s15;
	v14 =	vshrl.u32 v15, $0x3;
	[tilespmem:s6+$0xFFFFFFA0] =	vst v5;
	v5 =	vmul.f32 v7, v4;
	v7 =	vld [tilespmem:s6+$0x10]  }
0x73: {  	v15 =	vshrl.u32 v16, $0x3;
	[tilespmem:s6+$0xFFFFFFB0] =	vst v6;
	v12 =	vmul.f32 v12, v4;
	v6 =	vmul.f32 v9, v4;
	v9 =	vld [tilespmem:s6+$0x20]  }
0x74: {  	v16 =	vshrl.u32 v17, $0x3;
	v17 =	vshrl.u32 v18, $0x3;
	v18 =	vshrl.u32 v19, $0x3;
	v19 =	vld [tilespmem:s6+$0x30];
	[tilespmem:s6+$0xFFFFFFC0] =	vst v5  }
0x75: {  	v14 =	vshll.u32 v14, v0;
	v15 =	vshll.u32 v15, v0;
	[tilespmem:s6+$0xFFFFFFE0] =	vst v12;
	v4 =	vmul.f32 v13, v4;
	v13 =	vld [tilespmem:s6+$0x40]  }
0x76: {  	v17 =	vshll.u32 v17, v0;
	v18 =	vshll.u32 v18, v0;
	[tilespmem:s6+$0xFFFFFFD0] =	vst v6;
	v6 =	vmul.f32 v10, v11;
	v10 =	vld [tilespmem:s6+$0x50]  }
0x77: {  	v63 =	vld [tilespmem:s6+$0x60];
	v5 =	vbroadcast v8, $0x0;
	v8 =	vshrl.u32 v20, $0x3;
	[tilespmem:s6+$0xFFFFFFF0] =	vst v4;
	v4 =	vmul.f32 v7, v11  }
0x78: {  	v12 =	vshll.u32 v16, v0;
	v21 =	vshll.u32 v8, v0;
	[tilespmem:s6+$0x0] =	vst v6;
	v6 =	vld [tilespmem:s6+$0x70];
	v7 =	vmul.f32 v9, v11  }
0x79: {  	v8 =	vadd.s32 $0x1, v14;
	v14 =	vadd.s32 $0x2, v15;
	v11 =	vmul.f32 v19, v11;
	[tilespmem:s6+$0x10] =	vst v4;
	v4 =	vld [tilespmem:s6+$0x80]  }
0x7a: {  	v16 =	vadd.s32 $0x3, v12;
	v12 =	vadd.s32 $0x4, v17;
	[tilespmem:s6+$0x20] =	vst v7;
	v17 =	vmul.f32 v13, v3;
	v7 =	vld [tilespmem:s6+$0x90]  }
0x7b: {  	v9 =	vbroadcast v8, $0x0;
	v8 =	vld [tilespmem:s6+$0xA0];
	v13 =	vadd.s32 $0x5, v18;
	[tilespmem:s6+$0x30] =	vst v11;
	v15 =	vmul.f32 v10, v3  }
0x7c: {  	s30 =	simm.s32 $0x10;
	s9 =	simm.s32 $0xF;
	v11 =	vbroadcast v14, $0x0;
	v14 =	vadd.s32 $0x6, v21;
	v10 =	vld [tilespmem:s6+$0xB0];
	[tilespmem:s6+$0x40] =	vst v17;
	v17 =	vmul.f32 v63, v3  }
.LBB2_3:
0x7d: {  	p0 =	slt.u32 s30, $0xC0;
	v16 =	vbroadcast v16, $0x0;
	v18 =	vmov s9;
	[tilespmem:s6+$0x50] =	vst v15;
	v3 =	vmul.f32 v6, v3;
	v6 =	vld [tilespmem:s6+$0xC0]  }
0x7e: {  	v12 =	vbroadcast v12, $0x0;
	v15 =	vshrl.u32 v18, $0x3;
	[tilespmem:s6+$0x60] =	vst v17;
	v4 =	vmul.f32 v4, v2;
	v17 =	vld [tilespmem:s6+$0xD0]  }
0x7f: {  	v13 =	vbroadcast v13, $0x0;
	v15 =	vshll.u32 v15, v0;
	[tilespmem:s6+$0x70] =	vst v3;
	v3 =	vmul.f32 v7, v2;
	v7 =	vld [tilespmem:s6+$0xE0]  }
0x80: {  	v14 =	vbroadcast v14, $0x0;
	v5 =	vld.idx.msk [tilespmem:v5+s4+$0x0], $0xffff;
	v15 =	vadd.s32 $0x7, v15;
	[tilespmem:s6+$0x80] =	vst v4;
	v4 =	vmul.f32 v8, v2  }
0x81: {  	v8 =	vld.idx.msk [tilespmem:v9+s4+$0x0], $0xffff;
	v9 =	vbroadcast v15, $0x0;
	[tilespmem:s6+$0x90] =	vst v3;
	v2 =	vmul.f32 v10, v2  }
0x82: {  	v10 =	vld.idx.msk [tilespmem:v11+s4+$0x0], $0xffff;
	[tilespmem:s6+$0xA0] =	vst v4;
	v3 =	vmul.f32 v6, v1  }
0x83: {  	v6 =	vld.idx.msk [tilespmem:v16+s4+$0x0], $0xffff;
	[tilespmem:s6+$0xB0] =	vst v2;
	v2 =	vmul.f32 v17, v1  }
0x84: {  	v4 =	vld.idx.msk [tilespmem:v12+s4+$0x0], $0xffff;
	[tilespmem:s6+$0xC0] =	vst v3;
	v1 =	vmul.f32 v7, v1  }
0x85: {  	v3 =	vld.idx.msk [tilespmem:v13+s4+$0x0], $0xffff;
	[tilespmem:s6+$0xD0] =	vst v2  }
0x86: {  	v2 =	vld.idx.msk [tilespmem:v14+s4+$0x0], $0xffff;
	[tilespmem:s6+$0xE0] =	vst v1  }
0x87: {  	s6 =	sadd.s32 $0x200, s6;
	v1 =	vld.idx.msk [tilespmem:v9+s4+$0x0], $0xffff  }
0x88: {  	v7 =	vld [tilespmem:s6+$0xF0]  }
0x89: {  	v9 =	vld [tilespmem:s6+$0xFFFFFF00]  }
0x8a: {  	v11 =	vld [tilespmem:s6+$0xFFFFFF10]  }
0x8b: {  	v12 =	vld [tilespmem:s6+$0xFFFFFF20]  }
0x8c: {  	v13 =	vld [tilespmem:s6+$0xFFFFFF30]  }
0x8d: {  	v14 =	vld [tilespmem:s6+$0xFFFFFF40];
	v7 =	vmul.f32 v7, v1  }
0x8e: {  	v9 =	vmul.f32 v9, v5;
	v15 =	vld [tilespmem:s6+$0xFFFFFF50]  }
0x8f: {  	v11 =	vmul.f32 v11, v5;
	v16 =	vld [tilespmem:s6+$0xFFFFFF60];
	[tilespmem:s6+$0xF0] =	vst v7  }
0x90: {  	[tilespmem:s6+$0xFFFFFF00] =	vst v9;
	v7 =	vmul.f32 v12, v5;
	v9 =	vld [tilespmem:s6+$0xFFFFFF70]  }
0x91: {  	[tilespmem:s6+$0xFFFFFF10] =	vst v11;
	v5 =	vmul.f32 v13, v5;
	v11 =	vld [tilespmem:s6+$0xFFFFFF80]  }
0x92: {  	[tilespmem:s6+$0xFFFFFF20] =	vst v7;
	v7 =	vmul.f32 v14, v8;
	v12 =	vld [tilespmem:s6+$0xFFFFFF90]  }
0x93: {  	[tilespmem:s6+$0xFFFFFF30] =	vst v5;
	v5 =	vmul.f32 v15, v8;
	v13 =	vld [tilespmem:s6+$0xFFFFFFA0]  }
0x94: {  	[tilespmem:s6+$0xFFFFFF40] =	vst v7;
	v7 =	vmul.f32 v16, v8;
	v14 =	vld [tilespmem:s6+$0xFFFFFFB0]  }
0x95: {  	v15 =	vmov s30;
	[tilespmem:s6+$0xFFFFFF50] =	vst v5;
	v5 =	vmul.f32 v9, v8;
	v8 =	vld [tilespmem:s6+$0xFFFFFFC0]  }
0x96: {  	s9 =	sadd.s32 $0x1, s30;
	s25 =	sadd.s32 $0x2, s30;
	v9 =	vshrl.u32 v15, $0x3;
	[tilespmem:s6+$0xFFFFFF60] =	vst v7;
	v7 =	vmul.f32 v11, v10;
	v11 =	vld [tilespmem:s6+$0xFFFFFFD0]  }
0x97: {  	v16 =	vmov s25;
	s25 =	sadd.s32 $0x4, s30;
	v15 =	vmov s9;
	s9 =	sadd.s32 $0x3, s30;
	[tilespmem:s6+$0xFFFFFF70] =	vst v5;
	v5 =	vmul.f32 v12, v10;
	v12 =	vld [tilespmem:s6+$0xFFFFFFE0]  }
0x98: {  	v18 =	vmov s25;
	s25 =	sadd.s32 $0x6, s30;
	v17 =	vmov s9;
	s9 =	sadd.s32 $0x5, s30;
	[tilespmem:s6+$0xFFFFFF80] =	vst v7;
	v7 =	vmul.f32 v13, v10;
	v13 =	vld [tilespmem:s6+$0xFFFFFFF0]  }
0x99: {  	v20 =	vmov s25;
	v19 =	vmov s9;
	[tilespmem:s6+$0xFFFFFF90] =	vst v5;
	v5 =	vmul.f32 v14, v10;
	v10 =	vld [tilespmem:s6+$0x0]  }
0x9a: {  	v9 =	vshll.u32 v9, v0;
	v14 =	vshrl.u32 v15, $0x3;
	[tilespmem:s6+$0xFFFFFFA0] =	vst v7;
	v7 =	vmul.f32 v8, v6;
	v8 =	vld [tilespmem:s6+$0x10]  }
0x9b: {  	v15 =	vshrl.u32 v16, $0x3;
	v16 =	vshrl.u32 v17, $0x3;
	[tilespmem:s6+$0xFFFFFFB0] =	vst v5;
	v11 =	vmul.f32 v11, v6;
	v17 =	vld [tilespmem:s6+$0x20]  }
0x9c: {  	v18 =	vshrl.u32 v18, $0x3;
	v19 =	vshrl.u32 v19, $0x3;
	[tilespmem:s6+$0xFFFFFFC0] =	vst v7;
	v7 =	vmul.f32 v12, v6;
	v12 =	vld [tilespmem:s6+$0x30]  }
0x9d: {  	v5 =	vbroadcast v9, $0x0;
	v9 =	vshrl.u32 v20, $0x3;
	[tilespmem:s6+$0xFFFFFFD0] =	vst v11;
	v6 =	vmul.f32 v13, v6;
	v11 =	vld [tilespmem:s6+$0x40]  }
0x9e: {  	v13 =	vshll.u32 v14, v0;
	v14 =	vshll.u32 v15, v0;
	[tilespmem:s6+$0xFFFFFFE0] =	vst v7;
	v7 =	vmul.f32 v10, v4;
	v10 =	vld [tilespmem:s6+$0x50]  }
0x9f: {  	v18 =	vshll.u32 v18, v0;
	v15 =	vshll.u32 v16, v0;
	[tilespmem:s6+$0xFFFFFFF0] =	vst v6;
	v8 =	vmul.f32 v8, v4;
	v20 =	vld [tilespmem:s6+$0x60]  }
.Ltmp0:
0xa0: {  	v19 =	vshll.u32 v19, v0;
	v21 =	vshll.u32 v9, v0;
	[tilespmem:s6+$0x0] =	vst v7;
	v7 =	vmul.f32 v17, v4;
	v6 =	vld [tilespmem:s6+$0x70];
	(pc) =	sbr.rel @p0 .LBB2_3-.Ltmp0, $4  }
0xa1: {  	v9 =	vadd.s32 $0x1, v13;
	v14 =	vadd.s32 $0x2, v14;
	[tilespmem:s6+$0x10] =	vst v8;
	v8 =	vmul.f32 v12, v4;
	v4 =	vld [tilespmem:s6+$0x80]  }
0xa2: {  	v16 =	vadd.s32 $0x3, v15;
	v12 =	vadd.s32 $0x4, v18;
	[tilespmem:s6+$0x20] =	vst v7;
	v17 =	vmul.f32 v11, v3;
	v7 =	vld [tilespmem:s6+$0x90]  }
0xa3: {  	v13 =	vadd.s32 $0x5, v19;
	v9 =	vbroadcast v9, $0x0;
	[tilespmem:s6+$0x30] =	vst v8;
	v15 =	vmul.f32 v10, v3;
	v8 =	vld [tilespmem:s6+$0xA0]  }
0xa4: {  	s9 =	sadd.s32 $0x7, s30;
	s30 =	sadd.s32 $0x8, s30;
	v11 =	vbroadcast v14, $0x0;
	v14 =	vadd.s32 $0x6, v21;
	[tilespmem:s6+$0x40] =	vst v17;
	v17 =	vmul.f32 v20, v3;
	v10 =	vld [tilespmem:s6+$0xB0]  }
0xa5: {  	_ = 	snop  }
0xa6: {  	v19 =	vld [tilespmem:s6+$0xC0]  }
0xa7: {  	v20 =	vld [tilespmem:s6+$0xD0]  }
0xa8: {  	v18 =	vmov s9;
	v21 =	vld [tilespmem:s6+$0xE0]  }
0xa9: {  	v5 =	vld.idx.msk [tilespmem:v5+s4+$0x0], $0xffff;
	v18 =	vshrl.u32 v18, $0x3  }
0xaa: {  	v16 =	vbroadcast v16, $0x0;
	v9 =	vld.idx.msk [tilespmem:v9+s4+$0x0], $0xffff;
	v3 =	vmul.f32 v6, v3;
	v18 =	vshll.u32 v18, v0  }
0xab: {  	v13 =	vbroadcast v13, $0x0;
	[tilespmem:s6+$0x50] =	vst v15;
	s30 =	sadd.s32 $0x200, s6;
	v11 =	vld.idx.msk [tilespmem:v11+s4+$0x0], $0xffff;
	v4 =	vmul.f32 v4, v2;
	v18 =	vadd.s32 $0x7, v18  }
0xac: {  	v15 =	vld [tilespmem:s30+$0xFFFFFF60];
	[tilespmem:s6+$0x70] =	vst v3;
	v3 =	vmul.f32 v7, v2;
	v18 =	vbroadcast v18, $0x0  }
0xad: {  	v14 =	vbroadcast v14, $0x0;
	[tilespmem:s6+$0x80] =	vst v4;
	v4 =	vmul.f32 v8, v2;
	v8 =	vld [tilespmem:s30+$0xF0]  }
0xae: {  	[tilespmem:s6+$0x90] =	vst v3;
	v3 =	vld [tilespmem:s30+$0xFFFFFF00]  }
0xaf: {  	v2 =	vmul.f32 v10, v2;
	v10 =	vld [tilespmem:s30+$0xFFFFFF10]  }
0xb0: {  	v16 =	vld.idx.msk [tilespmem:v16+s4+$0x0], $0xffff  }
0xb1: {  	v6 =	vld.idx.msk [tilespmem:v13+s4+$0x0], $0xffff  }
0xb2: {  	v12 =	vbroadcast v12, $0x0;
	[tilespmem:s6+$0xA0] =	vst v4;
	v4 =	vmul.f32 v19, v1;
	v7 =	vld.idx.msk [tilespmem:v18+s4+$0x0], $0xffff  }
0xb3: {  	v13 =	vld.idx.msk [tilespmem:v14+s4+$0x0], $0xffff;
	[tilespmem:s6+$0xB0] =	vst v2;
	v2 =	vmul.f32 v20, v1  }
0xb4: {  	v14 =	vld [tilespmem:s30+$0xFFFFFF20];
	v1 =	vmul.f32 v21, v1;
	[tilespmem:s6+$0xC0] =	vst v4  }
0xb5: {  	v4 =	vld [tilespmem:s30+$0xFFFFFF30];
	[tilespmem:s6+$0xD0] =	vst v2  }
0xb6: {  	v2 =	vld [tilespmem:s30+$0xFFFFFF40];
	[tilespmem:s6+$0xE0] =	vst v1;
	v1 =	vmul.f32 v3, v5  }
0xb7: {  	[tilespmem:s6+$0x60] =	vst v17;
	v3 =	vld [tilespmem:s30+$0xFFFFFF50];
	v8 =	vmul.f32 v8, v7  }
0xb8: {  	v12 =	vld.idx.msk [tilespmem:v12+s4+$0x0], $0xffff;
	v10 =	vmul.f32 v10, v5;
	[tilespmem:s30+$0xFFFFFF00] =	vst v1  }
0xb9: {  	v1 =	vmul.f32 v14, v5;
	[tilespmem:s30+$0xF0] =	vst v8;
	v8 =	vld [tilespmem:s30+$0xFFFFFF70]  }
0xba: {  	[tilespmem:s30+$0xFFFFFF10] =	vst v10;
	v4 =	vmul.f32 v4, v5;
	v5 =	vld [tilespmem:s30+$0xFFFFFF80]  }
0xbb: {  	[tilespmem:s30+$0xFFFFFF20] =	vst v1;
	v1 =	vmul.f32 v2, v9;
	v2 =	vld [tilespmem:s30+$0xFFFFFF90]  }
0xbc: {  	[tilespmem:s30+$0xFFFFFF30] =	vst v4;
	v3 =	vmul.f32 v3, v9;
	v4 =	vld [tilespmem:s30+$0xFFFFFFA0]  }
0xbd: {  	v10 =	vld [tilespmem:s30+$0xFFFFFFB0];
	[tilespmem:s30+$0xFFFFFF40] =	vst v1;
	v1 =	vmul.f32 v15, v9  }
0xbe: {  	[tilespmem:s30+$0xFFFFFF50] =	vst v3;
	v3 =	vmul.f32 v8, v9;
	v8 =	vld [tilespmem:s30+$0xFFFFFFC0]  }
0xbf: {  	[tilespmem:s30+$0xFFFFFF60] =	vst v1;
	v1 =	vmul.f32 v5, v11;
	v5 =	vld [tilespmem:s30+$0xFFFFFFD0]  }
0xc0: {  	v2 =	vmul.f32 v2, v11;
	[tilespmem:s30+$0xFFFFFF70] =	vst v3;
	v3 =	vld [tilespmem:s30+$0xFFFFFFE0]  }
0xc1: {  	[tilespmem:s30+$0xFFFFFF80] =	vst v1;
	v1 =	vmul.f32 v4, v11;
	v4 =	vld [tilespmem:s30+$0xFFFFFFF0]  }
0xc2: {  	[tilespmem:s30+$0xFFFFFF90] =	vst v2;
	v2 =	vmul.f32 v10, v11;
	v9 =	vld [tilespmem:s30+$0x0]  }
0xc3: {  	[tilespmem:s30+$0xFFFFFFA0] =	vst v1;
	v1 =	vmul.f32 v8, v16;
	v8 =	vld [tilespmem:s30+$0x10]  }
0xc4: {  	[tilespmem:s30+$0xFFFFFFB0] =	vst v2;
	v2 =	vmul.f32 v5, v16;
	v5 =	vld [tilespmem:s30+$0x20]  }
0xc5: {  	[tilespmem:s30+$0xFFFFFFC0] =	vst v1;
	v1 =	vmul.f32 v3, v16;
	v3 =	vld [tilespmem:s30+$0x30]  }
0xc6: {  	[tilespmem:s30+$0xFFFFFFD0] =	vst v2;
	v2 =	vmul.f32 v4, v16;
	v4 =	vld [tilespmem:s30+$0x40]  }
0xc7: {  	[tilespmem:s30+$0xFFFFFFE0] =	vst v1;
	v1 =	vmul.f32 v9, v12;
	v9 =	vld [tilespmem:s30+$0x50]  }
0xc8: {  	[tilespmem:s30+$0xFFFFFFF0] =	vst v2;
	v2 =	vmul.f32 v8, v12;
	v8 =	vld [tilespmem:s30+$0x60]  }
0xc9: {  	[tilespmem:s30+$0x0] =	vst v1;
	v1 =	vmul.f32 v5, v12;
	v5 =	vld [tilespmem:s30+$0x70]  }
0xca: {  	[tilespmem:s30+$0x10] =	vst v2;
	v2 =	vmul.f32 v3, v12;
	v3 =	vld [tilespmem:s30+$0x80]  }
0xcb: {  	[tilespmem:s30+$0x20] =	vst v1;
	v1 =	vmul.f32 v4, v6;
	v4 =	vld [tilespmem:s30+$0x90]  }
0xcc: {  	[tilespmem:s30+$0x30] =	vst v2;
	v2 =	vmul.f32 v9, v6;
	v9 =	vld [tilespmem:s30+$0xA0]  }
0xcd: {  	[tilespmem:s30+$0x40] =	vst v1;
	v1 =	vmul.f32 v8, v6;
	v8 =	vld [tilespmem:s30+$0xB0]  }
0xce: {  	[tilespmem:s30+$0x50] =	vst v2;
	v2 =	vmul.f32 v5, v6;
	v5 =	vld [tilespmem:s30+$0xC0]  }
0xcf: {  	[tilespmem:s30+$0x60] =	vst v1;
	v1 =	vmul.f32 v3, v13;
	v3 =	vld [tilespmem:s30+$0xD0]  }
0xd0: {  	[tilespmem:s30+$0x70] =	vst v2;
	v2 =	vmul.f32 v4, v13;
	v4 =	vld [tilespmem:s30+$0xE0]  }
0xd1: {  	[tilespmem:s30+$0x80] =	vst v1;
	v1 =	vmul.f32 v9, v13  }
0xd2: {  	[tilespmem:s30+$0x90] =	vst v2;
	v2 =	vmul.f32 v8, v13  }
0xd3: {  	[tilespmem:s30+$0xA0] =	vst v1;
	v1 =	vmul.f32 v5, v7  }
0xd4: {  	[tilespmem:s30+$0xB0] =	vst v2;
	v2 =	vmul.f32 v3, v7  }
0xd5: {  	[tilespmem:s30+$0xC0] =	vst v1;
	v1 =	vmul.f32 v4, v7  }
0xd6: {  	[tilespmem:s30+$0xD0] =	vst v2  }
0xd7: {  	[tilespmem:s30+$0xE0] =	vst v1  }
0xd8: {  	[spmem:s5] =	stream.indirect.scatter.add.f32 [tilespmem:s10], [sflag:$0x4], $0x40, s0, s31, $0xb8;
	[tilespmem:$0x1A5E0] =	vst v63  }
0xd9: {  	_ =	swait.ge [sflag:s26], $0x3200  }
0xda: {  	[sflag:s26] =	ssyncset.done $0x0  }
0xdb: {  	[sflag:s26] =	ssyncadd.s32 $0xFFFFCE00  }
0xdc: {  	_ =	swait.ge [sflag:s29], $0xC8  }
0xdd: {  	[sflag:s29] =	ssyncset.done $0x0  }
0xde: {  	[sflag:s29] =	ssyncadd.s32 $0xFFFFFF38  }
0xdf: {  	_ =	swait.ge [sflag:s29], $0xC8  }
0xe0: {  	[sflag:s29] =	ssyncset.done $0x0  }
0xe1: {  	[sflag:s29] =	ssyncadd.s32 $0xFFFFFF38  }
0xe2: {  	s25 =	simm.s32 $0x2;
	s9 =	simm.s32 $0x3;
	_ =	swait.ge [sflag:s29], $0xC8  }
0xe3: {  	s15 =	simm.s32 $0x1;
	v3 =	vmov s25;
	v4 =	vmov s9;
	[sflag:s29] =	ssyncset.done $0x0  }
0xe4: {  	s6 =	simm.s32 $0x0;
	v3 =	vshrl.u32 v3, $0x3;
	v2 =	vmov s15;
	s15 =	simm.s32 $0x4;
	v4 =	vshrl.u32 v4, $0x3;
	[sflag:s29] =	ssyncadd.s32 $0xFFFFFF38  }
0xe5: {  	v3 =	vshll.u32 v3, v0;
	v1 =	vmov s6;
	v5 =	vmov s15;
	_ =	swait.ge [sflag:s16], $0x3200  }
0xe6: {  	s25 =	sadd.s32 s11, s20;
	s30 =	simm.s32 $0x5;
	v2 =	vshrl.u32 v2, $0x3;
	v4 =	vshll.u32 v4, v0;
	v1 =	vshrl.u32 v1, $0x3;
	[sflag:s16] =	ssyncset.done $0x0  }
0xe7: {  	s9 =	smul.u32 $0x19, s25;
	s15 =	simm.s32 $0x6;
	v3 =	vadd.s32 $0xCA, v3;
	v6 =	vmov s30;
	v1 =	vshll.u32 v1, v0;
	[sflag:s16] =	ssyncadd.s32 $0xFFFFCE00  }
0xe8: {  	v7 =	vmov s15;
	v2 =	vshll.u32 v2, v0;
	v1 =	vadd.s32 $0xC8, v1;
	[tilespmem:s10], [sflag:$0x1] =	stream.indirect.gather [spmem:s3], $0x40, s13, s31, $0xb8;
	[tilespmem:$0x1A5E0] =	vst v63  }
0xe9: {  	v5 =	vshrl.u32 v5, $0x3;
	s15 =	sadd.s32 s7, s9;
	v2 =	vadd.s32 $0xC9, v2;
	v1 =	vbroadcast v1, $0x0  }
0xea: {  	v4 =	vadd.s32 $0xCB, v4;
	v3 =	vbroadcast v3, $0x0;
	v2 =	vbroadcast v2, $0x0;
	[tilespmem:s17], [sflag:$0x2] =	stream.linear.gather [hbm4b:s15+s6], $0xC8, $0x38;
	[tilespmem:$0x1A5E0] =	vst v63  }
0xeb: {  	s30 =	simm.s32 $0x7;
	v6 =	vshrl.u32 v6, $0x3;
	v7 =	vshrl.u32 v7, $0x3;
	v5 =	vshll.u32 v5, v0;
	s15 =	sadd.s32 s8, s9  }
0xec: {  	v4 =	vbroadcast v4, $0x0;
	v6 =	vshll.u32 v6, v0;
	v5 =	vadd.s32 $0xCC, v5;
	[tilespmem:s18], [sflag:$0x2] =	stream.linear.gather [hbm4b:s15+s6], $0xC8, $0x38;
	[tilespmem:$0x1A5E0] =	vst v63  }
0xed: {  	v8 =	vmov s30;
	v6 =	vadd.s32 $0xCD, v6;
	v5 =	vbroadcast v5, $0x0;
	s9 =	sadd.s32 s1, s9  }
0xee: {  	v7 =	vshll.u32 v7, v0;
	v8 =	vshrl.u32 v8, $0x3;
	v6 =	vbroadcast v6, $0x0;
	[tilespmem:s23], [sflag:$0x2] =	stream.linear.gather [hbm4b:s9+s6], $0xC8, $0x38;
	[tilespmem:$0x1A5E0] =	vst v63  }
0xef: {  	v7 =	vadd.s32 $0xCE, v7;
	v8 =	vshll.u32 v8, v0;
	v9 =	vld.idx.msk [tilespmem:v1+s4+$0x0], $0xffff  }
0xf0: {  	v1 =	vbroadcast v7, $0x0;
	v7 =	vadd.s32 $0xCF, v8;
	v8 =	vld.idx.msk [tilespmem:v2+s4+$0x0], $0xffff  }
0xf1: {  	v10 =	vld.idx.msk [tilespmem:v3+s4+$0x0], $0xffff  }
0xf2: {  	v4 =	vld.idx.msk [tilespmem:v4+s4+$0x0], $0xffff;
	v7 =	vbroadcast v7, $0x0  }
0xf3: {  	v11 =	vld.idx.msk [tilespmem:v5+s4+$0x0], $0xffff  }
0xf4: {  	s6 =	simm.s32 $0xD350;
	v3 =	vld.idx.msk [tilespmem:v6+s4+$0x0], $0xffff  }
0xf5: {  	v5 =	vld [tilespmem:s6+$0x0]  }
0xf6: {  	v6 =	vld [tilespmem:s6+$0xFFFFFE10]  }
0xf7: {  	v2 =	vld.idx.msk [tilespmem:v1+s4+$0x0], $0xffff  }
0xf8: {  	v1 =	vld.idx.msk [tilespmem:v7+s4+$0x0], $0xffff  }
0xf9: {  	v7 =	vld [tilespmem:s6+$0xFFFFFE20]  }
0xfa: {  	v12 =	vld [tilespmem:s6+$0xFFFFFE30]  }
0xfb: {  	v13 =	vld [tilespmem:s6+$0xFFFFFE40]  }
0xfc: {  	v14 =	vld [tilespmem:s6+$0xFFFFFE50];
	v6 =	vmul.f32 v6, v9  }
0xfd: {  	v15 =	vld [tilespmem:s6+$0xFFFFFE60];
	v5 =	vmul.f32 v5, v1  }
0xfe: {  	v16 =	vld [tilespmem:s6+$0xFFFFFE70];
	[tilespmem:s6+$0xFFFFFE10] =	vst v6;
	v7 =	vmul.f32 v7, v9  }
0xff: {  	v6 =	vld [tilespmem:s6+$0xFFFFFE80];
	[tilespmem:s6+$0x0] =	vst v5;
	v5 =	vmul.f32 v12, v9  }
0x100: {  	[tilespmem:s6+$0xFFFFFE20] =	vst v7;
	v7 =	vmul.f32 v13, v9;
	v9 =	vld [tilespmem:s6+$0xFFFFFE90]  }
0x101: {  	v12 =	vld [tilespmem:s6+$0xFFFFFEA0];
	[tilespmem:s6+$0xFFFFFE30] =	vst v5;
	v5 =	vmul.f32 v14, v8  }
0x102: {  	v13 =	vld [tilespmem:s6+$0xFFFFFEB0];
	[tilespmem:s6+$0xFFFFFE40] =	vst v7;
	v7 =	vmul.f32 v15, v8  }
0x103: {  	s25 =	simm.s32 $0x8;
	v14 =	vld [tilespmem:s6+$0xFFFFFEC0];
	[tilespmem:s6+$0xFFFFFE50] =	vst v5;
	v5 =	vmul.f32 v16, v8  }
0x104: {  	s15 =	simm.s32 $0x9;
	v6 =	vmul.f32 v6, v8;
	v15 =	vmov s25;
	[tilespmem:s6+$0xFFFFFE60] =	vst v7;
	v7 =	vld [tilespmem:s6+$0xFFFFFED0]  }
0x105: {  	s25 =	simm.s32 $0xA;
	v8 =	vshrl.u32 v15, $0x3;
	v15 =	vmov s15;
	s15 =	simm.s32 $0xB;
	[tilespmem:s6+$0xFFFFFE70] =	vst v5;
	v5 =	vmul.f32 v9, v10;
	v9 =	vld [tilespmem:s6+$0xFFFFFEE0]  }
0x106: {  	[tilespmem:s6+$0xFFFFFE80] =	vst v6;
	v16 =	vmov s25;
	s25 =	simm.s32 $0xC;
	v17 =	vmov s15;
	v6 =	vmul.f32 v12, v10;
	v12 =	vld [tilespmem:s6+$0xFFFFFEF0]  }
0x107: {  	s15 =	simm.s32 $0xD;
	v18 =	vmov s25;
	s25 =	simm.s32 $0xE;
	v8 =	vshll.u32 v8, v0;
	[tilespmem:s6+$0xFFFFFE90] =	vst v5;
	v5 =	vmul.f32 v13, v10;
	v13 =	vld [tilespmem:s6+$0xFFFFFF00]  }
0x108: {  	v19 =	vmov s15;
	v62 =	vmov s25;
	[tilespmem:s6+$0xFFFFFEA0] =	vst v6;
	v6 =	vmul.f32 v14, v10;
	v10 =	vld [tilespmem:s6+$0xFFFFFF10]  }
0x109: {  	v8 =	vadd.s32 $0xC8, v8;
	v14 =	vshrl.u32 v15, $0x3;
	[tilespmem:s6+$0xFFFFFEB0] =	vst v5;
	v5 =	vmul.f32 v7, v4;
	v7 =	vld [tilespmem:s6+$0xFFFFFF20]  }
0x10a: {  	v15 =	vshrl.u32 v16, $0x3;
	v16 =	vshrl.u32 v17, $0x3;
	[tilespmem:s6+$0xFFFFFEC0] =	vst v6;
	v6 =	vmul.f32 v9, v4;
	v9 =	vld [tilespmem:s6+$0xFFFFFF30]  }
0x10b: {  	v17 =	vshrl.u32 v18, $0x3;
	v18 =	vshrl.u32 v19, $0x3;
	[tilespmem:s6+$0xFFFFFED0] =	vst v5;
	v5 =	vmul.f32 v12, v4;
	v12 =	vld [tilespmem:s6+$0xFFFFFF40]  }
0x10c: {  	v19 =	vshrl.u32 v62, $0x3;
	v14 =	vshll.u32 v14, v0;
	[tilespmem:s6+$0xFFFFFEE0] =	vst v6;
	v4 =	vmul.f32 v13, v4;
	v13 =	vld [tilespmem:s6+$0xFFFFFF50]  }
0x10d: {  	v15 =	vshll.u32 v15, v0;
	v16 =	vshll.u32 v16, v0;
	v6 =	vmul.f32 v10, v11;
	v10 =	vld [tilespmem:s6+$0xFFFFFF60];
	[tilespmem:s6+$0xFFFFFEF0] =	vst v5  }
0x10e: {  	v63 =	vld [tilespmem:s6+$0xFFFFFF70];
	v17 =	vshll.u32 v17, v0;
	v18 =	vshll.u32 v18, v0;
	[tilespmem:s6+$0xFFFFFF00] =	vst v4;
	v4 =	vmul.f32 v7, v11  }
0x10f: {  	v19 =	vshll.u32 v19, v0;
	v16 =	vadd.s32 $0xCB, v16;
	[tilespmem:s6+$0xFFFFFF10] =	vst v6;
	v6 =	vld [tilespmem:s6+$0xFFFFFF80];
	v7 =	vmul.f32 v9, v11  }
0x110: {  	v5 =	vbroadcast v8, $0x0;
	v8 =	vadd.s32 $0xC9, v14;
	[tilespmem:s6+$0xFFFFFF20] =	vst v4;
	v11 =	vmul.f32 v12, v11;
	v4 =	vld [tilespmem:s6+$0xFFFFFF90]  }
0x111: {  	v14 =	vadd.s32 $0xCA, v15;
	v12 =	vadd.s32 $0xCC, v17;
	[tilespmem:s6+$0xFFFFFF30] =	vst v7;
	v17 =	vmul.f32 v13, v3;
	v7 =	vld [tilespmem:s6+$0xFFFFFFA0]  }
0x112: {  	v9 =	vbroadcast v8, $0x0;
	v8 =	vld [tilespmem:s6+$0xFFFFFFB0];
	v13 =	vadd.s32 $0xCD, v18;
	v15 =	vmul.f32 v10, v3;
	[tilespmem:s6+$0xFFFFFF40] =	vst v11  }
0x113: {  	s30 =	simm.s32 $0x10;
	s9 =	simm.s32 $0xF;
	v10 =	vld [tilespmem:s6+$0xFFFFFFC0];
	v11 =	vbroadcast v14, $0x0;
	v14 =	vadd.s32 $0xCE, v19;
	[tilespmem:s6+$0xFFFFFF50] =	vst v17;
	v17 =	vmul.f32 v63, v3  }
.LBB2_5:
0x114: {  	p0 =	slt.u32 s30, $0xC0;
	v16 =	vbroadcast v16, $0x0;
	v18 =	vmov s9;
	[tilespmem:s6+$0xFFFFFF60] =	vst v15;
	v3 =	vmul.f32 v6, v3;
	v6 =	vld [tilespmem:s6+$0xFFFFFFD0]  }
0x115: {  	v12 =	vbroadcast v12, $0x0;
	v15 =	vshrl.u32 v18, $0x3;
	[tilespmem:s6+$0xFFFFFF70] =	vst v17;
	v4 =	vmul.f32 v4, v2;
	v17 =	vld [tilespmem:s6+$0xFFFFFFE0]  }
0x116: {  	v13 =	vbroadcast v13, $0x0;
	v15 =	vshll.u32 v15, v0;
	[tilespmem:s6+$0xFFFFFF80] =	vst v3;
	v3 =	vmul.f32 v7, v2;
	v7 =	vld [tilespmem:s6+$0xFFFFFFF0]  }
0x117: {  	v14 =	vbroadcast v14, $0x0;
	v5 =	vld.idx.msk [tilespmem:v5+s4+$0x0], $0xffff;
	v15 =	vadd.s32 $0xCF, v15;
	[tilespmem:s6+$0xFFFFFF90] =	vst v4;
	v4 =	vmul.f32 v8, v2  }
0x118: {  	v8 =	vld.idx.msk [tilespmem:v9+s4+$0x0], $0xffff;
	v9 =	vbroadcast v15, $0x0;
	[tilespmem:s6+$0xFFFFFFA0] =	vst v3;
	v2 =	vmul.f32 v10, v2  }
0x119: {  	v10 =	vld.idx.msk [tilespmem:v11+s4+$0x0], $0xffff;
	[tilespmem:s6+$0xFFFFFFB0] =	vst v4;
	v3 =	vmul.f32 v6, v1  }
0x11a: {  	v6 =	vld.idx.msk [tilespmem:v16+s4+$0x0], $0xffff;
	[tilespmem:s6+$0xFFFFFFC0] =	vst v2;
	v2 =	vmul.f32 v17, v1  }
0x11b: {  	v4 =	vld.idx.msk [tilespmem:v12+s4+$0x0], $0xffff;
	[tilespmem:s6+$0xFFFFFFD0] =	vst v3;
	v1 =	vmul.f32 v7, v1  }
0x11c: {  	v3 =	vld.idx.msk [tilespmem:v13+s4+$0x0], $0xffff;
	[tilespmem:s6+$0xFFFFFFE0] =	vst v2  }
0x11d: {  	v2 =	vld.idx.msk [tilespmem:v14+s4+$0x0], $0xffff;
	[tilespmem:s6+$0xFFFFFFF0] =	vst v1  }
0x11e: {  	s6 =	sadd.s32 $0x200, s6;
	v1 =	vld.idx.msk [tilespmem:v9+s4+$0x0], $0xffff  }
0x11f: {  	v7 =	vld [tilespmem:s6+$0x0]  }
0x120: {  	v9 =	vld [tilespmem:s6+$0xFFFFFE10]  }
0x121: {  	v11 =	vld [tilespmem:s6+$0xFFFFFE20]  }
0x122: {  	v12 =	vld [tilespmem:s6+$0xFFFFFE30]  }
0x123: {  	v13 =	vld [tilespmem:s6+$0xFFFFFE40]  }
0x124: {  	v14 =	vld [tilespmem:s6+$0xFFFFFE50];
	v7 =	vmul.f32 v7, v1  }
0x125: {  	v9 =	vmul.f32 v9, v5;
	v15 =	vld [tilespmem:s6+$0xFFFFFE60]  }
0x126: {  	v11 =	vmul.f32 v11, v5;
	v16 =	vld [tilespmem:s6+$0xFFFFFE70];
	[tilespmem:s6+$0x0] =	vst v7  }
0x127: {  	[tilespmem:s6+$0xFFFFFE10] =	vst v9;
	v7 =	vmul.f32 v12, v5;
	v9 =	vld [tilespmem:s6+$0xFFFFFE80]  }
0x128: {  	[tilespmem:s6+$0xFFFFFE20] =	vst v11;
	v5 =	vmul.f32 v13, v5;
	v11 =	vld [tilespmem:s6+$0xFFFFFE90]  }
0x129: {  	[tilespmem:s6+$0xFFFFFE30] =	vst v7;
	v7 =	vmul.f32 v14, v8;
	v12 =	vld [tilespmem:s6+$0xFFFFFEA0]  }
0x12a: {  	[tilespmem:s6+$0xFFFFFE40] =	vst v5;
	v5 =	vmul.f32 v15, v8;
	v13 =	vld [tilespmem:s6+$0xFFFFFEB0]  }
0x12b: {  	[tilespmem:s6+$0xFFFFFE50] =	vst v7;
	v7 =	vmul.f32 v16, v8;
	v14 =	vld [tilespmem:s6+$0xFFFFFEC0]  }
0x12c: {  	s9 =	sadd.s32 $0x1, s30;
	v15 =	vmov s30;
	[tilespmem:s6+$0xFFFFFE60] =	vst v5;
	v5 =	vmul.f32 v9, v8;
	v8 =	vld [tilespmem:s6+$0xFFFFFED0]  }
0x12d: {  	s25 =	sadd.s32 $0x3, s30;
	v9 =	vshrl.u32 v15, $0x3;
	v15 =	vmov s9;
	s9 =	sadd.s32 $0x2, s30;
	[tilespmem:s6+$0xFFFFFE70] =	vst v7;
	v7 =	vmul.f32 v11, v10;
	v11 =	vld [tilespmem:s6+$0xFFFFFEE0]  }
0x12e: {  	v17 =	vmov s25;
	s25 =	sadd.s32 $0x5, s30;
	v16 =	vmov s9;
	s9 =	sadd.s32 $0x4, s30;
	[tilespmem:s6+$0xFFFFFE80] =	vst v5;
	v5 =	vmul.f32 v12, v10;
	v12 =	vld [tilespmem:s6+$0xFFFFFEF0]  }
0x12f: {  	v19 =	vmov s25;
	v18 =	vmov s9;
	s9 =	sadd.s32 $0x6, s30;
	[tilespmem:s6+$0xFFFFFE90] =	vst v7;
	v7 =	vmul.f32 v13, v10;
	v13 =	vld [tilespmem:s6+$0xFFFFFF00]  }
0x130: {  	v9 =	vshll.u32 v9, v0;
	v20 =	vmov s9;
	[tilespmem:s6+$0xFFFFFEA0] =	vst v5;
	v5 =	vmul.f32 v14, v10;
	v10 =	vld [tilespmem:s6+$0xFFFFFF10]  }
0x131: {  	v14 =	vshrl.u32 v15, $0x3;
	v15 =	vshrl.u32 v16, $0x3;
	[tilespmem:s6+$0xFFFFFEB0] =	vst v7;
	v7 =	vmul.f32 v8, v6;
	v8 =	vld [tilespmem:s6+$0xFFFFFF20]  }
0x132: {  	v16 =	vshrl.u32 v17, $0x3;
	v17 =	vshrl.u32 v18, $0x3;
	[tilespmem:s6+$0xFFFFFEC0] =	vst v5;
	v5 =	vmul.f32 v11, v6;
	v11 =	vld [tilespmem:s6+$0xFFFFFF30]  }
0x133: {  	v18 =	vshrl.u32 v19, $0x3;
	v19 =	vshrl.u32 v20, $0x3;
	[tilespmem:s6+$0xFFFFFED0] =	vst v7;
	v7 =	vmul.f32 v12, v6;
	v12 =	vld [tilespmem:s6+$0xFFFFFF40]  }
0x134: {  	v9 =	vadd.s32 $0xC8, v9;
	v14 =	vshll.u32 v14, v0;
	[tilespmem:s6+$0xFFFFFEE0] =	vst v5;
	v5 =	vmul.f32 v13, v6;
	v13 =	vld [tilespmem:s6+$0xFFFFFF50]  }
0x135: {  	v15 =	vshll.u32 v15, v0;
	v16 =	vshll.u32 v16, v0;
	[tilespmem:s6+$0xFFFFFEF0] =	vst v7;
	v6 =	vmul.f32 v10, v4;
	v10 =	vld [tilespmem:s6+$0xFFFFFF60]  }
0x136: {  	v7 =	vshll.u32 v17, v0;
	v17 =	vshll.u32 v18, v0;
	[tilespmem:s6+$0xFFFFFF00] =	vst v5;
	v8 =	vmul.f32 v8, v4;
	v18 =	vld [tilespmem:s6+$0xFFFFFF70]  }
.Ltmp1:
0x137: {  	v19 =	vshll.u32 v19, v0;
	v5 =	vbroadcast v9, $0x0;
	[tilespmem:s6+$0xFFFFFF10] =	vst v6;
	v9 =	vmul.f32 v11, v4;
	v6 =	vld [tilespmem:s6+$0xFFFFFF80];
	(pc) =	sbr.rel @p0 .LBB2_5-.Ltmp1, $4  }
0x138: {  	v11 =	vadd.s32 $0xC9, v14;
	v14 =	vadd.s32 $0xCA, v15;
	[tilespmem:s6+$0xFFFFFF20] =	vst v8;
	v8 =	vmul.f32 v12, v4;
	v4 =	vld [tilespmem:s6+$0xFFFFFF90]  }
0x139: {  	v16 =	vadd.s32 $0xCB, v16;
	v12 =	vadd.s32 $0xCC, v7;
	[tilespmem:s6+$0xFFFFFF30] =	vst v9;
	v20 =	vmul.f32 v13, v3;
	v7 =	vld [tilespmem:s6+$0xFFFFFFA0]  }
0x13a: {  	v9 =	vbroadcast v11, $0x0;
	v13 =	vadd.s32 $0xCD, v17;
	[tilespmem:s6+$0xFFFFFF40] =	vst v8;
	v15 =	vmul.f32 v10, v3;
	v8 =	vld [tilespmem:s6+$0xFFFFFFB0]  }
0x13b: {  	s9 =	sadd.s32 $0x7, s30;
	s30 =	sadd.s32 $0x8, s30;
	v11 =	vbroadcast v14, $0x0;
	v14 =	vadd.s32 $0xCE, v19;
	[tilespmem:s6+$0xFFFFFF50] =	vst v20;
	v17 =	vmul.f32 v18, v3;
	v10 =	vld [tilespmem:s6+$0xFFFFFFC0]  }
0x13c: {  	_ = 	snop  }
0x13d: {  	v19 =	vld [tilespmem:s6+$0xFFFFFFD0]  }
0x13e: {  	v20 =	vld [tilespmem:s6+$0xFFFFFFE0]  }
0x13f: {  	v18 =	vmov s9;
	v21 =	vld [tilespmem:s6+$0xFFFFFFF0]  }
0x140: {  	v5 =	vld.idx.msk [tilespmem:v5+s4+$0x0], $0xffff;
	v18 =	vshrl.u32 v18, $0x3  }
0x141: {  	v16 =	vbroadcast v16, $0x0;
	v9 =	vld.idx.msk [tilespmem:v9+s4+$0x0], $0xffff;
	v3 =	vmul.f32 v6, v3;
	v18 =	vshll.u32 v18, v0  }
0x142: {  	v13 =	vbroadcast v13, $0x0;
	[tilespmem:s6+$0xFFFFFF60] =	vst v15;
	s30 =	sadd.s32 $0x200, s6;
	v11 =	vld.idx.msk [tilespmem:v11+s4+$0x0], $0xffff;
	v4 =	vmul.f32 v4, v2;
	v18 =	vadd.s32 $0xCF, v18  }
0x143: {  	v15 =	vld [tilespmem:s30+$0xFFFFFE70];
	[tilespmem:s6+$0xFFFFFF80] =	vst v3;
	v3 =	vmul.f32 v7, v2;
	v18 =	vbroadcast v18, $0x0  }
0x144: {  	v14 =	vbroadcast v14, $0x0;
	[tilespmem:s6+$0xFFFFFF90] =	vst v4;
	v4 =	vmul.f32 v8, v2;
	v8 =	vld [tilespmem:s30+$0x0]  }
0x145: {  	[tilespmem:s6+$0xFFFFFFA0] =	vst v3;
	v3 =	vld [tilespmem:s30+$0xFFFFFE10]  }
0x146: {  	v2 =	vmul.f32 v10, v2;
	v10 =	vld [tilespmem:s30+$0xFFFFFE20]  }
0x147: {  	v16 =	vld.idx.msk [tilespmem:v16+s4+$0x0], $0xffff  }
0x148: {  	v6 =	vld.idx.msk [tilespmem:v13+s4+$0x0], $0xffff  }
0x149: {  	v12 =	vbroadcast v12, $0x0;
	[tilespmem:s6+$0xFFFFFFB0] =	vst v4;
	v4 =	vmul.f32 v19, v1;
	v7 =	vld.idx.msk [tilespmem:v18+s4+$0x0], $0xffff  }
0x14a: {  	v13 =	vld.idx.msk [tilespmem:v14+s4+$0x0], $0xffff;
	[tilespmem:s6+$0xFFFFFFC0] =	vst v2;
	v2 =	vmul.f32 v20, v1  }
0x14b: {  	v14 =	vld [tilespmem:s30+$0xFFFFFE30];
	v1 =	vmul.f32 v21, v1;
	[tilespmem:s6+$0xFFFFFFD0] =	vst v4  }
0x14c: {  	v4 =	vld [tilespmem:s30+$0xFFFFFE40];
	[tilespmem:s6+$0xFFFFFFE0] =	vst v2  }
0x14d: {  	v2 =	vld [tilespmem:s30+$0xFFFFFE50];
	[tilespmem:s6+$0xFFFFFFF0] =	vst v1;
	v1 =	vmul.f32 v3, v5  }
0x14e: {  	[tilespmem:s6+$0xFFFFFF70] =	vst v17;
	v3 =	vld [tilespmem:s30+$0xFFFFFE60];
	v8 =	vmul.f32 v8, v7  }
0x14f: {  	v12 =	vld.idx.msk [tilespmem:v12+s4+$0x0], $0xffff;
	v10 =	vmul.f32 v10, v5;
	[tilespmem:s30+$0xFFFFFE10] =	vst v1  }
0x150: {  	v1 =	vmul.f32 v14, v5;
	[tilespmem:s30+$0x0] =	vst v8;
	v8 =	vld [tilespmem:s30+$0xFFFFFE80]  }
0x151: {  	[tilespmem:s30+$0xFFFFFE20] =	vst v10;
	v4 =	vmul.f32 v4, v5;
	v5 =	vld [tilespmem:s30+$0xFFFFFE90]  }
0x152: {  	[tilespmem:s30+$0xFFFFFE30] =	vst v1;
	v1 =	vmul.f32 v2, v9;
	v2 =	vld [tilespmem:s30+$0xFFFFFEA0]  }
0x153: {  	[tilespmem:s30+$0xFFFFFE40] =	vst v4;
	v3 =	vmul.f32 v3, v9;
	v4 =	vld [tilespmem:s30+$0xFFFFFEB0]  }
0x154: {  	v10 =	vld [tilespmem:s30+$0xFFFFFEC0];
	[tilespmem:s30+$0xFFFFFE50] =	vst v1;
	v1 =	vmul.f32 v15, v9  }
0x155: {  	[tilespmem:s30+$0xFFFFFE60] =	vst v3;
	v3 =	vmul.f32 v8, v9;
	v8 =	vld [tilespmem:s30+$0xFFFFFED0]  }
0x156: {  	[tilespmem:s30+$0xFFFFFE70] =	vst v1;
	v1 =	vmul.f32 v5, v11;
	v5 =	vld [tilespmem:s30+$0xFFFFFEE0]  }
0x157: {  	v2 =	vmul.f32 v2, v11;
	[tilespmem:s30+$0xFFFFFE80] =	vst v3;
	v3 =	vld [tilespmem:s30+$0xFFFFFEF0]  }
0x158: {  	[tilespmem:s30+$0xFFFFFE90] =	vst v1;
	v1 =	vmul.f32 v4, v11;
	v4 =	vld [tilespmem:s30+$0xFFFFFF00]  }
0x159: {  	[tilespmem:s30+$0xFFFFFEA0] =	vst v2;
	v2 =	vmul.f32 v10, v11;
	v9 =	vld [tilespmem:s30+$0xFFFFFF10]  }
0x15a: {  	[tilespmem:s30+$0xFFFFFEB0] =	vst v1;
	v1 =	vmul.f32 v8, v16;
	v8 =	vld [tilespmem:s30+$0xFFFFFF20]  }
0x15b: {  	[tilespmem:s30+$0xFFFFFEC0] =	vst v2;
	v2 =	vmul.f32 v5, v16;
	v5 =	vld [tilespmem:s30+$0xFFFFFF30]  }
0x15c: {  	[tilespmem:s30+$0xFFFFFED0] =	vst v1;
	v1 =	vmul.f32 v3, v16;
	v3 =	vld [tilespmem:s30+$0xFFFFFF40]  }
0x15d: {  	[tilespmem:s30+$0xFFFFFEE0] =	vst v2;
	v2 =	vmul.f32 v4, v16;
	v4 =	vld [tilespmem:s30+$0xFFFFFF50]  }
0x15e: {  	[tilespmem:s30+$0xFFFFFEF0] =	vst v1;
	v1 =	vmul.f32 v9, v12;
	v9 =	vld [tilespmem:s30+$0xFFFFFF60]  }
0x15f: {  	[tilespmem:s30+$0xFFFFFF00] =	vst v2;
	v2 =	vmul.f32 v8, v12;
	v8 =	vld [tilespmem:s30+$0xFFFFFF70]  }
0x160: {  	[tilespmem:s30+$0xFFFFFF10] =	vst v1;
	v1 =	vmul.f32 v5, v12;
	v5 =	vld [tilespmem:s30+$0xFFFFFF80]  }
0x161: {  	[tilespmem:s30+$0xFFFFFF20] =	vst v2;
	v2 =	vmul.f32 v3, v12;
	v3 =	vld [tilespmem:s30+$0xFFFFFF90]  }
0x162: {  	[tilespmem:s30+$0xFFFFFF30] =	vst v1;
	v1 =	vmul.f32 v4, v6;
	v4 =	vld [tilespmem:s30+$0xFFFFFFA0]  }
0x163: {  	[tilespmem:s30+$0xFFFFFF40] =	vst v2;
	v2 =	vmul.f32 v9, v6;
	v9 =	vld [tilespmem:s30+$0xFFFFFFB0]  }
0x164: {  	[tilespmem:s30+$0xFFFFFF50] =	vst v1;
	v1 =	vmul.f32 v8, v6;
	v8 =	vld [tilespmem:s30+$0xFFFFFFC0]  }
0x165: {  	[tilespmem:s30+$0xFFFFFF60] =	vst v2;
	v2 =	vmul.f32 v5, v6;
	v5 =	vld [tilespmem:s30+$0xFFFFFFD0]  }
0x166: {  	[tilespmem:s30+$0xFFFFFF70] =	vst v1;
	v1 =	vmul.f32 v3, v13;
	v3 =	vld [tilespmem:s30+$0xFFFFFFE0]  }
0x167: {  	[tilespmem:s30+$0xFFFFFF80] =	vst v2;
	v2 =	vmul.f32 v4, v13;
	v4 =	vld [tilespmem:s30+$0xFFFFFFF0]  }
0x168: {  	[tilespmem:s30+$0xFFFFFF90] =	vst v1;
	v1 =	vmul.f32 v9, v13  }
0x169: {  	[tilespmem:s30+$0xFFFFFFA0] =	vst v2;
	v2 =	vmul.f32 v8, v13  }
0x16a: {  	[tilespmem:s30+$0xFFFFFFB0] =	vst v1;
	v1 =	vmul.f32 v5, v7  }
0x16b: {  	[tilespmem:s30+$0xFFFFFFC0] =	vst v2;
	v2 =	vmul.f32 v3, v7  }
0x16c: {  	[tilespmem:s30+$0xFFFFFFD0] =	vst v1;
	v1 =	vmul.f32 v4, v7  }
0x16d: {  	[tilespmem:s30+$0xFFFFFFE0] =	vst v2  }
0x16e: {  	[tilespmem:s30+$0xFFFFFFF0] =	vst v1  }
0x16f: {  	[spmem:s5] =	stream.indirect.scatter.add.f32 [tilespmem:s12], [sflag:$0x4], $0x40, s28, s31, $0xb8;
	[tilespmem:$0x1A5E0] =	vst v63  }
0x170: {  	_ =	swait.ge [sflag:s26], $0x3200  }
0x171: {  	[sflag:s26] =	ssyncset.done $0x0  }
0x172: {  	[sflag:s26] =	ssyncadd.s32 $0xFFFFCE00  }
0x173: {  	_ =	swait.ge [sflag:s29], $0xC8  }
0x174: {  	[sflag:s29] =	ssyncset.done $0x0  }
0x175: {  	[sflag:s29] =	ssyncadd.s32 $0xFFFFFF38  }
0x176: {  	_ =	swait.ge [sflag:s29], $0xC8  }
0x177: {  	[sflag:s29] =	ssyncset.done $0x0  }
0x178: {  	[sflag:s29] =	ssyncadd.s32 $0xFFFFFF38  }
0x179: {  	s25 =	simm.s32 $0x2;
	s6 =	simm.s32 $0x3;
	_ =	swait.ge [sflag:s29], $0xC8  }
0x17a: {  	s15 =	simm.s32 $0x1;
	v3 =	vmov s25;
	s25 =	simm.s32 $0x5;
	v4 =	vmov s6;
	[sflag:s29] =	ssyncset.done $0x0  }
0x17b: {  	s9 =	simm.s32 $0x0;
	v6 =	vmov s25;
	v3 =	vshrl.u32 v3, $0x3;
	v2 =	vmov s15;
	[sflag:s29] =	ssyncadd.s32 $0xFFFFFF38  }
0x17c: {  	p0 =	seq.s32 s24, $0x18;
	s15 =	simm.s32 $0x4;
	v4 =	vshrl.u32 v4, $0x3;
	v6 =	vshrl.u32 v6, $0x3;
	v1 =	vmov s9;
	_ =	swait.ge [sflag:s16], $0x3200  }
0x17d: {  	s6 =	sadd.s32 @!p0 s11, s21;
	v3 =	vshll.u32 v3, v0;
	v5 =	vmov s15;
	v1 =	vshrl.u32 v1, $0x3;
	[sflag:s16] =	ssyncset.done $0x0  }
0x17e: {  	s6 =	smul.u32 @!p0 $0x19, s6;
	s9 =	simm.s32 $0x6;
	v2 =	vshrl.u32 v2, $0x3;
	v4 =	vshll.u32 v4, v0;
	v1 =	vshll.u32 v1, v0;
	[sflag:s16] =	ssyncadd.s32 $0xFFFFCE00  }
0x17f: {  	v6 =	vshll.u32 v6, v0;
	v2 =	vshll.u32 v2, v0;
	v1 =	vadd.s32 $0x190, v1;
	[tilespmem:s12], [sflag:$0x1] =	stream.indirect.gather [spmem:s3], $0x40, s17, s31, $0xb8;
	[tilespmem:$0x1A5E0] =	vst v63  }
0x180: {  	s25 =	simm.s32 @!p0 $0x0;
	s30 =	simm.s32 @!p0 $0x10360;
	v7 =	vmov s9;
	s9 =	sadd.s32 @!p0 s7, s6;
	v2 =	vadd.s32 $0x191, v2;
	v1 =	vbroadcast v1, $0x0  }
0x181: {  	v3 =	vadd.s32 $0x192, v3;
	v5 =	vshrl.u32 v5, $0x3;
	v2 =	vbroadcast v2, $0x0;
	[tilespmem:s30], [sflag:$0x2] =	stream.linear.gather @!p0 [hbm4b:s9+s25], $0xC8, $0x38;
	[tilespmem:$0x1A5E0] =	vst v63  }
0x182: {  	s15 =	simm.s32 $0x7;
	v4 =	vadd.s32 $0x193, v4;
	v3 =	vbroadcast v3, $0x0;
	v5 =	vshll.u32 v5, v0;
	s9 =	sadd.s32 @!p0 s8, s6;
	s30 =	simm.s32 @!p0 $0x9C40  }
0x183: {  	v8 =	vmov s15;
	v4 =	vbroadcast v4, $0x0;
	v5 =	vadd.s32 $0x194, v5;
	[tilespmem:s30], [sflag:$0x2] =	stream.linear.gather @!p0 [hbm4b:s9+s25], $0xC8, $0x38;
	[tilespmem:$0x1A5E0] =	vst v63  }
0x184: {  	v6 =	vadd.s32 $0x195, v6;
	v7 =	vshrl.u32 v7, $0x3;
	v5 =	vbroadcast v5, $0x0;
	s6 =	sadd.s32 @!p0 s1, s6;
	s9 =	simm.s32 @!p0 $0x1A2C0  }
0x185: {  	v8 =	vshrl.u32 v8, $0x3;
	v6 =	vbroadcast v6, $0x0;
	v7 =	vshll.u32 v7, v0;
	[tilespmem:s9], [sflag:$0x2] =	stream.linear.gather @!p0 [hbm4b:s6+s25], $0xC8, $0x38;
	[tilespmem:$0x1A5E0] =	vst v63  }
0x186: {  	v8 =	vshll.u32 v8, v0;
	v7 =	vadd.s32 $0x196, v7;
	v9 =	vld.idx.msk [tilespmem:v1+s4+$0x0], $0xffff  }
0x187: {  	v1 =	vbroadcast v7, $0x0;
	v7 =	vadd.s32 $0x197, v8;
	v8 =	vld.idx.msk [tilespmem:v2+s4+$0x0], $0xffff  }
0x188: {  	v10 =	vld.idx.msk [tilespmem:v3+s4+$0x0], $0xffff  }
0x189: {  	v4 =	vld.idx.msk [tilespmem:v4+s4+$0x0], $0xffff;
	v7 =	vbroadcast v7, $0x0  }
0x18a: {  	v11 =	vld.idx.msk [tilespmem:v5+s4+$0x0], $0xffff  }
0x18b: {  	s6 =	simm.s32 $0xA060;
	v3 =	vld.idx.msk [tilespmem:v6+s4+$0x0], $0xffff  }
0x18c: {  	v5 =	vld [tilespmem:s6+$0xF0]  }
0x18d: {  	v6 =	vld [tilespmem:s6+$0xFFFFFF00]  }
0x18e: {  	v2 =	vld.idx.msk [tilespmem:v1+s4+$0x0], $0xffff  }
0x18f: {  	v1 =	vld.idx.msk [tilespmem:v7+s4+$0x0], $0xffff  }
0x190: {  	v7 =	vld [tilespmem:s6+$0xFFFFFF10]  }
0x191: {  	v12 =	vld [tilespmem:s6+$0xFFFFFF20]  }
0x192: {  	v13 =	vld [tilespmem:s6+$0xFFFFFF30]  }
0x193: {  	v14 =	vld [tilespmem:s6+$0xFFFFFF40];
	v6 =	vmul.f32 v6, v9  }
0x194: {  	v15 =	vld [tilespmem:s6+$0xFFFFFF50];
	v5 =	vmul.f32 v5, v1  }
0x195: {  	v16 =	vld [tilespmem:s6+$0xFFFFFF60];
	[tilespmem:s6+$0xFFFFFF00] =	vst v6;
	v7 =	vmul.f32 v7, v9  }
0x196: {  	v6 =	vld [tilespmem:s6+$0xFFFFFF70];
	[tilespmem:s6+$0xF0] =	vst v5;
	v5 =	vmul.f32 v12, v9  }
0x197: {  	[tilespmem:s6+$0xFFFFFF10] =	vst v7;
	v7 =	vmul.f32 v13, v9;
	v9 =	vld [tilespmem:s6+$0xFFFFFF80]  }
0x198: {  	v12 =	vld [tilespmem:s6+$0xFFFFFF90];
	[tilespmem:s6+$0xFFFFFF20] =	vst v5;
	v5 =	vmul.f32 v14, v8  }
0x199: {  	v13 =	vld [tilespmem:s6+$0xFFFFFFA0];
	[tilespmem:s6+$0xFFFFFF30] =	vst v7;
	v7 =	vmul.f32 v15, v8  }
0x19a: {  	s15 =	simm.s32 $0x8;
	v14 =	vld [tilespmem:s6+$0xFFFFFFB0];
	[tilespmem:s6+$0xFFFFFF40] =	vst v5;
	v5 =	vmul.f32 v16, v8  }
0x19b: {  	s25 =	simm.s32 $0x9;
	v6 =	vmul.f32 v6, v8;
	v15 =	vmov s15;
	[tilespmem:s6+$0xFFFFFF50] =	vst v7;
	v7 =	vld [tilespmem:s6+$0xFFFFFFC0]  }
0x19c: {  	s15 =	simm.s32 $0xA;
	v8 =	vshrl.u32 v15, $0x3;
	v15 =	vmov s25;
	s25 =	simm.s32 $0xB;
	[tilespmem:s6+$0xFFFFFF60] =	vst v5;
	v5 =	vmul.f32 v9, v10;
	v9 =	vld [tilespmem:s6+$0xFFFFFFD0]  }
0x19d: {  	[tilespmem:s6+$0xFFFFFF70] =	vst v6;
	v16 =	vmov s15;
	s15 =	simm.s32 $0xC;
	v17 =	vmov s25;
	v6 =	vmul.f32 v12, v10;
	v12 =	vld [tilespmem:s6+$0xFFFFFFE0]  }
0x19e: {  	s25 =	simm.s32 $0xD;
	v18 =	vmov s15;
	v8 =	vshll.u32 v8, v0;
	[tilespmem:s6+$0xFFFFFF80] =	vst v5;
	v5 =	vmul.f32 v13, v10;
	v13 =	vld [tilespmem:s6+$0xFFFFFFF0]  }
0x19f: {  	v19 =	vmov s25;
	s25 =	simm.s32 $0xE;
	v8 =	vadd.s32 $0x190, v8;
	[tilespmem:s6+$0xFFFFFF90] =	vst v6;
	v6 =	vmul.f32 v14, v10;
	v10 =	vld [tilespmem:s6+$0x0]  }
0x1a0: {  	v62 =	vmov s25;
	v14 =	vshrl.u32 v15, $0x3;
	[tilespmem:s6+$0xFFFFFFA0] =	vst v5;
	v5 =	vmul.f32 v7, v4;
	v7 =	vld [tilespmem:s6+$0x10]  }
0x1a1: {  	v15 =	vshrl.u32 v16, $0x3;
	v16 =	vshrl.u32 v17, $0x3;
	[tilespmem:s6+$0xFFFFFFB0] =	vst v6;
	v6 =	vmul.f32 v9, v4;
	v9 =	vld [tilespmem:s6+$0x20]  }
0x1a2: {  	v17 =	vshrl.u32 v18, $0x3;
	v18 =	vshrl.u32 v19, $0x3;
	[tilespmem:s6+$0xFFFFFFC0] =	vst v5;
	v5 =	vmul.f32 v12, v4;
	v12 =	vld [tilespmem:s6+$0x30]  }
0x1a3: {  	v19 =	vshrl.u32 v62, $0x3;
	v14 =	vshll.u32 v14, v0;
	[tilespmem:s6+$0xFFFFFFD0] =	vst v6;
	v4 =	vmul.f32 v13, v4;
	v13 =	vld [tilespmem:s6+$0x40]  }
0x1a4: {  	v15 =	vshll.u32 v15, v0;
	v16 =	vshll.u32 v16, v0;
	v6 =	vmul.f32 v10, v11;
	v10 =	vld [tilespmem:s6+$0x50];
	[tilespmem:s6+$0xFFFFFFE0] =	vst v5  }
0x1a5: {  	v63 =	vld [tilespmem:s6+$0x60];
	v17 =	vshll.u32 v17, v0;
	v18 =	vshll.u32 v18, v0;
	[tilespmem:s6+$0xFFFFFFF0] =	vst v4;
	v4 =	vmul.f32 v7, v11  }
0x1a6: {  	v19 =	vshll.u32 v19, v0;
	v16 =	vadd.s32 $0x193, v16;
	[tilespmem:s6+$0x0] =	vst v6;
	v6 =	vld [tilespmem:s6+$0x70];
	v7 =	vmul.f32 v9, v11  }
0x1a7: {  	v5 =	vbroadcast v8, $0x0;
	v8 =	vadd.s32 $0x191, v14;
	[tilespmem:s6+$0x10] =	vst v4;
	v11 =	vmul.f32 v12, v11;
	v4 =	vld [tilespmem:s6+$0x80]  }
0x1a8: {  	v14 =	vadd.s32 $0x192, v15;
	v12 =	vadd.s32 $0x194, v17;
	[tilespmem:s6+$0x20] =	vst v7;
	v17 =	vmul.f32 v13, v3;
	v7 =	vld [tilespmem:s6+$0x90]  }
0x1a9: {  	v9 =	vbroadcast v8, $0x0;
	v8 =	vld [tilespmem:s6+$0xA0];
	v13 =	vadd.s32 $0x195, v18;
	v15 =	vmul.f32 v10, v3;
	[tilespmem:s6+$0x30] =	vst v11  }
0x1aa: {  	s30 =	simm.s32 $0x10;
	s9 =	simm.s32 $0xF;
	v10 =	vld [tilespmem:s6+$0xB0];
	v11 =	vbroadcast v14, $0x0;
	v14 =	vadd.s32 $0x196, v19;
	[tilespmem:s6+$0x40] =	vst v17;
	v17 =	vmul.f32 v63, v3  }
.LBB2_7:
0x1ab: {  	p1 =	slt.u32 s30, $0xC0;
	v16 =	vbroadcast v16, $0x0;
	v18 =	vmov s9;
	[tilespmem:s6+$0x50] =	vst v15;
	v3 =	vmul.f32 v6, v3;
	v6 =	vld [tilespmem:s6+$0xC0]  }
0x1ac: {  	v12 =	vbroadcast v12, $0x0;
	v15 =	vshrl.u32 v18, $0x3;
	[tilespmem:s6+$0x60] =	vst v17;
	v4 =	vmul.f32 v4, v2;
	v17 =	vld [tilespmem:s6+$0xD0]  }
0x1ad: {  	v13 =	vbroadcast v13, $0x0;
	v15 =	vshll.u32 v15, v0;
	[tilespmem:s6+$0x70] =	vst v3;
	v3 =	vmul.f32 v7, v2;
	v7 =	vld [tilespmem:s6+$0xE0]  }
0x1ae: {  	v14 =	vbroadcast v14, $0x0;
	v5 =	vld.idx.msk [tilespmem:v5+s4+$0x0], $0xffff;
	v15 =	vadd.s32 $0x197, v15;
	[tilespmem:s6+$0x80] =	vst v4;
	v4 =	vmul.f32 v8, v2  }
0x1af: {  	v8 =	vld.idx.msk [tilespmem:v9+s4+$0x0], $0xffff;
	v9 =	vbroadcast v15, $0x0;
	[tilespmem:s6+$0x90] =	vst v3;
	v2 =	vmul.f32 v10, v2  }
0x1b0: {  	v10 =	vld.idx.msk [tilespmem:v11+s4+$0x0], $0xffff;
	[tilespmem:s6+$0xA0] =	vst v4;
	v3 =	vmul.f32 v6, v1  }
0x1b1: {  	v6 =	vld.idx.msk [tilespmem:v16+s4+$0x0], $0xffff;
	[tilespmem:s6+$0xB0] =	vst v2;
	v2 =	vmul.f32 v17, v1  }
0x1b2: {  	v4 =	vld.idx.msk [tilespmem:v12+s4+$0x0], $0xffff;
	[tilespmem:s6+$0xC0] =	vst v3;
	v1 =	vmul.f32 v7, v1  }
0x1b3: {  	v3 =	vld.idx.msk [tilespmem:v13+s4+$0x0], $0xffff;
	[tilespmem:s6+$0xD0] =	vst v2  }
0x1b4: {  	v2 =	vld.idx.msk [tilespmem:v14+s4+$0x0], $0xffff;
	[tilespmem:s6+$0xE0] =	vst v1  }
0x1b5: {  	s6 =	sadd.s32 $0x200, s6;
	v1 =	vld.idx.msk [tilespmem:v9+s4+$0x0], $0xffff  }
0x1b6: {  	v7 =	vld [tilespmem:s6+$0xF0]  }
0x1b7: {  	v9 =	vld [tilespmem:s6+$0xFFFFFF00]  }
0x1b8: {  	v11 =	vld [tilespmem:s6+$0xFFFFFF10]  }
0x1b9: {  	v12 =	vld [tilespmem:s6+$0xFFFFFF20]  }
0x1ba: {  	v13 =	vld [tilespmem:s6+$0xFFFFFF30]  }
0x1bb: {  	v14 =	vld [tilespmem:s6+$0xFFFFFF40];
	v7 =	vmul.f32 v7, v1  }
0x1bc: {  	v9 =	vmul.f32 v9, v5;
	v15 =	vld [tilespmem:s6+$0xFFFFFF50]  }
0x1bd: {  	v11 =	vmul.f32 v11, v5;
	v16 =	vld [tilespmem:s6+$0xFFFFFF60];
	[tilespmem:s6+$0xF0] =	vst v7  }
0x1be: {  	[tilespmem:s6+$0xFFFFFF00] =	vst v9;
	v7 =	vmul.f32 v12, v5;
	v9 =	vld [tilespmem:s6+$0xFFFFFF70]  }
0x1bf: {  	[tilespmem:s6+$0xFFFFFF10] =	vst v11;
	v5 =	vmul.f32 v13, v5;
	v11 =	vld [tilespmem:s6+$0xFFFFFF80]  }
0x1c0: {  	[tilespmem:s6+$0xFFFFFF20] =	vst v7;
	v7 =	vmul.f32 v14, v8;
	v12 =	vld [tilespmem:s6+$0xFFFFFF90]  }
0x1c1: {  	[tilespmem:s6+$0xFFFFFF30] =	vst v5;
	v5 =	vmul.f32 v15, v8;
	v13 =	vld [tilespmem:s6+$0xFFFFFFA0]  }
0x1c2: {  	[tilespmem:s6+$0xFFFFFF40] =	vst v7;
	v7 =	vmul.f32 v16, v8;
	v14 =	vld [tilespmem:s6+$0xFFFFFFB0]  }
0x1c3: {  	s9 =	sadd.s32 $0x1, s30;
	v15 =	vmov s30;
	[tilespmem:s6+$0xFFFFFF50] =	vst v5;
	v5 =	vmul.f32 v9, v8;
	v8 =	vld [tilespmem:s6+$0xFFFFFFC0]  }
0x1c4: {  	s15 =	sadd.s32 $0x3, s30;
	v9 =	vshrl.u32 v15, $0x3;
	v15 =	vmov s9;
	s9 =	sadd.s32 $0x2, s30;
	[tilespmem:s6+$0xFFFFFF60] =	vst v7;
	v7 =	vmul.f32 v11, v10;
	v11 =	vld [tilespmem:s6+$0xFFFFFFD0]  }
0x1c5: {  	v17 =	vmov s15;
	s15 =	sadd.s32 $0x5, s30;
	v16 =	vmov s9;
	s9 =	sadd.s32 $0x4, s30;
	[tilespmem:s6+$0xFFFFFF70] =	vst v5;
	v5 =	vmul.f32 v12, v10;
	v12 =	vld [tilespmem:s6+$0xFFFFFFE0]  }
0x1c6: {  	v19 =	vmov s15;
	v18 =	vmov s9;
	s9 =	sadd.s32 $0x6, s30;
	[tilespmem:s6+$0xFFFFFF80] =	vst v7;
	v7 =	vmul.f32 v13, v10;
	v13 =	vld [tilespmem:s6+$0xFFFFFFF0]  }
0x1c7: {  	v9 =	vshll.u32 v9, v0;
	v20 =	vmov s9;
	[tilespmem:s6+$0xFFFFFF90] =	vst v5;
	v5 =	vmul.f32 v14, v10;
	v10 =	vld [tilespmem:s6+$0x0]  }
0x1c8: {  	v14 =	vshrl.u32 v15, $0x3;
	v15 =	vshrl.u32 v16, $0x3;
	[tilespmem:s6+$0xFFFFFFA0] =	vst v7;
	v7 =	vmul.f32 v8, v6;
	v8 =	vld [tilespmem:s6+$0x10]  }
0x1c9: {  	v16 =	vshrl.u32 v17, $0x3;
	v17 =	vshrl.u32 v18, $0x3;
	[tilespmem:s6+$0xFFFFFFB0] =	vst v5;
	v5 =	vmul.f32 v11, v6;
	v11 =	vld [tilespmem:s6+$0x20]  }
0x1ca: {  	v18 =	vshrl.u32 v19, $0x3;
	v19 =	vshrl.u32 v20, $0x3;
	[tilespmem:s6+$0xFFFFFFC0] =	vst v7;
	v7 =	vmul.f32 v12, v6;
	v12 =	vld [tilespmem:s6+$0x30]  }
0x1cb: {  	v9 =	vadd.s32 $0x190, v9;
	v14 =	vshll.u32 v14, v0;
	[tilespmem:s6+$0xFFFFFFD0] =	vst v5;
	v5 =	vmul.f32 v13, v6;
	v13 =	vld [tilespmem:s6+$0x40]  }
0x1cc: {  	v15 =	vshll.u32 v15, v0;
	v16 =	vshll.u32 v16, v0;
	[tilespmem:s6+$0xFFFFFFE0] =	vst v7;
	v6 =	vmul.f32 v10, v4;
	v10 =	vld [tilespmem:s6+$0x50]  }
0x1cd: {  	v7 =	vshll.u32 v17, v0;
	v17 =	vshll.u32 v18, v0;
	[tilespmem:s6+$0xFFFFFFF0] =	vst v5;
	v8 =	vmul.f32 v8, v4;
	v18 =	vld [tilespmem:s6+$0x60]  }
.Ltmp2:
0x1ce: {  	v19 =	vshll.u32 v19, v0;
	v5 =	vbroadcast v9, $0x0;
	[tilespmem:s6+$0x0] =	vst v6;
	v9 =	vmul.f32 v11, v4;
	v6 =	vld [tilespmem:s6+$0x70];
	(pc) =	sbr.rel @p1 .LBB2_7-.Ltmp2, $4  }
0x1cf: {  	v11 =	vadd.s32 $0x191, v14;
	v14 =	vadd.s32 $0x192, v15;
	[tilespmem:s6+$0x10] =	vst v8;
	v8 =	vmul.f32 v12, v4;
	v4 =	vld [tilespmem:s6+$0x80]  }
0x1d0: {  	v16 =	vadd.s32 $0x193, v16;
	v12 =	vadd.s32 $0x194, v7;
	[tilespmem:s6+$0x20] =	vst v9;
	v20 =	vmul.f32 v13, v3;
	v7 =	vld [tilespmem:s6+$0x90]  }
0x1d1: {  	v9 =	vbroadcast v11, $0x0;
	v13 =	vadd.s32 $0x195, v17;
	[tilespmem:s6+$0x30] =	vst v8;
	v15 =	vmul.f32 v10, v3;
	v8 =	vld [tilespmem:s6+$0xA0]  }
0x1d2: {  	s9 =	sadd.s32 $0x7, s30;
	s30 =	sadd.s32 $0x8, s30;
	v11 =	vbroadcast v14, $0x0;
	v14 =	vadd.s32 $0x196, v19;
	[tilespmem:s6+$0x40] =	vst v20;
	v17 =	vmul.f32 v18, v3;
	v10 =	vld [tilespmem:s6+$0xB0]  }
0x1d3: {  	_ = 	snop  }
0x1d4: {  	v19 =	vld [tilespmem:s6+$0xC0]  }
0x1d5: {  	v20 =	vld [tilespmem:s6+$0xD0]  }
0x1d6: {  	v18 =	vmov s9;
	v21 =	vld [tilespmem:s6+$0xE0]  }
0x1d7: {  	v5 =	vld.idx.msk [tilespmem:v5+s4+$0x0], $0xffff;
	v18 =	vshrl.u32 v18, $0x3  }
0x1d8: {  	v16 =	vbroadcast v16, $0x0;
	v9 =	vld.idx.msk [tilespmem:v9+s4+$0x0], $0xffff;
	v3 =	vmul.f32 v6, v3;
	v18 =	vshll.u32 v18, v0  }
0x1d9: {  	v13 =	vbroadcast v13, $0x0;
	[tilespmem:s6+$0x50] =	vst v15;
	s30 =	sadd.s32 $0x200, s6;
	v11 =	vld.idx.msk [tilespmem:v11+s4+$0x0], $0xffff;
	v4 =	vmul.f32 v4, v2;
	v18 =	vadd.s32 $0x197, v18  }
0x1da: {  	v15 =	vld [tilespmem:s30+$0xFFFFFF60];
	[tilespmem:s6+$0x70] =	vst v3;
	v3 =	vmul.f32 v7, v2;
	v18 =	vbroadcast v18, $0x0  }
0x1db: {  	v14 =	vbroadcast v14, $0x0;
	[tilespmem:s6+$0x80] =	vst v4;
	v4 =	vmul.f32 v8, v2;
	v8 =	vld [tilespmem:s30+$0xF0]  }
0x1dc: {  	[tilespmem:s6+$0x90] =	vst v3;
	v3 =	vld [tilespmem:s30+$0xFFFFFF00]  }
0x1dd: {  	v2 =	vmul.f32 v10, v2;
	v10 =	vld [tilespmem:s30+$0xFFFFFF10]  }
0x1de: {  	v16 =	vld.idx.msk [tilespmem:v16+s4+$0x0], $0xffff  }
0x1df: {  	v6 =	vld.idx.msk [tilespmem:v13+s4+$0x0], $0xffff  }
0x1e0: {  	v12 =	vbroadcast v12, $0x0;
	[tilespmem:s6+$0xA0] =	vst v4;
	v4 =	vmul.f32 v19, v1;
	v7 =	vld.idx.msk [tilespmem:v18+s4+$0x0], $0xffff  }
0x1e1: {  	v13 =	vld.idx.msk [tilespmem:v14+s4+$0x0], $0xffff;
	[tilespmem:s6+$0xB0] =	vst v2;
	v2 =	vmul.f32 v20, v1  }
0x1e2: {  	v14 =	vld [tilespmem:s30+$0xFFFFFF20];
	v1 =	vmul.f32 v21, v1;
	[tilespmem:s6+$0xC0] =	vst v4  }
0x1e3: {  	v4 =	vld [tilespmem:s30+$0xFFFFFF30];
	[tilespmem:s6+$0xD0] =	vst v2  }
0x1e4: {  	v2 =	vld [tilespmem:s30+$0xFFFFFF40];
	[tilespmem:s6+$0xE0] =	vst v1;
	v1 =	vmul.f32 v3, v5  }
0x1e5: {  	[tilespmem:s6+$0x60] =	vst v17;
	v3 =	vld [tilespmem:s30+$0xFFFFFF50];
	v8 =	vmul.f32 v8, v7  }
0x1e6: {  	v12 =	vld.idx.msk [tilespmem:v12+s4+$0x0], $0xffff;
	v10 =	vmul.f32 v10, v5;
	[tilespmem:s30+$0xFFFFFF00] =	vst v1  }
0x1e7: {  	v1 =	vmul.f32 v14, v5;
	[tilespmem:s30+$0xF0] =	vst v8;
	v8 =	vld [tilespmem:s30+$0xFFFFFF70]  }
0x1e8: {  	[tilespmem:s30+$0xFFFFFF10] =	vst v10;
	v4 =	vmul.f32 v4, v5;
	v5 =	vld [tilespmem:s30+$0xFFFFFF80]  }
0x1e9: {  	[tilespmem:s30+$0xFFFFFF20] =	vst v1;
	v1 =	vmul.f32 v2, v9;
	v2 =	vld [tilespmem:s30+$0xFFFFFF90]  }
0x1ea: {  	[tilespmem:s30+$0xFFFFFF30] =	vst v4;
	v3 =	vmul.f32 v3, v9;
	v4 =	vld [tilespmem:s30+$0xFFFFFFA0]  }
0x1eb: {  	v10 =	vld [tilespmem:s30+$0xFFFFFFB0];
	[tilespmem:s30+$0xFFFFFF40] =	vst v1;
	v1 =	vmul.f32 v15, v9  }
0x1ec: {  	[tilespmem:s30+$0xFFFFFF50] =	vst v3;
	v3 =	vmul.f32 v8, v9;
	v8 =	vld [tilespmem:s30+$0xFFFFFFC0]  }
0x1ed: {  	[tilespmem:s30+$0xFFFFFF60] =	vst v1;
	v1 =	vmul.f32 v5, v11;
	v5 =	vld [tilespmem:s30+$0xFFFFFFD0]  }
0x1ee: {  	v2 =	vmul.f32 v2, v11;
	[tilespmem:s30+$0xFFFFFF70] =	vst v3;
	v3 =	vld [tilespmem:s30+$0xFFFFFFE0]  }
0x1ef: {  	[tilespmem:s30+$0xFFFFFF80] =	vst v1;
	v1 =	vmul.f32 v4, v11;
	v4 =	vld [tilespmem:s30+$0xFFFFFFF0]  }
0x1f0: {  	[tilespmem:s30+$0xFFFFFF90] =	vst v2;
	v2 =	vmul.f32 v10, v11;
	v9 =	vld [tilespmem:s30+$0x0]  }
0x1f1: {  	[tilespmem:s30+$0xFFFFFFA0] =	vst v1;
	v1 =	vmul.f32 v8, v16;
	v8 =	vld [tilespmem:s30+$0x10]  }
0x1f2: {  	[tilespmem:s30+$0xFFFFFFB0] =	vst v2;
	v2 =	vmul.f32 v5, v16;
	v5 =	vld [tilespmem:s30+$0x20]  }
0x1f3: {  	[tilespmem:s30+$0xFFFFFFC0] =	vst v1;
	v1 =	vmul.f32 v3, v16;
	v3 =	vld [tilespmem:s30+$0x30]  }
0x1f4: {  	[tilespmem:s30+$0xFFFFFFD0] =	vst v2;
	v2 =	vmul.f32 v4, v16;
	v4 =	vld [tilespmem:s30+$0x40]  }
0x1f5: {  	[tilespmem:s30+$0xFFFFFFE0] =	vst v1;
	v1 =	vmul.f32 v9, v12;
	v9 =	vld [tilespmem:s30+$0x50]  }
0x1f6: {  	[tilespmem:s30+$0xFFFFFFF0] =	vst v2;
	v2 =	vmul.f32 v8, v12;
	v8 =	vld [tilespmem:s30+$0x60]  }
0x1f7: {  	[tilespmem:s30+$0x0] =	vst v1;
	v1 =	vmul.f32 v5, v12;
	v5 =	vld [tilespmem:s30+$0x70]  }
0x1f8: {  	[tilespmem:s30+$0x10] =	vst v2;
	v2 =	vmul.f32 v3, v12;
	v3 =	vld [tilespmem:s30+$0x80]  }
0x1f9: {  	[tilespmem:s30+$0x20] =	vst v1;
	v1 =	vmul.f32 v4, v6;
	v4 =	vld [tilespmem:s30+$0x90]  }
0x1fa: {  	[tilespmem:s30+$0x30] =	vst v2;
	v2 =	vmul.f32 v9, v6;
	v9 =	vld [tilespmem:s30+$0xA0]  }
0x1fb: {  	[tilespmem:s30+$0x40] =	vst v1;
	v1 =	vmul.f32 v8, v6;
	v8 =	vld [tilespmem:s30+$0xB0]  }
0x1fc: {  	[tilespmem:s30+$0x50] =	vst v2;
	v2 =	vmul.f32 v5, v6;
	v5 =	vld [tilespmem:s30+$0xC0]  }
0x1fd: {  	[tilespmem:s30+$0x60] =	vst v1;
	v1 =	vmul.f32 v3, v13;
	v3 =	vld [tilespmem:s30+$0xD0]  }
0x1fe: {  	[tilespmem:s30+$0x70] =	vst v2;
	v2 =	vmul.f32 v4, v13;
	v4 =	vld [tilespmem:s30+$0xE0]  }
0x1ff: {  	[tilespmem:s30+$0x80] =	vst v1;
	v1 =	vmul.f32 v9, v13  }
0x200: {  	[tilespmem:s30+$0x90] =	vst v2;
	v2 =	vmul.f32 v8, v13  }
0x201: {  	[tilespmem:s30+$0xA0] =	vst v1;
	v1 =	vmul.f32 v5, v7  }
0x202: {  	[tilespmem:s30+$0xB0] =	vst v2;
	v2 =	vmul.f32 v3, v7  }
0x203: {  	[tilespmem:s30+$0xC0] =	vst v1;
	v1 =	vmul.f32 v4, v7  }
0x204: {  	[tilespmem:s30+$0xD0] =	vst v2  }
0x205: {  	[tilespmem:s30+$0xE0] =	vst v1  }
0x206: {  	[spmem:s5] =	stream.indirect.scatter.add.f32 [tilespmem:s10], [sflag:$0x4], $0x40, s14, s31, $0xb8;
	[tilespmem:$0x1A5E0] =	vst v63  }
0x207: {  	_ =	swait.ge [sflag:s26], $0x3200  }
0x208: {  	[sflag:s26] =	ssyncset.done $0x0  }
0x209: {  	s6 =	simm.s32 @!p0 $0x2;
	[sflag:s26] =	ssyncadd.s32 $0xFFFFCE00  }
0x20a: {  	_ =	swait.ge @!p0 [sflag:s6], $0xC8  }
0x20b: {  	[sflag:s6] =	ssyncset.done @!p0 $0x0  }
0x20c: {  	[sflag:s6] =	ssyncadd.s32 @!p0 $0xFFFFFF38  }
0x20d: {  	_ =	swait.ge @!p0 [sflag:s6], $0xC8  }
0x20e: {  	[sflag:s6] =	ssyncset.done @!p0 $0x0  }
0x20f: {  	[sflag:s6] =	ssyncadd.s32 @!p0 $0xFFFFFF38  }
0x210: {  	s15 =	simm.s32 $0x0;
	_ =	swait.ge @!p0 [sflag:s6], $0xC8  }
0x211: {  	s9 =	simm.s32 @!p0 $0x4;
	s25 =	simm.s32 $0x1;
	[sflag:s6] =	ssyncset.done @!p0 $0x0  }
0x212: {  	v2 =	vmov s25;
	s25 =	simm.s32 $0x5;
	v1 =	vmov s15;
	s15 =	simm.s32 $0x2;
	[sflag:s6] =	ssyncadd.s32 @!p0 $0xFFFFFF38  }
0x213: {  	s30 =	simm.s32 $0x4;
	v6 =	vmov s25;
	s25 =	simm.s32 $0x6;
	v2 =	vshrl.u32 v2, $0x3;
	v1 =	vshrl.u32 v1, $0x3;
	_ =	swait.ge @!p0 [sflag:s9], $0x3200  }
0x214: {  	v3 =	vmov s15;
	v5 =	vmov s30;
	v7 =	vmov s25;
	s15 =	simm.s32 @!p0 $0x9F60;
	[sflag:s9] =	ssyncset.done @!p0 $0x0  }
0x215: {  	v6 =	vshrl.u32 v6, $0x3;
	v2 =	vshll.u32 v2, v0;
	v1 =	vshll.u32 v1, v0;
	s6 =	simm.s32 $0x3;
	[sflag:s9] =	ssyncadd.s32 @!p0 $0xFFFFCE00;
	s9 =	sadd.s32 @!p0 s11, s22  }
0x216: {  	v3 =	vshrl.u32 v3, $0x3;
	v5 =	vshrl.u32 v5, $0x3;
	v4 =	vmov s6;
	s6 =	simm.s32 @!p0 $0xC8;
	s11 =	simm.s32 @!p0 $0x10360;
	s9 =	smul.u32 @!p0 $0x19, s9  }
0x217: {  	v7 =	vshrl.u32 v7, $0x3;
	v2 =	vadd.s32 $0x259, v2;
	v1 =	vadd.s32 $0x258, v1;
	[tilespmem:s15], [sflag:$0x1] =	stream.indirect.gather @!p0 [spmem:s3], $0x40, s11, s6, $0xb8;
	[tilespmem:$0x1A5E0] =	vst v63  }
0x218: {  	v3 =	vshll.u32 v3, v0;
	v1 =	vbroadcast v1, $0x0;
	v4 =	vshrl.u32 v4, $0x3;
	s11 =	simm.s32 @!p0 $0x0;
	s15 =	simm.s32 @!p0 $0x10428;
	s6 =	sadd.s32 @!p0 s7, s9  }
0x219: {  	v2 =	vbroadcast v2, $0x0;
	v3 =	vadd.s32 $0x25A, v3;
	v4 =	vshll.u32 v4, v0;
	[tilespmem:s15], [sflag:$0x2] =	stream.linear.gather @!p0 [hbm4b:s6+s11], $0xC8, $0x38;
	[tilespmem:$0x1A5E0] =	vst v63  }
0x21a: {  	s30 =	simm.s32 $0x7;
	v5 =	vshll.u32 v5, v0;
	v3 =	vbroadcast v3, $0x0;
	v4 =	vadd.s32 $0x25B, v4;
	s6 =	sadd.s32 @!p0 s8, s9;
	s15 =	simm.s32 @!p0 $0x9D08  }
0x21b: {  	v6 =	vshll.u32 v6, v0;
	v5 =	vadd.s32 $0x25C, v5;
	v4 =	vbroadcast v4, $0x0;
	[tilespmem:s15], [sflag:$0x2] =	stream.linear.gather @!p0 [hbm4b:s6+s11], $0xC8, $0x38;
	[tilespmem:$0x1A5E0] =	vst v63  }
0x21c: {  	v8 =	vmov s30;
	v6 =	vadd.s32 $0x25D, v6;
	v5 =	vbroadcast v5, $0x0;
	s6 =	sadd.s32 @!p0 s1, s9;
	s9 =	simm.s32 @!p0 $0x1A388  }
0x21d: {  	v7 =	vshll.u32 v7, v0;
	v8 =	vshrl.u32 v8, $0x3;
	v6 =	vbroadcast v6, $0x0;
	[tilespmem:s9], [sflag:$0x2] =	stream.linear.gather @!p0 [hbm4b:s6+s11], $0xC8, $0x38;
	[tilespmem:$0x1A5E0] =	vst v63  }
0x21e: {  	v7 =	vadd.s32 $0x25E, v7;
	v8 =	vshll.u32 v8, v0;
	v9 =	vld.idx.msk [tilespmem:v1+s4+$0x0], $0xffff  }
0x21f: {  	v1 =	vbroadcast v7, $0x0;
	v7 =	vadd.s32 $0x25F, v8;
	v8 =	vld.idx.msk [tilespmem:v2+s4+$0x0], $0xffff  }
0x220: {  	v10 =	vld.idx.msk [tilespmem:v3+s4+$0x0], $0xffff  }
0x221: {  	v4 =	vld.idx.msk [tilespmem:v4+s4+$0x0], $0xffff;
	v7 =	vbroadcast v7, $0x0  }
0x222: {  	v11 =	vld.idx.msk [tilespmem:v5+s4+$0x0], $0xffff  }
0x223: {  	s6 =	simm.s32 $0xD350;
	v3 =	vld.idx.msk [tilespmem:v6+s4+$0x0], $0xffff  }
0x224: {  	v5 =	vld [tilespmem:s6+$0x0]  }
0x225: {  	v6 =	vld [tilespmem:s6+$0xFFFFFE10]  }
0x226: {  	v2 =	vld.idx.msk [tilespmem:v1+s4+$0x0], $0xffff  }
0x227: {  	v1 =	vld.idx.msk [tilespmem:v7+s4+$0x0], $0xffff  }
0x228: {  	v7 =	vld [tilespmem:s6+$0xFFFFFE20]  }
0x229: {  	v12 =	vld [tilespmem:s6+$0xFFFFFE30]  }
0x22a: {  	v13 =	vld [tilespmem:s6+$0xFFFFFE40]  }
0x22b: {  	v14 =	vld [tilespmem:s6+$0xFFFFFE50];
	v6 =	vmul.f32 v6, v9  }
0x22c: {  	v15 =	vld [tilespmem:s6+$0xFFFFFE60];
	v5 =	vmul.f32 v5, v1  }
0x22d: {  	v16 =	vld [tilespmem:s6+$0xFFFFFE70];
	[tilespmem:s6+$0xFFFFFE10] =	vst v6;
	v7 =	vmul.f32 v7, v9  }
0x22e: {  	v6 =	vld [tilespmem:s6+$0xFFFFFE80];
	[tilespmem:s6+$0x0] =	vst v5;
	v5 =	vmul.f32 v12, v9  }
0x22f: {  	[tilespmem:s6+$0xFFFFFE20] =	vst v7;
	v7 =	vmul.f32 v13, v9;
	v9 =	vld [tilespmem:s6+$0xFFFFFE90]  }
0x230: {  	v12 =	vld [tilespmem:s6+$0xFFFFFEA0];
	[tilespmem:s6+$0xFFFFFE30] =	vst v5;
	v5 =	vmul.f32 v14, v8  }
0x231: {  	v13 =	vld [tilespmem:s6+$0xFFFFFEB0];
	[tilespmem:s6+$0xFFFFFE40] =	vst v7;
	v7 =	vmul.f32 v15, v8  }
0x232: {  	s30 =	simm.s32 $0xB;
	v14 =	vld [tilespmem:s6+$0xFFFFFEC0];
	[tilespmem:s6+$0xFFFFFE50] =	vst v5;
	v5 =	vmul.f32 v16, v8  }
0x233: {  	v17 =	vmov s30;
	s30 =	simm.s32 $0xE;
	s11 =	simm.s32 $0x8;
	v6 =	vmul.f32 v6, v8;
	[tilespmem:s6+$0xFFFFFE60] =	vst v7;
	v7 =	vld [tilespmem:s6+$0xFFFFFED0]  }
0x234: {  	v62 =	vmov s30;
	s15 =	simm.s32 $0x9;
	v15 =	vmov s11;
	[tilespmem:s6+$0xFFFFFE70] =	vst v5;
	v5 =	vmul.f32 v9, v10;
	v9 =	vld [tilespmem:s6+$0xFFFFFEE0]  }
0x235: {  	s25 =	simm.s32 $0xA;
	[tilespmem:s6+$0xFFFFFE80] =	vst v6;
	v8 =	vshrl.u32 v15, $0x3;
	v15 =	vmov s15;
	s15 =	simm.s32 $0xC;
	v6 =	vmul.f32 v12, v10;
	v12 =	vld [tilespmem:s6+$0xFFFFFEF0]  }
0x236: {  	v16 =	vmov s25;
	s25 =	simm.s32 $0xD;
	v18 =	vmov s15;
	[tilespmem:s6+$0xFFFFFE90] =	vst v5;
	v5 =	vmul.f32 v13, v10;
	v13 =	vld [tilespmem:s6+$0xFFFFFF00]  }
0x237: {  	v19 =	vmov s25;
	v8 =	vshll.u32 v8, v0;
	[tilespmem:s6+$0xFFFFFEA0] =	vst v6;
	v6 =	vmul.f32 v14, v10;
	v10 =	vld [tilespmem:s6+$0xFFFFFF10]  }
0x238: {  	v8 =	vadd.s32 $0x258, v8;
	v14 =	vshrl.u32 v15, $0x3;
	[tilespmem:s6+$0xFFFFFEB0] =	vst v5;
	v5 =	vmul.f32 v7, v4;
	v7 =	vld [tilespmem:s6+$0xFFFFFF20]  }
0x239: {  	v15 =	vshrl.u32 v16, $0x3;
	v16 =	vshrl.u32 v17, $0x3;
	[tilespmem:s6+$0xFFFFFEC0] =	vst v6;
	v6 =	vmul.f32 v9, v4;
	v9 =	vld [tilespmem:s6+$0xFFFFFF30]  }
0x23a: {  	v17 =	vshrl.u32 v18, $0x3;
	v18 =	vshrl.u32 v19, $0x3;
	[tilespmem:s6+$0xFFFFFED0] =	vst v5;
	v5 =	vmul.f32 v12, v4;
	v12 =	vld [tilespmem:s6+$0xFFFFFF40]  }
0x23b: {  	v19 =	vshrl.u32 v62, $0x3;
	v14 =	vshll.u32 v14, v0;
	[tilespmem:s6+$0xFFFFFEE0] =	vst v6;
	v4 =	vmul.f32 v13, v4;
	v13 =	vld [tilespmem:s6+$0xFFFFFF50]  }
0x23c: {  	v15 =	vshll.u32 v15, v0;
	v16 =	vshll.u32 v16, v0;
	v6 =	vmul.f32 v10, v11;
	v10 =	vld [tilespmem:s6+$0xFFFFFF60];
	[tilespmem:s6+$0xFFFFFEF0] =	vst v5  }
0x23d: {  	v63 =	vld [tilespmem:s6+$0xFFFFFF70];
	v17 =	vshll.u32 v17, v0;
	v18 =	vshll.u32 v18, v0;
	[tilespmem:s6+$0xFFFFFF00] =	vst v4;
	v4 =	vmul.f32 v7, v11  }
0x23e: {  	v19 =	vshll.u32 v19, v0;
	v16 =	vadd.s32 $0x25B, v16;
	[tilespmem:s6+$0xFFFFFF10] =	vst v6;
	v6 =	vld [tilespmem:s6+$0xFFFFFF80];
	v7 =	vmul.f32 v9, v11  }
0x23f: {  	v5 =	vbroadcast v8, $0x0;
	v8 =	vadd.s32 $0x259, v14;
	[tilespmem:s6+$0xFFFFFF20] =	vst v4;
	v11 =	vmul.f32 v12, v11;
	v4 =	vld [tilespmem:s6+$0xFFFFFF90]  }
0x240: {  	v14 =	vadd.s32 $0x25A, v15;
	v12 =	vadd.s32 $0x25C, v17;
	[tilespmem:s6+$0xFFFFFF30] =	vst v7;
	v17 =	vmul.f32 v13, v3;
	v7 =	vld [tilespmem:s6+$0xFFFFFFA0]  }
0x241: {  	v9 =	vbroadcast v8, $0x0;
	v8 =	vld [tilespmem:s6+$0xFFFFFFB0];
	v13 =	vadd.s32 $0x25D, v18;
	v15 =	vmul.f32 v10, v3;
	[tilespmem:s6+$0xFFFFFF40] =	vst v11  }
0x242: {  	s9 =	simm.s32 $0xF;
	s11 =	simm.s32 $0x10;
	v10 =	vld [tilespmem:s6+$0xFFFFFFC0];
	v11 =	vbroadcast v14, $0x0;
	v14 =	vadd.s32 $0x25E, v19;
	[tilespmem:s6+$0xFFFFFF50] =	vst v17;
	v17 =	vmul.f32 v63, v3  }
.LBB2_9:
0x243: {  	p0 =	slt.u32 s11, $0xC0;
	v16 =	vbroadcast v16, $0x0;
	v18 =	vmov s9;
	[tilespmem:s6+$0xFFFFFF60] =	vst v15;
	v3 =	vmul.f32 v6, v3;
	v6 =	vld [tilespmem:s6+$0xFFFFFFD0]  }
0x244: {  	v12 =	vbroadcast v12, $0x0;
	v15 =	vshrl.u32 v18, $0x3;
	[tilespmem:s6+$0xFFFFFF70] =	vst v17;
	v4 =	vmul.f32 v4, v2;
	v17 =	vld [tilespmem:s6+$0xFFFFFFE0]  }
0x245: {  	v13 =	vbroadcast v13, $0x0;
	v15 =	vshll.u32 v15, v0;
	[tilespmem:s6+$0xFFFFFF80] =	vst v3;
	v3 =	vmul.f32 v7, v2;
	v7 =	vld [tilespmem:s6+$0xFFFFFFF0]  }
0x246: {  	v14 =	vbroadcast v14, $0x0;
	v5 =	vld.idx.msk [tilespmem:v5+s4+$0x0], $0xffff;
	v15 =	vadd.s32 $0x25F, v15;
	[tilespmem:s6+$0xFFFFFF90] =	vst v4;
	v4 =	vmul.f32 v8, v2  }
0x247: {  	v8 =	vld.idx.msk [tilespmem:v9+s4+$0x0], $0xffff;
	v9 =	vbroadcast v15, $0x0;
	[tilespmem:s6+$0xFFFFFFA0] =	vst v3;
	v2 =	vmul.f32 v10, v2  }
0x248: {  	v10 =	vld.idx.msk [tilespmem:v11+s4+$0x0], $0xffff;
	[tilespmem:s6+$0xFFFFFFB0] =	vst v4;
	v3 =	vmul.f32 v6, v1  }
0x249: {  	v6 =	vld.idx.msk [tilespmem:v16+s4+$0x0], $0xffff;
	[tilespmem:s6+$0xFFFFFFC0] =	vst v2;
	v2 =	vmul.f32 v17, v1  }
0x24a: {  	v4 =	vld.idx.msk [tilespmem:v12+s4+$0x0], $0xffff;
	[tilespmem:s6+$0xFFFFFFD0] =	vst v3;
	v1 =	vmul.f32 v7, v1  }
0x24b: {  	v3 =	vld.idx.msk [tilespmem:v13+s4+$0x0], $0xffff;
	[tilespmem:s6+$0xFFFFFFE0] =	vst v2  }
0x24c: {  	v2 =	vld.idx.msk [tilespmem:v14+s4+$0x0], $0xffff;
	[tilespmem:s6+$0xFFFFFFF0] =	vst v1  }
0x24d: {  	s6 =	sadd.s32 $0x200, s6;
	v1 =	vld.idx.msk [tilespmem:v9+s4+$0x0], $0xffff  }
0x24e: {  	v7 =	vld [tilespmem:s6+$0x0]  }
0x24f: {  	v9 =	vld [tilespmem:s6+$0xFFFFFE10]  }
0x250: {  	v11 =	vld [tilespmem:s6+$0xFFFFFE20]  }
0x251: {  	v12 =	vld [tilespmem:s6+$0xFFFFFE30]  }
0x252: {  	v13 =	vld [tilespmem:s6+$0xFFFFFE40]  }
0x253: {  	v14 =	vld [tilespmem:s6+$0xFFFFFE50];
	v7 =	vmul.f32 v7, v1  }
0x254: {  	v9 =	vmul.f32 v9, v5;
	v15 =	vld [tilespmem:s6+$0xFFFFFE60]  }
0x255: {  	v11 =	vmul.f32 v11, v5;
	v16 =	vld [tilespmem:s6+$0xFFFFFE70];
	[tilespmem:s6+$0x0] =	vst v7  }
0x256: {  	[tilespmem:s6+$0xFFFFFE10] =	vst v9;
	v7 =	vmul.f32 v12, v5;
	v9 =	vld [tilespmem:s6+$0xFFFFFE80]  }
0x257: {  	[tilespmem:s6+$0xFFFFFE20] =	vst v11;
	v5 =	vmul.f32 v13, v5;
	v11 =	vld [tilespmem:s6+$0xFFFFFE90]  }
0x258: {  	[tilespmem:s6+$0xFFFFFE30] =	vst v7;
	v7 =	vmul.f32 v14, v8;
	v12 =	vld [tilespmem:s6+$0xFFFFFEA0]  }
0x259: {  	[tilespmem:s6+$0xFFFFFE40] =	vst v5;
	v5 =	vmul.f32 v15, v8;
	v13 =	vld [tilespmem:s6+$0xFFFFFEB0]  }
0x25a: {  	[tilespmem:s6+$0xFFFFFE50] =	vst v7;
	v7 =	vmul.f32 v16, v8;
	v14 =	vld [tilespmem:s6+$0xFFFFFEC0]  }
0x25b: {  	s9 =	sadd.s32 $0x1, s11;
	v15 =	vmov s11;
	[tilespmem:s6+$0xFFFFFE60] =	vst v5;
	v5 =	vmul.f32 v9, v8;
	v8 =	vld [tilespmem:s6+$0xFFFFFED0]  }
0x25c: {  	s15 =	sadd.s32 $0x3, s11;
	v9 =	vshrl.u32 v15, $0x3;
	v15 =	vmov s9;
	s9 =	sadd.s32 $0x2, s11;
	[tilespmem:s6+$0xFFFFFE70] =	vst v7;
	v7 =	vmul.f32 v11, v10;
	v11 =	vld [tilespmem:s6+$0xFFFFFEE0]  }
0x25d: {  	v17 =	vmov s15;
	s15 =	sadd.s32 $0x5, s11;
	v16 =	vmov s9;
	s9 =	sadd.s32 $0x4, s11;
	[tilespmem:s6+$0xFFFFFE80] =	vst v5;
	v5 =	vmul.f32 v12, v10;
	v12 =	vld [tilespmem:s6+$0xFFFFFEF0]  }
0x25e: {  	v19 =	vmov s15;
	v18 =	vmov s9;
	s9 =	sadd.s32 $0x6, s11;
	[tilespmem:s6+$0xFFFFFE90] =	vst v7;
	v7 =	vmul.f32 v13, v10;
	v13 =	vld [tilespmem:s6+$0xFFFFFF00]  }
0x25f: {  	v9 =	vshll.u32 v9, v0;
	v20 =	vmov s9;
	[tilespmem:s6+$0xFFFFFEA0] =	vst v5;
	v5 =	vmul.f32 v14, v10;
	v10 =	vld [tilespmem:s6+$0xFFFFFF10]  }
0x260: {  	v14 =	vshrl.u32 v15, $0x3;
	v15 =	vshrl.u32 v16, $0x3;
	[tilespmem:s6+$0xFFFFFEB0] =	vst v7;
	v7 =	vmul.f32 v8, v6;
	v8 =	vld [tilespmem:s6+$0xFFFFFF20]  }
0x261: {  	v16 =	vshrl.u32 v17, $0x3;
	v17 =	vshrl.u32 v18, $0x3;
	[tilespmem:s6+$0xFFFFFEC0] =	vst v5;
	v5 =	vmul.f32 v11, v6;
	v11 =	vld [tilespmem:s6+$0xFFFFFF30]  }
0x262: {  	v18 =	vshrl.u32 v19, $0x3;
	v19 =	vshrl.u32 v20, $0x3;
	[tilespmem:s6+$0xFFFFFED0] =	vst v7;
	v7 =	vmul.f32 v12, v6;
	v12 =	vld [tilespmem:s6+$0xFFFFFF40]  }
0x263: {  	v9 =	vadd.s32 $0x258, v9;
	v14 =	vshll.u32 v14, v0;
	[tilespmem:s6+$0xFFFFFEE0] =	vst v5;
	v5 =	vmul.f32 v13, v6;
	v13 =	vld [tilespmem:s6+$0xFFFFFF50]  }
0x264: {  	v15 =	vshll.u32 v15, v0;
	v16 =	vshll.u32 v16, v0;
	[tilespmem:s6+$0xFFFFFEF0] =	vst v7;
	v6 =	vmul.f32 v10, v4;
	v10 =	vld [tilespmem:s6+$0xFFFFFF60]  }
0x265: {  	v7 =	vshll.u32 v17, v0;
	v17 =	vshll.u32 v18, v0;
	[tilespmem:s6+$0xFFFFFF00] =	vst v5;
	v8 =	vmul.f32 v8, v4;
	v18 =	vld [tilespmem:s6+$0xFFFFFF70]  }
.Ltmp3:
0x266: {  	v19 =	vshll.u32 v19, v0;
	v5 =	vbroadcast v9, $0x0;
	[tilespmem:s6+$0xFFFFFF10] =	vst v6;
	v9 =	vmul.f32 v11, v4;
	v6 =	vld [tilespmem:s6+$0xFFFFFF80];
	(pc) =	sbr.rel @p0 .LBB2_9-.Ltmp3, $4  }
0x267: {  	v11 =	vadd.s32 $0x259, v14;
	v14 =	vadd.s32 $0x25A, v15;
	[tilespmem:s6+$0xFFFFFF20] =	vst v8;
	v8 =	vmul.f32 v12, v4;
	v4 =	vld [tilespmem:s6+$0xFFFFFF90]  }
0x268: {  	v16 =	vadd.s32 $0x25B, v16;
	v12 =	vadd.s32 $0x25C, v7;
	[tilespmem:s6+$0xFFFFFF30] =	vst v9;
	v20 =	vmul.f32 v13, v3;
	v7 =	vld [tilespmem:s6+$0xFFFFFFA0]  }
0x269: {  	v9 =	vbroadcast v11, $0x0;
	v13 =	vadd.s32 $0x25D, v17;
	[tilespmem:s6+$0xFFFFFF40] =	vst v8;
	v15 =	vmul.f32 v10, v3;
	v8 =	vld [tilespmem:s6+$0xFFFFFFB0]  }
0x26a: {  	s9 =	sadd.s32 $0x7, s11;
	s11 =	sadd.s32 $0x8, s11;
	v11 =	vbroadcast v14, $0x0;
	v14 =	vadd.s32 $0x25E, v19;
	[tilespmem:s6+$0xFFFFFF50] =	vst v20;
	v17 =	vmul.f32 v18, v3;
	v10 =	vld [tilespmem:s6+$0xFFFFFFC0]  }
0x26b: {  	_ = 	snop  }
0x26c: {  	v19 =	vld [tilespmem:s6+$0xFFFFFFD0]  }
0x26d: {  	v20 =	vld [tilespmem:s6+$0xFFFFFFE0]  }
0x26e: {  	v21 =	vld [tilespmem:s6+$0xFFFFFFF0]  }
0x26f: {  	v5 =	vld.idx.msk [tilespmem:v5+s4+$0x0], $0xffff  }
0x270: {  	v9 =	vld.idx.msk [tilespmem:v9+s4+$0x0], $0xffff  }
0x271: {  	s11 =	sadd.s32 $0x200, s6;
	v11 =	vld.idx.msk [tilespmem:v11+s4+$0x0], $0xffff  }
0x272: {  	v39 =	vld [tilespmem:s11+$0x0]  }
0x273: {  	v18 =	vmov s9;
	v3 =	vmul.f32 v6, v3;
	v41 =	vld [tilespmem:s11+$0xFFFFFE20]  }
0x274: {  	[tilespmem:s6+$0xFFFFFF60] =	vst v15;
	v18 =	vshrl.u32 v18, $0x3;
	v42 =	vld [tilespmem:s11+$0xFFFFFE30]  }
0x275: {  	v43 =	vld [tilespmem:s11+$0xFFFFFE40];
	v18 =	vshll.u32 v18, v0;
	[tilespmem:s6+$0xFFFFFF80] =	vst v3;
	v3 =	vmul.f32 v7, v2  }
0x276: {  	[tilespmem:s6+$0xFFFFFF70] =	vst v17;
	v4 =	vmul.f32 v4, v2;
	v44 =	vld [tilespmem:s11+$0xFFFFFE70];
	v18 =	vadd.s32 $0x25F, v18;
	v38 =	vmul.f32 v8, v2  }
0x277: {  	v18 =	vbroadcast v18, $0x0;
	[tilespmem:s6+$0xFFFFFFA0] =	vst v3;
	v2 =	vmul.f32 v10, v2;
	v3 =	vld [tilespmem:s11+$0xFFFFFE10]  }
0x278: {  	v45 =	vld [tilespmem:s11+$0xFFFFFE80];
	[tilespmem:s6+$0xFFFFFF90] =	vst v4  }
0x279: {  	v46 =	vld [tilespmem:s11+$0xFFFFFE90];
	[tilespmem:s6+$0xFFFFFFC0] =	vst v2;
	v2 =	vmul.f32 v20, v1  }
0x27a: {  	v47 =	vld [tilespmem:s11+$0xFFFFFEB0];
	[tilespmem:s6+$0xFFFFFFB0] =	vst v38;
	v40 =	vmul.f32 v19, v1;
	v1 =	vmul.f32 v21, v1  }
0x27b: {  	[tilespmem:s6+$0xFFFFFFE0] =	vst v2;
	v2 =	vld [tilespmem:s11+$0xFFFFFE50]  }
0x27c: {  	[tilespmem:s6+$0xFFFFFFF0] =	vst v1;
	v1 =	vmul.f32 v3, v5;
	v3 =	vld [tilespmem:s11+$0xFFFFFE60]  }
0x27d: {  	v10 =	vmul.f32 v41, v5;
	[tilespmem:s6+$0xFFFFFFD0] =	vst v40;
	v37 =	vld.idx.msk [tilespmem:v18+s4+$0x0], $0xffff  }
0x27e: {  	v16 =	vbroadcast v16, $0x0;
	v48 =	vld [tilespmem:s11+$0xFFFFFEC0];
	[tilespmem:s11+$0xFFFFFE10] =	vst v1;
	v1 =	vmul.f32 v42, v5  }
0x27f: {  	v49 =	vld [tilespmem:s11+$0xFFFFFED0];
	v4 =	vmul.f32 v43, v5;
	[tilespmem:s11+$0xFFFFFE20] =	vst v10  }
0x280: {  	v50 =	vld [tilespmem:s11+$0xFFFFFEE0];
	[tilespmem:s11+$0xFFFFFE30] =	vst v1;
	v1 =	vmul.f32 v2, v9  }
0x281: {  	[tilespmem:s11+$0xFFFFFE40] =	vst v4;
	v2 =	vld [tilespmem:s11+$0xFFFFFEA0];
	v3 =	vmul.f32 v3, v9  }
0x282: {  	v12 =	vbroadcast v12, $0x0;
	v51 =	vld [tilespmem:s11+$0xFFFFFF00];
	v8 =	vmul.f32 v39, v37;
	[tilespmem:s11+$0xFFFFFE50] =	vst v1  }
0x283: {  	v52 =	vld [tilespmem:s11+$0xFFFFFF10];
	v1 =	vmul.f32 v44, v9;
	[tilespmem:s11+$0xFFFFFE60] =	vst v3  }
0x284: {  	v16 =	vld.idx.msk [tilespmem:v16+s4+$0x0], $0xffff;
	v3 =	vmul.f32 v45, v9;
	[tilespmem:s11+$0x0] =	vst v8  }
0x285: {  	v53 =	vld [tilespmem:s11+$0xFFFFFF20];
	[tilespmem:s11+$0xFFFFFE70] =	vst v1;
	v1 =	vmul.f32 v46, v11  }
0x286: {  	v13 =	vbroadcast v13, $0x0;
	[tilespmem:s11+$0xFFFFFE80] =	vst v3;
	v2 =	vmul.f32 v2, v11;
	v3 =	vld [tilespmem:s11+$0xFFFFFEF0]  }
0x287: {  	v54 =	vld [tilespmem:s11+$0xFFFFFF30];
	[tilespmem:s11+$0xFFFFFE90] =	vst v1;
	v1 =	vmul.f32 v47, v11  }
0x288: {  	v12 =	vld.idx.msk [tilespmem:v12+s4+$0x0], $0xffff;
	[tilespmem:s11+$0xFFFFFEA0] =	vst v2;
	v2 =	vmul.f32 v48, v11  }
0x289: {  	v14 =	vbroadcast v14, $0x0;
	v55 =	vld [tilespmem:s11+$0xFFFFFF50];
	[tilespmem:s11+$0xFFFFFEB0] =	vst v1;
	v1 =	vmul.f32 v49, v16  }
0x28a: {  	v56 =	vld [tilespmem:s11+$0xFFFFFF60];
	[tilespmem:s11+$0xFFFFFEC0] =	vst v2;
	v2 =	vmul.f32 v50, v16  }
0x28b: {  	[tilespmem:s11+$0xFFFFFED0] =	vst v1;
	v1 =	vmul.f32 v3, v16;
	v3 =	vld [tilespmem:s11+$0xFFFFFF40]  }
0x28c: {  	v35 =	vld.idx.msk [tilespmem:v13+s4+$0x0], $0xffff;
	[tilespmem:s11+$0xFFFFFEE0] =	vst v2;
	v2 =	vmul.f32 v51, v16  }
0x28d: {  	v57 =	vld [tilespmem:s11+$0xFFFFFF70];
	[tilespmem:s11+$0xFFFFFEF0] =	vst v1;
	v1 =	vmul.f32 v52, v12  }
0x28e: {  	v58 =	vld [tilespmem:s11+$0xFFFFFF80];
	[tilespmem:s11+$0xFFFFFF00] =	vst v2;
	v2 =	vmul.f32 v53, v12  }
0x28f: {  	v36 =	vld.idx.msk [tilespmem:v14+s4+$0x0], $0xffff;
	[tilespmem:s11+$0xFFFFFF10] =	vst v1;
	v1 =	vmul.f32 v54, v12  }
0x290: {  	[tilespmem:s11+$0xFFFFFF20] =	vst v2;
	v2 =	vmul.f32 v3, v12;
	v3 =	vld [tilespmem:s11+$0xFFFFFF90]  }
0x291: {  	v59 =	vld [tilespmem:s11+$0xFFFFFFA0];
	[tilespmem:s11+$0xFFFFFF30] =	vst v1;
	v1 =	vmul.f32 v55, v35  }
0x292: {  	v60 =	vld [tilespmem:s11+$0xFFFFFFB0];
	[tilespmem:s11+$0xFFFFFF40] =	vst v2;
	v2 =	vmul.f32 v56, v35  }
0x293: {  	v61 =	vld [tilespmem:s11+$0xFFFFFFC0];
	[tilespmem:s11+$0xFFFFFF50] =	vst v1;
	v1 =	vmul.f32 v57, v35  }
0x294: {  	v62 =	vld [tilespmem:s11+$0xFFFFFFD0];
	[tilespmem:s11+$0xFFFFFF60] =	vst v2;
	v2 =	vmul.f32 v58, v35  }
0x295: {  	[tilespmem:s11+$0xFFFFFF70] =	vst v1;
	v1 =	vmul.f32 v3, v36;
	v3 =	vld [tilespmem:s11+$0xFFFFFFE0]  }
0x296: {  	v63 =	vld [tilespmem:s11+$0xFFFFFFF0];
	[tilespmem:s11+$0xFFFFFF80] =	vst v2;
	v2 =	vmul.f32 v59, v36  }
0x297: {  	[tilespmem:s11+$0xFFFFFF90] =	vst v1;
	v1 =	vmul.f32 v60, v36  }
0x298: {  	s24 =	sadd.s32 $0x1, s24;
	[tilespmem:s11+$0xFFFFFFA0] =	vst v2;
	v2 =	vmul.f32 v61, v36  }
0x299: {  	p0 =	sne.s32 s24, $0x19;
	[tilespmem:s11+$0xFFFFFFB0] =	vst v1;
	v1 =	vmul.f32 v62, v37  }
.Ltmp4:
0x29a: {  	[tilespmem:s11+$0xFFFFFFC0] =	vst v2;
	v2 =	vmul.f32 v3, v37;
	(pc) =	sbr.rel @p0 .LBB2_2-.Ltmp4, $4  }
0x29b: {  	[tilespmem:s11+$0xFFFFFFD0] =	vst v1;
	v1 =	vmul.f32 v63, v37  }
0x29c: {  	[tilespmem:s11+$0xFFFFFFE0] =	vst v2  }
0x29d: {  	[tilespmem:s11+$0xFFFFFFF0] =	vst v1  }
0x29e: {  	[spmem:s5] =	stream.indirect.scatter.add.f32 [tilespmem:s12], [sflag:$0x4], $0x40, s18, s31, $0xb8;
	[tilespmem:$0x1A5E0] =	vst v63  }
0x29f: {  	_ =	swait.ge [sflag:s16], $0x3200  }
0x2a0: {  	[sflag:s16] =	ssyncset.done $0x0  }
0x2a1: {  	[sflag:s16] =	ssyncadd.s32 $0xFFFFCE00  }
0x2a2: {  	_ =	swait.ge [sflag:s16], $0x3200  }
0x2a3: {  	[sflag:s16] =	ssyncset.done $0x0  }
0x2a4: {  	[sflag:s16] =	ssyncadd.s32 $0xFFFFCE00  }
0x2a5: {  	[bflag:$0x0] =	sbarrier.arrive $0xFFFF  }
0x2a6: {  	s6 =	rddreg [dreg:$0x6]  }
0x2a7: {  	s15 =	simm.s32 $0x8;
	s9 =	rddreg [dreg:$0x10]  }
0x2a8: {  	s24 =	simm.s32 $0x10;
	s11 =	rddreg [dreg:$0x14];
	s6 =	sor.u32 $0x1C05, s6  }
0x2a9: {  	[hbm:s9@s24], [sflag:s6] =	dma.strided [spmem:s11@s15], $0x1388, s26, $0x8   }
0x2aa: {  	s9 =	simm.s32 $0x5  }
0x2ab: {  	_ =	swait.ge [sflag:s9], $0x1388  }
0x2ac: {  	s25 =	rddreg [dreg:$0x13]  }
0x2ad: {  	s30 =	rddreg [dreg:$0x11];
	s11 =	sadd.s32 $0x1, s25  }
0x2ae: {  	p0 =	sne.s32 s11, s30  }
.Ltmp5:
0x2af: {  	_ = 	snop;
	(pc) =	sbr.rel @p0 .LBB2_1-.Ltmp5, $3  }
0x2b0: {  	_ =	sdelay $0x1  }
0x2b1: {  	[sflag:s9] =	ssyncset.done $0x0  }
0x2b2: {  	[sflag:s9] =	ssyncadd.s32 $0xFFFFEC78  }
0x2b3: {  	_ =	sfence.sel $0x180000  }
0x2b4: {  	[bflag:$0x0] =	sbarrier.arrive $0xFFFF  }
0x2b5: {  	_ =	strace $0x90000047  }
0x2b6: {  	s0 =	stileid.u32;
	[bflag:$0x2] =	sbarrier.arrive $0xFFFF  }
0x2b7: {  	p0 =	sne.s32 s0, $0x0;
	s0 =	rddreg [dreg:$0x5]  }
0x2b8: {  	s0 =	sadd.s32 @!p0 $0x100000, s0  }
0x2b9: {  	[sflag:s0] =	ssyncadd.tile.s32 @!p0 $0x1;
	_ =	shalt  }
.Lfunc_end2:
_tile_overlayer_lowered:
.L_overlay_start_2:
0x2ba: {  	(tag) =	ssettag $0x2  }
0x2bb: {  	s0 =	rddreg [dreg:$0x0];
	s2 =	stileid.u32  }
0x2bc: {  	s1 =	rddreg [dreg:$0x1];
	p0 =	sne.s32 s2, $0x0  }
0x2bd: {  	s3 =	rddreg [dreg:$0x2];
	[bflag:$0x3] =	sbarrier.arrive $0xFFFF;
	s2 =	simm.s32 @!p0 $0x1C05  }
0x2be: {  	[timem:s3], [sflag:s2] =	dma.local @!p0 [hbm:s0], s1  }
0x2bf: {  	s0 =	simm.s32 @!p0 $0x5  }
0x2c0: {  	_ =	swait.ge @!p0 [sflag:s0], s1  }
0x2c1: {  	s1 =	ssub.s32 @!p0 $0x0, s1;
	[sflag:s0] =	ssyncset.done @!p0 $0x0  }
0x2c2: {  	[sflag:s0] =	ssyncadd.s32 @!p0 s1  }
0x2c3: {  	[bflag:$0x3] =	sbarrier.arrive $0xFFFF  }
0x2c4: {  	_ =	shalt  }

</sc_bundles>
